<compile_context>
chip_gen: v7x
topology: tpu7x:2x2x1
jax: 0.10.2.dev20260603
libtpu: 0.0.44.dev20260713+nightly
codegen_flags: <defaults>
</compile_context>

<pallas_src>
import functools

import jax
import jax.numpy as jnp
from jax.experimental import pallas as pl
from jax.experimental.pallas import tpu as pltpu
from jax.experimental.pallas import tpu_sc as plsc

TOPK = 2


def _logits_kernel(x_ref, gw_ref, gb_ref, o_ref):
    logits = jnp.dot(x_ref[:], gw_ref[:],
                     preferred_element_type=jnp.float32) + gb_ref[0][None, :]
    o_ref[:] = logits.T


def _make_sc_topk(N, E):
    info = plsc.get_sparse_core_info()
    NC, NS, L = info.num_cores, info.num_subcores, info.num_lanes
    NW = NC * NS
    chunk = N // NW
    mesh = plsc.VectorSubcoreMesh(core_axis_name="c", subcore_axis_name="s")

    @functools.partial(
        pl.kernel, mesh=mesh,
        out_type=jax.ShapeDtypeStruct((E, N), jnp.float32),
        scratch_types=[
            pltpu.VMEM((E, chunk), jnp.float32),
            pltpu.VMEM((E, chunk), jnp.float32),
        ],
    )
    def topk_sc(logits_hbm, w_hbm, l_v, w_v):
        wid = jax.lax.axis_index("s") * NC + jax.lax.axis_index("c")
        base = wid * chunk
        pltpu.sync_copy(logits_hbm.at[:, pl.ds(base, chunk)], l_v)
        neg_inf = jnp.full((L,), -jnp.inf, jnp.float32)
        for g in range(chunk // L):
            sl = pl.ds(g * L, L)
            vs = [l_v[e, sl] for e in range(E)]
            m1 = vs[0]
            i1 = jnp.zeros((L,), jnp.int32)
            for e in range(1, E):
                cond = vs[e] > m1
                m1 = jnp.where(cond, vs[e], m1)
                i1 = jnp.where(cond, jnp.full((L,), e, jnp.int32), i1)
            m2 = neg_inf
            i2 = jnp.zeros((L,), jnp.int32)
            for e in range(E):
                cand = jnp.where(i1 == e, neg_inf, vs[e])
                cond = cand > m2
                m2 = jnp.where(cond, cand, m2)
                i2 = jnp.where(cond, jnp.full((L,), e, jnp.int32), i2)
            b = jnp.exp(m2 - m1)
            w1 = 1.0 / (1.0 + b)
            w2 = 1.0 - w1
            zero = jnp.zeros((L,), jnp.float32)
            for e in range(E):
                w_v[e, sl] = jnp.where(i1 == e, w1,
                                       jnp.where(i2 == e, w2, zero))
        pltpu.sync_copy(w_v, w_hbm.at[:, pl.ds(base, chunk)])

    return topk_sc


def _moe_kernel(wt_ref, d_ref, ew_ref, eb_ref, o_ref):
    E = wt_ref.shape[0]
    w = wt_ref[:].T
    delta = d_ref[:].astype(jnp.bfloat16)
    acc = jnp.dot(w, eb_ref[:], preferred_element_type=jnp.float32)
    for e in range(E):
        acc = acc + w[:, e:e + 1] * jnp.dot(
            delta, ew_ref[e].astype(jnp.bfloat16),
            preferred_element_type=jnp.float32)
    o_ref[:] = acc


def kernel(input_feat, delta, gate_W, gate_b, expert_W, expert_b):
    B, T, D = input_feat.shape
    E = gate_W.shape[1]
    N = B * T
    x = input_feat.reshape(N, D)
    d = delta.reshape(N, D)
    gb = gate_b.reshape(1, E)

    BLK = 1024
    grid = (N // BLK,)

    LBLK = 2048
    logits_t = pl.pallas_call(
        _logits_kernel,
        grid=(N // LBLK,),
        in_specs=[
            pl.BlockSpec((LBLK, D), lambda i: (i, 0)),
            pl.BlockSpec((D, E), lambda i: (0, 0)),
            pl.BlockSpec((1, E), lambda i: (0, 0)),
        ],
        out_specs=pl.BlockSpec((E, LBLK), lambda i: (0, i)),
        out_shape=jax.ShapeDtypeStruct((E, N), jnp.float32),
    )(x, gate_W, gb)

    w_t = _make_sc_topk(N, E)(logits_t)

    out = pl.pallas_call(
        _moe_kernel,
        grid=grid,
        in_specs=[
            pl.BlockSpec((E, BLK), lambda i: (0, i)),
            pl.BlockSpec((BLK, D), lambda i: (i, 0)),
            pl.BlockSpec((E, D, D), lambda i: (0, 0, 0)),
            pl.BlockSpec((E, D), lambda i: (0, 0)),
        ],
        out_specs=pl.BlockSpec((BLK, D), lambda i: (i, 0)),
        out_shape=jax.ShapeDtypeStruct((N, D), jnp.float32),
    )(w_t, d, expert_W, expert_b)
    return out.reshape(B, T, D)

# --- scband reference (transcript-rebuilt; emitter-appended) ---
"""Pipeline reference for scband-mo-eblock-31834297598404 (READ-ONLY COPY).

The authoritative reference and input builder live on the scoring server;
editing this copy changes nothing except your own understanding.
"""

import jax, jax.numpy as jnp
import numpy as np

TOP_K = 2

def setup_inputs(seed: int = 0):
    key = jax.random.key(seed)
    ks = jax.random.split(key, 6)
    B, T, D, E = 2, 4096, 768, 8
    input_feat = jax.random.normal(ks[0], (B, T, D), dtype=jnp.float32)
    delta = jax.random.normal(ks[1], (B, T, D), dtype=jnp.float32)
    s = 1.0 / np.sqrt(D)
    gate_W = jax.random.uniform(ks[2], (D, E), minval=-s, maxval=s, dtype=jnp.float32)
    gate_b = jax.random.uniform(ks[3], (E,), minval=-s, maxval=s, dtype=jnp.float32)
    expert_W = jax.random.uniform(ks[4], (E, D, D), minval=-s, maxval=s, dtype=jnp.float32)
    expert_b = jax.random.uniform(ks[5], (E, D), minval=-s, maxval=s, dtype=jnp.float32)
    return {"input_feat": input_feat, "delta": delta, "gate_W": gate_W, "gate_b": gate_b, "expert_W": expert_W, "expert_b": expert_b}

def reference(input_feat, delta, gate_W, gate_b, expert_W, expert_b):
    B, T, D = input_feat.shape
    # gate: nn.Linear(input_dim, num_experts)
    gate_logits = input_feat @ gate_W + gate_b
    topk_vals, topk_idx = jax.lax.top_k(gate_logits, TOP_K)
    topk_weights = jax.nn.softmax(topk_vals, axis=-1)
    # each expert: nn.Linear(input_dim, expert_dim) applied to delta; stacked on last dim -> [B,T,D,E]
    expert_outputs = jnp.einsum('btd,edo->btoe', delta, expert_W) + jnp.transpose(expert_b)[None, None, :, :]
    # gather along expert dim with topk_idx expanded over D
    idx = jnp.broadcast_to(topk_idx[:, :, None, :], (B, T, D, TOP_K))
    topk_outputs = jnp.take_along_axis(expert_outputs, idx, axis=-1)
    weighted_output = (topk_outputs * topk_weights[:, :, None, :]).sum(axis=-1)
    return weighted_output

if __name__ == "__main__":
    import jax
    _d = setup_inputs()
    print(jax.jit(kernel)(*tuple(_d.values())))

</pallas_src>

<mosaic_0001>
#map = affine_map<(d0, d1) -> (0, 0)>
module attributes {stable_mosaic.version = 14 : i64} {
  func.func @topk_sc(%arg0: i32, %arg1: i32, %arg2: memref<8x8192xf32, #tpu.memory_space<hbm>>, %arg3: memref<8x8192xf32, #tpu.memory_space<hbm>>, %arg4: memref<8x256xf32, #tpu.memory_space<vmem>>, %arg5: memref<8x256xf32, #tpu.memory_space<vmem>>) attributes {dimension_semantics = [#tpu.dimension_semantics<core_parallel>, #tpu.dimension_semantics<subcore_parallel>], iteration_bounds = array<i64: 2, 16>, scalar_prefetch = 0 : i64, scratch_operands = 2 : i64, tpu.core_type = #tpu.core_type<sc_vector_subcore>, window_params = [{transform_indices = #map}, {transform_indices = #map}]} {
    %mul3A = arith.constant 2 : i32
    %mul3A_0 = arith.muli %arg1, %mul3A : i32
    %add3A = arith.addi %mul3A_0, %arg0 : i32
    %mul3A_1 = arith.constant 256 : i32
    %mul3A_2 = arith.muli %add3A, %mul3A_1 : i32
    "tpu.region"() ({
      %run_scoped3A = tpu.sem_alloc : memref<!tpu.dma_semaphore, #tpu.memory_space<semaphore_mem>>
      %dma_start3A = arith.constant 0 : i32
      %dma_start3A_4412 = tpu.memref_slice %arg2[%dma_start3A, %mul3A_2] : memref<8x8192xf32, #tpu.memory_space<hbm>> -> memref<8x256xf32, #tpu.memory_space<hbm>>
      %dma_start3A_4413 = arith.constant 0 : i32
      %dma_start3A_4414 = tpu.memref_slice %arg2[%dma_start3A_4413, %mul3A_2] : memref<8x8192xf32, #tpu.memory_space<hbm>> -> memref<8x256xf32, #tpu.memory_space<hbm>>
      tpu.enqueue_dma source(%dma_start3A_4414 : memref<8x256xf32, #tpu.memory_space<hbm>>) target(%arg4 : memref<8x256xf32, #tpu.memory_space<vmem>>) target_semaphore(%run_scoped3A : memref<!tpu.dma_semaphore, #tpu.memory_space<semaphore_mem>>)
      %dma_wait3A = arith.constant 0 : i32
      %dma_wait3A_4415 = tpu.memref_slice %arg2[%dma_wait3A, %mul3A_2] : memref<8x8192xf32, #tpu.memory_space<hbm>> -> memref<8x256xf32, #tpu.memory_space<hbm>>
      %dma_wait3A_4416 = arith.constant 0 : i32
      %dma_wait3A_4417 = tpu.memref_slice %arg2[%dma_wait3A_4416, %mul3A_2] : memref<8x8192xf32, #tpu.memory_space<hbm>> -> memref<8x256xf32, #tpu.memory_space<hbm>>
      tpu.wait_dma2 semaphore(%run_scoped3A : memref<!tpu.dma_semaphore, #tpu.memory_space<semaphore_mem>>) src(%dma_wait3A_4417 : memref<8x256xf32, #tpu.memory_space<hbm>>) dst(%arg4 : memref<8x256xf32, #tpu.memory_space<vmem>>)
      tpu.yield
    }) : () -> ()
    %broadcast_in_dim3A = arith.constant 0xFF800000 : f32
    %broadcast_in_dim3A_3 = vector.broadcast %broadcast_in_dim3A : f32 to vector<16xf32>
    %get3A = arith.constant 0 : i32
    %get3A_4 = arith.index_cast %get3A : i32 to index
    %get3A_5 = arith.constant 0 : index
    %get3A_6 = tpu.vector_load %arg4[%get3A_4, %get3A_5] {strides = array<i32>} : memref<8x256xf32, #tpu.memory_space<vmem>>, vector<1x16xf32>,
    %get3A_7 = vector.shape_cast %get3A_6 : vector<1x16xf32> to vector<16xf32>
    %get3A_8 = arith.constant 1 : i32
    %get3A_9 = arith.index_cast %get3A_8 : i32 to index
    %get3A_10 = arith.constant 0 : index
    %get3A_11 = tpu.vector_load %arg4[%get3A_9, %get3A_10] {strides = array<i32>} : memref<8x256xf32, #tpu.memory_space<vmem>>, vector<1x16xf32>,
    %get3A_12 = vector.shape_cast %get3A_11 : vector<1x16xf32> to vector<16xf32>
    %get3A_13 = arith.constant 2 : i32
    %get3A_14 = arith.index_cast %get3A_13 : i32 to index
    %get3A_15 = arith.constant 0 : index
    %get3A_16 = tpu.vector_load %arg4[%get3A_14, %get3A_15] {strides = array<i32>} : memref<8x256xf32, #tpu.memory_space<vmem>>, vector<1x16xf32>,
    %get3A_17 = vector.shape_cast %get3A_16 : vector<1x16xf32> to vector<16xf32>
    %get3A_18 = arith.constant 3 : i32
    %get3A_19 = arith.index_cast %get3A_18 : i32 to index
    %get3A_20 = arith.constant 0 : index
    %get3A_21 = tpu.vector_load %arg4[%get3A_19, %get3A_20] {strides = array<i32>} : memref<8x256xf32, #tpu.memory_space<vmem>>, vector<1x16xf32>,
    %get3A_22 = vector.shape_cast %get3A_21 : vector<1x16xf32> to vector<16xf32>
    %get3A_23 = arith.constant 4 : i32
    %get3A_24 = arith.index_cast %get3A_23 : i32 to index
    %get3A_25 = arith.constant 0 : index
    %get3A_26 = tpu.vector_load %arg4[%get3A_24, %get3A_25] {strides = array<i32>} : memref<8x256xf32, #tpu.memory_space<vmem>>, vector<1x16xf32>,
    %get3A_27 = vector.shape_cast %get3A_26 : vector<1x16xf32> to vector<16xf32>
    %get3A_28 = arith.constant 5 : i32
    %get3A_29 = arith.index_cast %get3A_28 : i32 to index
    %get3A_30 = arith.constant 0 : index
    %get3A_31 = tpu.vector_load %arg4[%get3A_29, %get3A_30] {strides = array<i32>} : memref<8x256xf32, #tpu.memory_space<vmem>>, vector<1x16xf32>,
    %get3A_32 = vector.shape_cast %get3A_31 : vector<1x16xf32> to vector<16xf32>
    %get3A_33 = arith.constant 6 : i32
    %get3A_34 = arith.index_cast %get3A_33 : i32 to index
    %get3A_35 = arith.constant 0 : index
    %get3A_36 = tpu.vector_load %arg4[%get3A_34, %get3A_35] {strides = array<i32>} : memref<8x256xf32, #tpu.memory_space<vmem>>, vector<1x16xf32>,
    %get3A_37 = vector.shape_cast %get3A_36 : vector<1x16xf32> to vector<16xf32>
    %get3A_38 = arith.constant 7 : i32
    %get3A_39 = arith.index_cast %get3A_38 : i32 to index
    %get3A_40 = arith.constant 0 : index
    %get3A_41 = tpu.vector_load %arg4[%get3A_39, %get3A_40] {strides = array<i32>} : memref<8x256xf32, #tpu.memory_space<vmem>>, vector<1x16xf32>,
    %get3A_42 = vector.shape_cast %get3A_41 : vector<1x16xf32> to vector<16xf32>
    %broadcast_in_dim3A_43 = arith.constant 0 : i32
    %broadcast_in_dim3A_44 = vector.broadcast %broadcast_in_dim3A_43 : i32 to vector<16xi32>
    %gt3A = arith.cmpf ogt, %get3A_12, %get3A_7 : vector<16xf32>
    %select_n3A = arith.select %gt3A, %get3A_12, %get3A_7 : vector<16xi1>, vector<16xf32>
    %broadcast_in_dim3A_45 = arith.constant 1 : i32
    %broadcast_in_dim3A_46 = vector.broadcast %broadcast_in_dim3A_45 : i32 to vector<16xi32>
    %select_n3A_47 = arith.select %gt3A, %broadcast_in_dim3A_46, %broadcast_in_dim3A_44 : vector<16xi1>, vector<16xi32>
    %gt3A_48 = arith.cmpf ogt, %get3A_17, %select_n3A : vector<16xf32>
    %select_n3A_49 = arith.select %gt3A_48, %get3A_17, %select_n3A : vector<16xi1>, vector<16xf32>
    %broadcast_in_dim3A_50 = arith.constant 2 : i32
    %broadcast_in_dim3A_51 = vector.broadcast %broadcast_in_dim3A_50 : i32 to vector<16xi32>
    %select_n3A_52 = arith.select %gt3A_48, %broadcast_in_dim3A_51, %select_n3A_47 : vector<16xi1>, vector<16xi32>
    %gt3A_53 = arith.cmpf ogt, %get3A_22, %select_n3A_49 : vector<16xf32>
    %select_n3A_54 = arith.select %gt3A_53, %get3A_22, %select_n3A_49 : vector<16xi1>, vector<16xf32>
    %broadcast_in_dim3A_55 = arith.constant 3 : i32
    %broadcast_in_dim3A_56 = vector.broadcast %broadcast_in_dim3A_55 : i32 to vector<16xi32>
    %select_n3A_57 = arith.select %gt3A_53, %broadcast_in_dim3A_56, %select_n3A_52 : vector<16xi1>, vector<16xi32>
    %gt3A_58 = arith.cmpf ogt, %get3A_27, %select_n3A_54 : vector<16xf32>
    %select_n3A_59 = arith.select %gt3A_58, %get3A_27, %select_n3A_54 : vector<16xi1>, vector<16xf32>
    %broadcast_in_dim3A_60 = arith.constant 4 : i32
    %broadcast_in_dim3A_61 = vector.broadcast %broadcast_in_dim3A_60 : i32 to vector<16xi32>
    %select_n3A_62 = arith.select %gt3A_58, %broadcast_in_dim3A_61, %select_n3A_57 : vector<16xi1>, vector<16xi32>
    %gt3A_63 = arith.cmpf ogt, %get3A_32, %select_n3A_59 : vector<16xf32>
    %select_n3A_64 = arith.select %gt3A_63, %get3A_32, %select_n3A_59 : vector<16xi1>, vector<16xf32>
    %broadcast_in_dim3A_65 = arith.constant 5 : i32
    %broadcast_in_dim3A_66 = vector.broadcast %broadcast_in_dim3A_65 : i32 to vector<16xi32>
    %select_n3A_67 = arith.select %gt3A_63, %broadcast_in_dim3A_66, %select_n3A_62 : vector<16xi1>, vector<16xi32>
    %gt3A_68 = arith.cmpf ogt, %get3A_37, %select_n3A_64 : vector<16xf32>
    %select_n3A_69 = arith.select %gt3A_68, %get3A_37, %select_n3A_64 : vector<16xi1>, vector<16xf32>
    %broadcast_in_dim3A_70 = arith.constant 6 : i32
    %broadcast_in_dim3A_71 = vector.broadcast %broadcast_in_dim3A_70 : i32 to vector<16xi32>
    %select_n3A_72 = arith.select %gt3A_68, %broadcast_in_dim3A_71, %select_n3A_67 : vector<16xi1>, vector<16xi32>
    %gt3A_73 = arith.cmpf ogt, %get3A_42, %select_n3A_69 : vector<16xf32>
    %select_n3A_74 = arith.select %gt3A_73, %get3A_42, %select_n3A_69 : vector<16xi1>, vector<16xf32>
    %broadcast_in_dim3A_75 = arith.constant 7 : i32
    %broadcast_in_dim3A_76 = vector.broadcast %broadcast_in_dim3A_75 : i32 to vector<16xi32>
    %select_n3A_77 = arith.select %gt3A_73, %broadcast_in_dim3A_76, %select_n3A_72 : vector<16xi1>, vector<16xi32>
    %broadcast_in_dim3A_78 = arith.constant 0 : i32
    %broadcast_in_dim3A_79 = vector.broadcast %broadcast_in_dim3A_78 : i32 to vector<16xi32>
    %eq3A = arith.constant 0 : i32
    %eq3A_80 = vector.broadcast %eq3A : i32 to vector<16xi32>
    %eq3A_81 = arith.cmpi eq, %select_n3A_77, %eq3A_80 : vector<16xi32>
    %select_n3A_82 = arith.select %eq3A_81, %broadcast_in_dim3A_3, %get3A_7 : vector<16xi1>, vector<16xf32>
    %gt3A_83 = arith.cmpf ogt, %select_n3A_82, %broadcast_in_dim3A_3 : vector<16xf32>
    %select_n3A_84 = arith.select %gt3A_83, %select_n3A_82, %broadcast_in_dim3A_3 : vector<16xi1>, vector<16xf32>
    %broadcast_in_dim3A_85 = arith.constant 0 : i32
    %broadcast_in_dim3A_86 = vector.broadcast %broadcast_in_dim3A_85 : i32 to vector<16xi32>
    %select_n3A_87 = arith.select %gt3A_83, %broadcast_in_dim3A_86, %broadcast_in_dim3A_79 : vector<16xi1>, vector<16xi32>
    %eq3A_88 = arith.constant 1 : i32
    %eq3A_89 = vector.broadcast %eq3A_88 : i32 to vector<16xi32>
    %eq3A_90 = arith.cmpi eq, %select_n3A_77, %eq3A_89 : vector<16xi32>
    %select_n3A_91 = arith.select %eq3A_90, %broadcast_in_dim3A_3, %get3A_12 : vector<16xi1>, vector<16xf32>
    %gt3A_92 = arith.cmpf ogt, %select_n3A_91, %select_n3A_84 : vector<16xf32>
    %select_n3A_93 = arith.select %gt3A_92, %select_n3A_91, %select_n3A_84 : vector<16xi1>, vector<16xf32>
    %broadcast_in_dim3A_94 = arith.constant 1 : i32
    %broadcast_in_dim3A_95 = vector.broadcast %broadcast_in_dim3A_94 : i32 to vector<16xi32>
    %select_n3A_96 = arith.select %gt3A_92, %broadcast_in_dim3A_95, %select_n3A_87 : vector<16xi1>, vector<16xi32>
    %eq3A_97 = arith.constant 2 : i32
    %eq3A_98 = vector.broadcast %eq3A_97 : i32 to vector<16xi32>
    %eq3A_99 = arith.cmpi eq, %select_n3A_77, %eq3A_98 : vector<16xi32>
    %select_n3A_100 = arith.select %eq3A_99, %broadcast_in_dim3A_3, %get3A_17 : vector<16xi1>, vector<16xf32>
    %gt3A_101 = arith.cmpf ogt, %select_n3A_100, %select_n3A_93 : vector<16xf32>
    %select_n3A_102 = arith.select %gt3A_101, %select_n3A_100, %select_n3A_93 : vector<16xi1>, vector<16xf32>
    %broadcast_in_dim3A_103 = arith.constant 2 : i32
    %broadcast_in_dim3A_104 = vector.broadcast %broadcast_in_dim3A_103 : i32 to vector<16xi32>
    %select_n3A_105 = arith.select %gt3A_101, %broadcast_in_dim3A_104, %select_n3A_96 : vector<16xi1>, vector<16xi32>
    %eq3A_106 = arith.constant 3 : i32
    %eq3A_107 = vector.broadcast %eq3A_106 : i32 to vector<16xi32>
    %eq3A_108 = arith.cmpi eq, %select_n3A_77, %eq3A_107 : vector<16xi32>
    %select_n3A_109 = arith.select %eq3A_108, %broadcast_in_dim3A_3, %get3A_22 : vector<16xi1>, vector<16xf32>
    %gt3A_110 = arith.cmpf ogt, %select_n3A_109, %select_n3A_102 : vector<16xf32>
    %select_n3A_111 = arith.select %gt3A_110, %select_n3A_109, %select_n3A_102 : vector<16xi1>, vector<16xf32>
    %broadcast_in_dim3A_112 = arith.constant 3 : i32
    %broadcast_in_dim3A_113 = vector.broadcast %broadcast_in_dim3A_112 : i32 to vector<16xi32>
    %select_n3A_114 = arith.select %gt3A_110, %broadcast_in_dim3A_113, %select_n3A_105 : vector<16xi1>, vector<16xi32>
    %eq3A_115 = arith.constant 4 : i32
    %eq3A_116 = vector.broadcast %eq3A_115 : i32 to vector<16xi32>
    %eq3A_117 = arith.cmpi eq, %select_n3A_77, %eq3A_116 : vector<16xi32>
    %select_n3A_118 = arith.select %eq3A_117, %broadcast_in_dim3A_3, %get3A_27 : vector<16xi1>, vector<16xf32>
    %gt3A_119 = arith.cmpf ogt, %select_n3A_118, %select_n3A_111 : vector<16xf32>
    %select_n3A_120 = arith.select %gt3A_119, %select_n3A_118, %select_n3A_111 : vector<16xi1>, vector<16xf32>
    %broadcast_in_dim3A_121 = arith.constant 4 : i32
    %broadcast_in_dim3A_122 = vector.broadcast %broadcast_in_dim3A_121 : i32 to vector<16xi32>
    %select_n3A_123 = arith.select %gt3A_119, %broadcast_in_dim3A_122, %select_n3A_114 : vector<16xi1>, vector<16xi32>
    %eq3A_124 = arith.constant 5 : i32
    %eq3A_125 = vector.broadcast %eq3A_124 : i32 to vector<16xi32>
    %eq3A_126 = arith.cmpi eq, %select_n3A_77, %eq3A_125 : vector<16xi32>
    %select_n3A_127 = arith.select %eq3A_126, %broadcast_in_dim3A_3, %get3A_32 : vector<16xi1>, vector<16xf32>
    %gt3A_128 = arith.cmpf ogt, %select_n3A_127, %select_n3A_120 : vector<16xf32>
    %select_n3A_129 = arith.select %gt3A_128, %select_n3A_127, %select_n3A_120 : vector<16xi1>, vector<16xf32>
    %broadcast_in_dim3A_130 = arith.constant 5 : i32
    %broadcast_in_dim3A_131 = vector.broadcast %broadcast_in_dim3A_130 : i32 to vector<16xi32>
    %select_n3A_132 = arith.select %gt3A_128, %broadcast_in_dim3A_131, %select_n3A_123 : vector<16xi1>, vector<16xi32>
    %eq3A_133 = arith.constant 6 : i32
    %eq3A_134 = vector.broadcast %eq3A_133 : i32 to vector<16xi32>
    %eq3A_135 = arith.cmpi eq, %select_n3A_77, %eq3A_134 : vector<16xi32>
    %select_n3A_136 = arith.select %eq3A_135, %broadcast_in_dim3A_3, %get3A_37 : vector<16xi1>, vector<16xf32>
    %gt3A_137 = arith.cmpf ogt, %select_n3A_136, %select_n3A_129 : vector<16xf32>
    %select_n3A_138 = arith.select %gt3A_137, %select_n3A_136, %select_n3A_129 : vector<16xi1>, vector<16xf32>
    %broadcast_in_dim3A_139 = arith.constant 6 : i32
    %broadcast_in_dim3A_140 = vector.broadcast %broadcast_in_dim3A_139 : i32 to vector<16xi32>
    %select_n3A_141 = arith.select %gt3A_137, %broadcast_in_dim3A_140, %select_n3A_132 : vector<16xi1>, vector<16xi32>
    %eq3A_142 = arith.constant 7 : i32
    %eq3A_143 = vector.broadcast %eq3A_142 : i32 to vector<16xi32>
    %eq3A_144 = arith.cmpi eq, %select_n3A_77, %eq3A_143 : vector<16xi32>
    %select_n3A_145 = arith.select %eq3A_144, %broadcast_in_dim3A_3, %get3A_42 : vector<16xi1>, vector<16xf32>
    %gt3A_146 = arith.cmpf ogt, %select_n3A_145, %select_n3A_138 : vector<16xf32>
    %select_n3A_147 = arith.select %gt3A_146, %select_n3A_145, %select_n3A_138 : vector<16xi1>, vector<16xf32>
    %broadcast_in_dim3A_148 = arith.constant 7 : i32
    %broadcast_in_dim3A_149 = vector.broadcast %broadcast_in_dim3A_148 : i32 to vector<16xi32>
    %select_n3A_150 = arith.select %gt3A_146, %broadcast_in_dim3A_149, %select_n3A_141 : vector<16xi1>, vector<16xi32>
    %sub3A = arith.subf %select_n3A_147, %select_n3A_74 : vector<16xf32>
    %exp3A = math.exp %sub3A : vector<16xf32>
    %add3A_151 = arith.constant 1.000000e+00 : f32
    %add3A_152 = vector.broadcast %add3A_151 : f32 to vector<16xf32>
    %add3A_153 = arith.addf %add3A_152, %exp3A : vector<16xf32>
    %div3A = arith.constant 1.000000e+00 : f32
    %div3A_154 = vector.broadcast %div3A : f32 to vector<16xf32>
    %div3A_155 = arith.divf %div3A_154, %add3A_153 : vector<16xf32>
    %sub3A_156 = arith.constant 1.000000e+00 : f32
    %sub3A_157 = vector.broadcast %sub3A_156 : f32 to vector<16xf32>
    %sub3A_158 = arith.subf %sub3A_157, %div3A_155 : vector<16xf32>
    %broadcast_in_dim3A_159 = arith.constant 0.000000e+00 : f32
    %broadcast_in_dim3A_160 = vector.broadcast %broadcast_in_dim3A_159 : f32 to vector<16xf32>
    %eq3A_161 = arith.constant 0 : i32
    %eq3A_162 = vector.broadcast %eq3A_161 : i32 to vector<16xi32>
    %eq3A_163 = arith.cmpi eq, %select_n3A_77, %eq3A_162 : vector<16xi32>
    %eq3A_164 = arith.constant 0 : i32
    %eq3A_165 = vector.broadcast %eq3A_164 : i32 to vector<16xi32>
    %eq3A_166 = arith.cmpi eq, %select_n3A_150, %eq3A_165 : vector<16xi32>
    %select_n3A_167 = arith.select %eq3A_166, %sub3A_158, %broadcast_in_dim3A_160 : vector<16xi1>, vector<16xf32>
    %select_n3A_168 = arith.select %eq3A_163, %div3A_155, %select_n3A_167 : vector<16xi1>, vector<16xf32>
    %swap3A = arith.constant 0 : i32
    %swap3A_169 = arith.index_cast %swap3A : i32 to index
    %swap3A_170 = arith.constant 0 : index
    %swap3A_171 = tpu.vector_load %arg5[%swap3A_169, %swap3A_170] {strides = array<i32>} : memref<8x256xf32, #tpu.memory_space<vmem>>, vector<1x16xf32>,
    %swap3A_172 = vector.shape_cast %swap3A_171 : vector<1x16xf32> to vector<16xf32>
    %swap3A_173 = vector.shape_cast %select_n3A_168 : vector<16xf32> to vector<1x16xf32>
    tpu.vector_store %arg5[%swap3A_169, %swap3A_170], %swap3A_173 {strides = array<i32>} : memref<8x256xf32, #tpu.memory_space<vmem>>, vector<1x16xf32>,
    %eq3A_174 = arith.constant 1 : i32
    %eq3A_175 = vector.broadcast %eq3A_174 : i32 to vector<16xi32>
    %eq3A_176 = arith.cmpi eq, %select_n3A_77, %eq3A_175 : vector<16xi32>
    %eq3A_177 = arith.constant 1 : i32
    %eq3A_178 = vector.broadcast %eq3A_177 : i32 to vector<16xi32>
    %eq3A_179 = arith.cmpi eq, %select_n3A_150, %eq3A_178 : vector<16xi32>
    %select_n3A_180 = arith.select %eq3A_179, %sub3A_158, %broadcast_in_dim3A_160 : vector<16xi1>, vector<16xf32>
    %select_n3A_181 = arith.select %eq3A_176, %div3A_155, %select_n3A_180 : vector<16xi1>, vector<16xf32>
    %swap3A_182 = arith.constant 1 : i32
    %swap3A_183 = arith.index_cast %swap3A_182 : i32 to index
    %swap3A_184 = arith.constant 0 : index
    %swap3A_185 = tpu.vector_load %arg5[%swap3A_183, %swap3A_184] {strides = array<i32>} : memref<8x256xf32, #tpu.memory_space<vmem>>, vector<1x16xf32>,
    %swap3A_186 = vector.shape_cast %swap3A_185 : vector<1x16xf32> to vector<16xf32>
    %swap3A_187 = vector.shape_cast %select_n3A_181 : vector<16xf32> to vector<1x16xf32>
    tpu.vector_store %arg5[%swap3A_183, %swap3A_184], %swap3A_187 {strides = array<i32>} : memref<8x256xf32, #tpu.memory_space<vmem>>, vector<1x16xf32>,
    %eq3A_188 = arith.constant 2 : i32
    %eq3A_189 = vector.broadcast %eq3A_188 : i32 to vector<16xi32>
    %eq3A_190 = arith.cmpi eq, %select_n3A_77, %eq3A_189 : vector<16xi32>
    %eq3A_191 = arith.constant 2 : i32
    %eq3A_192 = vector.broadcast %eq3A_191 : i32 to vector<16xi32>
    %eq3A_193 = arith.cmpi eq, %select_n3A_150, %eq3A_192 : vector<16xi32>
    %select_n3A_194 = arith.select %eq3A_193, %sub3A_158, %broadcast_in_dim3A_160 : vector<16xi1>, vector<16xf32>
    %select_n3A_195 = arith.select %eq3A_190, %div3A_155, %select_n3A_194 : vector<16xi1>, vector<16xf32>
    %swap3A_196 = arith.constant 2 : i32
    %swap3A_197 = arith.index_cast %swap3A_196 : i32 to index
    %swap3A_198 = arith.constant 0 : index
    %swap3A_199 = tpu.vector_load %arg5[%swap3A_197, %swap3A_198] {strides = array<i32>} : memref<8x256xf32, #tpu.memory_space<vmem>>, vector<1x16xf32>,
    %swap3A_200 = vector.shape_cast %swap3A_199 : vector<1x16xf32> to vector<16xf32>
    %swap3A_201 = vector.shape_cast %select_n3A_195 : vector<16xf32> to vector<1x16xf32>
    tpu.vector_store %arg5[%swap3A_197, %swap3A_198], %swap3A_201 {strides = array<i32>} : memref<8x256xf32, #tpu.memory_space<vmem>>, vector<1x16xf32>,
    %eq3A_202 = arith.constant 3 : i32
    %eq3A_203 = vector.broadcast %eq3A_202 : i32 to vector<16xi32>
    %eq3A_204 = arith.cmpi eq, %select_n3A_77, %eq3A_203 : vector<16xi32>
    %eq3A_205 = arith.constant 3 : i32
    %eq3A_206 = vector.broadcast %eq3A_205 : i32 to vector<16xi32>
    %eq3A_207 = arith.cmpi eq, %select_n3A_150, %eq3A_206 : vector<16xi32>
    %select_n3A_208 = arith.select %eq3A_207, %sub3A_158, %broadcast_in_dim3A_160 : vector<16xi1>, vector<16xf32>
    %select_n3A_209 = arith.select %eq3A_204, %div3A_155, %select_n3A_208 : vector<16xi1>, vector<16xf32>
    %swap3A_210 = arith.constant 3 : i32
    %swap3A_211 = arith.index_cast %swap3A_210 : i32 to index
    %swap3A_212 = arith.constant 0 : index
    %swap3A_213 = tpu.vector_load %arg5[%swap3A_211, %swap3A_212] {strides = array<i32>} : memref<8x256xf32, #tpu.memory_space<vmem>>, vector<1x16xf32>,
    %swap3A_214 = vector.shape_cast %swap3A_213 : vector<1x16xf32> to vector<16xf32>
    %swap3A_215 = vector.shape_cast %select_n3A_209 : vector<16xf32> to vector<1x16xf32>
    tpu.vector_store %arg5[%swap3A_211, %swap3A_212], %swap3A_215 {strides = array<i32>} : memref<8x256xf32, #tpu.memory_space<vmem>>, vector<1x16xf32>,
    %eq3A_216 = arith.constant 4 : i32
    %eq3A_217 = vector.broadcast %eq3A_216 : i32 to vector<16xi32>
    %eq3A_218 = arith.cmpi eq, %select_n3A_77, %eq3A_217 : vector<16xi32>
    %eq3A_219 = arith.constant 4 : i32
    %eq3A_220 = vector.broadcast %eq3A_219 : i32 to vector<16xi32>
    %eq3A_221 = arith.cmpi eq, %select_n3A_150, %eq3A_220 : vector<16xi32>
    %select_n3A_222 = arith.select %eq3A_221, %sub3A_158, %broadcast_in_dim3A_160 : vector<16xi1>, vector<16xf32>
    %select_n3A_223 = arith.select %eq3A_218, %div3A_155, %select_n3A_222 : vector<16xi1>, vector<16xf32>
    %swap3A_224 = arith.constant 4 : i32
    %swap3A_225 = arith.index_cast %swap3A_224 : i32 to index
    %swap3A_226 = arith.constant 0 : index
    %swap3A_227 = tpu.vector_load %arg5[%swap3A_225, %swap3A_226] {strides = array<i32>} : memref<8x256xf32, #tpu.memory_space<vmem>>, vector<1x16xf32>,
    %swap3A_228 = vector.shape_cast %swap3A_227 : vector<1x16xf32> to vector<16xf32>
    %swap3A_229 = vector.shape_cast %select_n3A_223 : vector<16xf32> to vector<1x16xf32>
    tpu.vector_store %arg5[%swap3A_225, %swap3A_226], %swap3A_229 {strides = array<i32>} : memref<8x256xf32, #tpu.memory_space<vmem>>, vector<1x16xf32>,
    %eq3A_230 = arith.constant 5 : i32
    %eq3A_231 = vector.broadcast %eq3A_230 : i32 to vector<16xi32>
    %eq3A_232 = arith.cmpi eq, %select_n3A_77, %eq3A_231 : vector<16xi32>
    %eq3A_233 = arith.constant 5 : i32
    %eq3A_234 = vector.broadcast %eq3A_233 : i32 to vector<16xi32>
    %eq3A_235 = arith.cmpi eq, %select_n3A_150, %eq3A_234 : vector<16xi32>
    %select_n3A_236 = arith.select %eq3A_235, %sub3A_158, %broadcast_in_dim3A_160 : vector<16xi1>, vector<16xf32>
    %select_n3A_237 = arith.select %eq3A_232, %div3A_155, %select_n3A_236 : vector<16xi1>, vector<16xf32>
    %swap3A_238 = arith.constant 5 : i32
    %swap3A_239 = arith.index_cast %swap3A_238 : i32 to index
    %swap3A_240 = arith.constant 0 : index
    %swap3A_241 = tpu.vector_load %arg5[%swap3A_239, %swap3A_240] {strides = array<i32>} : memref<8x256xf32, #tpu.memory_space<vmem>>, vector<1x16xf32>,
    %swap3A_242 = vector.shape_cast %swap3A_241 : vector<1x16xf32> to vector<16xf32>
    %swap3A_243 = vector.shape_cast %select_n3A_237 : vector<16xf32> to vector<1x16xf32>
    tpu.vector_store %arg5[%swap3A_239, %swap3A_240], %swap3A_243 {strides = array<i32>} : memref<8x256xf32, #tpu.memory_space<vmem>>, vector<1x16xf32>,
    %eq3A_244 = arith.constant 6 : i32
    %eq3A_245 = vector.broadcast %eq3A_244 : i32 to vector<16xi32>
    %eq3A_246 = arith.cmpi eq, %select_n3A_77, %eq3A_245 : vector<16xi32>
    %eq3A_247 = arith.constant 6 : i32
    %eq3A_248 = vector.broadcast %eq3A_247 : i32 to vector<16xi32>
    %eq3A_249 = arith.cmpi eq, %select_n3A_150, %eq3A_248 : vector<16xi32>
    %select_n3A_250 = arith.select %eq3A_249, %sub3A_158, %broadcast_in_dim3A_160 : vector<16xi1>, vector<16xf32>
    %select_n3A_251 = arith.select %eq3A_246, %div3A_155, %select_n3A_250 : vector<16xi1>, vector<16xf32>
    %swap3A_252 = arith.constant 6 : i32
    %swap3A_253 = arith.index_cast %swap3A_252 : i32 to index
    %swap3A_254 = arith.constant 0 : index
    %swap3A_255 = tpu.vector_load %arg5[%swap3A_253, %swap3A_254] {strides = array<i32>} : memref<8x256xf32, #tpu.memory_space<vmem>>, vector<1x16xf32>,
    %swap3A_256 = vector.shape_cast %swap3A_255 : vector<1x16xf32> to vector<16xf32>
    %swap3A_257 = vector.shape_cast %select_n3A_251 : vector<16xf32> to vector<1x16xf32>
    tpu.vector_store %arg5[%swap3A_253, %swap3A_254], %swap3A_257 {strides = array<i32>} : memref<8x256xf32, #tpu.memory_space<vmem>>, vector<1x16xf32>,
    %eq3A_258 = arith.constant 7 : i32
    %eq3A_259 = vector.broadcast %eq3A_258 : i32 to vector<16xi32>
    %eq3A_260 = arith.cmpi eq, %select_n3A_77, %eq3A_259 : vector<16xi32>
    %eq3A_261 = arith.constant 7 : i32
    %eq3A_262 = vector.broadcast %eq3A_261 : i32 to vector<16xi32>
    %eq3A_263 = arith.cmpi eq, %select_n3A_150, %eq3A_262 : vector<16xi32>
    %select_n3A_264 = arith.select %eq3A_263, %sub3A_158, %broadcast_in_dim3A_160 : vector<16xi1>, vector<16xf32>
    %select_n3A_265 = arith.select %eq3A_260, %div3A_155, %select_n3A_264 : vector<16xi1>, vector<16xf32>
    %swap3A_266 = arith.constant 7 : i32
    %swap3A_267 = arith.index_cast %swap3A_266 : i32 to index
    %swap3A_268 = arith.constant 0 : index
    %swap3A_269 = tpu.vector_load %arg5[%swap3A_267, %swap3A_268] {strides = array<i32>} : memref<8x256xf32, #tpu.memory_space<vmem>>, vector<1x16xf32>,
    %swap3A_270 = vector.shape_cast %swap3A_269 : vector<1x16xf32> to vector<16xf32>
    %swap3A_271 = vector.shape_cast %select_n3A_265 : vector<16xf32> to vector<1x16xf32>
    tpu.vector_store %arg5[%swap3A_267, %swap3A_268], %swap3A_271 {strides = array<i32>} : memref<8x256xf32, #tpu.memory_space<vmem>>, vector<1x16xf32>,
    %get3A_272 = arith.constant 0 : i32
    %get3A_273 = arith.index_cast %get3A_272 : i32 to index
    %get3A_274 = arith.constant 16 : index
    %get3A_275 = tpu.vector_load %arg4[%get3A_273, %get3A_274] {strides = array<i32>} : memref<8x256xf32, #tpu.memory_space<vmem>>, vector<1x16xf32>,
    %get3A_276 = vector.shape_cast %get3A_275 : vector<1x16xf32> to vector<16xf32>
    %get3A_277 = arith.constant 1 : i32
    %get3A_278 = arith.index_cast %get3A_277 : i32 to index
    %get3A_279 = arith.constant 16 : index
    %get3A_280 = tpu.vector_load %arg4[%get3A_278, %get3A_279] {strides = array<i32>} : memref<8x256xf32, #tpu.memory_space<vmem>>, vector<1x16xf32>,
    %get3A_281 = vector.shape_cast %get3A_280 : vector<1x16xf32> to vector<16xf32>
    %get3A_282 = arith.constant 2 : i32
    %get3A_283 = arith.index_cast %get3A_282 : i32 to index
    %get3A_284 = arith.constant 16 : index
    %get3A_285 = tpu.vector_load %arg4[%get3A_283, %get3A_284] {strides = array<i32>} : memref<8x256xf32, #tpu.memory_space<vmem>>, vector<1x16xf32>,
    %get3A_286 = vector.shape_cast %get3A_285 : vector<1x16xf32> to vector<16xf32>
    %get3A_287 = arith.constant 3 : i32
    %get3A_288 = arith.index_cast %get3A_287 : i32 to index
    %get3A_289 = arith.constant 16 : index
    %get3A_290 = tpu.vector_load %arg4[%get3A_288, %get3A_289] {strides = array<i32>} : memref<8x256xf32, #tpu.memory_space<vmem>>, vector<1x16xf32>,
    %get3A_291 = vector.shape_cast %get3A_290 : vector<1x16xf32> to vector<16xf32>
    %get3A_292 = arith.constant 4 : i32
    %get3A_293 = arith.index_cast %get3A_292 : i32 to index
    %get3A_294 = arith.constant 16 : index
    %get3A_295 = tpu.vector_load %arg4[%get3A_293, %get3A_294] {strides = array<i32>} : memref<8x256xf32, #tpu.memory_space<vmem>>, vector<1x16xf32>,
    %get3A_296 = vector.shape_cast %get3A_295 : vector<1x16xf32> to vector<16xf32>
    %get3A_297 = arith.constant 5 : i32
    %get3A_298 = arith.index_cast %get3A_297 : i32 to index
    %get3A_299 = arith.constant 16 : index
    %get3A_300 = tpu.vector_load %arg4[%get3A_298, %get3A_299] {strides = array<i32>} : memref<8x256xf32, #tpu.memory_space<vmem>>, vector<1x16xf32>,
    %get3A_301 = vector.shape_cast %get3A_300 : vector<1x16xf32> to vector<16xf32>
    %get3A_302 = arith.constant 6 : i32
    %get3A_303 = arith.index_cast %get3A_302 : i32 to index
    %get3A_304 = arith.constant 16 : index
    %get3A_305 = tpu.vector_load %arg4[%get3A_303, %get3A_304] {strides = array<i32>} : memref<8x256xf32, #tpu.memory_space<vmem>>, vector<1x16xf32>,
    %get3A_306 = vector.shape_cast %get3A_305 : vector<1x16xf32> to vector<16xf32>
    %get3A_307 = arith.constant 7 : i32
    %get3A_308 = arith.index_cast %get3A_307 : i32 to index
    %get3A_309 = arith.constant 16 : index
    %get3A_310 = tpu.vector_load %arg4[%get3A_308, %get3A_309] {strides = array<i32>} : memref<8x256xf32, #tpu.memory_space<vmem>>, vector<1x16xf32>,
    %get3A_311 = vector.shape_cast %get3A_310 : vector<1x16xf32> to vector<16xf32>
    %broadcast_in_dim3A_312 = arith.constant 0 : i32
    %broadcast_in_dim3A_313 = vector.broadcast %broadcast_in_dim3A_312 : i32 to vector<16xi32>
    %gt3A_314 = arith.cmpf ogt, %get3A_281, %get3A_276 : vector<16xf32>
    %select_n3A_315 = arith.select %gt3A_314, %get3A_281, %get3A_276 : vector<16xi1>, vector<16xf32>
    %broadcast_in_dim3A_316 = arith.constant 1 : i32
    %broadcast_in_dim3A_317 = vector.broadcast %broadcast_in_dim3A_316 : i32 to vector<16xi32>
    %select_n3A_318 = arith.select %gt3A_314, %broadcast_in_dim3A_317, %broadcast_in_dim3A_313 : vector<16xi1>, vector<16xi32>
    %gt3A_319 = arith.cmpf ogt, %get3A_286, %select_n3A_315 : vector<16xf32>
    %select_n3A_320 = arith.select %gt3A_319, %get3A_286, %select_n3A_315 : vector<16xi1>, vector<16xf32>
    %broadcast_in_dim3A_321 = arith.constant 2 : i32
    %broadcast_in_dim3A_322 = vector.broadcast %broadcast_in_dim3A_321 : i32 to vector<16xi32>
    %select_n3A_323 = arith.select %gt3A_319, %broadcast_in_dim3A_322, %select_n3A_318 : vector<16xi1>, vector<16xi32>
    %gt3A_324 = arith.cmpf ogt, %get3A_291, %select_n3A_320 : vector<16xf32>
    %select_n3A_325 = arith.select %gt3A_324, %get3A_291, %select_n3A_320 : vector<16xi1>, vector<16xf32>
    %broadcast_in_dim3A_326 = arith.constant 3 : i32
    %broadcast_in_dim3A_327 = vector.broadcast %broadcast_in_dim3A_326 : i32 to vector<16xi32>
    %select_n3A_328 = arith.select %gt3A_324, %broadcast_in_dim3A_327, %select_n3A_323 : vector<16xi1>, vector<16xi32>
    %gt3A_329 = arith.cmpf ogt, %get3A_296, %select_n3A_325 : vector<16xf32>
    %select_n3A_330 = arith.select %gt3A_329, %get3A_296, %select_n3A_325 : vector<16xi1>, vector<16xf32>
    %broadcast_in_dim3A_331 = arith.constant 4 : i32
    %broadcast_in_dim3A_332 = vector.broadcast %broadcast_in_dim3A_331 : i32 to vector<16xi32>
    %select_n3A_333 = arith.select %gt3A_329, %broadcast_in_dim3A_332, %select_n3A_328 : vector<16xi1>, vector<16xi32>
    %gt3A_334 = arith.cmpf ogt, %get3A_301, %select_n3A_330 : vector<16xf32>
    %select_n3A_335 = arith.select %gt3A_334, %get3A_301, %select_n3A_330 : vector<16xi1>, vector<16xf32>
    %broadcast_in_dim3A_336 = arith.constant 5 : i32
    %broadcast_in_dim3A_337 = vector.broadcast %broadcast_in_dim3A_336 : i32 to vector<16xi32>
    %select_n3A_338 = arith.select %gt3A_334, %broadcast_in_dim3A_337, %select_n3A_333 : vector<16xi1>, vector<16xi32>
    %gt3A_339 = arith.cmpf ogt, %get3A_306, %select_n3A_335 : vector<16xf32>
    %select_n3A_340 = arith.select %gt3A_339, %get3A_306, %select_n3A_335 : vector<16xi1>, vector<16xf32>
    %broadcast_in_dim3A_341 = arith.constant 6 : i32
    %broadcast_in_dim3A_342 = vector.broadcast %broadcast_in_dim3A_341 : i32 to vector<16xi32>
    %select_n3A_343 = arith.select %gt3A_339, %broadcast_in_dim3A_342, %select_n3A_338 : vector<16xi1>, vector<16xi32>
    %gt3A_344 = arith.cmpf ogt, %get3A_311, %select_n3A_340 : vector<16xf32>
    %select_n3A_345 = arith.select %gt3A_344, %get3A_311, %select_n3A_340 : vector<16xi1>, vector<16xf32>
    %broadcast_in_dim3A_346 = arith.constant 7 : i32
    %broadcast_in_dim3A_347 = vector.broadcast %broadcast_in_dim3A_346 : i32 to vector<16xi32>
    %select_n3A_348 = arith.select %gt3A_344, %broadcast_in_dim3A_347, %select_n3A_343 : vector<16xi1>, vector<16xi32>
    %broadcast_in_dim3A_349 = arith.constant 0 : i32
    %broadcast_in_dim3A_350 = vector.broadcast %broadcast_in_dim3A_349 : i32 to vector<16xi32>
    %eq3A_351 = arith.constant 0 : i32
    %eq3A_352 = vector.broadcast %eq3A_351 : i32 to vector<16xi32>
    %eq3A_353 = arith.cmpi eq, %select_n3A_348, %eq3A_352 : vector<16xi32>
    %select_n3A_354 = arith.select %eq3A_353, %broadcast_in_dim3A_3, %get3A_276 : vector<16xi1>, vector<16xf32>
    %gt3A_355 = arith.cmpf ogt, %select_n3A_354, %broadcast_in_dim3A_3 : vector<16xf32>
    %select_n3A_356 = arith.select %gt3A_355, %select_n3A_354, %broadcast_in_dim3A_3 : vector<16xi1>, vector<16xf32>
    %broadcast_in_dim3A_357 = arith.constant 0 : i32
    %broadcast_in_dim3A_358 = vector.broadcast %broadcast_in_dim3A_357 : i32 to vector<16xi32>
    %select_n3A_359 = arith.select %gt3A_355, %broadcast_in_dim3A_358, %broadcast_in_dim3A_350 : vector<16xi1>, vector<16xi32>
    %eq3A_360 = arith.constant 1 : i32
    %eq3A_361 = vector.broadcast %eq3A_360 : i32 to vector<16xi32>
    %eq3A_362 = arith.cmpi eq, %select_n3A_348, %eq3A_361 : vector<16xi32>
    %select_n3A_363 = arith.select %eq3A_362, %broadcast_in_dim3A_3, %get3A_281 : vector<16xi1>, vector<16xf32>
    %gt3A_364 = arith.cmpf ogt, %select_n3A_363, %select_n3A_356 : vector<16xf32>
    %select_n3A_365 = arith.select %gt3A_364, %select_n3A_363, %select_n3A_356 : vector<16xi1>, vector<16xf32>
    %broadcast_in_dim3A_366 = arith.constant 1 : i32
    %broadcast_in_dim3A_367 = vector.broadcast %broadcast_in_dim3A_366 : i32 to vector<16xi32>
    %select_n3A_368 = arith.select %gt3A_364, %broadcast_in_dim3A_367, %select_n3A_359 : vector<16xi1>, vector<16xi32>
    %eq3A_369 = arith.constant 2 : i32
    %eq3A_370 = vector.broadcast %eq3A_369 : i32 to vector<16xi32>
    %eq3A_371 = arith.cmpi eq, %select_n3A_348, %eq3A_370 : vector<16xi32>
    %select_n3A_372 = arith.select %eq3A_371, %broadcast_in_dim3A_3, %get3A_286 : vector<16xi1>, vector<16xf32>
    %gt3A_373 = arith.cmpf ogt, %select_n3A_372, %select_n3A_365 : vector<16xf32>
    %select_n3A_374 = arith.select %gt3A_373, %select_n3A_372, %select_n3A_365 : vector<16xi1>, vector<16xf32>
    %broadcast_in_dim3A_375 = arith.constant 2 : i32
    %broadcast_in_dim3A_376 = vector.broadcast %broadcast_in_dim3A_375 : i32 to vector<16xi32>
    %select_n3A_377 = arith.select %gt3A_373, %broadcast_in_dim3A_376, %select_n3A_368 : vector<16xi1>, vector<16xi32>
    %eq3A_378 = arith.constant 3 : i32
    %eq3A_379 = vector.broadcast %eq3A_378 : i32 to vector<16xi32>
    %eq3A_380 = arith.cmpi eq, %select_n3A_348, %eq3A_379 : vector<16xi32>
    %select_n3A_381 = arith.select %eq3A_380, %broadcast_in_dim3A_3, %get3A_291 : vector<16xi1>, vector<16xf32>
    %gt3A_382 = arith.cmpf ogt, %select_n3A_381, %select_n3A_374 : vector<16xf32>
    %select_n3A_383 = arith.select %gt3A_382, %select_n3A_381, %select_n3A_374 : vector<16xi1>, vector<16xf32>
    %broadcast_in_dim3A_384 = arith.constant 3 : i32
    %broadcast_in_dim3A_385 = vector.broadcast %broadcast_in_dim3A_384 : i32 to vector<16xi32>
    %select_n3A_386 = arith.select %gt3A_382, %broadcast_in_dim3A_385, %select_n3A_377 : vector<16xi1>, vector<16xi32>
    %eq3A_387 = arith.constant 4 : i32
    %eq3A_388 = vector.broadcast %eq3A_387 : i32 to vector<16xi32>
    %eq3A_389 = arith.cmpi eq, %select_n3A_348, %eq3A_388 : vector<16xi32>
    %select_n3A_390 = arith.select %eq3A_389, %broadcast_in_dim3A_3, %get3A_296 : vector<16xi1>, vector<16xf32>
    %gt3A_391 = arith.cmpf ogt, %select_n3A_390, %select_n3A_383 : vector<16xf32>
    %select_n3A_392 = arith.select %gt3A_391, %select_n3A_390, %select_n3A_383 : vector<16xi1>, vector<16xf32>
    %broadcast_in_dim3A_393 = arith.constant 4 : i32
    %broadcast_in_dim3A_394 = vector.broadcast %broadcast_in_dim3A_393 : i32 to vector<16xi32>
    %select_n3A_395 = arith.select %gt3A_391, %broadcast_in_dim3A_394, %select_n3A_386 : vector<16xi1>, vector<16xi32>
    %eq3A_396 = arith.constant 5 : i32
    %eq3A_397 = vector.broadcast %eq3A_396 : i32 to vector<16xi32>
    %eq3A_398 = arith.cmpi eq, %select_n3A_348, %eq3A_397 : vector<16xi32>
    %select_n3A_399 = arith.select %eq3A_398, %broadcast_in_dim3A_3, %get3A_301 : vector<16xi1>, vector<16xf32>
    %gt3A_400 = arith.cmpf ogt, %select_n3A_399, %select_n3A_392 : vector<16xf32>
    %select_n3A_401 = arith.select %gt3A_400, %select_n3A_399, %select_n3A_392 : vector<16xi1>, vector<16xf32>
    %broadcast_in_dim3A_402 = arith.constant 5 : i32
    %broadcast_in_dim3A_403 = vector.broadcast %broadcast_in_dim3A_402 : i32 to vector<16xi32>
    %select_n3A_404 = arith.select %gt3A_400, %broadcast_in_dim3A_403, %select_n3A_395 : vector<16xi1>, vector<16xi32>
    %eq3A_405 = arith.constant 6 : i32
    %eq3A_406 = vector.broadcast %eq3A_405 : i32 to vector<16xi32>
    %eq3A_407 = arith.cmpi eq, %select_n3A_348, %eq3A_406 : vector<16xi32>
    %select_n3A_408 = arith.select %eq3A_407, %broadcast_in_dim3A_3, %get3A_306 : vector<16xi1>, vector<16xf32>
    %gt3A_409 = arith.cmpf ogt, %select_n3A_408, %select_n3A_401 : vector<16xf32>
    %select_n3A_410 = arith.select %gt3A_409, %select_n3A_408, %select_n3A_401 : vector<16xi1>, vector<16xf32>
    %broadcast_in_dim3A_411 = arith.constant 6 : i32
    %broadcast_in_dim3A_412 = vector.broadcast %broadcast_in_dim3A_411 : i32 to vector<16xi32>
    %select_n3A_413 = arith.select %gt3A_409, %broadcast_in_dim3A_412, %select_n3A_404 : vector<16xi1>, vector<16xi32>
    %eq3A_414 = arith.constant 7 : i32
    %eq3A_415 = vector.broadcast %eq3A_414 : i32 to vector<16xi32>
    %eq3A_416 = arith.cmpi eq, %select_n3A_348, %eq3A_415 : vector<16xi32>
    %select_n3A_417 = arith.select %eq3A_416, %broadcast_in_dim3A_3, %get3A_311 : vector<16xi1>, vector<16xf32>
    %gt3A_418 = arith.cmpf ogt, %select_n3A_417, %select_n3A_410 : vector<16xf32>
    %select_n3A_419 = arith.select %gt3A_418, %select_n3A_417, %select_n3A_410 : vector<16xi1>, vector<16xf32>
    %broadcast_in_dim3A_420 = arith.constant 7 : i32
    %broadcast_in_dim3A_421 = vector.broadcast %broadcast_in_dim3A_420 : i32 to vector<16xi32>
    %select_n3A_422 = arith.select %gt3A_418, %broadcast_in_dim3A_421, %select_n3A_413 : vector<16xi1>, vector<16xi32>
    %sub3A_423 = arith.subf %select_n3A_419, %select_n3A_345 : vector<16xf32>
    %exp3A_424 = math.exp %sub3A_423 : vector<16xf32>
    %add3A_425 = arith.constant 1.000000e+00 : f32
    %add3A_426 = vector.broadcast %add3A_425 : f32 to vector<16xf32>
    %add3A_427 = arith.addf %add3A_426, %exp3A_424 : vector<16xf32>
    %div3A_428 = arith.constant 1.000000e+00 : f32
    %div3A_429 = vector.broadcast %div3A_428 : f32 to vector<16xf32>
    %div3A_430 = arith.divf %div3A_429, %add3A_427 : vector<16xf32>
    %sub3A_431 = arith.constant 1.000000e+00 : f32
    %sub3A_432 = vector.broadcast %sub3A_431 : f32 to vector<16xf32>
    %sub3A_433 = arith.subf %sub3A_432, %div3A_430 : vector<16xf32>
    %broadcast_in_dim3A_434 = arith.constant 0.000000e+00 : f32
    %broadcast_in_dim3A_435 = vector.broadcast %broadcast_in_dim3A_434 : f32 to vector<16xf32>
    %eq3A_436 = arith.constant 0 : i32
    %eq3A_437 = vector.broadcast %eq3A_436 : i32 to vector<16xi32>
    %eq3A_438 = arith.cmpi eq, %select_n3A_348, %eq3A_437 : vector<16xi32>
    %eq3A_439 = arith.constant 0 : i32
    %eq3A_440 = vector.broadcast %eq3A_439 : i32 to vector<16xi32>
    %eq3A_441 = arith.cmpi eq, %select_n3A_422, %eq3A_440 : vector<16xi32>
    %select_n3A_442 = arith.select %eq3A_441, %sub3A_433, %broadcast_in_dim3A_435 : vector<16xi1>, vector<16xf32>
    %select_n3A_443 = arith.select %eq3A_438, %div3A_430, %select_n3A_442 : vector<16xi1>, vector<16xf32>
    %swap3A_444 = arith.constant 0 : i32
    %swap3A_445 = arith.index_cast %swap3A_444 : i32 to index
    %swap3A_446 = arith.constant 16 : index
    %swap3A_447 = tpu.vector_load %arg5[%swap3A_445, %swap3A_446] {strides = array<i32>} : memref<8x256xf32, #tpu.memory_space<vmem>>, vector<1x16xf32>,
    %swap3A_448 = vector.shape_cast %swap3A_447 : vector<1x16xf32> to vector<16xf32>
    %swap3A_449 = vector.shape_cast %select_n3A_443 : vector<16xf32> to vector<1x16xf32>
    tpu.vector_store %arg5[%swap3A_445, %swap3A_446], %swap3A_449 {strides = array<i32>} : memref<8x256xf32, #tpu.memory_space<vmem>>, vector<1x16xf32>,
    %eq3A_450 = arith.constant 1 : i32
    %eq3A_451 = vector.broadcast %eq3A_450 : i32 to vector<16xi32>
    %eq3A_452 = arith.cmpi eq, %select_n3A_348, %eq3A_451 : vector<16xi32>
    %eq3A_453 = arith.constant 1 : i32
    %eq3A_454 = vector.broadcast %eq3A_453 : i32 to vector<16xi32>
    %eq3A_455 = arith.cmpi eq, %select_n3A_422, %eq3A_454 : vector<16xi32>
    %select_n3A_456 = arith.select %eq3A_455, %sub3A_433, %broadcast_in_dim3A_435 : vector<16xi1>, vector<16xf32>
    %select_n3A_457 = arith.select %eq3A_452, %div3A_430, %select_n3A_456 : vector<16xi1>, vector<16xf32>
    %swap3A_458 = arith.constant 1 : i32
    %swap3A_459 = arith.index_cast %swap3A_458 : i32 to index
    %swap3A_460 = arith.constant 16 : index
    %swap3A_461 = tpu.vector_load %arg5[%swap3A_459, %swap3A_460] {strides = array<i32>} : memref<8x256xf32, #tpu.memory_space<vmem>>, vector<1x16xf32>,
    %swap3A_462 = vector.shape_cast %swap3A_461 : vector<1x16xf32> to vector<16xf32>
    %swap3A_463 = vector.shape_cast %select_n3A_457 : vector<16xf32> to vector<1x16xf32>
    tpu.vector_store %arg5[%swap3A_459, %swap3A_460], %swap3A_463 {strides = array<i32>} : memref<8x256xf32, #tpu.memory_space<vmem>>, vector<1x16xf32>,
    %eq3A_464 = arith.constant 2 : i32
    %eq3A_465 = vector.broadcast %eq3A_464 : i32 to vector<16xi32>
    %eq3A_466 = arith.cmpi eq, %select_n3A_348, %eq3A_465 : vector<16xi32>
    %eq3A_467 = arith.constant 2 : i32
    %eq3A_468 = vector.broadcast %eq3A_467 : i32 to vector<16xi32>
    %eq3A_469 = arith.cmpi eq, %select_n3A_422, %eq3A_468 : vector<16xi32>
    %select_n3A_470 = arith.select %eq3A_469, %sub3A_433, %broadcast_in_dim3A_435 : vector<16xi1>, vector<16xf32>
    %select_n3A_471 = arith.select %eq3A_466, %div3A_430, %select_n3A_470 : vector<16xi1>, vector<16xf32>
    %swap3A_472 = arith.constant 2 : i32
    %swap3A_473 = arith.index_cast %swap3A_472 : i32 to index
    %swap3A_474 = arith.constant 16 : index
    %swap3A_475 = tpu.vector_load %arg5[%swap3A_473, %swap3A_474] {strides = array<i32>} : memref<8x256xf32, #tpu.memory_space<vmem>>, vector<1x16xf32>,
    %swap3A_476 = vector.shape_cast %swap3A_475 : vector<1x16xf32> to vector<16xf32>
    %swap3A_477 = vector.shape_cast %select_n3A_471 : vector<16xf32> to vector<1x16xf32>
    tpu.vector_store %arg5[%swap3A_473, %swap3A_474], %swap3A_477 {strides = array<i32>} : memref<8x256xf32, #tpu.memory_space<vmem>>, vector<1x16xf32>,
    %eq3A_478 = arith.constant 3 : i32
    %eq3A_479 = vector.broadcast %eq3A_478 : i32 to vector<16xi32>
    %eq3A_480 = arith.cmpi eq, %select_n3A_348, %eq3A_479 : vector<16xi32>
    %eq3A_481 = arith.constant 3 : i32
    %eq3A_482 = vector.broadcast %eq3A_481 : i32 to vector<16xi32>
    %eq3A_483 = arith.cmpi eq, %select_n3A_422, %eq3A_482 : vector<16xi32>
    %select_n3A_484 = arith.select %eq3A_483, %sub3A_433, %broadcast_in_dim3A_435 : vector<16xi1>, vector<16xf32>
    %select_n3A_485 = arith.select %eq3A_480, %div3A_430, %select_n3A_484 : vector<16xi1>, vector<16xf32>
    %swap3A_486 = arith.constant 3 : i32
    %swap3A_487 = arith.index_cast %swap3A_486 : i32 to index
    %swap3A_488 = arith.constant 16 : index
    %swap3A_489 = tpu.vector_load %arg5[%swap3A_487, %swap3A_488] {strides = array<i32>} : memref<8x256xf32, #tpu.memory_space<vmem>>, vector<1x16xf32>,
    %swap3A_490 = vector.shape_cast %swap3A_489 : vector<1x16xf32> to vector<16xf32>
    %swap3A_491 = vector.shape_cast %select_n3A_485 : vector<16xf32> to vector<1x16xf32>
    tpu.vector_store %arg5[%swap3A_487, %swap3A_488], %swap3A_491 {strides = array<i32>} : memref<8x256xf32, #tpu.memory_space<vmem>>, vector<1x16xf32>,
    %eq3A_492 = arith.constant 4 : i32
    %eq3A_493 = vector.broadcast %eq3A_492 : i32 to vector<16xi32>
    %eq3A_494 = arith.cmpi eq, %select_n3A_348, %eq3A_493 : vector<16xi32>
    %eq3A_495 = arith.constant 4 : i32
    %eq3A_496 = vector.broadcast %eq3A_495 : i32 to vector<16xi32>
    %eq3A_497 = arith.cmpi eq, %select_n3A_422, %eq3A_496 : vector<16xi32>
    %select_n3A_498 = arith.select %eq3A_497, %sub3A_433, %broadcast_in_dim3A_435 : vector<16xi1>, vector<16xf32>
    %select_n3A_499 = arith.select %eq3A_494, %div3A_430, %select_n3A_498 : vector<16xi1>, vector<16xf32>
    %swap3A_500 = arith.constant 4 : i32
    %swap3A_501 = arith.index_cast %swap3A_500 : i32 to index
    %swap3A_502 = arith.constant 16 : index
    %swap3A_503 = tpu.vector_load %arg5[%swap3A_501, %swap3A_502] {strides = array<i32>} : memref<8x256xf32, #tpu.memory_space<vmem>>, vector<1x16xf32>,
    %swap3A_504 = vector.shape_cast %swap3A_503 : vector<1x16xf32> to vector<16xf32>
    %swap3A_505 = vector.shape_cast %select_n3A_499 : vector<16xf32> to vector<1x16xf32>
    tpu.vector_store %arg5[%swap3A_501, %swap3A_502], %swap3A_505 {strides = array<i32>} : memref<8x256xf32, #tpu.memory_space<vmem>>, vector<1x16xf32>,
    %eq3A_506 = arith.constant 5 : i32
    %eq3A_507 = vector.broadcast %eq3A_506 : i32 to vector<16xi32>
    %eq3A_508 = arith.cmpi eq, %select_n3A_348, %eq3A_507 : vector<16xi32>
    %eq3A_509 = arith.constant 5 : i32
    %eq3A_510 = vector.broadcast %eq3A_509 : i32 to vector<16xi32>
    %eq3A_511 = arith.cmpi eq, %select_n3A_422, %eq3A_510 : vector<16xi32>
    %select_n3A_512 = arith.select %eq3A_511, %sub3A_433, %broadcast_in_dim3A_435 : vector<16xi1>, vector<16xf32>
    %select_n3A_513 = arith.select %eq3A_508, %div3A_430, %select_n3A_512 : vector<16xi1>, vector<16xf32>
    %swap3A_514 = arith.constant 5 : i32
    %swap3A_515 = arith.index_cast %swap3A_514 : i32 to index
    %swap3A_516 = arith.constant 16 : index
    %swap3A_517 = tpu.vector_load %arg5[%swap3A_515, %swap3A_516] {strides = array<i32>} : memref<8x256xf32, #tpu.memory_space<vmem>>, vector<1x16xf32>,
    %swap3A_518 = vector.shape_cast %swap3A_517 : vector<1x16xf32> to vector<16xf32>
    %swap3A_519 = vector.shape_cast %select_n3A_513 : vector<16xf32> to vector<1x16xf32>
    tpu.vector_store %arg5[%swap3A_515, %swap3A_516], %swap3A_519 {strides = array<i32>} : memref<8x256xf32, #tpu.memory_space<vmem>>, vector<1x16xf32>,
    %eq3A_520 = arith.constant 6 : i32
    %eq3A_521 = vector.broadcast %eq3A_520 : i32 to vector<16xi32>
    %eq3A_522 = arith.cmpi eq, %select_n3A_348, %eq3A_521 : vector<16xi32>
    %eq3A_523 = arith.constant 6 : i32
    %eq3A_524 = vector.broadcast %eq3A_523 : i32 to vector<16xi32>
    %eq3A_525 = arith.cmpi eq, %select_n3A_422, %eq3A_524 : vector<16xi32>
    %select_n3A_526 = arith.select %eq3A_525, %sub3A_433, %broadcast_in_dim3A_435 : vector<16xi1>, vector<16xf32>
    %select_n3A_527 = arith.select %eq3A_522, %div3A_430, %select_n3A_526 : vector<16xi1>, vector<16xf32>
    %swap3A_528 = arith.constant 6 : i32
    %swap3A_529 = arith.index_cast %swap3A_528 : i32 to index
    %swap3A_530 = arith.constant 16 : index
    %swap3A_531 = tpu.vector_load %arg5[%swap3A_529, %swap3A_530] {strides = array<i32>} : memref<8x256xf32, #tpu.memory_space<vmem>>, vector<1x16xf32>,
    %swap3A_532 = vector.shape_cast %swap3A_531 : vector<1x16xf32> to vector<16xf32>
    %swap3A_533 = vector.shape_cast %select_n3A_527 : vector<16xf32> to vector<1x16xf32>
    tpu.vector_store %arg5[%swap3A_529, %swap3A_530], %swap3A_533 {strides = array<i32>} : memref<8x256xf32, #tpu.memory_space<vmem>>, vector<1x16xf32>,
    %eq3A_534 = arith.constant 7 : i32
    %eq3A_535 = vector.broadcast %eq3A_534 : i32 to vector<16xi32>
    %eq3A_536 = arith.cmpi eq, %select_n3A_348, %eq3A_535 : vector<16xi32>
    %eq3A_537 = arith.constant 7 : i32
    %eq3A_538 = vector.broadcast %eq3A_537 : i32 to vector<16xi32>
    %eq3A_539 = arith.cmpi eq, %select_n3A_422, %eq3A_538 : vector<16xi32>
    %select_n3A_540 = arith.select %eq3A_539, %sub3A_433, %broadcast_in_dim3A_435 : vector<16xi1>, vector<16xf32>
    %select_n3A_541 = arith.select %eq3A_536, %div3A_430, %select_n3A_540 : vector<16xi1>, vector<16xf32>
    %swap3A_542 = arith.constant 7 : i32
    %swap3A_543 = arith.index_cast %swap3A_542 : i32 to index
    %swap3A_544 = arith.constant 16 : index
    %swap3A_545 = tpu.vector_load %arg5[%swap3A_543, %swap3A_544] {strides = array<i32>} : memref<8x256xf32, #tpu.memory_space<vmem>>, vector<1x16xf32>,
    %swap3A_546 = vector.shape_cast %swap3A_545 : vector<1x16xf32> to vector<16xf32>
    %swap3A_547 = vector.shape_cast %select_n3A_541 : vector<16xf32> to vector<1x16xf32>
    tpu.vector_store %arg5[%swap3A_543, %swap3A_544], %swap3A_547 {strides = array<i32>} : memref<8x256xf32, #tpu.memory_space<vmem>>, vector<1x16xf32>,
    %get3A_548 = arith.constant 0 : i32
    %get3A_549 = arith.index_cast %get3A_548 : i32 to index
    %get3A_550 = arith.constant 32 : index
    %get3A_551 = tpu.vector_load %arg4[%get3A_549, %get3A_550] {strides = array<i32>} : memref<8x256xf32, #tpu.memory_space<vmem>>, vector<1x16xf32>,
    %get3A_552 = vector.shape_cast %get3A_551 : vector<1x16xf32> to vector<16xf32>
    %get3A_553 = arith.constant 1 : i32
    %get3A_554 = arith.index_cast %get3A_553 : i32 to index
    %get3A_555 = arith.constant 32 : index
    %get3A_556 = tpu.vector_load %arg4[%get3A_554, %get3A_555] {strides = array<i32>} : memref<8x256xf32, #tpu.memory_space<vmem>>, vector<1x16xf32>,
    %get3A_557 = vector.shape_cast %get3A_556 : vector<1x16xf32> to vector<16xf32>
    %get3A_558 = arith.constant 2 : i32
    %get3A_559 = arith.index_cast %get3A_558 : i32 to index
    %get3A_560 = arith.constant 32 : index
    %get3A_561 = tpu.vector_load %arg4[%get3A_559, %get3A_560] {strides = array<i32>} : memref<8x256xf32, #tpu.memory_space<vmem>>, vector<1x16xf32>,
    %get3A_562 = vector.shape_cast %get3A_561 : vector<1x16xf32> to vector<16xf32>
    %get3A_563 = arith.constant 3 : i32
    %get3A_564 = arith.index_cast %get3A_563 : i32 to index
    %get3A_565 = arith.constant 32 : index
    %get3A_566 = tpu.vector_load %arg4[%get3A_564, %get3A_565] {strides = array<i32>} : memref<8x256xf32, #tpu.memory_space<vmem>>, vector<1x16xf32>,
    %get3A_567 = vector.shape_cast %get3A_566 : vector<1x16xf32> to vector<16xf32>
    %get3A_568 = arith.constant 4 : i32
    %get3A_569 = arith.index_cast %get3A_568 : i32 to index
    %get3A_570 = arith.constant 32 : index
    %get3A_571 = tpu.vector_load %arg4[%get3A_569, %get3A_570] {strides = array<i32>} : memref<8x256xf32, #tpu.memory_space<vmem>>, vector<1x16xf32>,
    %get3A_572 = vector.shape_cast %get3A_571 : vector<1x16xf32> to vector<16xf32>
    %get3A_573 = arith.constant 5 : i32
    %get3A_574 = arith.index_cast %get3A_573 : i32 to index
    %get3A_575 = arith.constant 32 : index
    %get3A_576 = tpu.vector_load %arg4[%get3A_574, %get3A_575] {strides = array<i32>} : memref<8x256xf32, #tpu.memory_space<vmem>>, vector<1x16xf32>,
    %get3A_577 = vector.shape_cast %get3A_576 : vector<1x16xf32> to vector<16xf32>
    %get3A_578 = arith.constant 6 : i32
    %get3A_579 = arith.index_cast %get3A_578 : i32 to index
    %get3A_580 = arith.constant 32 : index
    %get3A_581 = tpu.vector_load %arg4[%get3A_579, %get3A_580] {strides = array<i32>} : memref<8x256xf32, #tpu.memory_space<vmem>>, vector<1x16xf32>,
    %get3A_582 = vector.shape_cast %get3A_581 : vector<1x16xf32> to vector<16xf32>
    %get3A_583 = arith.constant 7 : i32
    %get3A_584 = arith.index_cast %get3A_583 : i32 to index
    %get3A_585 = arith.constant 32 : index
    %get3A_586 = tpu.vector_load %arg4[%get3A_584, %get3A_585] {strides = array<i32>} : memref<8x256xf32, #tpu.memory_space<vmem>>, vector<1x16xf32>,
    %get3A_587 = vector.shape_cast %get3A_586 : vector<1x16xf32> to vector<16xf32>
    %broadcast_in_dim3A_588 = arith.constant 0 : i32
    %broadcast_in_dim3A_589 = vector.broadcast %broadcast_in_dim3A_588 : i32 to vector<16xi32>
    %gt3A_590 = arith.cmpf ogt, %get3A_557, %get3A_552 : vector<16xf32>
    %select_n3A_591 = arith.select %gt3A_590, %get3A_557, %get3A_552 : vector<16xi1>, vector<16xf32>
    %broadcast_in_dim3A_592 = arith.constant 1 : i32
    %broadcast_in_dim3A_593 = vector.broadcast %broadcast_in_dim3A_592 : i32 to vector<16xi32>
    %select_n3A_594 = arith.select %gt3A_590, %broadcast_in_dim3A_593, %broadcast_in_dim3A_589 : vector<16xi1>, vector<16xi32>
    %gt3A_595 = arith.cmpf ogt, %get3A_562, %select_n3A_591 : vector<16xf32>
    %select_n3A_596 = arith.select %gt3A_595, %get3A_562, %select_n3A_591 : vector<16xi1>, vector<16xf32>
    %broadcast_in_dim3A_597 = arith.constant 2 : i32
    %broadcast_in_dim3A_598 = vector.broadcast %broadcast_in_dim3A_597 : i32 to vector<16xi32>
    %select_n3A_599 = arith.select %gt3A_595, %broadcast_in_dim3A_598, %select_n3A_594 : vector<16xi1>, vector<16xi32>
    %gt3A_600 = arith.cmpf ogt, %get3A_567, %select_n3A_596 : vector<16xf32>
    %select_n3A_601 = arith.select %gt3A_600, %get3A_567, %select_n3A_596 : vector<16xi1>, vector<16xf32>
    %broadcast_in_dim3A_602 = arith.constant 3 : i32
    %broadcast_in_dim3A_603 = vector.broadcast %broadcast_in_dim3A_602 : i32 to vector<16xi32>
    %select_n3A_604 = arith.select %gt3A_600, %broadcast_in_dim3A_603, %select_n3A_599 : vector<16xi1>, vector<16xi32>
    %gt3A_605 = arith.cmpf ogt, %get3A_572, %select_n3A_601 : vector<16xf32>
    %select_n3A_606 = arith.select %gt3A_605, %get3A_572, %select_n3A_601 : vector<16xi1>, vector<16xf32>
    %broadcast_in_dim3A_607 = arith.constant 4 : i32
    %broadcast_in_dim3A_608 = vector.broadcast %broadcast_in_dim3A_607 : i32 to vector<16xi32>
    %select_n3A_609 = arith.select %gt3A_605, %broadcast_in_dim3A_608, %select_n3A_604 : vector<16xi1>, vector<16xi32>
    %gt3A_610 = arith.cmpf ogt, %get3A_577, %select_n3A_606 : vector<16xf32>
    %select_n3A_611 = arith.select %gt3A_610, %get3A_577, %select_n3A_606 : vector<16xi1>, vector<16xf32>
    %broadcast_in_dim3A_612 = arith.constant 5 : i32
    %broadcast_in_dim3A_613 = vector.broadcast %broadcast_in_dim3A_612 : i32 to vector<16xi32>
    %select_n3A_614 = arith.select %gt3A_610, %broadcast_in_dim3A_613, %select_n3A_609 : vector<16xi1>, vector<16xi32>
    %gt3A_615 = arith.cmpf ogt, %get3A_582, %select_n3A_611 : vector<16xf32>
    %select_n3A_616 = arith.select %gt3A_615, %get3A_582, %select_n3A_611 : vector<16xi1>, vector<16xf32>
    %broadcast_in_dim3A_617 = arith.constant 6 : i32
    %broadcast_in_dim3A_618 = vector.broadcast %broadcast_in_dim3A_617 : i32 to vector<16xi32>
    %select_n3A_619 = arith.select %gt3A_615, %broadcast_in_dim3A_618, %select_n3A_614 : vector<16xi1>, vector<16xi32>
    %gt3A_620 = arith.cmpf ogt, %get3A_587, %select_n3A_616 : vector<16xf32>
    %select_n3A_621 = arith.select %gt3A_620, %get3A_587, %select_n3A_616 : vector<16xi1>, vector<16xf32>
    %broadcast_in_dim3A_622 = arith.constant 7 : i32
    %broadcast_in_dim3A_623 = vector.broadcast %broadcast_in_dim3A_622 : i32 to vector<16xi32>
    %select_n3A_624 = arith.select %gt3A_620, %broadcast_in_dim3A_623, %select_n3A_619 : vector<16xi1>, vector<16xi32>
    %broadcast_in_dim3A_625 = arith.constant 0 : i32
    %broadcast_in_dim3A_626 = vector.broadcast %broadcast_in_dim3A_625 : i32 to vector<16xi32>
    %eq3A_627 = arith.constant 0 : i32
    %eq3A_628 = vector.broadcast %eq3A_627 : i32 to vector<16xi32>
    %eq3A_629 = arith.cmpi eq, %select_n3A_624, %eq3A_628 : vector<16xi32>
    %select_n3A_630 = arith.select %eq3A_629, %broadcast_in_dim3A_3, %get3A_552 : vector<16xi1>, vector<16xf32>
    %gt3A_631 = arith.cmpf ogt, %select_n3A_630, %broadcast_in_dim3A_3 : vector<16xf32>
    %select_n3A_632 = arith.select %gt3A_631, %select_n3A_630, %broadcast_in_dim3A_3 : vector<16xi1>, vector<16xf32>
    %broadcast_in_dim3A_633 = arith.constant 0 : i32
    %broadcast_in_dim3A_634 = vector.broadcast %broadcast_in_dim3A_633 : i32 to vector<16xi32>
    %select_n3A_635 = arith.select %gt3A_631, %broadcast_in_dim3A_634, %broadcast_in_dim3A_626 : vector<16xi1>, vector<16xi32>
    %eq3A_636 = arith.constant 1 : i32
    %eq3A_637 = vector.broadcast %eq3A_636 : i32 to vector<16xi32>
    %eq3A_638 = arith.cmpi eq, %select_n3A_624, %eq3A_637 : vector<16xi32>
    %select_n3A_639 = arith.select %eq3A_638, %broadcast_in_dim3A_3, %get3A_557 : vector<16xi1>, vector<16xf32>
    %gt3A_640 = arith.cmpf ogt, %select_n3A_639, %select_n3A_632 : vector<16xf32>
    %select_n3A_641 = arith.select %gt3A_640, %select_n3A_639, %select_n3A_632 : vector<16xi1>, vector<16xf32>
    %broadcast_in_dim3A_642 = arith.constant 1 : i32
    %broadcast_in_dim3A_643 = vector.broadcast %broadcast_in_dim3A_642 : i32 to vector<16xi32>
    %select_n3A_644 = arith.select %gt3A_640, %broadcast_in_dim3A_643, %select_n3A_635 : vector<16xi1>, vector<16xi32>
    %eq3A_645 = arith.constant 2 : i32
    %eq3A_646 = vector.broadcast %eq3A_645 : i32 to vector<16xi32>
    %eq3A_647 = arith.cmpi eq, %select_n3A_624, %eq3A_646 : vector<16xi32>
    %select_n3A_648 = arith.select %eq3A_647, %broadcast_in_dim3A_3, %get3A_562 : vector<16xi1>, vector<16xf32>
    %gt3A_649 = arith.cmpf ogt, %select_n3A_648, %select_n3A_641 : vector<16xf32>
    %select_n3A_650 = arith.select %gt3A_649, %select_n3A_648, %select_n3A_641 : vector<16xi1>, vector<16xf32>
    %broadcast_in_dim3A_651 = arith.constant 2 : i32
    %broadcast_in_dim3A_652 = vector.broadcast %broadcast_in_dim3A_651 : i32 to vector<16xi32>
    %select_n3A_653 = arith.select %gt3A_649, %broadcast_in_dim3A_652, %select_n3A_644 : vector<16xi1>, vector<16xi32>
    %eq3A_654 = arith.constant 3 : i32
    %eq3A_655 = vector.broadcast %eq3A_654 : i32 to vector<16xi32>
    %eq3A_656 = arith.cmpi eq, %select_n3A_624, %eq3A_655 : vector<16xi32>
    %select_n3A_657 = arith.select %eq3A_656, %broadcast_in_dim3A_3, %get3A_567 : vector<16xi1>, vector<16xf32>
    %gt3A_658 = arith.cmpf ogt, %select_n3A_657, %select_n3A_650 : vector<16xf32>
    %select_n3A_659 = arith.select %gt3A_658, %select_n3A_657, %select_n3A_650 : vector<16xi1>, vector<16xf32>
    %broadcast_in_dim3A_660 = arith.constant 3 : i32
    %broadcast_in_dim3A_661 = vector.broadcast %broadcast_in_dim3A_660 : i32 to vector<16xi32>
    %select_n3A_662 = arith.select %gt3A_658, %broadcast_in_dim3A_661, %select_n3A_653 : vector<16xi1>, vector<16xi32>
    %eq3A_663 = arith.constant 4 : i32
    %eq3A_664 = vector.broadcast %eq3A_663 : i32 to vector<16xi32>
    %eq3A_665 = arith.cmpi eq, %select_n3A_624, %eq3A_664 : vector<16xi32>
    %select_n3A_666 = arith.select %eq3A_665, %broadcast_in_dim3A_3, %get3A_572 : vector<16xi1>, vector<16xf32>
    %gt3A_667 = arith.cmpf ogt, %select_n3A_666, %select_n3A_659 : vector<16xf32>
    %select_n3A_668 = arith.select %gt3A_667, %select_n3A_666, %select_n3A_659 : vector<16xi1>, vector<16xf32>
    %broadcast_in_dim3A_669 = arith.constant 4 : i32
    %broadcast_in_dim3A_670 = vector.broadcast %broadcast_in_dim3A_669 : i32 to vector<16xi32>
    %select_n3A_671 = arith.select %gt3A_667, %broadcast_in_dim3A_670, %select_n3A_662 : vector<16xi1>, vector<16xi32>
    %eq3A_672 = arith.constant 5 : i32
    %eq3A_673 = vector.broadcast %eq3A_672 : i32 to vector<16xi32>
    %eq3A_674 = arith.cmpi eq, %select_n3A_624, %eq3A_673 : vector<16xi32>
    %select_n3A_675 = arith.select %eq3A_674, %broadcast_in_dim3A_3, %get3A_577 : vector<16xi1>, vector<16xf32>
    %gt3A_676 = arith.cmpf ogt, %select_n3A_675, %select_n3A_668 : vector<16xf32>
    %select_n3A_677 = arith.select %gt3A_676, %select_n3A_675, %select_n3A_668 : vector<16xi1>, vector<16xf32>
    %broadcast_in_dim3A_678 = arith.constant 5 : i32
    %broadcast_in_dim3A_679 = vector.broadcast %broadcast_in_dim3A_678 : i32 to vector<16xi32>
    %select_n3A_680 = arith.select %gt3A_676, %broadcast_in_dim3A_679, %select_n3A_671 : vector<16xi1>, vector<16xi32>
    %eq3A_681 = arith.constant 6 : i32
    %eq3A_682 = vector.broadcast %eq3A_681 : i32 to vector<16xi32>
    %eq3A_683 = arith.cmpi eq, %select_n3A_624, %eq3A_682 : vector<16xi32>
    %select_n3A_684 = arith.select %eq3A_683, %broadcast_in_dim3A_3, %get3A_582 : vector<16xi1>, vector<16xf32>
    %gt3A_685 = arith.cmpf ogt, %select_n3A_684, %select_n3A_677 : vector<16xf32>
    %select_n3A_686 = arith.select %gt3A_685, %select_n3A_684, %select_n3A_677 : vector<16xi1>, vector<16xf32>
    %broadcast_in_dim3A_687 = arith.constant 6 : i32
    %broadcast_in_dim3A_688 = vector.broadcast %broadcast_in_dim3A_687 : i32 to vector<16xi32>
    %select_n3A_689 = arith.select %gt3A_685, %broadcast_in_dim3A_688, %select_n3A_680 : vector<16xi1>, vector<16xi32>
    %eq3A_690 = arith.constant 7 : i32
    %eq3A_691 = vector.broadcast %eq3A_690 : i32 to vector<16xi32>
    %eq3A_692 = arith.cmpi eq, %select_n3A_624, %eq3A_691 : vector<16xi32>
    %select_n3A_693 = arith.select %eq3A_692, %broadcast_in_dim3A_3, %get3A_587 : vector<16xi1>, vector<16xf32>
    %gt3A_694 = arith.cmpf ogt, %select_n3A_693, %select_n3A_686 : vector<16xf32>
    %select_n3A_695 = arith.select %gt3A_694, %select_n3A_693, %select_n3A_686 : vector<16xi1>, vector<16xf32>
    %broadcast_in_dim3A_696 = arith.constant 7 : i32
    %broadcast_in_dim3A_697 = vector.broadcast %broadcast_in_dim3A_696 : i32 to vector<16xi32>
    %select_n3A_698 = arith.select %gt3A_694, %broadcast_in_dim3A_697, %select_n3A_689 : vector<16xi1>, vector<16xi32>
    %sub3A_699 = arith.subf %select_n3A_695, %select_n3A_621 : vector<16xf32>
    %exp3A_700 = math.exp %sub3A_699 : vector<16xf32>
    %add3A_701 = arith.constant 1.000000e+00 : f32
    %add3A_702 = vector.broadcast %add3A_701 : f32 to vector<16xf32>
    %add3A_703 = arith.addf %add3A_702, %exp3A_700 : vector<16xf32>
    %div3A_704 = arith.constant 1.000000e+00 : f32
    %div3A_705 = vector.broadcast %div3A_704 : f32 to vector<16xf32>
    %div3A_706 = arith.divf %div3A_705, %add3A_703 : vector<16xf32>
    %sub3A_707 = arith.constant 1.000000e+00 : f32
    %sub3A_708 = vector.broadcast %sub3A_707 : f32 to vector<16xf32>
    %sub3A_709 = arith.subf %sub3A_708, %div3A_706 : vector<16xf32>
    %broadcast_in_dim3A_710 = arith.constant 0.000000e+00 : f32
    %broadcast_in_dim3A_711 = vector.broadcast %broadcast_in_dim3A_710 : f32 to vector<16xf32>
    %eq3A_712 = arith.constant 0 : i32
    %eq3A_713 = vector.broadcast %eq3A_712 : i32 to vector<16xi32>
    %eq3A_714 = arith.cmpi eq, %select_n3A_624, %eq3A_713 : vector<16xi32>
    %eq3A_715 = arith.constant 0 : i32
    %eq3A_716 = vector.broadcast %eq3A_715 : i32 to vector<16xi32>
    %eq3A_717 = arith.cmpi eq, %select_n3A_698, %eq3A_716 : vector<16xi32>
    %select_n3A_718 = arith.select %eq3A_717, %sub3A_709, %broadcast_in_dim3A_711 : vector<16xi1>, vector<16xf32>
    %select_n3A_719 = arith.select %eq3A_714, %div3A_706, %select_n3A_718 : vector<16xi1>, vector<16xf32>
    %swap3A_720 = arith.constant 0 : i32
    %swap3A_721 = arith.index_cast %swap3A_720 : i32 to index
    %swap3A_722 = arith.constant 32 : index
    %swap3A_723 = tpu.vector_load %arg5[%swap3A_721, %swap3A_722] {strides = array<i32>} : memref<8x256xf32, #tpu.memory_space<vmem>>, vector<1x16xf32>,
    %swap3A_724 = vector.shape_cast %swap3A_723 : vector<1x16xf32> to vector<16xf32>
    %swap3A_725 = vector.shape_cast %select_n3A_719 : vector<16xf32> to vector<1x16xf32>
    tpu.vector_store %arg5[%swap3A_721, %swap3A_722], %swap3A_725 {strides = array<i32>} : memref<8x256xf32, #tpu.memory_space<vmem>>, vector<1x16xf32>,
    %eq3A_726 = arith.constant 1 : i32
    %eq3A_727 = vector.broadcast %eq3A_726 : i32 to vector<16xi32>
    %eq3A_728 = arith.cmpi eq, %select_n3A_624, %eq3A_727 : vector<16xi32>
    %eq3A_729 = arith.constant 1 : i32
    %eq3A_730 = vector.broadcast %eq3A_729 : i32 to vector<16xi32>
    %eq3A_731 = arith.cmpi eq, %select_n3A_698, %eq3A_730 : vector<16xi32>
    %select_n3A_732 = arith.select %eq3A_731, %sub3A_709, %broadcast_in_dim3A_711 : vector<16xi1>, vector<16xf32>
    %select_n3A_733 = arith.select %eq3A_728, %div3A_706, %select_n3A_732 : vector<16xi1>, vector<16xf32>
    %swap3A_734 = arith.constant 1 : i32
    %swap3A_735 = arith.index_cast %swap3A_734 : i32 to index
    %swap3A_736 = arith.constant 32 : index
    %swap3A_737 = tpu.vector_load %arg5[%swap3A_735, %swap3A_736] {strides = array<i32>} : memref<8x256xf32, #tpu.memory_space<vmem>>, vector<1x16xf32>,
    %swap3A_738 = vector.shape_cast %swap3A_737 : vector<1x16xf32> to vector<16xf32>
    %swap3A_739 = vector.shape_cast %select_n3A_733 : vector<16xf32> to vector<1x16xf32>
    tpu.vector_store %arg5[%swap3A_735, %swap3A_736], %swap3A_739 {strides = array<i32>} : memref<8x256xf32, #tpu.memory_space<vmem>>, vector<1x16xf32>,
    %eq3A_740 = arith.constant 2 : i32
    %eq3A_741 = vector.broadcast %eq3A_740 : i32 to vector<16xi32>
    %eq3A_742 = arith.cmpi eq, %select_n3A_624, %eq3A_741 : vector<16xi32>
    %eq3A_743 = arith.constant 2 : i32
    %eq3A_744 = vector.broadcast %eq3A_743 : i32 to vector<16xi32>
    %eq3A_745 = arith.cmpi eq, %select_n3A_698, %eq3A_744 : vector<16xi32>
    %select_n3A_746 = arith.select %eq3A_745, %sub3A_709, %broadcast_in_dim3A_711 : vector<16xi1>, vector<16xf32>
    %select_n3A_747 = arith.select %eq3A_742, %div3A_706, %select_n3A_746 : vector<16xi1>, vector<16xf32>
    %swap3A_748 = arith.constant 2 : i32
    %swap3A_749 = arith.index_cast %swap3A_748 : i32 to index
    %swap3A_750 = arith.constant 32 : index
    %swap3A_751 = tpu.vector_load %arg5[%swap3A_749, %swap3A_750] {strides = array<i32>} : memref<8x256xf32, #tpu.memory_space<vmem>>, vector<1x16xf32>,
    %swap3A_752 = vector.shape_cast %swap3A_751 : vector<1x16xf32> to vector<16xf32>
    %swap3A_753 = vector.shape_cast %select_n3A_747 : vector<16xf32> to vector<1x16xf32>
    tpu.vector_store %arg5[%swap3A_749, %swap3A_750], %swap3A_753 {strides = array<i32>} : memref<8x256xf32, #tpu.memory_space<vmem>>, vector<1x16xf32>,
    %eq3A_754 = arith.constant 3 : i32
    %eq3A_755 = vector.broadcast %eq3A_754 : i32 to vector<16xi32>
    %eq3A_756 = arith.cmpi eq, %select_n3A_624, %eq3A_755 : vector<16xi32>
    %eq3A_757 = arith.constant 3 : i32
    %eq3A_758 = vector.broadcast %eq3A_757 : i32 to vector<16xi32>
    %eq3A_759 = arith.cmpi eq, %select_n3A_698, %eq3A_758 : vector<16xi32>
    %select_n3A_760 = arith.select %eq3A_759, %sub3A_709, %broadcast_in_dim3A_711 : vector<16xi1>, vector<16xf32>
    %select_n3A_761 = arith.select %eq3A_756, %div3A_706, %select_n3A_760 : vector<16xi1>, vector<16xf32>
    %swap3A_762 = arith.constant 3 : i32
    %swap3A_763 = arith.index_cast %swap3A_762 : i32 to index
    %swap3A_764 = arith.constant 32 : index
    %swap3A_765 = tpu.vector_load %arg5[%swap3A_763, %swap3A_764] {strides = array<i32>} : memref<8x256xf32, #tpu.memory_space<vmem>>, vector<1x16xf32>,
    %swap3A_766 = vector.shape_cast %swap3A_765 : vector<1x16xf32> to vector<16xf32>
    %swap3A_767 = vector.shape_cast %select_n3A_761 : vector<16xf32> to vector<1x16xf32>
    tpu.vector_store %arg5[%swap3A_763, %swap3A_764], %swap3A_767 {strides = array<i32>} : memref<8x256xf32, #tpu.memory_space<vmem>>, vector<1x16xf32>,
    %eq3A_768 = arith.constant 4 : i32
    %eq3A_769 = vector.broadcast %eq3A_768 : i32 to vector<16xi32>
    %eq3A_770 = arith.cmpi eq, %select_n3A_624, %eq3A_769 : vector<16xi32>
    %eq3A_771 = arith.constant 4 : i32
    %eq3A_772 = vector.broadcast %eq3A_771 : i32 to vector<16xi32>
    %eq3A_773 = arith.cmpi eq, %select_n3A_698, %eq3A_772 : vector<16xi32>
    %select_n3A_774 = arith.select %eq3A_773, %sub3A_709, %broadcast_in_dim3A_711 : vector<16xi1>, vector<16xf32>
    %select_n3A_775 = arith.select %eq3A_770, %div3A_706, %select_n3A_774 : vector<16xi1>, vector<16xf32>
    %swap3A_776 = arith.constant 4 : i32
    %swap3A_777 = arith.index_cast %swap3A_776 : i32 to index
    %swap3A_778 = arith.constant 32 : index
    %swap3A_779 = tpu.vector_load %arg5[%swap3A_777, %swap3A_778] {strides = array<i32>} : memref<8x256xf32, #tpu.memory_space<vmem>>, vector<1x16xf32>,
    %swap3A_780 = vector.shape_cast %swap3A_779 : vector<1x16xf32> to vector<16xf32>
    %swap3A_781 = vector.shape_cast %select_n3A_775 : vector<16xf32> to vector<1x16xf32>
    tpu.vector_store %arg5[%swap3A_777, %swap3A_778], %swap3A_781 {strides = array<i32>} : memref<8x256xf32, #tpu.memory_space<vmem>>, vector<1x16xf32>,
    %eq3A_782 = arith.constant 5 : i32
    %eq3A_783 = vector.broadcast %eq3A_782 : i32 to vector<16xi32>
    %eq3A_784 = arith.cmpi eq, %select_n3A_624, %eq3A_783 : vector<16xi32>
    %eq3A_785 = arith.constant 5 : i32
    %eq3A_786 = vector.broadcast %eq3A_785 : i32 to vector<16xi32>
    %eq3A_787 = arith.cmpi eq, %select_n3A_698, %eq3A_786 : vector<16xi32>
    %select_n3A_788 = arith.select %eq3A_787, %sub3A_709, %broadcast_in_dim3A_711 : vector<16xi1>, vector<16xf32>
    %select_n3A_789 = arith.select %eq3A_784, %div3A_706, %select_n3A_788 : vector<16xi1>, vector<16xf32>
    %swap3A_790 = arith.constant 5 : i32
    %swap3A_791 = arith.index_cast %swap3A_790 : i32 to index
    %swap3A_792 = arith.constant 32 : index
    %swap3A_793 = tpu.vector_load %arg5[%swap3A_791, %swap3A_792] {strides = array<i32>} : memref<8x256xf32, #tpu.memory_space<vmem>>, vector<1x16xf32>,
    %swap3A_794 = vector.shape_cast %swap3A_793 : vector<1x16xf32> to vector<16xf32>
    %swap3A_795 = vector.shape_cast %select_n3A_789 : vector<16xf32> to vector<1x16xf32>
    tpu.vector_store %arg5[%swap3A_791, %swap3A_792], %swap3A_795 {strides = array<i32>} : memref<8x256xf32, #tpu.memory_space<vmem>>, vector<1x16xf32>,
    %eq3A_796 = arith.constant 6 : i32
    %eq3A_797 = vector.broadcast %eq3A_796 : i32 to vector<16xi32>
    %eq3A_798 = arith.cmpi eq, %select_n3A_624, %eq3A_797 : vector<16xi32>
    %eq3A_799 = arith.constant 6 : i32
    %eq3A_800 = vector.broadcast %eq3A_799 : i32 to vector<16xi32>
    %eq3A_801 = arith.cmpi eq, %select_n3A_698, %eq3A_800 : vector<16xi32>
    %select_n3A_802 = arith.select %eq3A_801, %sub3A_709, %broadcast_in_dim3A_711 : vector<16xi1>, vector<16xf32>
    %select_n3A_803 = arith.select %eq3A_798, %div3A_706, %select_n3A_802 : vector<16xi1>, vector<16xf32>
    %swap3A_804 = arith.constant 6 : i32
    %swap3A_805 = arith.index_cast %swap3A_804 : i32 to index
    %swap3A_806 = arith.constant 32 : index
    %swap3A_807 = tpu.vector_load %arg5[%swap3A_805, %swap3A_806] {strides = array<i32>} : memref<8x256xf32, #tpu.memory_space<vmem>>, vector<1x16xf32>,
    %swap3A_808 = vector.shape_cast %swap3A_807 : vector<1x16xf32> to vector<16xf32>
    %swap3A_809 = vector.shape_cast %select_n3A_803 : vector<16xf32> to vector<1x16xf32>
    tpu.vector_store %arg5[%swap3A_805, %swap3A_806], %swap3A_809 {strides = array<i32>} : memref<8x256xf32, #tpu.memory_space<vmem>>, vector<1x16xf32>,
    %eq3A_810 = arith.constant 7 : i32
    %eq3A_811 = vector.broadcast %eq3A_810 : i32 to vector<16xi32>
    %eq3A_812 = arith.cmpi eq, %select_n3A_624, %eq3A_811 : vector<16xi32>
    %eq3A_813 = arith.constant 7 : i32
    %eq3A_814 = vector.broadcast %eq3A_813 : i32 to vector<16xi32>
    %eq3A_815 = arith.cmpi eq, %select_n3A_698, %eq3A_814 : vector<16xi32>
    %select_n3A_816 = arith.select %eq3A_815, %sub3A_709, %broadcast_in_dim3A_711 : vector<16xi1>, vector<16xf32>
    %select_n3A_817 = arith.select %eq3A_812, %div3A_706, %select_n3A_816 : vector<16xi1>, vector<16xf32>
    %swap3A_818 = arith.constant 7 : i32
    %swap3A_819 = arith.index_cast %swap3A_818 : i32 to index
    %swap3A_820 = arith.constant 32 : index
    %swap3A_821 = tpu.vector_load %arg5[%swap3A_819, %swap3A_820] {strides = array<i32>} : memref<8x256xf32, #tpu.memory_space<vmem>>, vector<1x16xf32>,
    %swap3A_822 = vector.shape_cast %swap3A_821 : vector<1x16xf32> to vector<16xf32>
    %swap3A_823 = vector.shape_cast %select_n3A_817 : vector<16xf32> to vector<1x16xf32>
    tpu.vector_store %arg5[%swap3A_819, %swap3A_820], %swap3A_823 {strides = array<i32>} : memref<8x256xf32, #tpu.memory_space<vmem>>, vector<1x16xf32>,
    %get3A_824 = arith.constant 0 : i32
    %get3A_825 = arith.index_cast %get3A_824 : i32 to index
    %get3A_826 = arith.constant 48 : index
    %get3A_827 = tpu.vector_load %arg4[%get3A_825, %get3A_826] {strides = array<i32>} : memref<8x256xf32, #tpu.memory_space<vmem>>, vector<1x16xf32>,
    %get3A_828 = vector.shape_cast %get3A_827 : vector<1x16xf32> to vector<16xf32>
    %get3A_829 = arith.constant 1 : i32
    %get3A_830 = arith.index_cast %get3A_829 : i32 to index
    %get3A_831 = arith.constant 48 : index
    %get3A_832 = tpu.vector_load %arg4[%get3A_830, %get3A_831] {strides = array<i32>} : memref<8x256xf32, #tpu.memory_space<vmem>>, vector<1x16xf32>,
    %get3A_833 = vector.shape_cast %get3A_832 : vector<1x16xf32> to vector<16xf32>
    %get3A_834 = arith.constant 2 : i32
    %get3A_835 = arith.index_cast %get3A_834 : i32 to index
    %get3A_836 = arith.constant 48 : index
    %get3A_837 = tpu.vector_load %arg4[%get3A_835, %get3A_836] {strides = array<i32>} : memref<8x256xf32, #tpu.memory_space<vmem>>, vector<1x16xf32>,
    %get3A_838 = vector.shape_cast %get3A_837 : vector<1x16xf32> to vector<16xf32>
    %get3A_839 = arith.constant 3 : i32
    %get3A_840 = arith.index_cast %get3A_839 : i32 to index
    %get3A_841 = arith.constant 48 : index
    %get3A_842 = tpu.vector_load %arg4[%get3A_840, %get3A_841] {strides = array<i32>} : memref<8x256xf32, #tpu.memory_space<vmem>>, vector<1x16xf32>,
    %get3A_843 = vector.shape_cast %get3A_842 : vector<1x16xf32> to vector<16xf32>
    %get3A_844 = arith.constant 4 : i32
    %get3A_845 = arith.index_cast %get3A_844 : i32 to index
    %get3A_846 = arith.constant 48 : index
    %get3A_847 = tpu.vector_load %arg4[%get3A_845, %get3A_846] {strides = array<i32>} : memref<8x256xf32, #tpu.memory_space<vmem>>, vector<1x16xf32>,
    %get3A_848 = vector.shape_cast %get3A_847 : vector<1x16xf32> to vector<16xf32>
    %get3A_849 = arith.constant 5 : i32
    %get3A_850 = arith.index_cast %get3A_849 : i32 to index
    %get3A_851 = arith.constant 48 : index
    %get3A_852 = tpu.vector_load %arg4[%get3A_850, %get3A_851] {strides = array<i32>} : memref<8x256xf32, #tpu.memory_space<vmem>>, vector<1x16xf32>,
    %get3A_853 = vector.shape_cast %get3A_852 : vector<1x16xf32> to vector<16xf32>
    %get3A_854 = arith.constant 6 : i32
    %get3A_855 = arith.index_cast %get3A_854 : i32 to index
    %get3A_856 = arith.constant 48 : index
    %get3A_857 = tpu.vector_load %arg4[%get3A_855, %get3A_856] {strides = array<i32>} : memref<8x256xf32, #tpu.memory_space<vmem>>, vector<1x16xf32>,
    %get3A_858 = vector.shape_cast %get3A_857 : vector<1x16xf32> to vector<16xf32>
    %get3A_859 = arith.constant 7 : i32
    %get3A_860 = arith.index_cast %get3A_859 : i32 to index
    %get3A_861 = arith.constant 48 : index
    %get3A_862 = tpu.vector_load %arg4[%get3A_860, %get3A_861] {strides = array<i32>} : memref<8x256xf32, #tpu.memory_space<vmem>>, vector<1x16xf32>,
    %get3A_863 = vector.shape_cast %get3A_862 : vector<1x16xf32> to vector<16xf32>
    %broadcast_in_dim3A_864 = arith.constant 0 : i32
    %broadcast_in_dim3A_865 = vector.broadcast %broadcast_in_dim3A_864 : i32 to vector<16xi32>
    %gt3A_866 = arith.cmpf ogt, %get3A_833, %get3A_828 : vector<16xf32>
    %select_n3A_867 = arith.select %gt3A_866, %get3A_833, %get3A_828 : vector<16xi1>, vector<16xf32>
    %broadcast_in_dim3A_868 = arith.constant 1 : i32
    %broadcast_in_dim3A_869 = vector.broadcast %broadcast_in_dim3A_868 : i32 to vector<16xi32>
    %select_n3A_870 = arith.select %gt3A_866, %broadcast_in_dim3A_869, %broadcast_in_dim3A_865 : vector<16xi1>, vector<16xi32>
    %gt3A_871 = arith.cmpf ogt, %get3A_838, %select_n3A_867 : vector<16xf32>
    %select_n3A_872 = arith.select %gt3A_871, %get3A_838, %select_n3A_867 : vector<16xi1>, vector<16xf32>
    %broadcast_in_dim3A_873 = arith.constant 2 : i32
    %broadcast_in_dim3A_874 = vector.broadcast %broadcast_in_dim3A_873 : i32 to vector<16xi32>
    %select_n3A_875 = arith.select %gt3A_871, %broadcast_in_dim3A_874, %select_n3A_870 : vector<16xi1>, vector<16xi32>
    %gt3A_876 = arith.cmpf ogt, %get3A_843, %select_n3A_872 : vector<16xf32>
    %select_n3A_877 = arith.select %gt3A_876, %get3A_843, %select_n3A_872 : vector<16xi1>, vector<16xf32>
    %broadcast_in_dim3A_878 = arith.constant 3 : i32
    %broadcast_in_dim3A_879 = vector.broadcast %broadcast_in_dim3A_878 : i32 to vector<16xi32>
    %select_n3A_880 = arith.select %gt3A_876, %broadcast_in_dim3A_879, %select_n3A_875 : vector<16xi1>, vector<16xi32>
    %gt3A_881 = arith.cmpf ogt, %get3A_848, %select_n3A_877 : vector<16xf32>
    %select_n3A_882 = arith.select %gt3A_881, %get3A_848, %select_n3A_877 : vector<16xi1>, vector<16xf32>
    %broadcast_in_dim3A_883 = arith.constant 4 : i32
    %broadcast_in_dim3A_884 = vector.broadcast %broadcast_in_dim3A_883 : i32 to vector<16xi32>
    %select_n3A_885 = arith.select %gt3A_881, %broadcast_in_dim3A_884, %select_n3A_880 : vector<16xi1>, vector<16xi32>
    %gt3A_886 = arith.cmpf ogt, %get3A_853, %select_n3A_882 : vector<16xf32>
    %select_n3A_887 = arith.select %gt3A_886, %get3A_853, %select_n3A_882 : vector<16xi1>, vector<16xf32>
    %broadcast_in_dim3A_888 = arith.constant 5 : i32
    %broadcast_in_dim3A_889 = vector.broadcast %broadcast_in_dim3A_888 : i32 to vector<16xi32>
    %select_n3A_890 = arith.select %gt3A_886, %broadcast_in_dim3A_889, %select_n3A_885 : vector<16xi1>, vector<16xi32>
    %gt3A_891 = arith.cmpf ogt, %get3A_858, %select_n3A_887 : vector<16xf32>
    %select_n3A_892 = arith.select %gt3A_891, %get3A_858, %select_n3A_887 : vector<16xi1>, vector<16xf32>
    %broadcast_in_dim3A_893 = arith.constant 6 : i32
    %broadcast_in_dim3A_894 = vector.broadcast %broadcast_in_dim3A_893 : i32 to vector<16xi32>
    %select_n3A_895 = arith.select %gt3A_891, %broadcast_in_dim3A_894, %select_n3A_890 : vector<16xi1>, vector<16xi32>
    %gt3A_896 = arith.cmpf ogt, %get3A_863, %select_n3A_892 : vector<16xf32>
    %select_n3A_897 = arith.select %gt3A_896, %get3A_863, %select_n3A_892 : vector<16xi1>, vector<16xf32>
    %broadcast_in_dim3A_898 = arith.constant 7 : i32
    %broadcast_in_dim3A_899 = vector.broadcast %broadcast_in_dim3A_898 : i32 to vector<16xi32>
    %select_n3A_900 = arith.select %gt3A_896, %broadcast_in_dim3A_899, %select_n3A_895 : vector<16xi1>, vector<16xi32>
    %broadcast_in_dim3A_901 = arith.constant 0 : i32
    %broadcast_in_dim3A_902 = vector.broadcast %broadcast_in_dim3A_901 : i32 to vector<16xi32>
    %eq3A_903 = arith.constant 0 : i32
    %eq3A_904 = vector.broadcast %eq3A_903 : i32 to vector<16xi32>
    %eq3A_905 = arith.cmpi eq, %select_n3A_900, %eq3A_904 : vector<16xi32>
    %select_n3A_906 = arith.select %eq3A_905, %broadcast_in_dim3A_3, %get3A_828 : vector<16xi1>, vector<16xf32>
    %gt3A_907 = arith.cmpf ogt, %select_n3A_906, %broadcast_in_dim3A_3 : vector<16xf32>
    %select_n3A_908 = arith.select %gt3A_907, %select_n3A_906, %broadcast_in_dim3A_3 : vector<16xi1>, vector<16xf32>
    %broadcast_in_dim3A_909 = arith.constant 0 : i32
    %broadcast_in_dim3A_910 = vector.broadcast %broadcast_in_dim3A_909 : i32 to vector<16xi32>
    %select_n3A_911 = arith.select %gt3A_907, %broadcast_in_dim3A_910, %broadcast_in_dim3A_902 : vector<16xi1>, vector<16xi32>
    %eq3A_912 = arith.constant 1 : i32
    %eq3A_913 = vector.broadcast %eq3A_912 : i32 to vector<16xi32>
    %eq3A_914 = arith.cmpi eq, %select_n3A_900, %eq3A_913 : vector<16xi32>
    %select_n3A_915 = arith.select %eq3A_914, %broadcast_in_dim3A_3, %get3A_833 : vector<16xi1>, vector<16xf32>
    %gt3A_916 = arith.cmpf ogt, %select_n3A_915, %select_n3A_908 : vector<16xf32>
    %select_n3A_917 = arith.select %gt3A_916, %select_n3A_915, %select_n3A_908 : vector<16xi1>, vector<16xf32>
    %broadcast_in_dim3A_918 = arith.constant 1 : i32
    %broadcast_in_dim3A_919 = vector.broadcast %broadcast_in_dim3A_918 : i32 to vector<16xi32>
    %select_n3A_920 = arith.select %gt3A_916, %broadcast_in_dim3A_919, %select_n3A_911 : vector<16xi1>, vector<16xi32>
    %eq3A_921 = arith.constant 2 : i32
    %eq3A_922 = vector.broadcast %eq3A_921 : i32 to vector<16xi32>
    %eq3A_923 = arith.cmpi eq, %select_n3A_900, %eq3A_922 : vector<16xi32>
    %select_n3A_924 = arith.select %eq3A_923, %broadcast_in_dim3A_3, %get3A_838 : vector<16xi1>, vector<16xf32>
    %gt3A_925 = arith.cmpf ogt, %select_n3A_924, %select_n3A_917 : vector<16xf32>
    %select_n3A_926 = arith.select %gt3A_925, %select_n3A_924, %select_n3A_917 : vector<16xi1>, vector<16xf32>
    %broadcast_in_dim3A_927 = arith.constant 2 : i32
    %broadcast_in_dim3A_928 = vector.broadcast %broadcast_in_dim3A_927 : i32 to vector<16xi32>
    %select_n3A_929 = arith.select %gt3A_925, %broadcast_in_dim3A_928, %select_n3A_920 : vector<16xi1>, vector<16xi32>
    %eq3A_930 = arith.constant 3 : i32
    %eq3A_931 = vector.broadcast %eq3A_930 : i32 to vector<16xi32>
    %eq3A_932 = arith.cmpi eq, %select_n3A_900, %eq3A_931 : vector<16xi32>
    %select_n3A_933 = arith.select %eq3A_932, %broadcast_in_dim3A_3, %get3A_843 : vector<16xi1>, vector<16xf32>
    %gt3A_934 = arith.cmpf ogt, %select_n3A_933, %select_n3A_926 : vector<16xf32>
    %select_n3A_935 = arith.select %gt3A_934, %select_n3A_933, %select_n3A_926 : vector<16xi1>, vector<16xf32>
    %broadcast_in_dim3A_936 = arith.constant 3 : i32
    %broadcast_in_dim3A_937 = vector.broadcast %broadcast_in_dim3A_936 : i32 to vector<16xi32>
    %select_n3A_938 = arith.select %gt3A_934, %broadcast_in_dim3A_937, %select_n3A_929 : vector<16xi1>, vector<16xi32>
    %eq3A_939 = arith.constant 4 : i32
    %eq3A_940 = vector.broadcast %eq3A_939 : i32 to vector<16xi32>
    %eq3A_941 = arith.cmpi eq, %select_n3A_900, %eq3A_940 : vector<16xi32>
    %select_n3A_942 = arith.select %eq3A_941, %broadcast_in_dim3A_3, %get3A_848 : vector<16xi1>, vector<16xf32>
    %gt3A_943 = arith.cmpf ogt, %select_n3A_942, %select_n3A_935 : vector<16xf32>
    %select_n3A_944 = arith.select %gt3A_943, %select_n3A_942, %select_n3A_935 : vector<16xi1>, vector<16xf32>
    %broadcast_in_dim3A_945 = arith.constant 4 : i32
    %broadcast_in_dim3A_946 = vector.broadcast %broadcast_in_dim3A_945 : i32 to vector<16xi32>
    %select_n3A_947 = arith.select %gt3A_943, %broadcast_in_dim3A_946, %select_n3A_938 : vector<16xi1>, vector<16xi32>
    %eq3A_948 = arith.constant 5 : i32
    %eq3A_949 = vector.broadcast %eq3A_948 : i32 to vector<16xi32>
    %eq3A_950 = arith.cmpi eq, %select_n3A_900, %eq3A_949 : vector<16xi32>
    %select_n3A_951 = arith.select %eq3A_950, %broadcast_in_dim3A_3, %get3A_853 : vector<16xi1>, vector<16xf32>
    %gt3A_952 = arith.cmpf ogt, %select_n3A_951, %select_n3A_944 : vector<16xf32>
    %select_n3A_953 = arith.select %gt3A_952, %select_n3A_951, %select_n3A_944 : vector<16xi1>, vector<16xf32>
    %broadcast_in_dim3A_954 = arith.constant 5 : i32
    %broadcast_in_dim3A_955 = vector.broadcast %broadcast_in_dim3A_954 : i32 to vector<16xi32>
    %select_n3A_956 = arith.select %gt3A_952, %broadcast_in_dim3A_955, %select_n3A_947 : vector<16xi1>, vector<16xi32>
    %eq3A_957 = arith.constant 6 : i32
    %eq3A_958 = vector.broadcast %eq3A_957 : i32 to vector<16xi32>
    %eq3A_959 = arith.cmpi eq, %select_n3A_900, %eq3A_958 : vector<16xi32>
    %select_n3A_960 = arith.select %eq3A_959, %broadcast_in_dim3A_3, %get3A_858 : vector<16xi1>, vector<16xf32>
    %gt3A_961 = arith.cmpf ogt, %select_n3A_960, %select_n3A_953 : vector<16xf32>
    %select_n3A_962 = arith.select %gt3A_961, %select_n3A_960, %select_n3A_953 : vector<16xi1>, vector<16xf32>
    %broadcast_in_dim3A_963 = arith.constant 6 : i32
    %broadcast_in_dim3A_964 = vector.broadcast %broadcast_in_dim3A_963 : i32 to vector<16xi32>
    %select_n3A_965 = arith.select %gt3A_961, %broadcast_in_dim3A_964, %select_n3A_956 : vector<16xi1>, vector<16xi32>
    %eq3A_966 = arith.constant 7 : i32
    %eq3A_967 = vector.broadcast %eq3A_966 : i32 to vector<16xi32>
    %eq3A_968 = arith.cmpi eq, %select_n3A_900, %eq3A_967 : vector<16xi32>
    %select_n3A_969 = arith.select %eq3A_968, %broadcast_in_dim3A_3, %get3A_863 : vector<16xi1>, vector<16xf32>
    %gt3A_970 = arith.cmpf ogt, %select_n3A_969, %select_n3A_962 : vector<16xf32>
    %select_n3A_971 = arith.select %gt3A_970, %select_n3A_969, %select_n3A_962 : vector<16xi1>, vector<16xf32>
    %broadcast_in_dim3A_972 = arith.constant 7 : i32
    %broadcast_in_dim3A_973 = vector.broadcast %broadcast_in_dim3A_972 : i32 to vector<16xi32>
    %select_n3A_974 = arith.select %gt3A_970, %broadcast_in_dim3A_973, %select_n3A_965 : vector<16xi1>, vector<16xi32>
    %sub3A_975 = arith.subf %select_n3A_971, %select_n3A_897 : vector<16xf32>
    %exp3A_976 = math.exp %sub3A_975 : vector<16xf32>
    %add3A_977 = arith.constant 1.000000e+00 : f32
    %add3A_978 = vector.broadcast %add3A_977 : f32 to vector<16xf32>
    %add3A_979 = arith.addf %add3A_978, %exp3A_976 : vector<16xf32>
    %div3A_980 = arith.constant 1.000000e+00 : f32
    %div3A_981 = vector.broadcast %div3A_980 : f32 to vector<16xf32>
    %div3A_982 = arith.divf %div3A_981, %add3A_979 : vector<16xf32>
    %sub3A_983 = arith.constant 1.000000e+00 : f32
    %sub3A_984 = vector.broadcast %sub3A_983 : f32 to vector<16xf32>
    %sub3A_985 = arith.subf %sub3A_984, %div3A_982 : vector<16xf32>
    %broadcast_in_dim3A_986 = arith.constant 0.000000e+00 : f32
    %broadcast_in_dim3A_987 = vector.broadcast %broadcast_in_dim3A_986 : f32 to vector<16xf32>
    %eq3A_988 = arith.constant 0 : i32
    %eq3A_989 = vector.broadcast %eq3A_988 : i32 to vector<16xi32>
    %eq3A_990 = arith.cmpi eq, %select_n3A_900, %eq3A_989 : vector<16xi32>
    %eq3A_991 = arith.constant 0 : i32
    %eq3A_992 = vector.broadcast %eq3A_991 : i32 to vector<16xi32>
    %eq3A_993 = arith.cmpi eq, %select_n3A_974, %eq3A_992 : vector<16xi32>
    %select_n3A_994 = arith.select %eq3A_993, %sub3A_985, %broadcast_in_dim3A_987 : vector<16xi1>, vector<16xf32>
    %select_n3A_995 = arith.select %eq3A_990, %div3A_982, %select_n3A_994 : vector<16xi1>, vector<16xf32>
    %swap3A_996 = arith.constant 0 : i32
    %swap3A_997 = arith.index_cast %swap3A_996 : i32 to index
    %swap3A_998 = arith.constant 48 : index
    %swap3A_999 = tpu.vector_load %arg5[%swap3A_997, %swap3A_998] {strides = array<i32>} : memref<8x256xf32, #tpu.memory_space<vmem>>, vector<1x16xf32>,
    %swap3A_1000 = vector.shape_cast %swap3A_999 : vector<1x16xf32> to vector<16xf32>
    %swap3A_1001 = vector.shape_cast %select_n3A_995 : vector<16xf32> to vector<1x16xf32>
    tpu.vector_store %arg5[%swap3A_997, %swap3A_998], %swap3A_1001 {strides = array<i32>} : memref<8x256xf32, #tpu.memory_space<vmem>>, vector<1x16xf32>,
    %eq3A_1002 = arith.constant 1 : i32
    %eq3A_1003 = vector.broadcast %eq3A_1002 : i32 to vector<16xi32>
    %eq3A_1004 = arith.cmpi eq, %select_n3A_900, %eq3A_1003 : vector<16xi32>
    %eq3A_1005 = arith.constant 1 : i32
    %eq3A_1006 = vector.broadcast %eq3A_1005 : i32 to vector<16xi32>
    %eq3A_1007 = arith.cmpi eq, %select_n3A_974, %eq3A_1006 : vector<16xi32>
    %select_n3A_1008 = arith.select %eq3A_1007, %sub3A_985, %broadcast_in_dim3A_987 : vector<16xi1>, vector<16xf32>
    %select_n3A_1009 = arith.select %eq3A_1004, %div3A_982, %select_n3A_1008 : vector<16xi1>, vector<16xf32>
    %swap3A_1010 = arith.constant 1 : i32
    %swap3A_1011 = arith.index_cast %swap3A_1010 : i32 to index
    %swap3A_1012 = arith.constant 48 : index
    %swap3A_1013 = tpu.vector_load %arg5[%swap3A_1011, %swap3A_1012] {strides = array<i32>} : memref<8x256xf32, #tpu.memory_space<vmem>>, vector<1x16xf32>,
    %swap3A_1014 = vector.shape_cast %swap3A_1013 : vector<1x16xf32> to vector<16xf32>
    %swap3A_1015 = vector.shape_cast %select_n3A_1009 : vector<16xf32> to vector<1x16xf32>
    tpu.vector_store %arg5[%swap3A_1011, %swap3A_1012], %swap3A_1015 {strides = array<i32>} : memref<8x256xf32, #tpu.memory_space<vmem>>, vector<1x16xf32>,
    %eq3A_1016 = arith.constant 2 : i32
    %eq3A_1017 = vector.broadcast %eq3A_1016 : i32 to vector<16xi32>
    %eq3A_1018 = arith.cmpi eq, %select_n3A_900, %eq3A_1017 : vector<16xi32>
    %eq3A_1019 = arith.constant 2 : i32
    %eq3A_1020 = vector.broadcast %eq3A_1019 : i32 to vector<16xi32>
    %eq3A_1021 = arith.cmpi eq, %select_n3A_974, %eq3A_1020 : vector<16xi32>
    %select_n3A_1022 = arith.select %eq3A_1021, %sub3A_985, %broadcast_in_dim3A_987 : vector<16xi1>, vector<16xf32>
    %select_n3A_1023 = arith.select %eq3A_1018, %div3A_982, %select_n3A_1022 : vector<16xi1>, vector<16xf32>
    %swap3A_1024 = arith.constant 2 : i32
    %swap3A_1025 = arith.index_cast %swap3A_1024 : i32 to index
    %swap3A_1026 = arith.constant 48 : index
    %swap3A_1027 = tpu.vector_load %arg5[%swap3A_1025, %swap3A_1026] {strides = array<i32>} : memref<8x256xf32, #tpu.memory_space<vmem>>, vector<1x16xf32>,
    %swap3A_1028 = vector.shape_cast %swap3A_1027 : vector<1x16xf32> to vector<16xf32>
    %swap3A_1029 = vector.shape_cast %select_n3A_1023 : vector<16xf32> to vector<1x16xf32>
    tpu.vector_store %arg5[%swap3A_1025, %swap3A_1026], %swap3A_1029 {strides = array<i32>} : memref<8x256xf32, #tpu.memory_space<vmem>>, vector<1x16xf32>,
    %eq3A_1030 = arith.constant 3 : i32
    %eq3A_1031 = vector.broadcast %eq3A_1030 : i32 to vector<16xi32>
    %eq3A_1032 = arith.cmpi eq, %select_n3A_900, %eq3A_1031 : vector<16xi32>
    %eq3A_1033 = arith.constant 3 : i32
    %eq3A_1034 = vector.broadcast %eq3A_1033 : i32 to vector<16xi32>
    %eq3A_1035 = arith.cmpi eq, %select_n3A_974, %eq3A_1034 : vector<16xi32>
    %select_n3A_1036 = arith.select %eq3A_1035, %sub3A_985, %broadcast_in_dim3A_987 : vector<16xi1>, vector<16xf32>
    %select_n3A_1037 = arith.select %eq3A_1032, %div3A_982, %select_n3A_1036 : vector<16xi1>, vector<16xf32>
    %swap3A_1038 = arith.constant 3 : i32
    %swap3A_1039 = arith.index_cast %swap3A_1038 : i32 to index
    %swap3A_1040 = arith.constant 48 : index
    %swap3A_1041 = tpu.vector_load %arg5[%swap3A_1039, %swap3A_1040] {strides = array<i32>} : memref<8x256xf32, #tpu.memory_space<vmem>>, vector<1x16xf32>,
    %swap3A_1042 = vector.shape_cast %swap3A_1041 : vector<1x16xf32> to vector<16xf32>
    %swap3A_1043 = vector.shape_cast %select_n3A_1037 : vector<16xf32> to vector<1x16xf32>
    tpu.vector_store %arg5[%swap3A_1039, %swap3A_1040], %swap3A_1043 {strides = array<i32>} : memref<8x256xf32, #tpu.memory_space<vmem>>, vector<1x16xf32>,
    %eq3A_1044 = arith.constant 4 : i32
    %eq3A_1045 = vector.broadcast %eq3A_1044 : i32 to vector<16xi32>
    %eq3A_1046 = arith.cmpi eq, %select_n3A_900, %eq3A_1045 : vector<16xi32>
    %eq3A_1047 = arith.constant 4 : i32
    %eq3A_1048 = vector.broadcast %eq3A_1047 : i32 to vector<16xi32>
    %eq3A_1049 = arith.cmpi eq, %select_n3A_974, %eq3A_1048 : vector<16xi32>
    %select_n3A_1050 = arith.select %eq3A_1049, %sub3A_985, %broadcast_in_dim3A_987 : vector<16xi1>, vector<16xf32>
    %select_n3A_1051 = arith.select %eq3A_1046, %div3A_982, %select_n3A_1050 : vector<16xi1>, vector<16xf32>
    %swap3A_1052 = arith.constant 4 : i32
    %swap3A_1053 = arith.index_cast %swap3A_1052 : i32 to index
    %swap3A_1054 = arith.constant 48 : index
    %swap3A_1055 = tpu.vector_load %arg5[%swap3A_1053, %swap3A_1054] {strides = array<i32>} : memref<8x256xf32, #tpu.memory_space<vmem>>, vector<1x16xf32>,
    %swap3A_1056 = vector.shape_cast %swap3A_1055 : vector<1x16xf32> to vector<16xf32>
    %swap3A_1057 = vector.shape_cast %select_n3A_1051 : vector<16xf32> to vector<1x16xf32>
    tpu.vector_store %arg5[%swap3A_1053, %swap3A_1054], %swap3A_1057 {strides = array<i32>} : memref<8x256xf32, #tpu.memory_space<vmem>>, vector<1x16xf32>,
    %eq3A_1058 = arith.constant 5 : i32
    %eq3A_1059 = vector.broadcast %eq3A_1058 : i32 to vector<16xi32>
    %eq3A_1060 = arith.cmpi eq, %select_n3A_900, %eq3A_1059 : vector<16xi32>
    %eq3A_1061 = arith.constant 5 : i32
    %eq3A_1062 = vector.broadcast %eq3A_1061 : i32 to vector<16xi32>
    %eq3A_1063 = arith.cmpi eq, %select_n3A_974, %eq3A_1062 : vector<16xi32>
    %select_n3A_1064 = arith.select %eq3A_1063, %sub3A_985, %broadcast_in_dim3A_987 : vector<16xi1>, vector<16xf32>
    %select_n3A_1065 = arith.select %eq3A_1060, %div3A_982, %select_n3A_1064 : vector<16xi1>, vector<16xf32>
    %swap3A_1066 = arith.constant 5 : i32
    %swap3A_1067 = arith.index_cast %swap3A_1066 : i32 to index
    %swap3A_1068 = arith.constant 48 : index
    %swap3A_1069 = tpu.vector_load %arg5[%swap3A_1067, %swap3A_1068] {strides = array<i32>} : memref<8x256xf32, #tpu.memory_space<vmem>>, vector<1x16xf32>,
    %swap3A_1070 = vector.shape_cast %swap3A_1069 : vector<1x16xf32> to vector<16xf32>
    %swap3A_1071 = vector.shape_cast %select_n3A_1065 : vector<16xf32> to vector<1x16xf32>
    tpu.vector_store %arg5[%swap3A_1067, %swap3A_1068], %swap3A_1071 {strides = array<i32>} : memref<8x256xf32, #tpu.memory_space<vmem>>, vector<1x16xf32>,
    %eq3A_1072 = arith.constant 6 : i32
    %eq3A_1073 = vector.broadcast %eq3A_1072 : i32 to vector<16xi32>
    %eq3A_1074 = arith.cmpi eq, %select_n3A_900, %eq3A_1073 : vector<16xi32>
    %eq3A_1075 = arith.constant 6 : i32
    %eq3A_1076 = vector.broadcast %eq3A_1075 : i32 to vector<16xi32>
    %eq3A_1077 = arith.cmpi eq, %select_n3A_974, %eq3A_1076 : vector<16xi32>
    %select_n3A_1078 = arith.select %eq3A_1077, %sub3A_985, %broadcast_in_dim3A_987 : vector<16xi1>, vector<16xf32>
    %select_n3A_1079 = arith.select %eq3A_1074, %div3A_982, %select_n3A_1078 : vector<16xi1>, vector<16xf32>
    %swap3A_1080 = arith.constant 6 : i32
    %swap3A_1081 = arith.index_cast %swap3A_1080 : i32 to index
    %swap3A_1082 = arith.constant 48 : index
    %swap3A_1083 = tpu.vector_load %arg5[%swap3A_1081, %swap3A_1082] {strides = array<i32>} : memref<8x256xf32, #tpu.memory_space<vmem>>, vector<1x16xf32>,
    %swap3A_1084 = vector.shape_cast %swap3A_1083 : vector<1x16xf32> to vector<16xf32>
    %swap3A_1085 = vector.shape_cast %select_n3A_1079 : vector<16xf32> to vector<1x16xf32>
    tpu.vector_store %arg5[%swap3A_1081, %swap3A_1082], %swap3A_1085 {strides = array<i32>} : memref<8x256xf32, #tpu.memory_space<vmem>>, vector<1x16xf32>,
    %eq3A_1086 = arith.constant 7 : i32
    %eq3A_1087 = vector.broadcast %eq3A_1086 : i32 to vector<16xi32>
    %eq3A_1088 = arith.cmpi eq, %select_n3A_900, %eq3A_1087 : vector<16xi32>
    %eq3A_1089 = arith.constant 7 : i32
    %eq3A_1090 = vector.broadcast %eq3A_1089 : i32 to vector<16xi32>
    %eq3A_1091 = arith.cmpi eq, %select_n3A_974, %eq3A_1090 : vector<16xi32>
    %select_n3A_1092 = arith.select %eq3A_1091, %sub3A_985, %broadcast_in_dim3A_987 : vector<16xi1>, vector<16xf32>
    %select_n3A_1093 = arith.select %eq3A_1088, %div3A_982, %select_n3A_1092 : vector<16xi1>, vector<16xf32>
    %swap3A_1094 = arith.constant 7 : i32
    %swap3A_1095 = arith.index_cast %swap3A_1094 : i32 to index
    %swap3A_1096 = arith.constant 48 : index
    %swap3A_1097 = tpu.vector_load %arg5[%swap3A_1095, %swap3A_1096] {strides = array<i32>} : memref<8x256xf32, #tpu.memory_space<vmem>>, vector<1x16xf32>,
    %swap3A_1098 = vector.shape_cast %swap3A_1097 : vector<1x16xf32> to vector<16xf32>
    %swap3A_1099 = vector.shape_cast %select_n3A_1093 : vector<16xf32> to vector<1x16xf32>
    tpu.vector_store %arg5[%swap3A_1095, %swap3A_1096], %swap3A_1099 {strides = array<i32>} : memref<8x256xf32, #tpu.memory_space<vmem>>, vector<1x16xf32>,
    %get3A_1100 = arith.constant 0 : i32
    %get3A_1101 = arith.index_cast %get3A_1100 : i32 to index
    %get3A_1102 = arith.constant 64 : index
    %get3A_1103 = tpu.vector_load %arg4[%get3A_1101, %get3A_1102] {strides = array<i32>} : memref<8x256xf32, #tpu.memory_space<vmem>>, vector<1x16xf32>,
    %get3A_1104 = vector.shape_cast %get3A_1103 : vector<1x16xf32> to vector<16xf32>
    %get3A_1105 = arith.constant 1 : i32
    %get3A_1106 = arith.index_cast %get3A_1105 : i32 to index
    %get3A_1107 = arith.constant 64 : index
    %get3A_1108 = tpu.vector_load %arg4[%get3A_1106, %get3A_1107] {strides = array<i32>} : memref<8x256xf32, #tpu.memory_space<vmem>>, vector<1x16xf32>,
    %get3A_1109 = vector.shape_cast %get3A_1108 : vector<1x16xf32> to vector<16xf32>
    %get3A_1110 = arith.constant 2 : i32
    %get3A_1111 = arith.index_cast %get3A_1110 : i32 to index
    %get3A_1112 = arith.constant 64 : index
    %get3A_1113 = tpu.vector_load %arg4[%get3A_1111, %get3A_1112] {strides = array<i32>} : memref<8x256xf32, #tpu.memory_space<vmem>>, vector<1x16xf32>,
    %get3A_1114 = vector.shape_cast %get3A_1113 : vector<1x16xf32> to vector<16xf32>
    %get3A_1115 = arith.constant 3 : i32
    %get3A_1116 = arith.index_cast %get3A_1115 : i32 to index
    %get3A_1117 = arith.constant 64 : index
    %get3A_1118 = tpu.vector_load %arg4[%get3A_1116, %get3A_1117] {strides = array<i32>} : memref<8x256xf32, #tpu.memory_space<vmem>>, vector<1x16xf32>,
    %get3A_1119 = vector.shape_cast %get3A_1118 : vector<1x16xf32> to vector<16xf32>
    %get3A_1120 = arith.constant 4 : i32
    %get3A_1121 = arith.index_cast %get3A_1120 : i32 to index
    %get3A_1122 = arith.constant 64 : index
    %get3A_1123 = tpu.vector_load %arg4[%get3A_1121, %get3A_1122] {strides = array<i32>} : memref<8x256xf32, #tpu.memory_space<vmem>>, vector<1x16xf32>,
    %get3A_1124 = vector.shape_cast %get3A_1123 : vector<1x16xf32> to vector<16xf32>
    %get3A_1125 = arith.constant 5 : i32
    %get3A_1126 = arith.index_cast %get3A_1125 : i32 to index
    %get3A_1127 = arith.constant 64 : index
    %get3A_1128 = tpu.vector_load %arg4[%get3A_1126, %get3A_1127] {strides = array<i32>} : memref<8x256xf32, #tpu.memory_space<vmem>>, vector<1x16xf32>,
    %get3A_1129 = vector.shape_cast %get3A_1128 : vector<1x16xf32> to vector<16xf32>
    %get3A_1130 = arith.constant 6 : i32
    %get3A_1131 = arith.index_cast %get3A_1130 : i32 to index
    %get3A_1132 = arith.constant 64 : index
    %get3A_1133 = tpu.vector_load %arg4[%get3A_1131, %get3A_1132] {strides = array<i32>} : memref<8x256xf32, #tpu.memory_space<vmem>>, vector<1x16xf32>,
    %get3A_1134 = vector.shape_cast %get3A_1133 : vector<1x16xf32> to vector<16xf32>
    %get3A_1135 = arith.constant 7 : i32
    %get3A_1136 = arith.index_cast %get3A_1135 : i32 to index
    %get3A_1137 = arith.constant 64 : index
    %get3A_1138 = tpu.vector_load %arg4[%get3A_1136, %get3A_1137] {strides = array<i32>} : memref<8x256xf32, #tpu.memory_space<vmem>>, vector<1x16xf32>,
    %get3A_1139 = vector.shape_cast %get3A_1138 : vector<1x16xf32> to vector<16xf32>
    %broadcast_in_dim3A_1140 = arith.constant 0 : i32
    %broadcast_in_dim3A_1141 = vector.broadcast %broadcast_in_dim3A_1140 : i32 to vector<16xi32>
    %gt3A_1142 = arith.cmpf ogt, %get3A_1109, %get3A_1104 : vector<16xf32>
    %select_n3A_1143 = arith.select %gt3A_1142, %get3A_1109, %get3A_1104 : vector<16xi1>, vector<16xf32>
    %broadcast_in_dim3A_1144 = arith.constant 1 : i32
    %broadcast_in_dim3A_1145 = vector.broadcast %broadcast_in_dim3A_1144 : i32 to vector<16xi32>
    %select_n3A_1146 = arith.select %gt3A_1142, %broadcast_in_dim3A_1145, %broadcast_in_dim3A_1141 : vector<16xi1>, vector<16xi32>
    %gt3A_1147 = arith.cmpf ogt, %get3A_1114, %select_n3A_1143 : vector<16xf32>
    %select_n3A_1148 = arith.select %gt3A_1147, %get3A_1114, %select_n3A_1143 : vector<16xi1>, vector<16xf32>
    %broadcast_in_dim3A_1149 = arith.constant 2 : i32
    %broadcast_in_dim3A_1150 = vector.broadcast %broadcast_in_dim3A_1149 : i32 to vector<16xi32>
    %select_n3A_1151 = arith.select %gt3A_1147, %broadcast_in_dim3A_1150, %select_n3A_1146 : vector<16xi1>, vector<16xi32>
    %gt3A_1152 = arith.cmpf ogt, %get3A_1119, %select_n3A_1148 : vector<16xf32>
    %select_n3A_1153 = arith.select %gt3A_1152, %get3A_1119, %select_n3A_1148 : vector<16xi1>, vector<16xf32>
    %broadcast_in_dim3A_1154 = arith.constant 3 : i32
    %broadcast_in_dim3A_1155 = vector.broadcast %broadcast_in_dim3A_1154 : i32 to vector<16xi32>
    %select_n3A_1156 = arith.select %gt3A_1152, %broadcast_in_dim3A_1155, %select_n3A_1151 : vector<16xi1>, vector<16xi32>
    %gt3A_1157 = arith.cmpf ogt, %get3A_1124, %select_n3A_1153 : vector<16xf32>
    %select_n3A_1158 = arith.select %gt3A_1157, %get3A_1124, %select_n3A_1153 : vector<16xi1>, vector<16xf32>
    %broadcast_in_dim3A_1159 = arith.constant 4 : i32
    %broadcast_in_dim3A_1160 = vector.broadcast %broadcast_in_dim3A_1159 : i32 to vector<16xi32>
    %select_n3A_1161 = arith.select %gt3A_1157, %broadcast_in_dim3A_1160, %select_n3A_1156 : vector<16xi1>, vector<16xi32>
    %gt3A_1162 = arith.cmpf ogt, %get3A_1129, %select_n3A_1158 : vector<16xf32>
    %select_n3A_1163 = arith.select %gt3A_1162, %get3A_1129, %select_n3A_1158 : vector<16xi1>, vector<16xf32>
    %broadcast_in_dim3A_1164 = arith.constant 5 : i32
    %broadcast_in_dim3A_1165 = vector.broadcast %broadcast_in_dim3A_1164 : i32 to vector<16xi32>
    %select_n3A_1166 = arith.select %gt3A_1162, %broadcast_in_dim3A_1165, %select_n3A_1161 : vector<16xi1>, vector<16xi32>
    %gt3A_1167 = arith.cmpf ogt, %get3A_1134, %select_n3A_1163 : vector<16xf32>
    %select_n3A_1168 = arith.select %gt3A_1167, %get3A_1134, %select_n3A_1163 : vector<16xi1>, vector<16xf32>
    %broadcast_in_dim3A_1169 = arith.constant 6 : i32
    %broadcast_in_dim3A_1170 = vector.broadcast %broadcast_in_dim3A_1169 : i32 to vector<16xi32>
    %select_n3A_1171 = arith.select %gt3A_1167, %broadcast_in_dim3A_1170, %select_n3A_1166 : vector<16xi1>, vector<16xi32>
    %gt3A_1172 = arith.cmpf ogt, %get3A_1139, %select_n3A_1168 : vector<16xf32>
    %select_n3A_1173 = arith.select %gt3A_1172, %get3A_1139, %select_n3A_1168 : vector<16xi1>, vector<16xf32>
    %broadcast_in_dim3A_1174 = arith.constant 7 : i32
    %broadcast_in_dim3A_1175 = vector.broadcast %broadcast_in_dim3A_1174 : i32 to vector<16xi32>
    %select_n3A_1176 = arith.select %gt3A_1172, %broadcast_in_dim3A_1175, %select_n3A_1171 : vector<16xi1>, vector<16xi32>
    %broadcast_in_dim3A_1177 = arith.constant 0 : i32
    %broadcast_in_dim3A_1178 = vector.broadcast %broadcast_in_dim3A_1177 : i32 to vector<16xi32>
    %eq3A_1179 = arith.constant 0 : i32
    %eq3A_1180 = vector.broadcast %eq3A_1179 : i32 to vector<16xi32>
    %eq3A_1181 = arith.cmpi eq, %select_n3A_1176, %eq3A_1180 : vector<16xi32>
    %select_n3A_1182 = arith.select %eq3A_1181, %broadcast_in_dim3A_3, %get3A_1104 : vector<16xi1>, vector<16xf32>
    %gt3A_1183 = arith.cmpf ogt, %select_n3A_1182, %broadcast_in_dim3A_3 : vector<16xf32>
    %select_n3A_1184 = arith.select %gt3A_1183, %select_n3A_1182, %broadcast_in_dim3A_3 : vector<16xi1>, vector<16xf32>
    %broadcast_in_dim3A_1185 = arith.constant 0 : i32
    %broadcast_in_dim3A_1186 = vector.broadcast %broadcast_in_dim3A_1185 : i32 to vector<16xi32>
    %select_n3A_1187 = arith.select %gt3A_1183, %broadcast_in_dim3A_1186, %broadcast_in_dim3A_1178 : vector<16xi1>, vector<16xi32>
    %eq3A_1188 = arith.constant 1 : i32
    %eq3A_1189 = vector.broadcast %eq3A_1188 : i32 to vector<16xi32>
    %eq3A_1190 = arith.cmpi eq, %select_n3A_1176, %eq3A_1189 : vector<16xi32>
    %select_n3A_1191 = arith.select %eq3A_1190, %broadcast_in_dim3A_3, %get3A_1109 : vector<16xi1>, vector<16xf32>
    %gt3A_1192 = arith.cmpf ogt, %select_n3A_1191, %select_n3A_1184 : vector<16xf32>
    %select_n3A_1193 = arith.select %gt3A_1192, %select_n3A_1191, %select_n3A_1184 : vector<16xi1>, vector<16xf32>
    %broadcast_in_dim3A_1194 = arith.constant 1 : i32
    %broadcast_in_dim3A_1195 = vector.broadcast %broadcast_in_dim3A_1194 : i32 to vector<16xi32>
    %select_n3A_1196 = arith.select %gt3A_1192, %broadcast_in_dim3A_1195, %select_n3A_1187 : vector<16xi1>, vector<16xi32>
    %eq3A_1197 = arith.constant 2 : i32
    %eq3A_1198 = vector.broadcast %eq3A_1197 : i32 to vector<16xi32>
    %eq3A_1199 = arith.cmpi eq, %select_n3A_1176, %eq3A_1198 : vector<16xi32>
    %select_n3A_1200 = arith.select %eq3A_1199, %broadcast_in_dim3A_3, %get3A_1114 : vector<16xi1>, vector<16xf32>
    %gt3A_1201 = arith.cmpf ogt, %select_n3A_1200, %select_n3A_1193 : vector<16xf32>
    %select_n3A_1202 = arith.select %gt3A_1201, %select_n3A_1200, %select_n3A_1193 : vector<16xi1>, vector<16xf32>
    %broadcast_in_dim3A_1203 = arith.constant 2 : i32
    %broadcast_in_dim3A_1204 = vector.broadcast %broadcast_in_dim3A_1203 : i32 to vector<16xi32>
    %select_n3A_1205 = arith.select %gt3A_1201, %broadcast_in_dim3A_1204, %select_n3A_1196 : vector<16xi1>, vector<16xi32>
    %eq3A_1206 = arith.constant 3 : i32
    %eq3A_1207 = vector.broadcast %eq3A_1206 : i32 to vector<16xi32>
    %eq3A_1208 = arith.cmpi eq, %select_n3A_1176, %eq3A_1207 : vector<16xi32>
    %select_n3A_1209 = arith.select %eq3A_1208, %broadcast_in_dim3A_3, %get3A_1119 : vector<16xi1>, vector<16xf32>
    %gt3A_1210 = arith.cmpf ogt, %select_n3A_1209, %select_n3A_1202 : vector<16xf32>
    %select_n3A_1211 = arith.select %gt3A_1210, %select_n3A_1209, %select_n3A_1202 : vector<16xi1>, vector<16xf32>
    %broadcast_in_dim3A_1212 = arith.constant 3 : i32
    %broadcast_in_dim3A_1213 = vector.broadcast %broadcast_in_dim3A_1212 : i32 to vector<16xi32>
    %select_n3A_1214 = arith.select %gt3A_1210, %broadcast_in_dim3A_1213, %select_n3A_1205 : vector<16xi1>, vector<16xi32>
    %eq3A_1215 = arith.constant 4 : i32
    %eq3A_1216 = vector.broadcast %eq3A_1215 : i32 to vector<16xi32>
    %eq3A_1217 = arith.cmpi eq, %select_n3A_1176, %eq3A_1216 : vector<16xi32>
    %select_n3A_1218 = arith.select %eq3A_1217, %broadcast_in_dim3A_3, %get3A_1124 : vector<16xi1>, vector<16xf32>
    %gt3A_1219 = arith.cmpf ogt, %select_n3A_1218, %select_n3A_1211 : vector<16xf32>
    %select_n3A_1220 = arith.select %gt3A_1219, %select_n3A_1218, %select_n3A_1211 : vector<16xi1>, vector<16xf32>
    %broadcast_in_dim3A_1221 = arith.constant 4 : i32
    %broadcast_in_dim3A_1222 = vector.broadcast %broadcast_in_dim3A_1221 : i32 to vector<16xi32>
    %select_n3A_1223 = arith.select %gt3A_1219, %broadcast_in_dim3A_1222, %select_n3A_1214 : vector<16xi1>, vector<16xi32>
    %eq3A_1224 = arith.constant 5 : i32
    %eq3A_1225 = vector.broadcast %eq3A_1224 : i32 to vector<16xi32>
    %eq3A_1226 = arith.cmpi eq, %select_n3A_1176, %eq3A_1225 : vector<16xi32>
    %select_n3A_1227 = arith.select %eq3A_1226, %broadcast_in_dim3A_3, %get3A_1129 : vector<16xi1>, vector<16xf32>
    %gt3A_1228 = arith.cmpf ogt, %select_n3A_1227, %select_n3A_1220 : vector<16xf32>
    %select_n3A_1229 = arith.select %gt3A_1228, %select_n3A_1227, %select_n3A_1220 : vector<16xi1>, vector<16xf32>
    %broadcast_in_dim3A_1230 = arith.constant 5 : i32
    %broadcast_in_dim3A_1231 = vector.broadcast %broadcast_in_dim3A_1230 : i32 to vector<16xi32>
    %select_n3A_1232 = arith.select %gt3A_1228, %broadcast_in_dim3A_1231, %select_n3A_1223 : vector<16xi1>, vector<16xi32>
    %eq3A_1233 = arith.constant 6 : i32
    %eq3A_1234 = vector.broadcast %eq3A_1233 : i32 to vector<16xi32>
    %eq3A_1235 = arith.cmpi eq, %select_n3A_1176, %eq3A_1234 : vector<16xi32>
    %select_n3A_1236 = arith.select %eq3A_1235, %broadcast_in_dim3A_3, %get3A_1134 : vector<16xi1>, vector<16xf32>
    %gt3A_1237 = arith.cmpf ogt, %select_n3A_1236, %select_n3A_1229 : vector<16xf32>
    %select_n3A_1238 = arith.select %gt3A_1237, %select_n3A_1236, %select_n3A_1229 : vector<16xi1>, vector<16xf32>
    %broadcast_in_dim3A_1239 = arith.constant 6 : i32
    %broadcast_in_dim3A_1240 = vector.broadcast %broadcast_in_dim3A_1239 : i32 to vector<16xi32>
    %select_n3A_1241 = arith.select %gt3A_1237, %broadcast_in_dim3A_1240, %select_n3A_1232 : vector<16xi1>, vector<16xi32>
    %eq3A_1242 = arith.constant 7 : i32
    %eq3A_1243 = vector.broadcast %eq3A_1242 : i32 to vector<16xi32>
    %eq3A_1244 = arith.cmpi eq, %select_n3A_1176, %eq3A_1243 : vector<16xi32>
    %select_n3A_1245 = arith.select %eq3A_1244, %broadcast_in_dim3A_3, %get3A_1139 : vector<16xi1>, vector<16xf32>
    %gt3A_1246 = arith.cmpf ogt, %select_n3A_1245, %select_n3A_1238 : vector<16xf32>
    %select_n3A_1247 = arith.select %gt3A_1246, %select_n3A_1245, %select_n3A_1238 : vector<16xi1>, vector<16xf32>
    %broadcast_in_dim3A_1248 = arith.constant 7 : i32
    %broadcast_in_dim3A_1249 = vector.broadcast %broadcast_in_dim3A_1248 : i32 to vector<16xi32>
    %select_n3A_1250 = arith.select %gt3A_1246, %broadcast_in_dim3A_1249, %select_n3A_1241 : vector<16xi1>, vector<16xi32>
    %sub3A_1251 = arith.subf %select_n3A_1247, %select_n3A_1173 : vector<16xf32>
    %exp3A_1252 = math.exp %sub3A_1251 : vector<16xf32>
    %add3A_1253 = arith.constant 1.000000e+00 : f32
    %add3A_1254 = vector.broadcast %add3A_1253 : f32 to vector<16xf32>
    %add3A_1255 = arith.addf %add3A_1254, %exp3A_1252 : vector<16xf32>
    %div3A_1256 = arith.constant 1.000000e+00 : f32
    %div3A_1257 = vector.broadcast %div3A_1256 : f32 to vector<16xf32>
    %div3A_1258 = arith.divf %div3A_1257, %add3A_1255 : vector<16xf32>
    %sub3A_1259 = arith.constant 1.000000e+00 : f32
    %sub3A_1260 = vector.broadcast %sub3A_1259 : f32 to vector<16xf32>
    %sub3A_1261 = arith.subf %sub3A_1260, %div3A_1258 : vector<16xf32>
    %broadcast_in_dim3A_1262 = arith.constant 0.000000e+00 : f32
    %broadcast_in_dim3A_1263 = vector.broadcast %broadcast_in_dim3A_1262 : f32 to vector<16xf32>
    %eq3A_1264 = arith.constant 0 : i32
    %eq3A_1265 = vector.broadcast %eq3A_1264 : i32 to vector<16xi32>
    %eq3A_1266 = arith.cmpi eq, %select_n3A_1176, %eq3A_1265 : vector<16xi32>
    %eq3A_1267 = arith.constant 0 : i32
    %eq3A_1268 = vector.broadcast %eq3A_1267 : i32 to vector<16xi32>
    %eq3A_1269 = arith.cmpi eq, %select_n3A_1250, %eq3A_1268 : vector<16xi32>
    %select_n3A_1270 = arith.select %eq3A_1269, %sub3A_1261, %broadcast_in_dim3A_1263 : vector<16xi1>, vector<16xf32>
    %select_n3A_1271 = arith.select %eq3A_1266, %div3A_1258, %select_n3A_1270 : vector<16xi1>, vector<16xf32>
    %swap3A_1272 = arith.constant 0 : i32
    %swap3A_1273 = arith.index_cast %swap3A_1272 : i32 to index
    %swap3A_1274 = arith.constant 64 : index
    %swap3A_1275 = tpu.vector_load %arg5[%swap3A_1273, %swap3A_1274] {strides = array<i32>} : memref<8x256xf32, #tpu.memory_space<vmem>>, vector<1x16xf32>,
    %swap3A_1276 = vector.shape_cast %swap3A_1275 : vector<1x16xf32> to vector<16xf32>
    %swap3A_1277 = vector.shape_cast %select_n3A_1271 : vector<16xf32> to vector<1x16xf32>
    tpu.vector_store %arg5[%swap3A_1273, %swap3A_1274], %swap3A_1277 {strides = array<i32>} : memref<8x256xf32, #tpu.memory_space<vmem>>, vector<1x16xf32>,
    %eq3A_1278 = arith.constant 1 : i32
    %eq3A_1279 = vector.broadcast %eq3A_1278 : i32 to vector<16xi32>
    %eq3A_1280 = arith.cmpi eq, %select_n3A_1176, %eq3A_1279 : vector<16xi32>
    %eq3A_1281 = arith.constant 1 : i32
    %eq3A_1282 = vector.broadcast %eq3A_1281 : i32 to vector<16xi32>
    %eq3A_1283 = arith.cmpi eq, %select_n3A_1250, %eq3A_1282 : vector<16xi32>
    %select_n3A_1284 = arith.select %eq3A_1283, %sub3A_1261, %broadcast_in_dim3A_1263 : vector<16xi1>, vector<16xf32>
    %select_n3A_1285 = arith.select %eq3A_1280, %div3A_1258, %select_n3A_1284 : vector<16xi1>, vector<16xf32>
    %swap3A_1286 = arith.constant 1 : i32
    %swap3A_1287 = arith.index_cast %swap3A_1286 : i32 to index
    %swap3A_1288 = arith.constant 64 : index
    %swap3A_1289 = tpu.vector_load %arg5[%swap3A_1287, %swap3A_1288] {strides = array<i32>} : memref<8x256xf32, #tpu.memory_space<vmem>>, vector<1x16xf32>,
    %swap3A_1290 = vector.shape_cast %swap3A_1289 : vector<1x16xf32> to vector<16xf32>
    %swap3A_1291 = vector.shape_cast %select_n3A_1285 : vector<16xf32> to vector<1x16xf32>
    tpu.vector_store %arg5[%swap3A_1287, %swap3A_1288], %swap3A_1291 {strides = array<i32>} : memref<8x256xf32, #tpu.memory_space<vmem>>, vector<1x16xf32>,
    %eq3A_1292 = arith.constant 2 : i32
    %eq3A_1293 = vector.broadcast %eq3A_1292 : i32 to vector<16xi32>
    %eq3A_1294 = arith.cmpi eq, %select_n3A_1176, %eq3A_1293 : vector<16xi32>
    %eq3A_1295 = arith.constant 2 : i32
    %eq3A_1296 = vector.broadcast %eq3A_1295 : i32 to vector<16xi32>
    %eq3A_1297 = arith.cmpi eq, %select_n3A_1250, %eq3A_1296 : vector<16xi32>
    %select_n3A_1298 = arith.select %eq3A_1297, %sub3A_1261, %broadcast_in_dim3A_1263 : vector<16xi1>, vector<16xf32>
    %select_n3A_1299 = arith.select %eq3A_1294, %div3A_1258, %select_n3A_1298 : vector<16xi1>, vector<16xf32>
    %swap3A_1300 = arith.constant 2 : i32
    %swap3A_1301 = arith.index_cast %swap3A_1300 : i32 to index
    %swap3A_1302 = arith.constant 64 : index
    %swap3A_1303 = tpu.vector_load %arg5[%swap3A_1301, %swap3A_1302] {strides = array<i32>} : memref<8x256xf32, #tpu.memory_space<vmem>>, vector<1x16xf32>,
    %swap3A_1304 = vector.shape_cast %swap3A_1303 : vector<1x16xf32> to vector<16xf32>
    %swap3A_1305 = vector.shape_cast %select_n3A_1299 : vector<16xf32> to vector<1x16xf32>
    tpu.vector_store %arg5[%swap3A_1301, %swap3A_1302], %swap3A_1305 {strides = array<i32>} : memref<8x256xf32, #tpu.memory_space<vmem>>, vector<1x16xf32>,
    %eq3A_1306 = arith.constant 3 : i32
    %eq3A_1307 = vector.broadcast %eq3A_1306 : i32 to vector<16xi32>
    %eq3A_1308 = arith.cmpi eq, %select_n3A_1176, %eq3A_1307 : vector<16xi32>
    %eq3A_1309 = arith.constant 3 : i32
    %eq3A_1310 = vector.broadcast %eq3A_1309 : i32 to vector<16xi32>
    %eq3A_1311 = arith.cmpi eq, %select_n3A_1250, %eq3A_1310 : vector<16xi32>
    %select_n3A_1312 = arith.select %eq3A_1311, %sub3A_1261, %broadcast_in_dim3A_1263 : vector<16xi1>, vector<16xf32>
    %select_n3A_1313 = arith.select %eq3A_1308, %div3A_1258, %select_n3A_1312 : vector<16xi1>, vector<16xf32>
    %swap3A_1314 = arith.constant 3 : i32
    %swap3A_1315 = arith.index_cast %swap3A_1314 : i32 to index
    %swap3A_1316 = arith.constant 64 : index
    %swap3A_1317 = tpu.vector_load %arg5[%swap3A_1315, %swap3A_1316] {strides = array<i32>} : memref<8x256xf32, #tpu.memory_space<vmem>>, vector<1x16xf32>,
    %swap3A_1318 = vector.shape_cast %swap3A_1317 : vector<1x16xf32> to vector<16xf32>
    %swap3A_1319 = vector.shape_cast %select_n3A_1313 : vector<16xf32> to vector<1x16xf32>
    tpu.vector_store %arg5[%swap3A_1315, %swap3A_1316], %swap3A_1319 {strides = array<i32>} : memref<8x256xf32, #tpu.memory_space<vmem>>, vector<1x16xf32>,
    %eq3A_1320 = arith.constant 4 : i32
    %eq3A_1321 = vector.broadcast %eq3A_1320 : i32 to vector<16xi32>
    %eq3A_1322 = arith.cmpi eq, %select_n3A_1176, %eq3A_1321 : vector<16xi32>
    %eq3A_1323 = arith.constant 4 : i32
    %eq3A_1324 = vector.broadcast %eq3A_1323 : i32 to vector<16xi32>
    %eq3A_1325 = arith.cmpi eq, %select_n3A_1250, %eq3A_1324 : vector<16xi32>
    %select_n3A_1326 = arith.select %eq3A_1325, %sub3A_1261, %broadcast_in_dim3A_1263 : vector<16xi1>, vector<16xf32>
    %select_n3A_1327 = arith.select %eq3A_1322, %div3A_1258, %select_n3A_1326 : vector<16xi1>, vector<16xf32>
    %swap3A_1328 = arith.constant 4 : i32
    %swap3A_1329 = arith.index_cast %swap3A_1328 : i32 to index
    %swap3A_1330 = arith.constant 64 : index
    %swap3A_1331 = tpu.vector_load %arg5[%swap3A_1329, %swap3A_1330] {strides = array<i32>} : memref<8x256xf32, #tpu.memory_space<vmem>>, vector<1x16xf32>,
    %swap3A_1332 = vector.shape_cast %swap3A_1331 : vector<1x16xf32> to vector<16xf32>
    %swap3A_1333 = vector.shape_cast %select_n3A_1327 : vector<16xf32> to vector<1x16xf32>
    tpu.vector_store %arg5[%swap3A_1329, %swap3A_1330], %swap3A_1333 {strides = array<i32>} : memref<8x256xf32, #tpu.memory_space<vmem>>, vector<1x16xf32>,
    %eq3A_1334 = arith.constant 5 : i32
    %eq3A_1335 = vector.broadcast %eq3A_1334 : i32 to vector<16xi32>
    %eq3A_1336 = arith.cmpi eq, %select_n3A_1176, %eq3A_1335 : vector<16xi32>
    %eq3A_1337 = arith.constant 5 : i32
    %eq3A_1338 = vector.broadcast %eq3A_1337 : i32 to vector<16xi32>
    %eq3A_1339 = arith.cmpi eq, %select_n3A_1250, %eq3A_1338 : vector<16xi32>
    %select_n3A_1340 = arith.select %eq3A_1339, %sub3A_1261, %broadcast_in_dim3A_1263 : vector<16xi1>, vector<16xf32>
    %select_n3A_1341 = arith.select %eq3A_1336, %div3A_1258, %select_n3A_1340 : vector<16xi1>, vector<16xf32>
    %swap3A_1342 = arith.constant 5 : i32
    %swap3A_1343 = arith.index_cast %swap3A_1342 : i32 to index
    %swap3A_1344 = arith.constant 64 : index
    %swap3A_1345 = tpu.vector_load %arg5[%swap3A_1343, %swap3A_1344] {strides = array<i32>} : memref<8x256xf32, #tpu.memory_space<vmem>>, vector<1x16xf32>,
    %swap3A_1346 = vector.shape_cast %swap3A_1345 : vector<1x16xf32> to vector<16xf32>
    %swap3A_1347 = vector.shape_cast %select_n3A_1341 : vector<16xf32> to vector<1x16xf32>
    tpu.vector_store %arg5[%swap3A_1343, %swap3A_1344], %swap3A_1347 {strides = array<i32>} : memref<8x256xf32, #tpu.memory_space<vmem>>, vector<1x16xf32>,
    %eq3A_1348 = arith.constant 6 : i32
    %eq3A_1349 = vector.broadcast %eq3A_1348 : i32 to vector<16xi32>
    %eq3A_1350 = arith.cmpi eq, %select_n3A_1176, %eq3A_1349 : vector<16xi32>
    %eq3A_1351 = arith.constant 6 : i32
    %eq3A_1352 = vector.broadcast %eq3A_1351 : i32 to vector<16xi32>
    %eq3A_1353 = arith.cmpi eq, %select_n3A_1250, %eq3A_1352 : vector<16xi32>
    %select_n3A_1354 = arith.select %eq3A_1353, %sub3A_1261, %broadcast_in_dim3A_1263 : vector<16xi1>, vector<16xf32>
    %select_n3A_1355 = arith.select %eq3A_1350, %div3A_1258, %select_n3A_1354 : vector<16xi1>, vector<16xf32>
    %swap3A_1356 = arith.constant 6 : i32
    %swap3A_1357 = arith.index_cast %swap3A_1356 : i32 to index
    %swap3A_1358 = arith.constant 64 : index
    %swap3A_1359 = tpu.vector_load %arg5[%swap3A_1357, %swap3A_1358] {strides = array<i32>} : memref<8x256xf32, #tpu.memory_space<vmem>>, vector<1x16xf32>,
    %swap3A_1360 = vector.shape_cast %swap3A_1359 : vector<1x16xf32> to vector<16xf32>
    %swap3A_1361 = vector.shape_cast %select_n3A_1355 : vector<16xf32> to vector<1x16xf32>
    tpu.vector_store %arg5[%swap3A_1357, %swap3A_1358], %swap3A_1361 {strides = array<i32>} : memref<8x256xf32, #tpu.memory_space<vmem>>, vector<1x16xf32>,
    %eq3A_1362 = arith.constant 7 : i32
    %eq3A_1363 = vector.broadcast %eq3A_1362 : i32 to vector<16xi32>
    %eq3A_1364 = arith.cmpi eq, %select_n3A_1176, %eq3A_1363 : vector<16xi32>
    %eq3A_1365 = arith.constant 7 : i32
    %eq3A_1366 = vector.broadcast %eq3A_1365 : i32 to vector<16xi32>
    %eq3A_1367 = arith.cmpi eq, %select_n3A_1250, %eq3A_1366 : vector<16xi32>
    %select_n3A_1368 = arith.select %eq3A_1367, %sub3A_1261, %broadcast_in_dim3A_1263 : vector<16xi1>, vector<16xf32>
    %select_n3A_1369 = arith.select %eq3A_1364, %div3A_1258, %select_n3A_1368 : vector<16xi1>, vector<16xf32>
    %swap3A_1370 = arith.constant 7 : i32
    %swap3A_1371 = arith.index_cast %swap3A_1370 : i32 to index
    %swap3A_1372 = arith.constant 64 : index
    %swap3A_1373 = tpu.vector_load %arg5[%swap3A_1371, %swap3A_1372] {strides = array<i32>} : memref<8x256xf32, #tpu.memory_space<vmem>>, vector<1x16xf32>,
    %swap3A_1374 = vector.shape_cast %swap3A_1373 : vector<1x16xf32> to vector<16xf32>
    %swap3A_1375 = vector.shape_cast %select_n3A_1369 : vector<16xf32> to vector<1x16xf32>
    tpu.vector_store %arg5[%swap3A_1371, %swap3A_1372], %swap3A_1375 {strides = array<i32>} : memref<8x256xf32, #tpu.memory_space<vmem>>, vector<1x16xf32>,
    %get3A_1376 = arith.constant 0 : i32
    %get3A_1377 = arith.index_cast %get3A_1376 : i32 to index
    %get3A_1378 = arith.constant 80 : index
    %get3A_1379 = tpu.vector_load %arg4[%get3A_1377, %get3A_1378] {strides = array<i32>} : memref<8x256xf32, #tpu.memory_space<vmem>>, vector<1x16xf32>,
    %get3A_1380 = vector.shape_cast %get3A_1379 : vector<1x16xf32> to vector<16xf32>
    %get3A_1381 = arith.constant 1 : i32
    %get3A_1382 = arith.index_cast %get3A_1381 : i32 to index
    %get3A_1383 = arith.constant 80 : index
    %get3A_1384 = tpu.vector_load %arg4[%get3A_1382, %get3A_1383] {strides = array<i32>} : memref<8x256xf32, #tpu.memory_space<vmem>>, vector<1x16xf32>,
    %get3A_1385 = vector.shape_cast %get3A_1384 : vector<1x16xf32> to vector<16xf32>
    %get3A_1386 = arith.constant 2 : i32
    %get3A_1387 = arith.index_cast %get3A_1386 : i32 to index
    %get3A_1388 = arith.constant 80 : index
    %get3A_1389 = tpu.vector_load %arg4[%get3A_1387, %get3A_1388] {strides = array<i32>} : memref<8x256xf32, #tpu.memory_space<vmem>>, vector<1x16xf32>,
    %get3A_1390 = vector.shape_cast %get3A_1389 : vector<1x16xf32> to vector<16xf32>
    %get3A_1391 = arith.constant 3 : i32
    %get3A_1392 = arith.index_cast %get3A_1391 : i32 to index
    %get3A_1393 = arith.constant 80 : index
    %get3A_1394 = tpu.vector_load %arg4[%get3A_1392, %get3A_1393] {strides = array<i32>} : memref<8x256xf32, #tpu.memory_space<vmem>>, vector<1x16xf32>,
    %get3A_1395 = vector.shape_cast %get3A_1394 : vector<1x16xf32> to vector<16xf32>
    %get3A_1396 = arith.constant 4 : i32
    %get3A_1397 = arith.index_cast %get3A_1396 : i32 to index
    %get3A_1398 = arith.constant 80 : index
    %get3A_1399 = tpu.vector_load %arg4[%get3A_1397, %get3A_1398] {strides = array<i32>} : memref<8x256xf32, #tpu.memory_space<vmem>>, vector<1x16xf32>,
    %get3A_1400 = vector.shape_cast %get3A_1399 : vector<1x16xf32> to vector<16xf32>
    %get3A_1401 = arith.constant 5 : i32
    %get3A_1402 = arith.index_cast %get3A_1401 : i32 to index
    %get3A_1403 = arith.constant 80 : index
    %get3A_1404 = tpu.vector_load %arg4[%get3A_1402, %get3A_1403] {strides = array<i32>} : memref<8x256xf32, #tpu.memory_space<vmem>>, vector<1x16xf32>,
    %get3A_1405 = vector.shape_cast %get3A_1404 : vector<1x16xf32> to vector<16xf32>
    %get3A_1406 = arith.constant 6 : i32
    %get3A_1407 = arith.index_cast %get3A_1406 : i32 to index
    %get3A_1408 = arith.constant 80 : index
    %get3A_1409 = tpu.vector_load %arg4[%get3A_1407, %get3A_1408] {strides = array<i32>} : memref<8x256xf32, #tpu.memory_space<vmem>>, vector<1x16xf32>,
    %get3A_1410 = vector.shape_cast %get3A_1409 : vector<1x16xf32> to vector<16xf32>
    %get3A_1411 = arith.constant 7 : i32
    %get3A_1412 = arith.index_cast %get3A_1411 : i32 to index
    %get3A_1413 = arith.constant 80 : index
    %get3A_1414 = tpu.vector_load %arg4[%get3A_1412, %get3A_1413] {strides = array<i32>} : memref<8x256xf32, #tpu.memory_space<vmem>>, vector<1x16xf32>,
    %get3A_1415 = vector.shape_cast %get3A_1414 : vector<1x16xf32> to vector<16xf32>
    %broadcast_in_dim3A_1416 = arith.constant 0 : i32
    %broadcast_in_dim3A_1417 = vector.broadcast %broadcast_in_dim3A_1416 : i32 to vector<16xi32>
    %gt3A_1418 = arith.cmpf ogt, %get3A_1385, %get3A_1380 : vector<16xf32>
    %select_n3A_1419 = arith.select %gt3A_1418, %get3A_1385, %get3A_1380 : vector<16xi1>, vector<16xf32>
    %broadcast_in_dim3A_1420 = arith.constant 1 : i32
    %broadcast_in_dim3A_1421 = vector.broadcast %broadcast_in_dim3A_1420 : i32 to vector<16xi32>
    %select_n3A_1422 = arith.select %gt3A_1418, %broadcast_in_dim3A_1421, %broadcast_in_dim3A_1417 : vector<16xi1>, vector<16xi32>
    %gt3A_1423 = arith.cmpf ogt, %get3A_1390, %select_n3A_1419 : vector<16xf32>
    %select_n3A_1424 = arith.select %gt3A_1423, %get3A_1390, %select_n3A_1419 : vector<16xi1>, vector<16xf32>
    %broadcast_in_dim3A_1425 = arith.constant 2 : i32
    %broadcast_in_dim3A_1426 = vector.broadcast %broadcast_in_dim3A_1425 : i32 to vector<16xi32>
    %select_n3A_1427 = arith.select %gt3A_1423, %broadcast_in_dim3A_1426, %select_n3A_1422 : vector<16xi1>, vector<16xi32>
    %gt3A_1428 = arith.cmpf ogt, %get3A_1395, %select_n3A_1424 : vector<16xf32>
    %select_n3A_1429 = arith.select %gt3A_1428, %get3A_1395, %select_n3A_1424 : vector<16xi1>, vector<16xf32>
    %broadcast_in_dim3A_1430 = arith.constant 3 : i32
    %broadcast_in_dim3A_1431 = vector.broadcast %broadcast_in_dim3A_1430 : i32 to vector<16xi32>
    %select_n3A_1432 = arith.select %gt3A_1428, %broadcast_in_dim3A_1431, %select_n3A_1427 : vector<16xi1>, vector<16xi32>
    %gt3A_1433 = arith.cmpf ogt, %get3A_1400, %select_n3A_1429 : vector<16xf32>
    %select_n3A_1434 = arith.select %gt3A_1433, %get3A_1400, %select_n3A_1429 : vector<16xi1>, vector<16xf32>
    %broadcast_in_dim3A_1435 = arith.constant 4 : i32
    %broadcast_in_dim3A_1436 = vector.broadcast %broadcast_in_dim3A_1435 : i32 to vector<16xi32>
    %select_n3A_1437 = arith.select %gt3A_1433, %broadcast_in_dim3A_1436, %select_n3A_1432 : vector<16xi1>, vector<16xi32>
    %gt3A_1438 = arith.cmpf ogt, %get3A_1405, %select_n3A_1434 : vector<16xf32>
    %select_n3A_1439 = arith.select %gt3A_1438, %get3A_1405, %select_n3A_1434 : vector<16xi1>, vector<16xf32>
    %broadcast_in_dim3A_1440 = arith.constant 5 : i32
    %broadcast_in_dim3A_1441 = vector.broadcast %broadcast_in_dim3A_1440 : i32 to vector<16xi32>
    %select_n3A_1442 = arith.select %gt3A_1438, %broadcast_in_dim3A_1441, %select_n3A_1437 : vector<16xi1>, vector<16xi32>
    %gt3A_1443 = arith.cmpf ogt, %get3A_1410, %select_n3A_1439 : vector<16xf32>
    %select_n3A_1444 = arith.select %gt3A_1443, %get3A_1410, %select_n3A_1439 : vector<16xi1>, vector<16xf32>
    %broadcast_in_dim3A_1445 = arith.constant 6 : i32
    %broadcast_in_dim3A_1446 = vector.broadcast %broadcast_in_dim3A_1445 : i32 to vector<16xi32>
    %select_n3A_1447 = arith.select %gt3A_1443, %broadcast_in_dim3A_1446, %select_n3A_1442 : vector<16xi1>, vector<16xi32>
    %gt3A_1448 = arith.cmpf ogt, %get3A_1415, %select_n3A_1444 : vector<16xf32>
    %select_n3A_1449 = arith.select %gt3A_1448, %get3A_1415, %select_n3A_1444 : vector<16xi1>, vector<16xf32>
    %broadcast_in_dim3A_1450 = arith.constant 7 : i32
    %broadcast_in_dim3A_1451 = vector.broadcast %broadcast_in_dim3A_1450 : i32 to vector<16xi32>
    %select_n3A_1452 = arith.select %gt3A_1448, %broadcast_in_dim3A_1451, %select_n3A_1447 : vector<16xi1>, vector<16xi32>
    %broadcast_in_dim3A_1453 = arith.constant 0 : i32
    %broadcast_in_dim3A_1454 = vector.broadcast %broadcast_in_dim3A_1453 : i32 to vector<16xi32>
    %eq3A_1455 = arith.constant 0 : i32
    %eq3A_1456 = vector.broadcast %eq3A_1455 : i32 to vector<16xi32>
    %eq3A_1457 = arith.cmpi eq, %select_n3A_1452, %eq3A_1456 : vector<16xi32>
    %select_n3A_1458 = arith.select %eq3A_1457, %broadcast_in_dim3A_3, %get3A_1380 : vector<16xi1>, vector<16xf32>
    %gt3A_1459 = arith.cmpf ogt, %select_n3A_1458, %broadcast_in_dim3A_3 : vector<16xf32>
    %select_n3A_1460 = arith.select %gt3A_1459, %select_n3A_1458, %broadcast_in_dim3A_3 : vector<16xi1>, vector<16xf32>
    %broadcast_in_dim3A_1461 = arith.constant 0 : i32
    %broadcast_in_dim3A_1462 = vector.broadcast %broadcast_in_dim3A_1461 : i32 to vector<16xi32>
    %select_n3A_1463 = arith.select %gt3A_1459, %broadcast_in_dim3A_1462, %broadcast_in_dim3A_1454 : vector<16xi1>, vector<16xi32>
    %eq3A_1464 = arith.constant 1 : i32
    %eq3A_1465 = vector.broadcast %eq3A_1464 : i32 to vector<16xi32>
    %eq3A_1466 = arith.cmpi eq, %select_n3A_1452, %eq3A_1465 : vector<16xi32>
    %select_n3A_1467 = arith.select %eq3A_1466, %broadcast_in_dim3A_3, %get3A_1385 : vector<16xi1>, vector<16xf32>
    %gt3A_1468 = arith.cmpf ogt, %select_n3A_1467, %select_n3A_1460 : vector<16xf32>
    %select_n3A_1469 = arith.select %gt3A_1468, %select_n3A_1467, %select_n3A_1460 : vector<16xi1>, vector<16xf32>
    %broadcast_in_dim3A_1470 = arith.constant 1 : i32
    %broadcast_in_dim3A_1471 = vector.broadcast %broadcast_in_dim3A_1470 : i32 to vector<16xi32>
    %select_n3A_1472 = arith.select %gt3A_1468, %broadcast_in_dim3A_1471, %select_n3A_1463 : vector<16xi1>, vector<16xi32>
    %eq3A_1473 = arith.constant 2 : i32
    %eq3A_1474 = vector.broadcast %eq3A_1473 : i32 to vector<16xi32>
    %eq3A_1475 = arith.cmpi eq, %select_n3A_1452, %eq3A_1474 : vector<16xi32>
    %select_n3A_1476 = arith.select %eq3A_1475, %broadcast_in_dim3A_3, %get3A_1390 : vector<16xi1>, vector<16xf32>
    %gt3A_1477 = arith.cmpf ogt, %select_n3A_1476, %select_n3A_1469 : vector<16xf32>
    %select_n3A_1478 = arith.select %gt3A_1477, %select_n3A_1476, %select_n3A_1469 : vector<16xi1>, vector<16xf32>
    %broadcast_in_dim3A_1479 = arith.constant 2 : i32
    %broadcast_in_dim3A_1480 = vector.broadcast %broadcast_in_dim3A_1479 : i32 to vector<16xi32>
    %select_n3A_1481 = arith.select %gt3A_1477, %broadcast_in_dim3A_1480, %select_n3A_1472 : vector<16xi1>, vector<16xi32>
    %eq3A_1482 = arith.constant 3 : i32
    %eq3A_1483 = vector.broadcast %eq3A_1482 : i32 to vector<16xi32>
    %eq3A_1484 = arith.cmpi eq, %select_n3A_1452, %eq3A_1483 : vector<16xi32>
    %select_n3A_1485 = arith.select %eq3A_1484, %broadcast_in_dim3A_3, %get3A_1395 : vector<16xi1>, vector<16xf32>
    %gt3A_1486 = arith.cmpf ogt, %select_n3A_1485, %select_n3A_1478 : vector<16xf32>
    %select_n3A_1487 = arith.select %gt3A_1486, %select_n3A_1485, %select_n3A_1478 : vector<16xi1>, vector<16xf32>
    %broadcast_in_dim3A_1488 = arith.constant 3 : i32
    %broadcast_in_dim3A_1489 = vector.broadcast %broadcast_in_dim3A_1488 : i32 to vector<16xi32>
    %select_n3A_1490 = arith.select %gt3A_1486, %broadcast_in_dim3A_1489, %select_n3A_1481 : vector<16xi1>, vector<16xi32>
    %eq3A_1491 = arith.constant 4 : i32
    %eq3A_1492 = vector.broadcast %eq3A_1491 : i32 to vector<16xi32>
    %eq3A_1493 = arith.cmpi eq, %select_n3A_1452, %eq3A_1492 : vector<16xi32>
    %select_n3A_1494 = arith.select %eq3A_1493, %broadcast_in_dim3A_3, %get3A_1400 : vector<16xi1>, vector<16xf32>
    %gt3A_1495 = arith.cmpf ogt, %select_n3A_1494, %select_n3A_1487 : vector<16xf32>
    %select_n3A_1496 = arith.select %gt3A_1495, %select_n3A_1494, %select_n3A_1487 : vector<16xi1>, vector<16xf32>
    %broadcast_in_dim3A_1497 = arith.constant 4 : i32
    %broadcast_in_dim3A_1498 = vector.broadcast %broadcast_in_dim3A_1497 : i32 to vector<16xi32>
    %select_n3A_1499 = arith.select %gt3A_1495, %broadcast_in_dim3A_1498, %select_n3A_1490 : vector<16xi1>, vector<16xi32>
    %eq3A_1500 = arith.constant 5 : i32
    %eq3A_1501 = vector.broadcast %eq3A_1500 : i32 to vector<16xi32>
    %eq3A_1502 = arith.cmpi eq, %select_n3A_1452, %eq3A_1501 : vector<16xi32>
    %select_n3A_1503 = arith.select %eq3A_1502, %broadcast_in_dim3A_3, %get3A_1405 : vector<16xi1>, vector<16xf32>
    %gt3A_1504 = arith.cmpf ogt, %select_n3A_1503, %select_n3A_1496 : vector<16xf32>
    %select_n3A_1505 = arith.select %gt3A_1504, %select_n3A_1503, %select_n3A_1496 : vector<16xi1>, vector<16xf32>
    %broadcast_in_dim3A_1506 = arith.constant 5 : i32
    %broadcast_in_dim3A_1507 = vector.broadcast %broadcast_in_dim3A_1506 : i32 to vector<16xi32>
    %select_n3A_1508 = arith.select %gt3A_1504, %broadcast_in_dim3A_1507, %select_n3A_1499 : vector<16xi1>, vector<16xi32>
    %eq3A_1509 = arith.constant 6 : i32
    %eq3A_1510 = vector.broadcast %eq3A_1509 : i32 to vector<16xi32>
    %eq3A_1511 = arith.cmpi eq, %select_n3A_1452, %eq3A_1510 : vector<16xi32>
    %select_n3A_1512 = arith.select %eq3A_1511, %broadcast_in_dim3A_3, %get3A_1410 : vector<16xi1>, vector<16xf32>
    %gt3A_1513 = arith.cmpf ogt, %select_n3A_1512, %select_n3A_1505 : vector<16xf32>
    %select_n3A_1514 = arith.select %gt3A_1513, %select_n3A_1512, %select_n3A_1505 : vector<16xi1>, vector<16xf32>
    %broadcast_in_dim3A_1515 = arith.constant 6 : i32
    %broadcast_in_dim3A_1516 = vector.broadcast %broadcast_in_dim3A_1515 : i32 to vector<16xi32>
    %select_n3A_1517 = arith.select %gt3A_1513, %broadcast_in_dim3A_1516, %select_n3A_1508 : vector<16xi1>, vector<16xi32>
    %eq3A_1518 = arith.constant 7 : i32
    %eq3A_1519 = vector.broadcast %eq3A_1518 : i32 to vector<16xi32>
    %eq3A_1520 = arith.cmpi eq, %select_n3A_1452, %eq3A_1519 : vector<16xi32>
    %select_n3A_1521 = arith.select %eq3A_1520, %broadcast_in_dim3A_3, %get3A_1415 : vector<16xi1>, vector<16xf32>
    %gt3A_1522 = arith.cmpf ogt, %select_n3A_1521, %select_n3A_1514 : vector<16xf32>
    %select_n3A_1523 = arith.select %gt3A_1522, %select_n3A_1521, %select_n3A_1514 : vector<16xi1>, vector<16xf32>
    %broadcast_in_dim3A_1524 = arith.constant 7 : i32
    %broadcast_in_dim3A_1525 = vector.broadcast %broadcast_in_dim3A_1524 : i32 to vector<16xi32>
    %select_n3A_1526 = arith.select %gt3A_1522, %broadcast_in_dim3A_1525, %select_n3A_1517 : vector<16xi1>, vector<16xi32>
    %sub3A_1527 = arith.subf %select_n3A_1523, %select_n3A_1449 : vector<16xf32>
    %exp3A_1528 = math.exp %sub3A_1527 : vector<16xf32>
    %add3A_1529 = arith.constant 1.000000e+00 : f32
    %add3A_1530 = vector.broadcast %add3A_1529 : f32 to vector<16xf32>
    %add3A_1531 = arith.addf %add3A_1530, %exp3A_1528 : vector<16xf32>
    %div3A_1532 = arith.constant 1.000000e+00 : f32
    %div3A_1533 = vector.broadcast %div3A_1532 : f32 to vector<16xf32>
    %div3A_1534 = arith.divf %div3A_1533, %add3A_1531 : vector<16xf32>
    %sub3A_1535 = arith.constant 1.000000e+00 : f32
    %sub3A_1536 = vector.broadcast %sub3A_1535 : f32 to vector<16xf32>
    %sub3A_1537 = arith.subf %sub3A_1536, %div3A_1534 : vector<16xf32>
    %broadcast_in_dim3A_1538 = arith.constant 0.000000e+00 : f32
    %broadcast_in_dim3A_1539 = vector.broadcast %broadcast_in_dim3A_1538 : f32 to vector<16xf32>
    %eq3A_1540 = arith.constant 0 : i32
    %eq3A_1541 = vector.broadcast %eq3A_1540 : i32 to vector<16xi32>
    %eq3A_1542 = arith.cmpi eq, %select_n3A_1452, %eq3A_1541 : vector<16xi32>
    %eq3A_1543 = arith.constant 0 : i32
    %eq3A_1544 = vector.broadcast %eq3A_1543 : i32 to vector<16xi32>
    %eq3A_1545 = arith.cmpi eq, %select_n3A_1526, %eq3A_1544 : vector<16xi32>
    %select_n3A_1546 = arith.select %eq3A_1545, %sub3A_1537, %broadcast_in_dim3A_1539 : vector<16xi1>, vector<16xf32>
    %select_n3A_1547 = arith.select %eq3A_1542, %div3A_1534, %select_n3A_1546 : vector<16xi1>, vector<16xf32>
    %swap3A_1548 = arith.constant 0 : i32
    %swap3A_1549 = arith.index_cast %swap3A_1548 : i32 to index
    %swap3A_1550 = arith.constant 80 : index
    %swap3A_1551 = tpu.vector_load %arg5[%swap3A_1549, %swap3A_1550] {strides = array<i32>} : memref<8x256xf32, #tpu.memory_space<vmem>>, vector<1x16xf32>,
    %swap3A_1552 = vector.shape_cast %swap3A_1551 : vector<1x16xf32> to vector<16xf32>
    %swap3A_1553 = vector.shape_cast %select_n3A_1547 : vector<16xf32> to vector<1x16xf32>
    tpu.vector_store %arg5[%swap3A_1549, %swap3A_1550], %swap3A_1553 {strides = array<i32>} : memref<8x256xf32, #tpu.memory_space<vmem>>, vector<1x16xf32>,
    %eq3A_1554 = arith.constant 1 : i32
    %eq3A_1555 = vector.broadcast %eq3A_1554 : i32 to vector<16xi32>
    %eq3A_1556 = arith.cmpi eq, %select_n3A_1452, %eq3A_1555 : vector<16xi32>
    %eq3A_1557 = arith.constant 1 : i32
    %eq3A_1558 = vector.broadcast %eq3A_1557 : i32 to vector<16xi32>
    %eq3A_1559 = arith.cmpi eq, %select_n3A_1526, %eq3A_1558 : vector<16xi32>
    %select_n3A_1560 = arith.select %eq3A_1559, %sub3A_1537, %broadcast_in_dim3A_1539 : vector<16xi1>, vector<16xf32>
    %select_n3A_1561 = arith.select %eq3A_1556, %div3A_1534, %select_n3A_1560 : vector<16xi1>, vector<16xf32>
    %swap3A_1562 = arith.constant 1 : i32
    %swap3A_1563 = arith.index_cast %swap3A_1562 : i32 to index
    %swap3A_1564 = arith.constant 80 : index
    %swap3A_1565 = tpu.vector_load %arg5[%swap3A_1563, %swap3A_1564] {strides = array<i32>} : memref<8x256xf32, #tpu.memory_space<vmem>>, vector<1x16xf32>,
    %swap3A_1566 = vector.shape_cast %swap3A_1565 : vector<1x16xf32> to vector<16xf32>
    %swap3A_1567 = vector.shape_cast %select_n3A_1561 : vector<16xf32> to vector<1x16xf32>
    tpu.vector_store %arg5[%swap3A_1563, %swap3A_1564], %swap3A_1567 {strides = array<i32>} : memref<8x256xf32, #tpu.memory_space<vmem>>, vector<1x16xf32>,
    %eq3A_1568 = arith.constant 2 : i32
    %eq3A_1569 = vector.broadcast %eq3A_1568 : i32 to vector<16xi32>
    %eq3A_1570 = arith.cmpi eq, %select_n3A_1452, %eq3A_1569 : vector<16xi32>
    %eq3A_1571 = arith.constant 2 : i32
    %eq3A_1572 = vector.broadcast %eq3A_1571 : i32 to vector<16xi32>
    %eq3A_1573 = arith.cmpi eq, %select_n3A_1526, %eq3A_1572 : vector<16xi32>
    %select_n3A_1574 = arith.select %eq3A_1573, %sub3A_1537, %broadcast_in_dim3A_1539 : vector<16xi1>, vector<16xf32>
    %select_n3A_1575 = arith.select %eq3A_1570, %div3A_1534, %select_n3A_1574 : vector<16xi1>, vector<16xf32>
    %swap3A_1576 = arith.constant 2 : i32
    %swap3A_1577 = arith.index_cast %swap3A_1576 : i32 to index
    %swap3A_1578 = arith.constant 80 : index
    %swap3A_1579 = tpu.vector_load %arg5[%swap3A_1577, %swap3A_1578] {strides = array<i32>} : memref<8x256xf32, #tpu.memory_space<vmem>>, vector<1x16xf32>,
    %swap3A_1580 = vector.shape_cast %swap3A_1579 : vector<1x16xf32> to vector<16xf32>
    %swap3A_1581 = vector.shape_cast %select_n3A_1575 : vector<16xf32> to vector<1x16xf32>
    tpu.vector_store %arg5[%swap3A_1577, %swap3A_1578], %swap3A_1581 {strides = array<i32>} : memref<8x256xf32, #tpu.memory_space<vmem>>, vector<1x16xf32>,
    %eq3A_1582 = arith.constant 3 : i32
    %eq3A_1583 = vector.broadcast %eq3A_1582 : i32 to vector<16xi32>
    %eq3A_1584 = arith.cmpi eq, %select_n3A_1452, %eq3A_1583 : vector<16xi32>
    %eq3A_1585 = arith.constant 3 : i32
    %eq3A_1586 = vector.broadcast %eq3A_1585 : i32 to vector<16xi32>
    %eq3A_1587 = arith.cmpi eq, %select_n3A_1526, %eq3A_1586 : vector<16xi32>
    %select_n3A_1588 = arith.select %eq3A_1587, %sub3A_1537, %broadcast_in_dim3A_1539 : vector<16xi1>, vector<16xf32>
    %select_n3A_1589 = arith.select %eq3A_1584, %div3A_1534, %select_n3A_1588 : vector<16xi1>, vector<16xf32>
    %swap3A_1590 = arith.constant 3 : i32
    %swap3A_1591 = arith.index_cast %swap3A_1590 : i32 to index
    %swap3A_1592 = arith.constant 80 : index
    %swap3A_1593 = tpu.vector_load %arg5[%swap3A_1591, %swap3A_1592] {strides = array<i32>} : memref<8x256xf32, #tpu.memory_space<vmem>>, vector<1x16xf32>,
    %swap3A_1594 = vector.shape_cast %swap3A_1593 : vector<1x16xf32> to vector<16xf32>
    %swap3A_1595 = vector.shape_cast %select_n3A_1589 : vector<16xf32> to vector<1x16xf32>
    tpu.vector_store %arg5[%swap3A_1591, %swap3A_1592], %swap3A_1595 {strides = array<i32>} : memref<8x256xf32, #tpu.memory_space<vmem>>, vector<1x16xf32>,
    %eq3A_1596 = arith.constant 4 : i32
    %eq3A_1597 = vector.broadcast %eq3A_1596 : i32 to vector<16xi32>
    %eq3A_1598 = arith.cmpi eq, %select_n3A_1452, %eq3A_1597 : vector<16xi32>
    %eq3A_1599 = arith.constant 4 : i32
    %eq3A_1600 = vector.broadcast %eq3A_1599 : i32 to vector<16xi32>
    %eq3A_1601 = arith.cmpi eq, %select_n3A_1526, %eq3A_1600 : vector<16xi32>
    %select_n3A_1602 = arith.select %eq3A_1601, %sub3A_1537, %broadcast_in_dim3A_1539 : vector<16xi1>, vector<16xf32>
    %select_n3A_1603 = arith.select %eq3A_1598, %div3A_1534, %select_n3A_1602 : vector<16xi1>, vector<16xf32>
    %swap3A_1604 = arith.constant 4 : i32
    %swap3A_1605 = arith.index_cast %swap3A_1604 : i32 to index
    %swap3A_1606 = arith.constant 80 : index
    %swap3A_1607 = tpu.vector_load %arg5[%swap3A_1605, %swap3A_1606] {strides = array<i32>} : memref<8x256xf32, #tpu.memory_space<vmem>>, vector<1x16xf32>,
    %swap3A_1608 = vector.shape_cast %swap3A_1607 : vector<1x16xf32> to vector<16xf32>
    %swap3A_1609 = vector.shape_cast %select_n3A_1603 : vector<16xf32> to vector<1x16xf32>
    tpu.vector_store %arg5[%swap3A_1605, %swap3A_1606], %swap3A_1609 {strides = array<i32>} : memref<8x256xf32, #tpu.memory_space<vmem>>, vector<1x16xf32>,
    %eq3A_1610 = arith.constant 5 : i32
    %eq3A_1611 = vector.broadcast %eq3A_1610 : i32 to vector<16xi32>
    %eq3A_1612 = arith.cmpi eq, %select_n3A_1452, %eq3A_1611 : vector<16xi32>
    %eq3A_1613 = arith.constant 5 : i32
    %eq3A_1614 = vector.broadcast %eq3A_1613 : i32 to vector<16xi32>
    %eq3A_1615 = arith.cmpi eq, %select_n3A_1526, %eq3A_1614 : vector<16xi32>
    %select_n3A_1616 = arith.select %eq3A_1615, %sub3A_1537, %broadcast_in_dim3A_1539 : vector<16xi1>, vector<16xf32>
    %select_n3A_1617 = arith.select %eq3A_1612, %div3A_1534, %select_n3A_1616 : vector<16xi1>, vector<16xf32>
    %swap3A_1618 = arith.constant 5 : i32
    %swap3A_1619 = arith.index_cast %swap3A_1618 : i32 to index
    %swap3A_1620 = arith.constant 80 : index
    %swap3A_1621 = tpu.vector_load %arg5[%swap3A_1619, %swap3A_1620] {strides = array<i32>} : memref<8x256xf32, #tpu.memory_space<vmem>>, vector<1x16xf32>,
    %swap3A_1622 = vector.shape_cast %swap3A_1621 : vector<1x16xf32> to vector<16xf32>
    %swap3A_1623 = vector.shape_cast %select_n3A_1617 : vector<16xf32> to vector<1x16xf32>
    tpu.vector_store %arg5[%swap3A_1619, %swap3A_1620], %swap3A_1623 {strides = array<i32>} : memref<8x256xf32, #tpu.memory_space<vmem>>, vector<1x16xf32>,
    %eq3A_1624 = arith.constant 6 : i32
    %eq3A_1625 = vector.broadcast %eq3A_1624 : i32 to vector<16xi32>
    %eq3A_1626 = arith.cmpi eq, %select_n3A_1452, %eq3A_1625 : vector<16xi32>
    %eq3A_1627 = arith.constant 6 : i32
    %eq3A_1628 = vector.broadcast %eq3A_1627 : i32 to vector<16xi32>
    %eq3A_1629 = arith.cmpi eq, %select_n3A_1526, %eq3A_1628 : vector<16xi32>
    %select_n3A_1630 = arith.select %eq3A_1629, %sub3A_1537, %broadcast_in_dim3A_1539 : vector<16xi1>, vector<16xf32>
    %select_n3A_1631 = arith.select %eq3A_1626, %div3A_1534, %select_n3A_1630 : vector<16xi1>, vector<16xf32>
    %swap3A_1632 = arith.constant 6 : i32
    %swap3A_1633 = arith.index_cast %swap3A_1632 : i32 to index
    %swap3A_1634 = arith.constant 80 : index
    %swap3A_1635 = tpu.vector_load %arg5[%swap3A_1633, %swap3A_1634] {strides = array<i32>} : memref<8x256xf32, #tpu.memory_space<vmem>>, vector<1x16xf32>,
    %swap3A_1636 = vector.shape_cast %swap3A_1635 : vector<1x16xf32> to vector<16xf32>
    %swap3A_1637 = vector.shape_cast %select_n3A_1631 : vector<16xf32> to vector<1x16xf32>
    tpu.vector_store %arg5[%swap3A_1633, %swap3A_1634], %swap3A_1637 {strides = array<i32>} : memref<8x256xf32, #tpu.memory_space<vmem>>, vector<1x16xf32>,
    %eq3A_1638 = arith.constant 7 : i32
    %eq3A_1639 = vector.broadcast %eq3A_1638 : i32 to vector<16xi32>
    %eq3A_1640 = arith.cmpi eq, %select_n3A_1452, %eq3A_1639 : vector<16xi32>
    %eq3A_1641 = arith.constant 7 : i32
    %eq3A_1642 = vector.broadcast %eq3A_1641 : i32 to vector<16xi32>
    %eq3A_1643 = arith.cmpi eq, %select_n3A_1526, %eq3A_1642 : vector<16xi32>
    %select_n3A_1644 = arith.select %eq3A_1643, %sub3A_1537, %broadcast_in_dim3A_1539 : vector<16xi1>, vector<16xf32>
    %select_n3A_1645 = arith.select %eq3A_1640, %div3A_1534, %select_n3A_1644 : vector<16xi1>, vector<16xf32>
    %swap3A_1646 = arith.constant 7 : i32
    %swap3A_1647 = arith.index_cast %swap3A_1646 : i32 to index
    %swap3A_1648 = arith.constant 80 : index
    %swap3A_1649 = tpu.vector_load %arg5[%swap3A_1647, %swap3A_1648] {strides = array<i32>} : memref<8x256xf32, #tpu.memory_space<vmem>>, vector<1x16xf32>,
    %swap3A_1650 = vector.shape_cast %swap3A_1649 : vector<1x16xf32> to vector<16xf32>
    %swap3A_1651 = vector.shape_cast %select_n3A_1645 : vector<16xf32> to vector<1x16xf32>
    tpu.vector_store %arg5[%swap3A_1647, %swap3A_1648], %swap3A_1651 {strides = array<i32>} : memref<8x256xf32, #tpu.memory_space<vmem>>, vector<1x16xf32>,
    %get3A_1652 = arith.constant 0 : i32
    %get3A_1653 = arith.index_cast %get3A_1652 : i32 to index
    %get3A_1654 = arith.constant 96 : index
    %get3A_1655 = tpu.vector_load %arg4[%get3A_1653, %get3A_1654] {strides = array<i32>} : memref<8x256xf32, #tpu.memory_space<vmem>>, vector<1x16xf32>,
    %get3A_1656 = vector.shape_cast %get3A_1655 : vector<1x16xf32> to vector<16xf32>
    %get3A_1657 = arith.constant 1 : i32
    %get3A_1658 = arith.index_cast %get3A_1657 : i32 to index
    %get3A_1659 = arith.constant 96 : index
    %get3A_1660 = tpu.vector_load %arg4[%get3A_1658, %get3A_1659] {strides = array<i32>} : memref<8x256xf32, #tpu.memory_space<vmem>>, vector<1x16xf32>,
    %get3A_1661 = vector.shape_cast %get3A_1660 : vector<1x16xf32> to vector<16xf32>
    %get3A_1662 = arith.constant 2 : i32
    %get3A_1663 = arith.index_cast %get3A_1662 : i32 to index
    %get3A_1664 = arith.constant 96 : index
    %get3A_1665 = tpu.vector_load %arg4[%get3A_1663, %get3A_1664] {strides = array<i32>} : memref<8x256xf32, #tpu.memory_space<vmem>>, vector<1x16xf32>,
    %get3A_1666 = vector.shape_cast %get3A_1665 : vector<1x16xf32> to vector<16xf32>
    %get3A_1667 = arith.constant 3 : i32
    %get3A_1668 = arith.index_cast %get3A_1667 : i32 to index
    %get3A_1669 = arith.constant 96 : index
    %get3A_1670 = tpu.vector_load %arg4[%get3A_1668, %get3A_1669] {strides = array<i32>} : memref<8x256xf32, #tpu.memory_space<vmem>>, vector<1x16xf32>,
    %get3A_1671 = vector.shape_cast %get3A_1670 : vector<1x16xf32> to vector<16xf32>
    %get3A_1672 = arith.constant 4 : i32
    %get3A_1673 = arith.index_cast %get3A_1672 : i32 to index
    %get3A_1674 = arith.constant 96 : index
    %get3A_1675 = tpu.vector_load %arg4[%get3A_1673, %get3A_1674] {strides = array<i32>} : memref<8x256xf32, #tpu.memory_space<vmem>>, vector<1x16xf32>,
    %get3A_1676 = vector.shape_cast %get3A_1675 : vector<1x16xf32> to vector<16xf32>
    %get3A_1677 = arith.constant 5 : i32
    %get3A_1678 = arith.index_cast %get3A_1677 : i32 to index
    %get3A_1679 = arith.constant 96 : index
    %get3A_1680 = tpu.vector_load %arg4[%get3A_1678, %get3A_1679] {strides = array<i32>} : memref<8x256xf32, #tpu.memory_space<vmem>>, vector<1x16xf32>,
    %get3A_1681 = vector.shape_cast %get3A_1680 : vector<1x16xf32> to vector<16xf32>
    %get3A_1682 = arith.constant 6 : i32
    %get3A_1683 = arith.index_cast %get3A_1682 : i32 to index
    %get3A_1684 = arith.constant 96 : index
    %get3A_1685 = tpu.vector_load %arg4[%get3A_1683, %get3A_1684] {strides = array<i32>} : memref<8x256xf32, #tpu.memory_space<vmem>>, vector<1x16xf32>,
    %get3A_1686 = vector.shape_cast %get3A_1685 : vector<1x16xf32> to vector<16xf32>
    %get3A_1687 = arith.constant 7 : i32
    %get3A_1688 = arith.index_cast %get3A_1687 : i32 to index
    %get3A_1689 = arith.constant 96 : index
    %get3A_1690 = tpu.vector_load %arg4[%get3A_1688, %get3A_1689] {strides = array<i32>} : memref<8x256xf32, #tpu.memory_space<vmem>>, vector<1x16xf32>,
    %get3A_1691 = vector.shape_cast %get3A_1690 : vector<1x16xf32> to vector<16xf32>
    %broadcast_in_dim3A_1692 = arith.constant 0 : i32
    %broadcast_in_dim3A_1693 = vector.broadcast %broadcast_in_dim3A_1692 : i32 to vector<16xi32>
    %gt3A_1694 = arith.cmpf ogt, %get3A_1661, %get3A_1656 : vector<16xf32>
    %select_n3A_1695 = arith.select %gt3A_1694, %get3A_1661, %get3A_1656 : vector<16xi1>, vector<16xf32>
    %broadcast_in_dim3A_1696 = arith.constant 1 : i32
    %broadcast_in_dim3A_1697 = vector.broadcast %broadcast_in_dim3A_1696 : i32 to vector<16xi32>
    %select_n3A_1698 = arith.select %gt3A_1694, %broadcast_in_dim3A_1697, %broadcast_in_dim3A_1693 : vector<16xi1>, vector<16xi32>
    %gt3A_1699 = arith.cmpf ogt, %get3A_1666, %select_n3A_1695 : vector<16xf32>
    %select_n3A_1700 = arith.select %gt3A_1699, %get3A_1666, %select_n3A_1695 : vector<16xi1>, vector<16xf32>
    %broadcast_in_dim3A_1701 = arith.constant 2 : i32
    %broadcast_in_dim3A_1702 = vector.broadcast %broadcast_in_dim3A_1701 : i32 to vector<16xi32>
    %select_n3A_1703 = arith.select %gt3A_1699, %broadcast_in_dim3A_1702, %select_n3A_1698 : vector<16xi1>, vector<16xi32>
    %gt3A_1704 = arith.cmpf ogt, %get3A_1671, %select_n3A_1700 : vector<16xf32>
    %select_n3A_1705 = arith.select %gt3A_1704, %get3A_1671, %select_n3A_1700 : vector<16xi1>, vector<16xf32>
    %broadcast_in_dim3A_1706 = arith.constant 3 : i32
    %broadcast_in_dim3A_1707 = vector.broadcast %broadcast_in_dim3A_1706 : i32 to vector<16xi32>
    %select_n3A_1708 = arith.select %gt3A_1704, %broadcast_in_dim3A_1707, %select_n3A_1703 : vector<16xi1>, vector<16xi32>
    %gt3A_1709 = arith.cmpf ogt, %get3A_1676, %select_n3A_1705 : vector<16xf32>
    %select_n3A_1710 = arith.select %gt3A_1709, %get3A_1676, %select_n3A_1705 : vector<16xi1>, vector<16xf32>
    %broadcast_in_dim3A_1711 = arith.constant 4 : i32
    %broadcast_in_dim3A_1712 = vector.broadcast %broadcast_in_dim3A_1711 : i32 to vector<16xi32>
    %select_n3A_1713 = arith.select %gt3A_1709, %broadcast_in_dim3A_1712, %select_n3A_1708 : vector<16xi1>, vector<16xi32>
    %gt3A_1714 = arith.cmpf ogt, %get3A_1681, %select_n3A_1710 : vector<16xf32>
    %select_n3A_1715 = arith.select %gt3A_1714, %get3A_1681, %select_n3A_1710 : vector<16xi1>, vector<16xf32>
    %broadcast_in_dim3A_1716 = arith.constant 5 : i32
    %broadcast_in_dim3A_1717 = vector.broadcast %broadcast_in_dim3A_1716 : i32 to vector<16xi32>
    %select_n3A_1718 = arith.select %gt3A_1714, %broadcast_in_dim3A_1717, %select_n3A_1713 : vector<16xi1>, vector<16xi32>
    %gt3A_1719 = arith.cmpf ogt, %get3A_1686, %select_n3A_1715 : vector<16xf32>
    %select_n3A_1720 = arith.select %gt3A_1719, %get3A_1686, %select_n3A_1715 : vector<16xi1>, vector<16xf32>
    %broadcast_in_dim3A_1721 = arith.constant 6 : i32
    %broadcast_in_dim3A_1722 = vector.broadcast %broadcast_in_dim3A_1721 : i32 to vector<16xi32>
    %select_n3A_1723 = arith.select %gt3A_1719, %broadcast_in_dim3A_1722, %select_n3A_1718 : vector<16xi1>, vector<16xi32>
    %gt3A_1724 = arith.cmpf ogt, %get3A_1691, %select_n3A_1720 : vector<16xf32>
    %select_n3A_1725 = arith.select %gt3A_1724, %get3A_1691, %select_n3A_1720 : vector<16xi1>, vector<16xf32>
    %broadcast_in_dim3A_1726 = arith.constant 7 : i32
    %broadcast_in_dim3A_1727 = vector.broadcast %broadcast_in_dim3A_1726 : i32 to vector<16xi32>
    %select_n3A_1728 = arith.select %gt3A_1724, %broadcast_in_dim3A_1727, %select_n3A_1723 : vector<16xi1>, vector<16xi32>
    %broadcast_in_dim3A_1729 = arith.constant 0 : i32
    %broadcast_in_dim3A_1730 = vector.broadcast %broadcast_in_dim3A_1729 : i32 to vector<16xi32>
    %eq3A_1731 = arith.constant 0 : i32
    %eq3A_1732 = vector.broadcast %eq3A_1731 : i32 to vector<16xi32>
    %eq3A_1733 = arith.cmpi eq, %select_n3A_1728, %eq3A_1732 : vector<16xi32>
    %select_n3A_1734 = arith.select %eq3A_1733, %broadcast_in_dim3A_3, %get3A_1656 : vector<16xi1>, vector<16xf32>
    %gt3A_1735 = arith.cmpf ogt, %select_n3A_1734, %broadcast_in_dim3A_3 : vector<16xf32>
    %select_n3A_1736 = arith.select %gt3A_1735, %select_n3A_1734, %broadcast_in_dim3A_3 : vector<16xi1>, vector<16xf32>
    %broadcast_in_dim3A_1737 = arith.constant 0 : i32
    %broadcast_in_dim3A_1738 = vector.broadcast %broadcast_in_dim3A_1737 : i32 to vector<16xi32>
    %select_n3A_1739 = arith.select %gt3A_1735, %broadcast_in_dim3A_1738, %broadcast_in_dim3A_1730 : vector<16xi1>, vector<16xi32>
    %eq3A_1740 = arith.constant 1 : i32
    %eq3A_1741 = vector.broadcast %eq3A_1740 : i32 to vector<16xi32>
    %eq3A_1742 = arith.cmpi eq, %select_n3A_1728, %eq3A_1741 : vector<16xi32>
    %select_n3A_1743 = arith.select %eq3A_1742, %broadcast_in_dim3A_3, %get3A_1661 : vector<16xi1>, vector<16xf32>
    %gt3A_1744 = arith.cmpf ogt, %select_n3A_1743, %select_n3A_1736 : vector<16xf32>
    %select_n3A_1745 = arith.select %gt3A_1744, %select_n3A_1743, %select_n3A_1736 : vector<16xi1>, vector<16xf32>
    %broadcast_in_dim3A_1746 = arith.constant 1 : i32
    %broadcast_in_dim3A_1747 = vector.broadcast %broadcast_in_dim3A_1746 : i32 to vector<16xi32>
    %select_n3A_1748 = arith.select %gt3A_1744, %broadcast_in_dim3A_1747, %select_n3A_1739 : vector<16xi1>, vector<16xi32>
    %eq3A_1749 = arith.constant 2 : i32
    %eq3A_1750 = vector.broadcast %eq3A_1749 : i32 to vector<16xi32>
    %eq3A_1751 = arith.cmpi eq, %select_n3A_1728, %eq3A_1750 : vector<16xi32>
    %select_n3A_1752 = arith.select %eq3A_1751, %broadcast_in_dim3A_3, %get3A_1666 : vector<16xi1>, vector<16xf32>
    %gt3A_1753 = arith.cmpf ogt, %select_n3A_1752, %select_n3A_1745 : vector<16xf32>
    %select_n3A_1754 = arith.select %gt3A_1753, %select_n3A_1752, %select_n3A_1745 : vector<16xi1>, vector<16xf32>
    %broadcast_in_dim3A_1755 = arith.constant 2 : i32
    %broadcast_in_dim3A_1756 = vector.broadcast %broadcast_in_dim3A_1755 : i32 to vector<16xi32>
    %select_n3A_1757 = arith.select %gt3A_1753, %broadcast_in_dim3A_1756, %select_n3A_1748 : vector<16xi1>, vector<16xi32>
    %eq3A_1758 = arith.constant 3 : i32
    %eq3A_1759 = vector.broadcast %eq3A_1758 : i32 to vector<16xi32>
    %eq3A_1760 = arith.cmpi eq, %select_n3A_1728, %eq3A_1759 : vector<16xi32>
    %select_n3A_1761 = arith.select %eq3A_1760, %broadcast_in_dim3A_3, %get3A_1671 : vector<16xi1>, vector<16xf32>
    %gt3A_1762 = arith.cmpf ogt, %select_n3A_1761, %select_n3A_1754 : vector<16xf32>
    %select_n3A_1763 = arith.select %gt3A_1762, %select_n3A_1761, %select_n3A_1754 : vector<16xi1>, vector<16xf32>
    %broadcast_in_dim3A_1764 = arith.constant 3 : i32
    %broadcast_in_dim3A_1765 = vector.broadcast %broadcast_in_dim3A_1764 : i32 to vector<16xi32>
    %select_n3A_1766 = arith.select %gt3A_1762, %broadcast_in_dim3A_1765, %select_n3A_1757 : vector<16xi1>, vector<16xi32>
    %eq3A_1767 = arith.constant 4 : i32
    %eq3A_1768 = vector.broadcast %eq3A_1767 : i32 to vector<16xi32>
    %eq3A_1769 = arith.cmpi eq, %select_n3A_1728, %eq3A_1768 : vector<16xi32>
    %select_n3A_1770 = arith.select %eq3A_1769, %broadcast_in_dim3A_3, %get3A_1676 : vector<16xi1>, vector<16xf32>
    %gt3A_1771 = arith.cmpf ogt, %select_n3A_1770, %select_n3A_1763 : vector<16xf32>
    %select_n3A_1772 = arith.select %gt3A_1771, %select_n3A_1770, %select_n3A_1763 : vector<16xi1>, vector<16xf32>
    %broadcast_in_dim3A_1773 = arith.constant 4 : i32
    %broadcast_in_dim3A_1774 = vector.broadcast %broadcast_in_dim3A_1773 : i32 to vector<16xi32>
    %select_n3A_1775 = arith.select %gt3A_1771, %broadcast_in_dim3A_1774, %select_n3A_1766 : vector<16xi1>, vector<16xi32>
    %eq3A_1776 = arith.constant 5 : i32
    %eq3A_1777 = vector.broadcast %eq3A_1776 : i32 to vector<16xi32>
    %eq3A_1778 = arith.cmpi eq, %select_n3A_1728, %eq3A_1777 : vector<16xi32>
    %select_n3A_1779 = arith.select %eq3A_1778, %broadcast_in_dim3A_3, %get3A_1681 : vector<16xi1>, vector<16xf32>
    %gt3A_1780 = arith.cmpf ogt, %select_n3A_1779, %select_n3A_1772 : vector<16xf32>
    %select_n3A_1781 = arith.select %gt3A_1780, %select_n3A_1779, %select_n3A_1772 : vector<16xi1>, vector<16xf32>
    %broadcast_in_dim3A_1782 = arith.constant 5 : i32
    %broadcast_in_dim3A_1783 = vector.broadcast %broadcast_in_dim3A_1782 : i32 to vector<16xi32>
    %select_n3A_1784 = arith.select %gt3A_1780, %broadcast_in_dim3A_1783, %select_n3A_1775 : vector<16xi1>, vector<16xi32>
    %eq3A_1785 = arith.constant 6 : i32
    %eq3A_1786 = vector.broadcast %eq3A_1785 : i32 to vector<16xi32>
    %eq3A_1787 = arith.cmpi eq, %select_n3A_1728, %eq3A_1786 : vector<16xi32>
    %select_n3A_1788 = arith.select %eq3A_1787, %broadcast_in_dim3A_3, %get3A_1686 : vector<16xi1>, vector<16xf32>
    %gt3A_1789 = arith.cmpf ogt, %select_n3A_1788, %select_n3A_1781 : vector<16xf32>
    %select_n3A_1790 = arith.select %gt3A_1789, %select_n3A_1788, %select_n3A_1781 : vector<16xi1>, vector<16xf32>
    %broadcast_in_dim3A_1791 = arith.constant 6 : i32
    %broadcast_in_dim3A_1792 = vector.broadcast %broadcast_in_dim3A_1791 : i32 to vector<16xi32>
    %select_n3A_1793 = arith.select %gt3A_1789, %broadcast_in_dim3A_1792, %select_n3A_1784 : vector<16xi1>, vector<16xi32>
    %eq3A_1794 = arith.constant 7 : i32
    %eq3A_1795 = vector.broadcast %eq3A_1794 : i32 to vector<16xi32>
    %eq3A_1796 = arith.cmpi eq, %select_n3A_1728, %eq3A_1795 : vector<16xi32>
    %select_n3A_1797 = arith.select %eq3A_1796, %broadcast_in_dim3A_3, %get3A_1691 : vector<16xi1>, vector<16xf32>
    %gt3A_1798 = arith.cmpf ogt, %select_n3A_1797, %select_n3A_1790 : vector<16xf32>
    %select_n3A_1799 = arith.select %gt3A_1798, %select_n3A_1797, %select_n3A_1790 : vector<16xi1>, vector<16xf32>
    %broadcast_in_dim3A_1800 = arith.constant 7 : i32
    %broadcast_in_dim3A_1801 = vector.broadcast %broadcast_in_dim3A_1800 : i32 to vector<16xi32>
    %select_n3A_1802 = arith.select %gt3A_1798, %broadcast_in_dim3A_1801, %select_n3A_1793 : vector<16xi1>, vector<16xi32>
    %sub3A_1803 = arith.subf %select_n3A_1799, %select_n3A_1725 : vector<16xf32>
    %exp3A_1804 = math.exp %sub3A_1803 : vector<16xf32>
    %add3A_1805 = arith.constant 1.000000e+00 : f32
    %add3A_1806 = vector.broadcast %add3A_1805 : f32 to vector<16xf32>
    %add3A_1807 = arith.addf %add3A_1806, %exp3A_1804 : vector<16xf32>
    %div3A_1808 = arith.constant 1.000000e+00 : f32
    %div3A_1809 = vector.broadcast %div3A_1808 : f32 to vector<16xf32>
    %div3A_1810 = arith.divf %div3A_1809, %add3A_1807 : vector<16xf32>
    %sub3A_1811 = arith.constant 1.000000e+00 : f32
    %sub3A_1812 = vector.broadcast %sub3A_1811 : f32 to vector<16xf32>
    %sub3A_1813 = arith.subf %sub3A_1812, %div3A_1810 : vector<16xf32>
    %broadcast_in_dim3A_1814 = arith.constant 0.000000e+00 : f32
    %broadcast_in_dim3A_1815 = vector.broadcast %broadcast_in_dim3A_1814 : f32 to vector<16xf32>
    %eq3A_1816 = arith.constant 0 : i32
    %eq3A_1817 = vector.broadcast %eq3A_1816 : i32 to vector<16xi32>
    %eq3A_1818 = arith.cmpi eq, %select_n3A_1728, %eq3A_1817 : vector<16xi32>
    %eq3A_1819 = arith.constant 0 : i32
    %eq3A_1820 = vector.broadcast %eq3A_1819 : i32 to vector<16xi32>
    %eq3A_1821 = arith.cmpi eq, %select_n3A_1802, %eq3A_1820 : vector<16xi32>
    %select_n3A_1822 = arith.select %eq3A_1821, %sub3A_1813, %broadcast_in_dim3A_1815 : vector<16xi1>, vector<16xf32>
    %select_n3A_1823 = arith.select %eq3A_1818, %div3A_1810, %select_n3A_1822 : vector<16xi1>, vector<16xf32>
    %swap3A_1824 = arith.constant 0 : i32
    %swap3A_1825 = arith.index_cast %swap3A_1824 : i32 to index
    %swap3A_1826 = arith.constant 96 : index
    %swap3A_1827 = tpu.vector_load %arg5[%swap3A_1825, %swap3A_1826] {strides = array<i32>} : memref<8x256xf32, #tpu.memory_space<vmem>>, vector<1x16xf32>,
    %swap3A_1828 = vector.shape_cast %swap3A_1827 : vector<1x16xf32> to vector<16xf32>
    %swap3A_1829 = vector.shape_cast %select_n3A_1823 : vector<16xf32> to vector<1x16xf32>
    tpu.vector_store %arg5[%swap3A_1825, %swap3A_1826], %swap3A_1829 {strides = array<i32>} : memref<8x256xf32, #tpu.memory_space<vmem>>, vector<1x16xf32>,
    %eq3A_1830 = arith.constant 1 : i32
    %eq3A_1831 = vector.broadcast %eq3A_1830 : i32 to vector<16xi32>
    %eq3A_1832 = arith.cmpi eq, %select_n3A_1728, %eq3A_1831 : vector<16xi32>
    %eq3A_1833 = arith.constant 1 : i32
    %eq3A_1834 = vector.broadcast %eq3A_1833 : i32 to vector<16xi32>
    %eq3A_1835 = arith.cmpi eq, %select_n3A_1802, %eq3A_1834 : vector<16xi32>
    %select_n3A_1836 = arith.select %eq3A_1835, %sub3A_1813, %broadcast_in_dim3A_1815 : vector<16xi1>, vector<16xf32>
    %select_n3A_1837 = arith.select %eq3A_1832, %div3A_1810, %select_n3A_1836 : vector<16xi1>, vector<16xf32>
    %swap3A_1838 = arith.constant 1 : i32
    %swap3A_1839 = arith.index_cast %swap3A_1838 : i32 to index
    %swap3A_1840 = arith.constant 96 : index
    %swap3A_1841 = tpu.vector_load %arg5[%swap3A_1839, %swap3A_1840] {strides = array<i32>} : memref<8x256xf32, #tpu.memory_space<vmem>>, vector<1x16xf32>,
    %swap3A_1842 = vector.shape_cast %swap3A_1841 : vector<1x16xf32> to vector<16xf32>
    %swap3A_1843 = vector.shape_cast %select_n3A_1837 : vector<16xf32> to vector<1x16xf32>
    tpu.vector_store %arg5[%swap3A_1839, %swap3A_1840], %swap3A_1843 {strides = array<i32>} : memref<8x256xf32, #tpu.memory_space<vmem>>, vector<1x16xf32>,
    %eq3A_1844 = arith.constant 2 : i32
    %eq3A_1845 = vector.broadcast %eq3A_1844 : i32 to vector<16xi32>
    %eq3A_1846 = arith.cmpi eq, %select_n3A_1728, %eq3A_1845 : vector<16xi32>
    %eq3A_1847 = arith.constant 2 : i32
    %eq3A_1848 = vector.broadcast %eq3A_1847 : i32 to vector<16xi32>
    %eq3A_1849 = arith.cmpi eq, %select_n3A_1802, %eq3A_1848 : vector<16xi32>
    %select_n3A_1850 = arith.select %eq3A_1849, %sub3A_1813, %broadcast_in_dim3A_1815 : vector<16xi1>, vector<16xf32>
    %select_n3A_1851 = arith.select %eq3A_1846, %div3A_1810, %select_n3A_1850 : vector<16xi1>, vector<16xf32>
    %swap3A_1852 = arith.constant 2 : i32
    %swap3A_1853 = arith.index_cast %swap3A_1852 : i32 to index
    %swap3A_1854 = arith.constant 96 : index
    %swap3A_1855 = tpu.vector_load %arg5[%swap3A_1853, %swap3A_1854] {strides = array<i32>} : memref<8x256xf32, #tpu.memory_space<vmem>>, vector<1x16xf32>,
    %swap3A_1856 = vector.shape_cast %swap3A_1855 : vector<1x16xf32> to vector<16xf32>
    %swap3A_1857 = vector.shape_cast %select_n3A_1851 : vector<16xf32> to vector<1x16xf32>
    tpu.vector_store %arg5[%swap3A_1853, %swap3A_1854], %swap3A_1857 {strides = array<i32>} : memref<8x256xf32, #tpu.memory_space<vmem>>, vector<1x16xf32>,
    %eq3A_1858 = arith.constant 3 : i32
    %eq3A_1859 = vector.broadcast %eq3A_1858 : i32 to vector<16xi32>
    %eq3A_1860 = arith.cmpi eq, %select_n3A_1728, %eq3A_1859 : vector<16xi32>
    %eq3A_1861 = arith.constant 3 : i32
    %eq3A_1862 = vector.broadcast %eq3A_1861 : i32 to vector<16xi32>
    %eq3A_1863 = arith.cmpi eq, %select_n3A_1802, %eq3A_1862 : vector<16xi32>
    %select_n3A_1864 = arith.select %eq3A_1863, %sub3A_1813, %broadcast_in_dim3A_1815 : vector<16xi1>, vector<16xf32>
    %select_n3A_1865 = arith.select %eq3A_1860, %div3A_1810, %select_n3A_1864 : vector<16xi1>, vector<16xf32>
    %swap3A_1866 = arith.constant 3 : i32
    %swap3A_1867 = arith.index_cast %swap3A_1866 : i32 to index
    %swap3A_1868 = arith.constant 96 : index
    %swap3A_1869 = tpu.vector_load %arg5[%swap3A_1867, %swap3A_1868] {strides = array<i32>} : memref<8x256xf32, #tpu.memory_space<vmem>>, vector<1x16xf32>,
    %swap3A_1870 = vector.shape_cast %swap3A_1869 : vector<1x16xf32> to vector<16xf32>
    %swap3A_1871 = vector.shape_cast %select_n3A_1865 : vector<16xf32> to vector<1x16xf32>
    tpu.vector_store %arg5[%swap3A_1867, %swap3A_1868], %swap3A_1871 {strides = array<i32>} : memref<8x256xf32, #tpu.memory_space<vmem>>, vector<1x16xf32>,
    %eq3A_1872 = arith.constant 4 : i32
    %eq3A_1873 = vector.broadcast %eq3A_1872 : i32 to vector<16xi32>
    %eq3A_1874 = arith.cmpi eq, %select_n3A_1728, %eq3A_1873 : vector<16xi32>
    %eq3A_1875 = arith.constant 4 : i32
    %eq3A_1876 = vector.broadcast %eq3A_1875 : i32 to vector<16xi32>
    %eq3A_1877 = arith.cmpi eq, %select_n3A_1802, %eq3A_1876 : vector<16xi32>
    %select_n3A_1878 = arith.select %eq3A_1877, %sub3A_1813, %broadcast_in_dim3A_1815 : vector<16xi1>, vector<16xf32>
    %select_n3A_1879 = arith.select %eq3A_1874, %div3A_1810, %select_n3A_1878 : vector<16xi1>, vector<16xf32>
    %swap3A_1880 = arith.constant 4 : i32
    %swap3A_1881 = arith.index_cast %swap3A_1880 : i32 to index
    %swap3A_1882 = arith.constant 96 : index
    %swap3A_1883 = tpu.vector_load %arg5[%swap3A_1881, %swap3A_1882] {strides = array<i32>} : memref<8x256xf32, #tpu.memory_space<vmem>>, vector<1x16xf32>,
    %swap3A_1884 = vector.shape_cast %swap3A_1883 : vector<1x16xf32> to vector<16xf32>
    %swap3A_1885 = vector.shape_cast %select_n3A_1879 : vector<16xf32> to vector<1x16xf32>
    tpu.vector_store %arg5[%swap3A_1881, %swap3A_1882], %swap3A_1885 {strides = array<i32>} : memref<8x256xf32, #tpu.memory_space<vmem>>, vector<1x16xf32>,
    %eq3A_1886 = arith.constant 5 : i32
    %eq3A_1887 = vector.broadcast %eq3A_1886 : i32 to vector<16xi32>
    %eq3A_1888 = arith.cmpi eq, %select_n3A_1728, %eq3A_1887 : vector<16xi32>
    %eq3A_1889 = arith.constant 5 : i32
    %eq3A_1890 = vector.broadcast %eq3A_1889 : i32 to vector<16xi32>
    %eq3A_1891 = arith.cmpi eq, %select_n3A_1802, %eq3A_1890 : vector<16xi32>
    %select_n3A_1892 = arith.select %eq3A_1891, %sub3A_1813, %broadcast_in_dim3A_1815 : vector<16xi1>, vector<16xf32>
    %select_n3A_1893 = arith.select %eq3A_1888, %div3A_1810, %select_n3A_1892 : vector<16xi1>, vector<16xf32>
    %swap3A_1894 = arith.constant 5 : i32
    %swap3A_1895 = arith.index_cast %swap3A_1894 : i32 to index
    %swap3A_1896 = arith.constant 96 : index
    %swap3A_1897 = tpu.vector_load %arg5[%swap3A_1895, %swap3A_1896] {strides = array<i32>} : memref<8x256xf32, #tpu.memory_space<vmem>>, vector<1x16xf32>,
    %swap3A_1898 = vector.shape_cast %swap3A_1897 : vector<1x16xf32> to vector<16xf32>
    %swap3A_1899 = vector.shape_cast %select_n3A_1893 : vector<16xf32> to vector<1x16xf32>
    tpu.vector_store %arg5[%swap3A_1895, %swap3A_1896], %swap3A_1899 {strides = array<i32>} : memref<8x256xf32, #tpu.memory_space<vmem>>, vector<1x16xf32>,
    %eq3A_1900 = arith.constant 6 : i32
    %eq3A_1901 = vector.broadcast %eq3A_1900 : i32 to vector<16xi32>
    %eq3A_1902 = arith.cmpi eq, %select_n3A_1728, %eq3A_1901 : vector<16xi32>
    %eq3A_1903 = arith.constant 6 : i32
    %eq3A_1904 = vector.broadcast %eq3A_1903 : i32 to vector<16xi32>
    %eq3A_1905 = arith.cmpi eq, %select_n3A_1802, %eq3A_1904 : vector<16xi32>
    %select_n3A_1906 = arith.select %eq3A_1905, %sub3A_1813, %broadcast_in_dim3A_1815 : vector<16xi1>, vector<16xf32>
    %select_n3A_1907 = arith.select %eq3A_1902, %div3A_1810, %select_n3A_1906 : vector<16xi1>, vector<16xf32>
    %swap3A_1908 = arith.constant 6 : i32
    %swap3A_1909 = arith.index_cast %swap3A_1908 : i32 to index
    %swap3A_1910 = arith.constant 96 : index
    %swap3A_1911 = tpu.vector_load %arg5[%swap3A_1909, %swap3A_1910] {strides = array<i32>} : memref<8x256xf32, #tpu.memory_space<vmem>>, vector<1x16xf32>,
    %swap3A_1912 = vector.shape_cast %swap3A_1911 : vector<1x16xf32> to vector<16xf32>
    %swap3A_1913 = vector.shape_cast %select_n3A_1907 : vector<16xf32> to vector<1x16xf32>
    tpu.vector_store %arg5[%swap3A_1909, %swap3A_1910], %swap3A_1913 {strides = array<i32>} : memref<8x256xf32, #tpu.memory_space<vmem>>, vector<1x16xf32>,
    %eq3A_1914 = arith.constant 7 : i32
    %eq3A_1915 = vector.broadcast %eq3A_1914 : i32 to vector<16xi32>
    %eq3A_1916 = arith.cmpi eq, %select_n3A_1728, %eq3A_1915 : vector<16xi32>
    %eq3A_1917 = arith.constant 7 : i32
    %eq3A_1918 = vector.broadcast %eq3A_1917 : i32 to vector<16xi32>
    %eq3A_1919 = arith.cmpi eq, %select_n3A_1802, %eq3A_1918 : vector<16xi32>
    %select_n3A_1920 = arith.select %eq3A_1919, %sub3A_1813, %broadcast_in_dim3A_1815 : vector<16xi1>, vector<16xf32>
    %select_n3A_1921 = arith.select %eq3A_1916, %div3A_1810, %select_n3A_1920 : vector<16xi1>, vector<16xf32>
    %swap3A_1922 = arith.constant 7 : i32
    %swap3A_1923 = arith.index_cast %swap3A_1922 : i32 to index
    %swap3A_1924 = arith.constant 96 : index
    %swap3A_1925 = tpu.vector_load %arg5[%swap3A_1923, %swap3A_1924] {strides = array<i32>} : memref<8x256xf32, #tpu.memory_space<vmem>>, vector<1x16xf32>,
    %swap3A_1926 = vector.shape_cast %swap3A_1925 : vector<1x16xf32> to vector<16xf32>
    %swap3A_1927 = vector.shape_cast %select_n3A_1921 : vector<16xf32> to vector<1x16xf32>
    tpu.vector_store %arg5[%swap3A_1923, %swap3A_1924], %swap3A_1927 {strides = array<i32>} : memref<8x256xf32, #tpu.memory_space<vmem>>, vector<1x16xf32>,
    %get3A_1928 = arith.constant 0 : i32
    %get3A_1929 = arith.index_cast %get3A_1928 : i32 to index
    %get3A_1930 = arith.constant 112 : index
    %get3A_1931 = tpu.vector_load %arg4[%get3A_1929, %get3A_1930] {strides = array<i32>} : memref<8x256xf32, #tpu.memory_space<vmem>>, vector<1x16xf32>,
    %get3A_1932 = vector.shape_cast %get3A_1931 : vector<1x16xf32> to vector<16xf32>
    %get3A_1933 = arith.constant 1 : i32
    %get3A_1934 = arith.index_cast %get3A_1933 : i32 to index
    %get3A_1935 = arith.constant 112 : index
    %get3A_1936 = tpu.vector_load %arg4[%get3A_1934, %get3A_1935] {strides = array<i32>} : memref<8x256xf32, #tpu.memory_space<vmem>>, vector<1x16xf32>,
    %get3A_1937 = vector.shape_cast %get3A_1936 : vector<1x16xf32> to vector<16xf32>
    %get3A_1938 = arith.constant 2 : i32
    %get3A_1939 = arith.index_cast %get3A_1938 : i32 to index
    %get3A_1940 = arith.constant 112 : index
    %get3A_1941 = tpu.vector_load %arg4[%get3A_1939, %get3A_1940] {strides = array<i32>} : memref<8x256xf32, #tpu.memory_space<vmem>>, vector<1x16xf32>,
    %get3A_1942 = vector.shape_cast %get3A_1941 : vector<1x16xf32> to vector<16xf32>
    %get3A_1943 = arith.constant 3 : i32
    %get3A_1944 = arith.index_cast %get3A_1943 : i32 to index
    %get3A_1945 = arith.constant 112 : index
    %get3A_1946 = tpu.vector_load %arg4[%get3A_1944, %get3A_1945] {strides = array<i32>} : memref<8x256xf32, #tpu.memory_space<vmem>>, vector<1x16xf32>,
    %get3A_1947 = vector.shape_cast %get3A_1946 : vector<1x16xf32> to vector<16xf32>
    %get3A_1948 = arith.constant 4 : i32
    %get3A_1949 = arith.index_cast %get3A_1948 : i32 to index
    %get3A_1950 = arith.constant 112 : index
    %get3A_1951 = tpu.vector_load %arg4[%get3A_1949, %get3A_1950] {strides = array<i32>} : memref<8x256xf32, #tpu.memory_space<vmem>>, vector<1x16xf32>,
    %get3A_1952 = vector.shape_cast %get3A_1951 : vector<1x16xf32> to vector<16xf32>
    %get3A_1953 = arith.constant 5 : i32
    %get3A_1954 = arith.index_cast %get3A_1953 : i32 to index
    %get3A_1955 = arith.constant 112 : index
    %get3A_1956 = tpu.vector_load %arg4[%get3A_1954, %get3A_1955] {strides = array<i32>} : memref<8x256xf32, #tpu.memory_space<vmem>>, vector<1x16xf32>,
    %get3A_1957 = vector.shape_cast %get3A_1956 : vector<1x16xf32> to vector<16xf32>
    %get3A_1958 = arith.constant 6 : i32
    %get3A_1959 = arith.index_cast %get3A_1958 : i32 to index
    %get3A_1960 = arith.constant 112 : index
    %get3A_1961 = tpu.vector_load %arg4[%get3A_1959, %get3A_1960] {strides = array<i32>} : memref<8x256xf32, #tpu.memory_space<vmem>>, vector<1x16xf32>,
    %get3A_1962 = vector.shape_cast %get3A_1961 : vector<1x16xf32> to vector<16xf32>
    %get3A_1963 = arith.constant 7 : i32
    %get3A_1964 = arith.index_cast %get3A_1963 : i32 to index
    %get3A_1965 = arith.constant 112 : index
    %get3A_1966 = tpu.vector_load %arg4[%get3A_1964, %get3A_1965] {strides = array<i32>} : memref<8x256xf32, #tpu.memory_space<vmem>>, vector<1x16xf32>,
    %get3A_1967 = vector.shape_cast %get3A_1966 : vector<1x16xf32> to vector<16xf32>
    %broadcast_in_dim3A_1968 = arith.constant 0 : i32
    %broadcast_in_dim3A_1969 = vector.broadcast %broadcast_in_dim3A_1968 : i32 to vector<16xi32>
    %gt3A_1970 = arith.cmpf ogt, %get3A_1937, %get3A_1932 : vector<16xf32>
    %select_n3A_1971 = arith.select %gt3A_1970, %get3A_1937, %get3A_1932 : vector<16xi1>, vector<16xf32>
    %broadcast_in_dim3A_1972 = arith.constant 1 : i32
    %broadcast_in_dim3A_1973 = vector.broadcast %broadcast_in_dim3A_1972 : i32 to vector<16xi32>
    %select_n3A_1974 = arith.select %gt3A_1970, %broadcast_in_dim3A_1973, %broadcast_in_dim3A_1969 : vector<16xi1>, vector<16xi32>
    %gt3A_1975 = arith.cmpf ogt, %get3A_1942, %select_n3A_1971 : vector<16xf32>
    %select_n3A_1976 = arith.select %gt3A_1975, %get3A_1942, %select_n3A_1971 : vector<16xi1>, vector<16xf32>
    %broadcast_in_dim3A_1977 = arith.constant 2 : i32
    %broadcast_in_dim3A_1978 = vector.broadcast %broadcast_in_dim3A_1977 : i32 to vector<16xi32>
    %select_n3A_1979 = arith.select %gt3A_1975, %broadcast_in_dim3A_1978, %select_n3A_1974 : vector<16xi1>, vector<16xi32>
    %gt3A_1980 = arith.cmpf ogt, %get3A_1947, %select_n3A_1976 : vector<16xf32>
    %select_n3A_1981 = arith.select %gt3A_1980, %get3A_1947, %select_n3A_1976 : vector<16xi1>, vector<16xf32>
    %broadcast_in_dim3A_1982 = arith.constant 3 : i32
    %broadcast_in_dim3A_1983 = vector.broadcast %broadcast_in_dim3A_1982 : i32 to vector<16xi32>
    %select_n3A_1984 = arith.select %gt3A_1980, %broadcast_in_dim3A_1983, %select_n3A_1979 : vector<16xi1>, vector<16xi32>
    %gt3A_1985 = arith.cmpf ogt, %get3A_1952, %select_n3A_1981 : vector<16xf32>
    %select_n3A_1986 = arith.select %gt3A_1985, %get3A_1952, %select_n3A_1981 : vector<16xi1>, vector<16xf32>
    %broadcast_in_dim3A_1987 = arith.constant 4 : i32
    %broadcast_in_dim3A_1988 = vector.broadcast %broadcast_in_dim3A_1987 : i32 to vector<16xi32>
    %select_n3A_1989 = arith.select %gt3A_1985, %broadcast_in_dim3A_1988, %select_n3A_1984 : vector<16xi1>, vector<16xi32>
    %gt3A_1990 = arith.cmpf ogt, %get3A_1957, %select_n3A_1986 : vector<16xf32>
    %select_n3A_1991 = arith.select %gt3A_1990, %get3A_1957, %select_n3A_1986 : vector<16xi1>, vector<16xf32>
    %broadcast_in_dim3A_1992 = arith.constant 5 : i32
    %broadcast_in_dim3A_1993 = vector.broadcast %broadcast_in_dim3A_1992 : i32 to vector<16xi32>
    %select_n3A_1994 = arith.select %gt3A_1990, %broadcast_in_dim3A_1993, %select_n3A_1989 : vector<16xi1>, vector<16xi32>
    %gt3A_1995 = arith.cmpf ogt, %get3A_1962, %select_n3A_1991 : vector<16xf32>
    %select_n3A_1996 = arith.select %gt3A_1995, %get3A_1962, %select_n3A_1991 : vector<16xi1>, vector<16xf32>
    %broadcast_in_dim3A_1997 = arith.constant 6 : i32
    %broadcast_in_dim3A_1998 = vector.broadcast %broadcast_in_dim3A_1997 : i32 to vector<16xi32>
    %select_n3A_1999 = arith.select %gt3A_1995, %broadcast_in_dim3A_1998, %select_n3A_1994 : vector<16xi1>, vector<16xi32>
    %gt3A_2000 = arith.cmpf ogt, %get3A_1967, %select_n3A_1996 : vector<16xf32>
    %select_n3A_2001 = arith.select %gt3A_2000, %get3A_1967, %select_n3A_1996 : vector<16xi1>, vector<16xf32>
    %broadcast_in_dim3A_2002 = arith.constant 7 : i32
    %broadcast_in_dim3A_2003 = vector.broadcast %broadcast_in_dim3A_2002 : i32 to vector<16xi32>
    %select_n3A_2004 = arith.select %gt3A_2000, %broadcast_in_dim3A_2003, %select_n3A_1999 : vector<16xi1>, vector<16xi32>
    %broadcast_in_dim3A_2005 = arith.constant 0 : i32
    %broadcast_in_dim3A_2006 = vector.broadcast %broadcast_in_dim3A_2005 : i32 to vector<16xi32>
    %eq3A_2007 = arith.constant 0 : i32
    %eq3A_2008 = vector.broadcast %eq3A_2007 : i32 to vector<16xi32>
    %eq3A_2009 = arith.cmpi eq, %select_n3A_2004, %eq3A_2008 : vector<16xi32>
    %select_n3A_2010 = arith.select %eq3A_2009, %broadcast_in_dim3A_3, %get3A_1932 : vector<16xi1>, vector<16xf32>
    %gt3A_2011 = arith.cmpf ogt, %select_n3A_2010, %broadcast_in_dim3A_3 : vector<16xf32>
    %select_n3A_2012 = arith.select %gt3A_2011, %select_n3A_2010, %broadcast_in_dim3A_3 : vector<16xi1>, vector<16xf32>
    %broadcast_in_dim3A_2013 = arith.constant 0 : i32
    %broadcast_in_dim3A_2014 = vector.broadcast %broadcast_in_dim3A_2013 : i32 to vector<16xi32>
    %select_n3A_2015 = arith.select %gt3A_2011, %broadcast_in_dim3A_2014, %broadcast_in_dim3A_2006 : vector<16xi1>, vector<16xi32>
    %eq3A_2016 = arith.constant 1 : i32
    %eq3A_2017 = vector.broadcast %eq3A_2016 : i32 to vector<16xi32>
    %eq3A_2018 = arith.cmpi eq, %select_n3A_2004, %eq3A_2017 : vector<16xi32>
    %select_n3A_2019 = arith.select %eq3A_2018, %broadcast_in_dim3A_3, %get3A_1937 : vector<16xi1>, vector<16xf32>
    %gt3A_2020 = arith.cmpf ogt, %select_n3A_2019, %select_n3A_2012 : vector<16xf32>
    %select_n3A_2021 = arith.select %gt3A_2020, %select_n3A_2019, %select_n3A_2012 : vector<16xi1>, vector<16xf32>
    %broadcast_in_dim3A_2022 = arith.constant 1 : i32
    %broadcast_in_dim3A_2023 = vector.broadcast %broadcast_in_dim3A_2022 : i32 to vector<16xi32>
    %select_n3A_2024 = arith.select %gt3A_2020, %broadcast_in_dim3A_2023, %select_n3A_2015 : vector<16xi1>, vector<16xi32>
    %eq3A_2025 = arith.constant 2 : i32
    %eq3A_2026 = vector.broadcast %eq3A_2025 : i32 to vector<16xi32>
    %eq3A_2027 = arith.cmpi eq, %select_n3A_2004, %eq3A_2026 : vector<16xi32>
    %select_n3A_2028 = arith.select %eq3A_2027, %broadcast_in_dim3A_3, %get3A_1942 : vector<16xi1>, vector<16xf32>
    %gt3A_2029 = arith.cmpf ogt, %select_n3A_2028, %select_n3A_2021 : vector<16xf32>
    %select_n3A_2030 = arith.select %gt3A_2029, %select_n3A_2028, %select_n3A_2021 : vector<16xi1>, vector<16xf32>
    %broadcast_in_dim3A_2031 = arith.constant 2 : i32
    %broadcast_in_dim3A_2032 = vector.broadcast %broadcast_in_dim3A_2031 : i32 to vector<16xi32>
    %select_n3A_2033 = arith.select %gt3A_2029, %broadcast_in_dim3A_2032, %select_n3A_2024 : vector<16xi1>, vector<16xi32>
    %eq3A_2034 = arith.constant 3 : i32
    %eq3A_2035 = vector.broadcast %eq3A_2034 : i32 to vector<16xi32>
    %eq3A_2036 = arith.cmpi eq, %select_n3A_2004, %eq3A_2035 : vector<16xi32>
    %select_n3A_2037 = arith.select %eq3A_2036, %broadcast_in_dim3A_3, %get3A_1947 : vector<16xi1>, vector<16xf32>
    %gt3A_2038 = arith.cmpf ogt, %select_n3A_2037, %select_n3A_2030 : vector<16xf32>
    %select_n3A_2039 = arith.select %gt3A_2038, %select_n3A_2037, %select_n3A_2030 : vector<16xi1>, vector<16xf32>
    %broadcast_in_dim3A_2040 = arith.constant 3 : i32
    %broadcast_in_dim3A_2041 = vector.broadcast %broadcast_in_dim3A_2040 : i32 to vector<16xi32>
    %select_n3A_2042 = arith.select %gt3A_2038, %broadcast_in_dim3A_2041, %select_n3A_2033 : vector<16xi1>, vector<16xi32>
    %eq3A_2043 = arith.constant 4 : i32
    %eq3A_2044 = vector.broadcast %eq3A_2043 : i32 to vector<16xi32>
    %eq3A_2045 = arith.cmpi eq, %select_n3A_2004, %eq3A_2044 : vector<16xi32>
    %select_n3A_2046 = arith.select %eq3A_2045, %broadcast_in_dim3A_3, %get3A_1952 : vector<16xi1>, vector<16xf32>
    %gt3A_2047 = arith.cmpf ogt, %select_n3A_2046, %select_n3A_2039 : vector<16xf32>
    %select_n3A_2048 = arith.select %gt3A_2047, %select_n3A_2046, %select_n3A_2039 : vector<16xi1>, vector<16xf32>
    %broadcast_in_dim3A_2049 = arith.constant 4 : i32
    %broadcast_in_dim3A_2050 = vector.broadcast %broadcast_in_dim3A_2049 : i32 to vector<16xi32>
    %select_n3A_2051 = arith.select %gt3A_2047, %broadcast_in_dim3A_2050, %select_n3A_2042 : vector<16xi1>, vector<16xi32>
    %eq3A_2052 = arith.constant 5 : i32
    %eq3A_2053 = vector.broadcast %eq3A_2052 : i32 to vector<16xi32>
    %eq3A_2054 = arith.cmpi eq, %select_n3A_2004, %eq3A_2053 : vector<16xi32>
    %select_n3A_2055 = arith.select %eq3A_2054, %broadcast_in_dim3A_3, %get3A_1957 : vector<16xi1>, vector<16xf32>
    %gt3A_2056 = arith.cmpf ogt, %select_n3A_2055, %select_n3A_2048 : vector<16xf32>
    %select_n3A_2057 = arith.select %gt3A_2056, %select_n3A_2055, %select_n3A_2048 : vector<16xi1>, vector<16xf32>
    %broadcast_in_dim3A_2058 = arith.constant 5 : i32
    %broadcast_in_dim3A_2059 = vector.broadcast %broadcast_in_dim3A_2058 : i32 to vector<16xi32>
    %select_n3A_2060 = arith.select %gt3A_2056, %broadcast_in_dim3A_2059, %select_n3A_2051 : vector<16xi1>, vector<16xi32>
    %eq3A_2061 = arith.constant 6 : i32
    %eq3A_2062 = vector.broadcast %eq3A_2061 : i32 to vector<16xi32>
    %eq3A_2063 = arith.cmpi eq, %select_n3A_2004, %eq3A_2062 : vector<16xi32>
    %select_n3A_2064 = arith.select %eq3A_2063, %broadcast_in_dim3A_3, %get3A_1962 : vector<16xi1>, vector<16xf32>
    %gt3A_2065 = arith.cmpf ogt, %select_n3A_2064, %select_n3A_2057 : vector<16xf32>
    %select_n3A_2066 = arith.select %gt3A_2065, %select_n3A_2064, %select_n3A_2057 : vector<16xi1>, vector<16xf32>
    %broadcast_in_dim3A_2067 = arith.constant 6 : i32
    %broadcast_in_dim3A_2068 = vector.broadcast %broadcast_in_dim3A_2067 : i32 to vector<16xi32>
    %select_n3A_2069 = arith.select %gt3A_2065, %broadcast_in_dim3A_2068, %select_n3A_2060 : vector<16xi1>, vector<16xi32>
    %eq3A_2070 = arith.constant 7 : i32
    %eq3A_2071 = vector.broadcast %eq3A_2070 : i32 to vector<16xi32>
    %eq3A_2072 = arith.cmpi eq, %select_n3A_2004, %eq3A_2071 : vector<16xi32>
    %select_n3A_2073 = arith.select %eq3A_2072, %broadcast_in_dim3A_3, %get3A_1967 : vector<16xi1>, vector<16xf32>
    %gt3A_2074 = arith.cmpf ogt, %select_n3A_2073, %select_n3A_2066 : vector<16xf32>
    %select_n3A_2075 = arith.select %gt3A_2074, %select_n3A_2073, %select_n3A_2066 : vector<16xi1>, vector<16xf32>
    %broadcast_in_dim3A_2076 = arith.constant 7 : i32
    %broadcast_in_dim3A_2077 = vector.broadcast %broadcast_in_dim3A_2076 : i32 to vector<16xi32>
    %select_n3A_2078 = arith.select %gt3A_2074, %broadcast_in_dim3A_2077, %select_n3A_2069 : vector<16xi1>, vector<16xi32>
    %sub3A_2079 = arith.subf %select_n3A_2075, %select_n3A_2001 : vector<16xf32>
    %exp3A_2080 = math.exp %sub3A_2079 : vector<16xf32>
    %add3A_2081 = arith.constant 1.000000e+00 : f32
    %add3A_2082 = vector.broadcast %add3A_2081 : f32 to vector<16xf32>
    %add3A_2083 = arith.addf %add3A_2082, %exp3A_2080 : vector<16xf32>
    %div3A_2084 = arith.constant 1.000000e+00 : f32
    %div3A_2085 = vector.broadcast %div3A_2084 : f32 to vector<16xf32>
    %div3A_2086 = arith.divf %div3A_2085, %add3A_2083 : vector<16xf32>
    %sub3A_2087 = arith.constant 1.000000e+00 : f32
    %sub3A_2088 = vector.broadcast %sub3A_2087 : f32 to vector<16xf32>
    %sub3A_2089 = arith.subf %sub3A_2088, %div3A_2086 : vector<16xf32>
    %broadcast_in_dim3A_2090 = arith.constant 0.000000e+00 : f32
    %broadcast_in_dim3A_2091 = vector.broadcast %broadcast_in_dim3A_2090 : f32 to vector<16xf32>
    %eq3A_2092 = arith.constant 0 : i32
    %eq3A_2093 = vector.broadcast %eq3A_2092 : i32 to vector<16xi32>
    %eq3A_2094 = arith.cmpi eq, %select_n3A_2004, %eq3A_2093 : vector<16xi32>
    %eq3A_2095 = arith.constant 0 : i32
    %eq3A_2096 = vector.broadcast %eq3A_2095 : i32 to vector<16xi32>
    %eq3A_2097 = arith.cmpi eq, %select_n3A_2078, %eq3A_2096 : vector<16xi32>
    %select_n3A_2098 = arith.select %eq3A_2097, %sub3A_2089, %broadcast_in_dim3A_2091 : vector<16xi1>, vector<16xf32>
    %select_n3A_2099 = arith.select %eq3A_2094, %div3A_2086, %select_n3A_2098 : vector<16xi1>, vector<16xf32>
    %swap3A_2100 = arith.constant 0 : i32
    %swap3A_2101 = arith.index_cast %swap3A_2100 : i32 to index
    %swap3A_2102 = arith.constant 112 : index
    %swap3A_2103 = tpu.vector_load %arg5[%swap3A_2101, %swap3A_2102] {strides = array<i32>} : memref<8x256xf32, #tpu.memory_space<vmem>>, vector<1x16xf32>,
    %swap3A_2104 = vector.shape_cast %swap3A_2103 : vector<1x16xf32> to vector<16xf32>
    %swap3A_2105 = vector.shape_cast %select_n3A_2099 : vector<16xf32> to vector<1x16xf32>
    tpu.vector_store %arg5[%swap3A_2101, %swap3A_2102], %swap3A_2105 {strides = array<i32>} : memref<8x256xf32, #tpu.memory_space<vmem>>, vector<1x16xf32>,
    %eq3A_2106 = arith.constant 1 : i32
    %eq3A_2107 = vector.broadcast %eq3A_2106 : i32 to vector<16xi32>
    %eq3A_2108 = arith.cmpi eq, %select_n3A_2004, %eq3A_2107 : vector<16xi32>
    %eq3A_2109 = arith.constant 1 : i32
    %eq3A_2110 = vector.broadcast %eq3A_2109 : i32 to vector<16xi32>
    %eq3A_2111 = arith.cmpi eq, %select_n3A_2078, %eq3A_2110 : vector<16xi32>
    %select_n3A_2112 = arith.select %eq3A_2111, %sub3A_2089, %broadcast_in_dim3A_2091 : vector<16xi1>, vector<16xf32>
    %select_n3A_2113 = arith.select %eq3A_2108, %div3A_2086, %select_n3A_2112 : vector<16xi1>, vector<16xf32>
    %swap3A_2114 = arith.constant 1 : i32
    %swap3A_2115 = arith.index_cast %swap3A_2114 : i32 to index
    %swap3A_2116 = arith.constant 112 : index
    %swap3A_2117 = tpu.vector_load %arg5[%swap3A_2115, %swap3A_2116] {strides = array<i32>} : memref<8x256xf32, #tpu.memory_space<vmem>>, vector<1x16xf32>,
    %swap3A_2118 = vector.shape_cast %swap3A_2117 : vector<1x16xf32> to vector<16xf32>
    %swap3A_2119 = vector.shape_cast %select_n3A_2113 : vector<16xf32> to vector<1x16xf32>
    tpu.vector_store %arg5[%swap3A_2115, %swap3A_2116], %swap3A_2119 {strides = array<i32>} : memref<8x256xf32, #tpu.memory_space<vmem>>, vector<1x16xf32>,
    %eq3A_2120 = arith.constant 2 : i32
    %eq3A_2121 = vector.broadcast %eq3A_2120 : i32 to vector<16xi32>
    %eq3A_2122 = arith.cmpi eq, %select_n3A_2004, %eq3A_2121 : vector<16xi32>
    %eq3A_2123 = arith.constant 2 : i32
    %eq3A_2124 = vector.broadcast %eq3A_2123 : i32 to vector<16xi32>
    %eq3A_2125 = arith.cmpi eq, %select_n3A_2078, %eq3A_2124 : vector<16xi32>
    %select_n3A_2126 = arith.select %eq3A_2125, %sub3A_2089, %broadcast_in_dim3A_2091 : vector<16xi1>, vector<16xf32>
    %select_n3A_2127 = arith.select %eq3A_2122, %div3A_2086, %select_n3A_2126 : vector<16xi1>, vector<16xf32>
    %swap3A_2128 = arith.constant 2 : i32
    %swap3A_2129 = arith.index_cast %swap3A_2128 : i32 to index
    %swap3A_2130 = arith.constant 112 : index
    %swap3A_2131 = tpu.vector_load %arg5[%swap3A_2129, %swap3A_2130] {strides = array<i32>} : memref<8x256xf32, #tpu.memory_space<vmem>>, vector<1x16xf32>,
    %swap3A_2132 = vector.shape_cast %swap3A_2131 : vector<1x16xf32> to vector<16xf32>
    %swap3A_2133 = vector.shape_cast %select_n3A_2127 : vector<16xf32> to vector<1x16xf32>
    tpu.vector_store %arg5[%swap3A_2129, %swap3A_2130], %swap3A_2133 {strides = array<i32>} : memref<8x256xf32, #tpu.memory_space<vmem>>, vector<1x16xf32>,
    %eq3A_2134 = arith.constant 3 : i32
    %eq3A_2135 = vector.broadcast %eq3A_2134 : i32 to vector<16xi32>
    %eq3A_2136 = arith.cmpi eq, %select_n3A_2004, %eq3A_2135 : vector<16xi32>
    %eq3A_2137 = arith.constant 3 : i32
    %eq3A_2138 = vector.broadcast %eq3A_2137 : i32 to vector<16xi32>
    %eq3A_2139 = arith.cmpi eq, %select_n3A_2078, %eq3A_2138 : vector<16xi32>
    %select_n3A_2140 = arith.select %eq3A_2139, %sub3A_2089, %broadcast_in_dim3A_2091 : vector<16xi1>, vector<16xf32>
    %select_n3A_2141 = arith.select %eq3A_2136, %div3A_2086, %select_n3A_2140 : vector<16xi1>, vector<16xf32>
    %swap3A_2142 = arith.constant 3 : i32
    %swap3A_2143 = arith.index_cast %swap3A_2142 : i32 to index
    %swap3A_2144 = arith.constant 112 : index
    %swap3A_2145 = tpu.vector_load %arg5[%swap3A_2143, %swap3A_2144] {strides = array<i32>} : memref<8x256xf32, #tpu.memory_space<vmem>>, vector<1x16xf32>,
    %swap3A_2146 = vector.shape_cast %swap3A_2145 : vector<1x16xf32> to vector<16xf32>
    %swap3A_2147 = vector.shape_cast %select_n3A_2141 : vector<16xf32> to vector<1x16xf32>
    tpu.vector_store %arg5[%swap3A_2143, %swap3A_2144], %swap3A_2147 {strides = array<i32>} : memref<8x256xf32, #tpu.memory_space<vmem>>, vector<1x16xf32>,
    %eq3A_2148 = arith.constant 4 : i32
    %eq3A_2149 = vector.broadcast %eq3A_2148 : i32 to vector<16xi32>
    %eq3A_2150 = arith.cmpi eq, %select_n3A_2004, %eq3A_2149 : vector<16xi32>
    %eq3A_2151 = arith.constant 4 : i32
    %eq3A_2152 = vector.broadcast %eq3A_2151 : i32 to vector<16xi32>
    %eq3A_2153 = arith.cmpi eq, %select_n3A_2078, %eq3A_2152 : vector<16xi32>
    %select_n3A_2154 = arith.select %eq3A_2153, %sub3A_2089, %broadcast_in_dim3A_2091 : vector<16xi1>, vector<16xf32>
    %select_n3A_2155 = arith.select %eq3A_2150, %div3A_2086, %select_n3A_2154 : vector<16xi1>, vector<16xf32>
    %swap3A_2156 = arith.constant 4 : i32
    %swap3A_2157 = arith.index_cast %swap3A_2156 : i32 to index
    %swap3A_2158 = arith.constant 112 : index
    %swap3A_2159 = tpu.vector_load %arg5[%swap3A_2157, %swap3A_2158] {strides = array<i32>} : memref<8x256xf32, #tpu.memory_space<vmem>>, vector<1x16xf32>,
    %swap3A_2160 = vector.shape_cast %swap3A_2159 : vector<1x16xf32> to vector<16xf32>
    %swap3A_2161 = vector.shape_cast %select_n3A_2155 : vector<16xf32> to vector<1x16xf32>
    tpu.vector_store %arg5[%swap3A_2157, %swap3A_2158], %swap3A_2161 {strides = array<i32>} : memref<8x256xf32, #tpu.memory_space<vmem>>, vector<1x16xf32>,
    %eq3A_2162 = arith.constant 5 : i32
    %eq3A_2163 = vector.broadcast %eq3A_2162 : i32 to vector<16xi32>
    %eq3A_2164 = arith.cmpi eq, %select_n3A_2004, %eq3A_2163 : vector<16xi32>
    %eq3A_2165 = arith.constant 5 : i32
    %eq3A_2166 = vector.broadcast %eq3A_2165 : i32 to vector<16xi32>
    %eq3A_2167 = arith.cmpi eq, %select_n3A_2078, %eq3A_2166 : vector<16xi32>
    %select_n3A_2168 = arith.select %eq3A_2167, %sub3A_2089, %broadcast_in_dim3A_2091 : vector<16xi1>, vector<16xf32>
    %select_n3A_2169 = arith.select %eq3A_2164, %div3A_2086, %select_n3A_2168 : vector<16xi1>, vector<16xf32>
    %swap3A_2170 = arith.constant 5 : i32
    %swap3A_2171 = arith.index_cast %swap3A_2170 : i32 to index
    %swap3A_2172 = arith.constant 112 : index
    %swap3A_2173 = tpu.vector_load %arg5[%swap3A_2171, %swap3A_2172] {strides = array<i32>} : memref<8x256xf32, #tpu.memory_space<vmem>>, vector<1x16xf32>,
    %swap3A_2174 = vector.shape_cast %swap3A_2173 : vector<1x16xf32> to vector<16xf32>
    %swap3A_2175 = vector.shape_cast %select_n3A_2169 : vector<16xf32> to vector<1x16xf32>
    tpu.vector_store %arg5[%swap3A_2171, %swap3A_2172], %swap3A_2175 {strides = array<i32>} : memref<8x256xf32, #tpu.memory_space<vmem>>, vector<1x16xf32>,
    %eq3A_2176 = arith.constant 6 : i32
    %eq3A_2177 = vector.broadcast %eq3A_2176 : i32 to vector<16xi32>
    %eq3A_2178 = arith.cmpi eq, %select_n3A_2004, %eq3A_2177 : vector<16xi32>
    %eq3A_2179 = arith.constant 6 : i32
    %eq3A_2180 = vector.broadcast %eq3A_2179 : i32 to vector<16xi32>
    %eq3A_2181 = arith.cmpi eq, %select_n3A_2078, %eq3A_2180 : vector<16xi32>
    %select_n3A_2182 = arith.select %eq3A_2181, %sub3A_2089, %broadcast_in_dim3A_2091 : vector<16xi1>, vector<16xf32>
    %select_n3A_2183 = arith.select %eq3A_2178, %div3A_2086, %select_n3A_2182 : vector<16xi1>, vector<16xf32>
    %swap3A_2184 = arith.constant 6 : i32
    %swap3A_2185 = arith.index_cast %swap3A_2184 : i32 to index
    %swap3A_2186 = arith.constant 112 : index
    %swap3A_2187 = tpu.vector_load %arg5[%swap3A_2185, %swap3A_2186] {strides = array<i32>} : memref<8x256xf32, #tpu.memory_space<vmem>>, vector<1x16xf32>,
    %swap3A_2188 = vector.shape_cast %swap3A_2187 : vector<1x16xf32> to vector<16xf32>
    %swap3A_2189 = vector.shape_cast %select_n3A_2183 : vector<16xf32> to vector<1x16xf32>
    tpu.vector_store %arg5[%swap3A_2185, %swap3A_2186], %swap3A_2189 {strides = array<i32>} : memref<8x256xf32, #tpu.memory_space<vmem>>, vector<1x16xf32>,
    %eq3A_2190 = arith.constant 7 : i32
    %eq3A_2191 = vector.broadcast %eq3A_2190 : i32 to vector<16xi32>
    %eq3A_2192 = arith.cmpi eq, %select_n3A_2004, %eq3A_2191 : vector<16xi32>
    %eq3A_2193 = arith.constant 7 : i32
    %eq3A_2194 = vector.broadcast %eq3A_2193 : i32 to vector<16xi32>
    %eq3A_2195 = arith.cmpi eq, %select_n3A_2078, %eq3A_2194 : vector<16xi32>
    %select_n3A_2196 = arith.select %eq3A_2195, %sub3A_2089, %broadcast_in_dim3A_2091 : vector<16xi1>, vector<16xf32>
    %select_n3A_2197 = arith.select %eq3A_2192, %div3A_2086, %select_n3A_2196 : vector<16xi1>, vector<16xf32>
    %swap3A_2198 = arith.constant 7 : i32
    %swap3A_2199 = arith.index_cast %swap3A_2198 : i32 to index
    %swap3A_2200 = arith.constant 112 : index
    %swap3A_2201 = tpu.vector_load %arg5[%swap3A_2199, %swap3A_2200] {strides = array<i32>} : memref<8x256xf32, #tpu.memory_space<vmem>>, vector<1x16xf32>,
    %swap3A_2202 = vector.shape_cast %swap3A_2201 : vector<1x16xf32> to vector<16xf32>
    %swap3A_2203 = vector.shape_cast %select_n3A_2197 : vector<16xf32> to vector<1x16xf32>
    tpu.vector_store %arg5[%swap3A_2199, %swap3A_2200], %swap3A_2203 {strides = array<i32>} : memref<8x256xf32, #tpu.memory_space<vmem>>, vector<1x16xf32>,
    %get3A_2204 = arith.constant 0 : i32
    %get3A_2205 = arith.index_cast %get3A_2204 : i32 to index
    %get3A_2206 = arith.constant 128 : index
    %get3A_2207 = tpu.vector_load %arg4[%get3A_2205, %get3A_2206] {strides = array<i32>} : memref<8x256xf32, #tpu.memory_space<vmem>>, vector<1x16xf32>,
    %get3A_2208 = vector.shape_cast %get3A_2207 : vector<1x16xf32> to vector<16xf32>
    %get3A_2209 = arith.constant 1 : i32
    %get3A_2210 = arith.index_cast %get3A_2209 : i32 to index
    %get3A_2211 = arith.constant 128 : index
    %get3A_2212 = tpu.vector_load %arg4[%get3A_2210, %get3A_2211] {strides = array<i32>} : memref<8x256xf32, #tpu.memory_space<vmem>>, vector<1x16xf32>,
    %get3A_2213 = vector.shape_cast %get3A_2212 : vector<1x16xf32> to vector<16xf32>
    %get3A_2214 = arith.constant 2 : i32
    %get3A_2215 = arith.index_cast %get3A_2214 : i32 to index
    %get3A_2216 = arith.constant 128 : index
    %get3A_2217 = tpu.vector_load %arg4[%get3A_2215, %get3A_2216] {strides = array<i32>} : memref<8x256xf32, #tpu.memory_space<vmem>>, vector<1x16xf32>,
    %get3A_2218 = vector.shape_cast %get3A_2217 : vector<1x16xf32> to vector<16xf32>
    %get3A_2219 = arith.constant 3 : i32
    %get3A_2220 = arith.index_cast %get3A_2219 : i32 to index
    %get3A_2221 = arith.constant 128 : index
    %get3A_2222 = tpu.vector_load %arg4[%get3A_2220, %get3A_2221] {strides = array<i32>} : memref<8x256xf32, #tpu.memory_space<vmem>>, vector<1x16xf32>,
    %get3A_2223 = vector.shape_cast %get3A_2222 : vector<1x16xf32> to vector<16xf32>
    %get3A_2224 = arith.constant 4 : i32
    %get3A_2225 = arith.index_cast %get3A_2224 : i32 to index
    %get3A_2226 = arith.constant 128 : index
    %get3A_2227 = tpu.vector_load %arg4[%get3A_2225, %get3A_2226] {strides = array<i32>} : memref<8x256xf32, #tpu.memory_space<vmem>>, vector<1x16xf32>,
    %get3A_2228 = vector.shape_cast %get3A_2227 : vector<1x16xf32> to vector<16xf32>
    %get3A_2229 = arith.constant 5 : i32
    %get3A_2230 = arith.index_cast %get3A_2229 : i32 to index
    %get3A_2231 = arith.constant 128 : index
    %get3A_2232 = tpu.vector_load %arg4[%get3A_2230, %get3A_2231] {strides = array<i32>} : memref<8x256xf32, #tpu.memory_space<vmem>>, vector<1x16xf32>,
    %get3A_2233 = vector.shape_cast %get3A_2232 : vector<1x16xf32> to vector<16xf32>
    %get3A_2234 = arith.constant 6 : i32
    %get3A_2235 = arith.index_cast %get3A_2234 : i32 to index
    %get3A_2236 = arith.constant 128 : index
    %get3A_2237 = tpu.vector_load %arg4[%get3A_2235, %get3A_2236] {strides = array<i32>} : memref<8x256xf32, #tpu.memory_space<vmem>>, vector<1x16xf32>,
    %get3A_2238 = vector.shape_cast %get3A_2237 : vector<1x16xf32> to vector<16xf32>
    %get3A_2239 = arith.constant 7 : i32
    %get3A_2240 = arith.index_cast %get3A_2239 : i32 to index
    %get3A_2241 = arith.constant 128 : index
    %get3A_2242 = tpu.vector_load %arg4[%get3A_2240, %get3A_2241] {strides = array<i32>} : memref<8x256xf32, #tpu.memory_space<vmem>>, vector<1x16xf32>,
    %get3A_2243 = vector.shape_cast %get3A_2242 : vector<1x16xf32> to vector<16xf32>
    %broadcast_in_dim3A_2244 = arith.constant 0 : i32
    %broadcast_in_dim3A_2245 = vector.broadcast %broadcast_in_dim3A_2244 : i32 to vector<16xi32>
    %gt3A_2246 = arith.cmpf ogt, %get3A_2213, %get3A_2208 : vector<16xf32>
    %select_n3A_2247 = arith.select %gt3A_2246, %get3A_2213, %get3A_2208 : vector<16xi1>, vector<16xf32>
    %broadcast_in_dim3A_2248 = arith.constant 1 : i32
    %broadcast_in_dim3A_2249 = vector.broadcast %broadcast_in_dim3A_2248 : i32 to vector<16xi32>
    %select_n3A_2250 = arith.select %gt3A_2246, %broadcast_in_dim3A_2249, %broadcast_in_dim3A_2245 : vector<16xi1>, vector<16xi32>
    %gt3A_2251 = arith.cmpf ogt, %get3A_2218, %select_n3A_2247 : vector<16xf32>
    %select_n3A_2252 = arith.select %gt3A_2251, %get3A_2218, %select_n3A_2247 : vector<16xi1>, vector<16xf32>
    %broadcast_in_dim3A_2253 = arith.constant 2 : i32
    %broadcast_in_dim3A_2254 = vector.broadcast %broadcast_in_dim3A_2253 : i32 to vector<16xi32>
    %select_n3A_2255 = arith.select %gt3A_2251, %broadcast_in_dim3A_2254, %select_n3A_2250 : vector<16xi1>, vector<16xi32>
    %gt3A_2256 = arith.cmpf ogt, %get3A_2223, %select_n3A_2252 : vector<16xf32>
    %select_n3A_2257 = arith.select %gt3A_2256, %get3A_2223, %select_n3A_2252 : vector<16xi1>, vector<16xf32>
    %broadcast_in_dim3A_2258 = arith.constant 3 : i32
    %broadcast_in_dim3A_2259 = vector.broadcast %broadcast_in_dim3A_2258 : i32 to vector<16xi32>
    %select_n3A_2260 = arith.select %gt3A_2256, %broadcast_in_dim3A_2259, %select_n3A_2255 : vector<16xi1>, vector<16xi32>
    %gt3A_2261 = arith.cmpf ogt, %get3A_2228, %select_n3A_2257 : vector<16xf32>
    %select_n3A_2262 = arith.select %gt3A_2261, %get3A_2228, %select_n3A_2257 : vector<16xi1>, vector<16xf32>
    %broadcast_in_dim3A_2263 = arith.constant 4 : i32
    %broadcast_in_dim3A_2264 = vector.broadcast %broadcast_in_dim3A_2263 : i32 to vector<16xi32>
    %select_n3A_2265 = arith.select %gt3A_2261, %broadcast_in_dim3A_2264, %select_n3A_2260 : vector<16xi1>, vector<16xi32>
    %gt3A_2266 = arith.cmpf ogt, %get3A_2233, %select_n3A_2262 : vector<16xf32>
    %select_n3A_2267 = arith.select %gt3A_2266, %get3A_2233, %select_n3A_2262 : vector<16xi1>, vector<16xf32>
    %broadcast_in_dim3A_2268 = arith.constant 5 : i32
    %broadcast_in_dim3A_2269 = vector.broadcast %broadcast_in_dim3A_2268 : i32 to vector<16xi32>
    %select_n3A_2270 = arith.select %gt3A_2266, %broadcast_in_dim3A_2269, %select_n3A_2265 : vector<16xi1>, vector<16xi32>
    %gt3A_2271 = arith.cmpf ogt, %get3A_2238, %select_n3A_2267 : vector<16xf32>
    %select_n3A_2272 = arith.select %gt3A_2271, %get3A_2238, %select_n3A_2267 : vector<16xi1>, vector<16xf32>
    %broadcast_in_dim3A_2273 = arith.constant 6 : i32
    %broadcast_in_dim3A_2274 = vector.broadcast %broadcast_in_dim3A_2273 : i32 to vector<16xi32>
    %select_n3A_2275 = arith.select %gt3A_2271, %broadcast_in_dim3A_2274, %select_n3A_2270 : vector<16xi1>, vector<16xi32>
    %gt3A_2276 = arith.cmpf ogt, %get3A_2243, %select_n3A_2272 : vector<16xf32>
    %select_n3A_2277 = arith.select %gt3A_2276, %get3A_2243, %select_n3A_2272 : vector<16xi1>, vector<16xf32>
    %broadcast_in_dim3A_2278 = arith.constant 7 : i32
    %broadcast_in_dim3A_2279 = vector.broadcast %broadcast_in_dim3A_2278 : i32 to vector<16xi32>
    %select_n3A_2280 = arith.select %gt3A_2276, %broadcast_in_dim3A_2279, %select_n3A_2275 : vector<16xi1>, vector<16xi32>
    %broadcast_in_dim3A_2281 = arith.constant 0 : i32
    %broadcast_in_dim3A_2282 = vector.broadcast %broadcast_in_dim3A_2281 : i32 to vector<16xi32>
    %eq3A_2283 = arith.constant 0 : i32
    %eq3A_2284 = vector.broadcast %eq3A_2283 : i32 to vector<16xi32>
    %eq3A_2285 = arith.cmpi eq, %select_n3A_2280, %eq3A_2284 : vector<16xi32>
    %select_n3A_2286 = arith.select %eq3A_2285, %broadcast_in_dim3A_3, %get3A_2208 : vector<16xi1>, vector<16xf32>
    %gt3A_2287 = arith.cmpf ogt, %select_n3A_2286, %broadcast_in_dim3A_3 : vector<16xf32>
    %select_n3A_2288 = arith.select %gt3A_2287, %select_n3A_2286, %broadcast_in_dim3A_3 : vector<16xi1>, vector<16xf32>
    %broadcast_in_dim3A_2289 = arith.constant 0 : i32
    %broadcast_in_dim3A_2290 = vector.broadcast %broadcast_in_dim3A_2289 : i32 to vector<16xi32>
    %select_n3A_2291 = arith.select %gt3A_2287, %broadcast_in_dim3A_2290, %broadcast_in_dim3A_2282 : vector<16xi1>, vector<16xi32>
    %eq3A_2292 = arith.constant 1 : i32
    %eq3A_2293 = vector.broadcast %eq3A_2292 : i32 to vector<16xi32>
    %eq3A_2294 = arith.cmpi eq, %select_n3A_2280, %eq3A_2293 : vector<16xi32>
    %select_n3A_2295 = arith.select %eq3A_2294, %broadcast_in_dim3A_3, %get3A_2213 : vector<16xi1>, vector<16xf32>
    %gt3A_2296 = arith.cmpf ogt, %select_n3A_2295, %select_n3A_2288 : vector<16xf32>
    %select_n3A_2297 = arith.select %gt3A_2296, %select_n3A_2295, %select_n3A_2288 : vector<16xi1>, vector<16xf32>
    %broadcast_in_dim3A_2298 = arith.constant 1 : i32
    %broadcast_in_dim3A_2299 = vector.broadcast %broadcast_in_dim3A_2298 : i32 to vector<16xi32>
    %select_n3A_2300 = arith.select %gt3A_2296, %broadcast_in_dim3A_2299, %select_n3A_2291 : vector<16xi1>, vector<16xi32>
    %eq3A_2301 = arith.constant 2 : i32
    %eq3A_2302 = vector.broadcast %eq3A_2301 : i32 to vector<16xi32>
    %eq3A_2303 = arith.cmpi eq, %select_n3A_2280, %eq3A_2302 : vector<16xi32>
    %select_n3A_2304 = arith.select %eq3A_2303, %broadcast_in_dim3A_3, %get3A_2218 : vector<16xi1>, vector<16xf32>
    %gt3A_2305 = arith.cmpf ogt, %select_n3A_2304, %select_n3A_2297 : vector<16xf32>
    %select_n3A_2306 = arith.select %gt3A_2305, %select_n3A_2304, %select_n3A_2297 : vector<16xi1>, vector<16xf32>
    %broadcast_in_dim3A_2307 = arith.constant 2 : i32
    %broadcast_in_dim3A_2308 = vector.broadcast %broadcast_in_dim3A_2307 : i32 to vector<16xi32>
    %select_n3A_2309 = arith.select %gt3A_2305, %broadcast_in_dim3A_2308, %select_n3A_2300 : vector<16xi1>, vector<16xi32>
    %eq3A_2310 = arith.constant 3 : i32
    %eq3A_2311 = vector.broadcast %eq3A_2310 : i32 to vector<16xi32>
    %eq3A_2312 = arith.cmpi eq, %select_n3A_2280, %eq3A_2311 : vector<16xi32>
    %select_n3A_2313 = arith.select %eq3A_2312, %broadcast_in_dim3A_3, %get3A_2223 : vector<16xi1>, vector<16xf32>
    %gt3A_2314 = arith.cmpf ogt, %select_n3A_2313, %select_n3A_2306 : vector<16xf32>
    %select_n3A_2315 = arith.select %gt3A_2314, %select_n3A_2313, %select_n3A_2306 : vector<16xi1>, vector<16xf32>
    %broadcast_in_dim3A_2316 = arith.constant 3 : i32
    %broadcast_in_dim3A_2317 = vector.broadcast %broadcast_in_dim3A_2316 : i32 to vector<16xi32>
    %select_n3A_2318 = arith.select %gt3A_2314, %broadcast_in_dim3A_2317, %select_n3A_2309 : vector<16xi1>, vector<16xi32>
    %eq3A_2319 = arith.constant 4 : i32
    %eq3A_2320 = vector.broadcast %eq3A_2319 : i32 to vector<16xi32>
    %eq3A_2321 = arith.cmpi eq, %select_n3A_2280, %eq3A_2320 : vector<16xi32>
    %select_n3A_2322 = arith.select %eq3A_2321, %broadcast_in_dim3A_3, %get3A_2228 : vector<16xi1>, vector<16xf32>
    %gt3A_2323 = arith.cmpf ogt, %select_n3A_2322, %select_n3A_2315 : vector<16xf32>
    %select_n3A_2324 = arith.select %gt3A_2323, %select_n3A_2322, %select_n3A_2315 : vector<16xi1>, vector<16xf32>
    %broadcast_in_dim3A_2325 = arith.constant 4 : i32
    %broadcast_in_dim3A_2326 = vector.broadcast %broadcast_in_dim3A_2325 : i32 to vector<16xi32>
    %select_n3A_2327 = arith.select %gt3A_2323, %broadcast_in_dim3A_2326, %select_n3A_2318 : vector<16xi1>, vector<16xi32>
    %eq3A_2328 = arith.constant 5 : i32
    %eq3A_2329 = vector.broadcast %eq3A_2328 : i32 to vector<16xi32>
    %eq3A_2330 = arith.cmpi eq, %select_n3A_2280, %eq3A_2329 : vector<16xi32>
    %select_n3A_2331 = arith.select %eq3A_2330, %broadcast_in_dim3A_3, %get3A_2233 : vector<16xi1>, vector<16xf32>
    %gt3A_2332 = arith.cmpf ogt, %select_n3A_2331, %select_n3A_2324 : vector<16xf32>
    %select_n3A_2333 = arith.select %gt3A_2332, %select_n3A_2331, %select_n3A_2324 : vector<16xi1>, vector<16xf32>
    %broadcast_in_dim3A_2334 = arith.constant 5 : i32
    %broadcast_in_dim3A_2335 = vector.broadcast %broadcast_in_dim3A_2334 : i32 to vector<16xi32>
    %select_n3A_2336 = arith.select %gt3A_2332, %broadcast_in_dim3A_2335, %select_n3A_2327 : vector<16xi1>, vector<16xi32>
    %eq3A_2337 = arith.constant 6 : i32
    %eq3A_2338 = vector.broadcast %eq3A_2337 : i32 to vector<16xi32>
    %eq3A_2339 = arith.cmpi eq, %select_n3A_2280, %eq3A_2338 : vector<16xi32>
    %select_n3A_2340 = arith.select %eq3A_2339, %broadcast_in_dim3A_3, %get3A_2238 : vector<16xi1>, vector<16xf32>
    %gt3A_2341 = arith.cmpf ogt, %select_n3A_2340, %select_n3A_2333 : vector<16xf32>
    %select_n3A_2342 = arith.select %gt3A_2341, %select_n3A_2340, %select_n3A_2333 : vector<16xi1>, vector<16xf32>
    %broadcast_in_dim3A_2343 = arith.constant 6 : i32
    %broadcast_in_dim3A_2344 = vector.broadcast %broadcast_in_dim3A_2343 : i32 to vector<16xi32>
    %select_n3A_2345 = arith.select %gt3A_2341, %broadcast_in_dim3A_2344, %select_n3A_2336 : vector<16xi1>, vector<16xi32>
    %eq3A_2346 = arith.constant 7 : i32
    %eq3A_2347 = vector.broadcast %eq3A_2346 : i32 to vector<16xi32>
    %eq3A_2348 = arith.cmpi eq, %select_n3A_2280, %eq3A_2347 : vector<16xi32>
    %select_n3A_2349 = arith.select %eq3A_2348, %broadcast_in_dim3A_3, %get3A_2243 : vector<16xi1>, vector<16xf32>
    %gt3A_2350 = arith.cmpf ogt, %select_n3A_2349, %select_n3A_2342 : vector<16xf32>
    %select_n3A_2351 = arith.select %gt3A_2350, %select_n3A_2349, %select_n3A_2342 : vector<16xi1>, vector<16xf32>
    %broadcast_in_dim3A_2352 = arith.constant 7 : i32
    %broadcast_in_dim3A_2353 = vector.broadcast %broadcast_in_dim3A_2352 : i32 to vector<16xi32>
    %select_n3A_2354 = arith.select %gt3A_2350, %broadcast_in_dim3A_2353, %select_n3A_2345 : vector<16xi1>, vector<16xi32>
    %sub3A_2355 = arith.subf %select_n3A_2351, %select_n3A_2277 : vector<16xf32>
    %exp3A_2356 = math.exp %sub3A_2355 : vector<16xf32>
    %add3A_2357 = arith.constant 1.000000e+00 : f32
    %add3A_2358 = vector.broadcast %add3A_2357 : f32 to vector<16xf32>
    %add3A_2359 = arith.addf %add3A_2358, %exp3A_2356 : vector<16xf32>
    %div3A_2360 = arith.constant 1.000000e+00 : f32
    %div3A_2361 = vector.broadcast %div3A_2360 : f32 to vector<16xf32>
    %div3A_2362 = arith.divf %div3A_2361, %add3A_2359 : vector<16xf32>
    %sub3A_2363 = arith.constant 1.000000e+00 : f32
    %sub3A_2364 = vector.broadcast %sub3A_2363 : f32 to vector<16xf32>
    %sub3A_2365 = arith.subf %sub3A_2364, %div3A_2362 : vector<16xf32>
    %broadcast_in_dim3A_2366 = arith.constant 0.000000e+00 : f32
    %broadcast_in_dim3A_2367 = vector.broadcast %broadcast_in_dim3A_2366 : f32 to vector<16xf32>
    %eq3A_2368 = arith.constant 0 : i32
    %eq3A_2369 = vector.broadcast %eq3A_2368 : i32 to vector<16xi32>
    %eq3A_2370 = arith.cmpi eq, %select_n3A_2280, %eq3A_2369 : vector<16xi32>
    %eq3A_2371 = arith.constant 0 : i32
    %eq3A_2372 = vector.broadcast %eq3A_2371 : i32 to vector<16xi32>
    %eq3A_2373 = arith.cmpi eq, %select_n3A_2354, %eq3A_2372 : vector<16xi32>
    %select_n3A_2374 = arith.select %eq3A_2373, %sub3A_2365, %broadcast_in_dim3A_2367 : vector<16xi1>, vector<16xf32>
    %select_n3A_2375 = arith.select %eq3A_2370, %div3A_2362, %select_n3A_2374 : vector<16xi1>, vector<16xf32>
    %swap3A_2376 = arith.constant 0 : i32
    %swap3A_2377 = arith.index_cast %swap3A_2376 : i32 to index
    %swap3A_2378 = arith.constant 128 : index
    %swap3A_2379 = tpu.vector_load %arg5[%swap3A_2377, %swap3A_2378] {strides = array<i32>} : memref<8x256xf32, #tpu.memory_space<vmem>>, vector<1x16xf32>,
    %swap3A_2380 = vector.shape_cast %swap3A_2379 : vector<1x16xf32> to vector<16xf32>
    %swap3A_2381 = vector.shape_cast %select_n3A_2375 : vector<16xf32> to vector<1x16xf32>
    tpu.vector_store %arg5[%swap3A_2377, %swap3A_2378], %swap3A_2381 {strides = array<i32>} : memref<8x256xf32, #tpu.memory_space<vmem>>, vector<1x16xf32>,
    %eq3A_2382 = arith.constant 1 : i32
    %eq3A_2383 = vector.broadcast %eq3A_2382 : i32 to vector<16xi32>
    %eq3A_2384 = arith.cmpi eq, %select_n3A_2280, %eq3A_2383 : vector<16xi32>
    %eq3A_2385 = arith.constant 1 : i32
    %eq3A_2386 = vector.broadcast %eq3A_2385 : i32 to vector<16xi32>
    %eq3A_2387 = arith.cmpi eq, %select_n3A_2354, %eq3A_2386 : vector<16xi32>
    %select_n3A_2388 = arith.select %eq3A_2387, %sub3A_2365, %broadcast_in_dim3A_2367 : vector<16xi1>, vector<16xf32>
    %select_n3A_2389 = arith.select %eq3A_2384, %div3A_2362, %select_n3A_2388 : vector<16xi1>, vector<16xf32>
    %swap3A_2390 = arith.constant 1 : i32
    %swap3A_2391 = arith.index_cast %swap3A_2390 : i32 to index
    %swap3A_2392 = arith.constant 128 : index
    %swap3A_2393 = tpu.vector_load %arg5[%swap3A_2391, %swap3A_2392] {strides = array<i32>} : memref<8x256xf32, #tpu.memory_space<vmem>>, vector<1x16xf32>,
    %swap3A_2394 = vector.shape_cast %swap3A_2393 : vector<1x16xf32> to vector<16xf32>
    %swap3A_2395 = vector.shape_cast %select_n3A_2389 : vector<16xf32> to vector<1x16xf32>
    tpu.vector_store %arg5[%swap3A_2391, %swap3A_2392], %swap3A_2395 {strides = array<i32>} : memref<8x256xf32, #tpu.memory_space<vmem>>, vector<1x16xf32>,
    %eq3A_2396 = arith.constant 2 : i32
    %eq3A_2397 = vector.broadcast %eq3A_2396 : i32 to vector<16xi32>
    %eq3A_2398 = arith.cmpi eq, %select_n3A_2280, %eq3A_2397 : vector<16xi32>
    %eq3A_2399 = arith.constant 2 : i32
    %eq3A_2400 = vector.broadcast %eq3A_2399 : i32 to vector<16xi32>
    %eq3A_2401 = arith.cmpi eq, %select_n3A_2354, %eq3A_2400 : vector<16xi32>
    %select_n3A_2402 = arith.select %eq3A_2401, %sub3A_2365, %broadcast_in_dim3A_2367 : vector<16xi1>, vector<16xf32>
    %select_n3A_2403 = arith.select %eq3A_2398, %div3A_2362, %select_n3A_2402 : vector<16xi1>, vector<16xf32>
    %swap3A_2404 = arith.constant 2 : i32
    %swap3A_2405 = arith.index_cast %swap3A_2404 : i32 to index
    %swap3A_2406 = arith.constant 128 : index
    %swap3A_2407 = tpu.vector_load %arg5[%swap3A_2405, %swap3A_2406] {strides = array<i32>} : memref<8x256xf32, #tpu.memory_space<vmem>>, vector<1x16xf32>,
    %swap3A_2408 = vector.shape_cast %swap3A_2407 : vector<1x16xf32> to vector<16xf32>
    %swap3A_2409 = vector.shape_cast %select_n3A_2403 : vector<16xf32> to vector<1x16xf32>
    tpu.vector_store %arg5[%swap3A_2405, %swap3A_2406], %swap3A_2409 {strides = array<i32>} : memref<8x256xf32, #tpu.memory_space<vmem>>, vector<1x16xf32>,
    %eq3A_2410 = arith.constant 3 : i32
    %eq3A_2411 = vector.broadcast %eq3A_2410 : i32 to vector<16xi32>
    %eq3A_2412 = arith.cmpi eq, %select_n3A_2280, %eq3A_2411 : vector<16xi32>
    %eq3A_2413 = arith.constant 3 : i32
    %eq3A_2414 = vector.broadcast %eq3A_2413 : i32 to vector<16xi32>
    %eq3A_2415 = arith.cmpi eq, %select_n3A_2354, %eq3A_2414 : vector<16xi32>
    %select_n3A_2416 = arith.select %eq3A_2415, %sub3A_2365, %broadcast_in_dim3A_2367 : vector<16xi1>, vector<16xf32>
    %select_n3A_2417 = arith.select %eq3A_2412, %div3A_2362, %select_n3A_2416 : vector<16xi1>, vector<16xf32>
    %swap3A_2418 = arith.constant 3 : i32
    %swap3A_2419 = arith.index_cast %swap3A_2418 : i32 to index
    %swap3A_2420 = arith.constant 128 : index
    %swap3A_2421 = tpu.vector_load %arg5[%swap3A_2419, %swap3A_2420] {strides = array<i32>} : memref<8x256xf32, #tpu.memory_space<vmem>>, vector<1x16xf32>,
    %swap3A_2422 = vector.shape_cast %swap3A_2421 : vector<1x16xf32> to vector<16xf32>
    %swap3A_2423 = vector.shape_cast %select_n3A_2417 : vector<16xf32> to vector<1x16xf32>
    tpu.vector_store %arg5[%swap3A_2419, %swap3A_2420], %swap3A_2423 {strides = array<i32>} : memref<8x256xf32, #tpu.memory_space<vmem>>, vector<1x16xf32>,
    %eq3A_2424 = arith.constant 4 : i32
    %eq3A_2425 = vector.broadcast %eq3A_2424 : i32 to vector<16xi32>
    %eq3A_2426 = arith.cmpi eq, %select_n3A_2280, %eq3A_2425 : vector<16xi32>
    %eq3A_2427 = arith.constant 4 : i32
    %eq3A_2428 = vector.broadcast %eq3A_2427 : i32 to vector<16xi32>
    %eq3A_2429 = arith.cmpi eq, %select_n3A_2354, %eq3A_2428 : vector<16xi32>
    %select_n3A_2430 = arith.select %eq3A_2429, %sub3A_2365, %broadcast_in_dim3A_2367 : vector<16xi1>, vector<16xf32>
    %select_n3A_2431 = arith.select %eq3A_2426, %div3A_2362, %select_n3A_2430 : vector<16xi1>, vector<16xf32>
    %swap3A_2432 = arith.constant 4 : i32
    %swap3A_2433 = arith.index_cast %swap3A_2432 : i32 to index
    %swap3A_2434 = arith.constant 128 : index
    %swap3A_2435 = tpu.vector_load %arg5[%swap3A_2433, %swap3A_2434] {strides = array<i32>} : memref<8x256xf32, #tpu.memory_space<vmem>>, vector<1x16xf32>,
    %swap3A_2436 = vector.shape_cast %swap3A_2435 : vector<1x16xf32> to vector<16xf32>
    %swap3A_2437 = vector.shape_cast %select_n3A_2431 : vector<16xf32> to vector<1x16xf32>
    tpu.vector_store %arg5[%swap3A_2433, %swap3A_2434], %swap3A_2437 {strides = array<i32>} : memref<8x256xf32, #tpu.memory_space<vmem>>, vector<1x16xf32>,
    %eq3A_2438 = arith.constant 5 : i32
    %eq3A_2439 = vector.broadcast %eq3A_2438 : i32 to vector<16xi32>
    %eq3A_2440 = arith.cmpi eq, %select_n3A_2280, %eq3A_2439 : vector<16xi32>
    %eq3A_2441 = arith.constant 5 : i32
    %eq3A_2442 = vector.broadcast %eq3A_2441 : i32 to vector<16xi32>
    %eq3A_2443 = arith.cmpi eq, %select_n3A_2354, %eq3A_2442 : vector<16xi32>
    %select_n3A_2444 = arith.select %eq3A_2443, %sub3A_2365, %broadcast_in_dim3A_2367 : vector<16xi1>, vector<16xf32>
    %select_n3A_2445 = arith.select %eq3A_2440, %div3A_2362, %select_n3A_2444 : vector<16xi1>, vector<16xf32>
    %swap3A_2446 = arith.constant 5 : i32
    %swap3A_2447 = arith.index_cast %swap3A_2446 : i32 to index
    %swap3A_2448 = arith.constant 128 : index
    %swap3A_2449 = tpu.vector_load %arg5[%swap3A_2447, %swap3A_2448] {strides = array<i32>} : memref<8x256xf32, #tpu.memory_space<vmem>>, vector<1x16xf32>,
    %swap3A_2450 = vector.shape_cast %swap3A_2449 : vector<1x16xf32> to vector<16xf32>
    %swap3A_2451 = vector.shape_cast %select_n3A_2445 : vector<16xf32> to vector<1x16xf32>
    tpu.vector_store %arg5[%swap3A_2447, %swap3A_2448], %swap3A_2451 {strides = array<i32>} : memref<8x256xf32, #tpu.memory_space<vmem>>, vector<1x16xf32>,
    %eq3A_2452 = arith.constant 6 : i32
    %eq3A_2453 = vector.broadcast %eq3A_2452 : i32 to vector<16xi32>
    %eq3A_2454 = arith.cmpi eq, %select_n3A_2280, %eq3A_2453 : vector<16xi32>
    %eq3A_2455 = arith.constant 6 : i32
    %eq3A_2456 = vector.broadcast %eq3A_2455 : i32 to vector<16xi32>
    %eq3A_2457 = arith.cmpi eq, %select_n3A_2354, %eq3A_2456 : vector<16xi32>
    %select_n3A_2458 = arith.select %eq3A_2457, %sub3A_2365, %broadcast_in_dim3A_2367 : vector<16xi1>, vector<16xf32>
    %select_n3A_2459 = arith.select %eq3A_2454, %div3A_2362, %select_n3A_2458 : vector<16xi1>, vector<16xf32>
    %swap3A_2460 = arith.constant 6 : i32
    %swap3A_2461 = arith.index_cast %swap3A_2460 : i32 to index
    %swap3A_2462 = arith.constant 128 : index
    %swap3A_2463 = tpu.vector_load %arg5[%swap3A_2461, %swap3A_2462] {strides = array<i32>} : memref<8x256xf32, #tpu.memory_space<vmem>>, vector<1x16xf32>,
    %swap3A_2464 = vector.shape_cast %swap3A_2463 : vector<1x16xf32> to vector<16xf32>
    %swap3A_2465 = vector.shape_cast %select_n3A_2459 : vector<16xf32> to vector<1x16xf32>
    tpu.vector_store %arg5[%swap3A_2461, %swap3A_2462], %swap3A_2465 {strides = array<i32>} : memref<8x256xf32, #tpu.memory_space<vmem>>, vector<1x16xf32>,
    %eq3A_2466 = arith.constant 7 : i32
    %eq3A_2467 = vector.broadcast %eq3A_2466 : i32 to vector<16xi32>
    %eq3A_2468 = arith.cmpi eq, %select_n3A_2280, %eq3A_2467 : vector<16xi32>
    %eq3A_2469 = arith.constant 7 : i32
    %eq3A_2470 = vector.broadcast %eq3A_2469 : i32 to vector<16xi32>
    %eq3A_2471 = arith.cmpi eq, %select_n3A_2354, %eq3A_2470 : vector<16xi32>
    %select_n3A_2472 = arith.select %eq3A_2471, %sub3A_2365, %broadcast_in_dim3A_2367 : vector<16xi1>, vector<16xf32>
    %select_n3A_2473 = arith.select %eq3A_2468, %div3A_2362, %select_n3A_2472 : vector<16xi1>, vector<16xf32>
    %swap3A_2474 = arith.constant 7 : i32
    %swap3A_2475 = arith.index_cast %swap3A_2474 : i32 to index
    %swap3A_2476 = arith.constant 128 : index
    %swap3A_2477 = tpu.vector_load %arg5[%swap3A_2475, %swap3A_2476] {strides = array<i32>} : memref<8x256xf32, #tpu.memory_space<vmem>>, vector<1x16xf32>,
    %swap3A_2478 = vector.shape_cast %swap3A_2477 : vector<1x16xf32> to vector<16xf32>
    %swap3A_2479 = vector.shape_cast %select_n3A_2473 : vector<16xf32> to vector<1x16xf32>
    tpu.vector_store %arg5[%swap3A_2475, %swap3A_2476], %swap3A_2479 {strides = array<i32>} : memref<8x256xf32, #tpu.memory_space<vmem>>, vector<1x16xf32>,
    %get3A_2480 = arith.constant 0 : i32
    %get3A_2481 = arith.index_cast %get3A_2480 : i32 to index
    %get3A_2482 = arith.constant 144 : index
    %get3A_2483 = tpu.vector_load %arg4[%get3A_2481, %get3A_2482] {strides = array<i32>} : memref<8x256xf32, #tpu.memory_space<vmem>>, vector<1x16xf32>,
    %get3A_2484 = vector.shape_cast %get3A_2483 : vector<1x16xf32> to vector<16xf32>
    %get3A_2485 = arith.constant 1 : i32
    %get3A_2486 = arith.index_cast %get3A_2485 : i32 to index
    %get3A_2487 = arith.constant 144 : index
    %get3A_2488 = tpu.vector_load %arg4[%get3A_2486, %get3A_2487] {strides = array<i32>} : memref<8x256xf32, #tpu.memory_space<vmem>>, vector<1x16xf32>,
    %get3A_2489 = vector.shape_cast %get3A_2488 : vector<1x16xf32> to vector<16xf32>
    %get3A_2490 = arith.constant 2 : i32
    %get3A_2491 = arith.index_cast %get3A_2490 : i32 to index
    %get3A_2492 = arith.constant 144 : index
    %get3A_2493 = tpu.vector_load %arg4[%get3A_2491, %get3A_2492] {strides = array<i32>} : memref<8x256xf32, #tpu.memory_space<vmem>>, vector<1x16xf32>,
    %get3A_2494 = vector.shape_cast %get3A_2493 : vector<1x16xf32> to vector<16xf32>
    %get3A_2495 = arith.constant 3 : i32
    %get3A_2496 = arith.index_cast %get3A_2495 : i32 to index
    %get3A_2497 = arith.constant 144 : index
    %get3A_2498 = tpu.vector_load %arg4[%get3A_2496, %get3A_2497] {strides = array<i32>} : memref<8x256xf32, #tpu.memory_space<vmem>>, vector<1x16xf32>,
    %get3A_2499 = vector.shape_cast %get3A_2498 : vector<1x16xf32> to vector<16xf32>
    %get3A_2500 = arith.constant 4 : i32
    %get3A_2501 = arith.index_cast %get3A_2500 : i32 to index
    %get3A_2502 = arith.constant 144 : index
    %get3A_2503 = tpu.vector_load %arg4[%get3A_2501, %get3A_2502] {strides = array<i32>} : memref<8x256xf32, #tpu.memory_space<vmem>>, vector<1x16xf32>,
    %get3A_2504 = vector.shape_cast %get3A_2503 : vector<1x16xf32> to vector<16xf32>
    %get3A_2505 = arith.constant 5 : i32
    %get3A_2506 = arith.index_cast %get3A_2505 : i32 to index
    %get3A_2507 = arith.constant 144 : index
    %get3A_2508 = tpu.vector_load %arg4[%get3A_2506, %get3A_2507] {strides = array<i32>} : memref<8x256xf32, #tpu.memory_space<vmem>>, vector<1x16xf32>,
    %get3A_2509 = vector.shape_cast %get3A_2508 : vector<1x16xf32> to vector<16xf32>
    %get3A_2510 = arith.constant 6 : i32
    %get3A_2511 = arith.index_cast %get3A_2510 : i32 to index
    %get3A_2512 = arith.constant 144 : index
    %get3A_2513 = tpu.vector_load %arg4[%get3A_2511, %get3A_2512] {strides = array<i32>} : memref<8x256xf32, #tpu.memory_space<vmem>>, vector<1x16xf32>,
    %get3A_2514 = vector.shape_cast %get3A_2513 : vector<1x16xf32> to vector<16xf32>
    %get3A_2515 = arith.constant 7 : i32
    %get3A_2516 = arith.index_cast %get3A_2515 : i32 to index
    %get3A_2517 = arith.constant 144 : index
    %get3A_2518 = tpu.vector_load %arg4[%get3A_2516, %get3A_2517] {strides = array<i32>} : memref<8x256xf32, #tpu.memory_space<vmem>>, vector<1x16xf32>,
    %get3A_2519 = vector.shape_cast %get3A_2518 : vector<1x16xf32> to vector<16xf32>
    %broadcast_in_dim3A_2520 = arith.constant 0 : i32
    %broadcast_in_dim3A_2521 = vector.broadcast %broadcast_in_dim3A_2520 : i32 to vector<16xi32>
    %gt3A_2522 = arith.cmpf ogt, %get3A_2489, %get3A_2484 : vector<16xf32>
    %select_n3A_2523 = arith.select %gt3A_2522, %get3A_2489, %get3A_2484 : vector<16xi1>, vector<16xf32>
    %broadcast_in_dim3A_2524 = arith.constant 1 : i32
    %broadcast_in_dim3A_2525 = vector.broadcast %broadcast_in_dim3A_2524 : i32 to vector<16xi32>
    %select_n3A_2526 = arith.select %gt3A_2522, %broadcast_in_dim3A_2525, %broadcast_in_dim3A_2521 : vector<16xi1>, vector<16xi32>
    %gt3A_2527 = arith.cmpf ogt, %get3A_2494, %select_n3A_2523 : vector<16xf32>
    %select_n3A_2528 = arith.select %gt3A_2527, %get3A_2494, %select_n3A_2523 : vector<16xi1>, vector<16xf32>
    %broadcast_in_dim3A_2529 = arith.constant 2 : i32
    %broadcast_in_dim3A_2530 = vector.broadcast %broadcast_in_dim3A_2529 : i32 to vector<16xi32>
    %select_n3A_2531 = arith.select %gt3A_2527, %broadcast_in_dim3A_2530, %select_n3A_2526 : vector<16xi1>, vector<16xi32>
    %gt3A_2532 = arith.cmpf ogt, %get3A_2499, %select_n3A_2528 : vector<16xf32>
    %select_n3A_2533 = arith.select %gt3A_2532, %get3A_2499, %select_n3A_2528 : vector<16xi1>, vector<16xf32>
    %broadcast_in_dim3A_2534 = arith.constant 3 : i32
    %broadcast_in_dim3A_2535 = vector.broadcast %broadcast_in_dim3A_2534 : i32 to vector<16xi32>
    %select_n3A_2536 = arith.select %gt3A_2532, %broadcast_in_dim3A_2535, %select_n3A_2531 : vector<16xi1>, vector<16xi32>
    %gt3A_2537 = arith.cmpf ogt, %get3A_2504, %select_n3A_2533 : vector<16xf32>
    %select_n3A_2538 = arith.select %gt3A_2537, %get3A_2504, %select_n3A_2533 : vector<16xi1>, vector<16xf32>
    %broadcast_in_dim3A_2539 = arith.constant 4 : i32
    %broadcast_in_dim3A_2540 = vector.broadcast %broadcast_in_dim3A_2539 : i32 to vector<16xi32>
    %select_n3A_2541 = arith.select %gt3A_2537, %broadcast_in_dim3A_2540, %select_n3A_2536 : vector<16xi1>, vector<16xi32>
    %gt3A_2542 = arith.cmpf ogt, %get3A_2509, %select_n3A_2538 : vector<16xf32>
    %select_n3A_2543 = arith.select %gt3A_2542, %get3A_2509, %select_n3A_2538 : vector<16xi1>, vector<16xf32>
    %broadcast_in_dim3A_2544 = arith.constant 5 : i32
    %broadcast_in_dim3A_2545 = vector.broadcast %broadcast_in_dim3A_2544 : i32 to vector<16xi32>
    %select_n3A_2546 = arith.select %gt3A_2542, %broadcast_in_dim3A_2545, %select_n3A_2541 : vector<16xi1>, vector<16xi32>
    %gt3A_2547 = arith.cmpf ogt, %get3A_2514, %select_n3A_2543 : vector<16xf32>
    %select_n3A_2548 = arith.select %gt3A_2547, %get3A_2514, %select_n3A_2543 : vector<16xi1>, vector<16xf32>
    %broadcast_in_dim3A_2549 = arith.constant 6 : i32
    %broadcast_in_dim3A_2550 = vector.broadcast %broadcast_in_dim3A_2549 : i32 to vector<16xi32>
    %select_n3A_2551 = arith.select %gt3A_2547, %broadcast_in_dim3A_2550, %select_n3A_2546 : vector<16xi1>, vector<16xi32>
    %gt3A_2552 = arith.cmpf ogt, %get3A_2519, %select_n3A_2548 : vector<16xf32>
    %select_n3A_2553 = arith.select %gt3A_2552, %get3A_2519, %select_n3A_2548 : vector<16xi1>, vector<16xf32>
    %broadcast_in_dim3A_2554 = arith.constant 7 : i32
    %broadcast_in_dim3A_2555 = vector.broadcast %broadcast_in_dim3A_2554 : i32 to vector<16xi32>
    %select_n3A_2556 = arith.select %gt3A_2552, %broadcast_in_dim3A_2555, %select_n3A_2551 : vector<16xi1>, vector<16xi32>
    %broadcast_in_dim3A_2557 = arith.constant 0 : i32
    %broadcast_in_dim3A_2558 = vector.broadcast %broadcast_in_dim3A_2557 : i32 to vector<16xi32>
    %eq3A_2559 = arith.constant 0 : i32
    %eq3A_2560 = vector.broadcast %eq3A_2559 : i32 to vector<16xi32>
    %eq3A_2561 = arith.cmpi eq, %select_n3A_2556, %eq3A_2560 : vector<16xi32>
    %select_n3A_2562 = arith.select %eq3A_2561, %broadcast_in_dim3A_3, %get3A_2484 : vector<16xi1>, vector<16xf32>
    %gt3A_2563 = arith.cmpf ogt, %select_n3A_2562, %broadcast_in_dim3A_3 : vector<16xf32>
    %select_n3A_2564 = arith.select %gt3A_2563, %select_n3A_2562, %broadcast_in_dim3A_3 : vector<16xi1>, vector<16xf32>
    %broadcast_in_dim3A_2565 = arith.constant 0 : i32
    %broadcast_in_dim3A_2566 = vector.broadcast %broadcast_in_dim3A_2565 : i32 to vector<16xi32>
    %select_n3A_2567 = arith.select %gt3A_2563, %broadcast_in_dim3A_2566, %broadcast_in_dim3A_2558 : vector<16xi1>, vector<16xi32>
    %eq3A_2568 = arith.constant 1 : i32
    %eq3A_2569 = vector.broadcast %eq3A_2568 : i32 to vector<16xi32>
    %eq3A_2570 = arith.cmpi eq, %select_n3A_2556, %eq3A_2569 : vector<16xi32>
    %select_n3A_2571 = arith.select %eq3A_2570, %broadcast_in_dim3A_3, %get3A_2489 : vector<16xi1>, vector<16xf32>
    %gt3A_2572 = arith.cmpf ogt, %select_n3A_2571, %select_n3A_2564 : vector<16xf32>
    %select_n3A_2573 = arith.select %gt3A_2572, %select_n3A_2571, %select_n3A_2564 : vector<16xi1>, vector<16xf32>
    %broadcast_in_dim3A_2574 = arith.constant 1 : i32
    %broadcast_in_dim3A_2575 = vector.broadcast %broadcast_in_dim3A_2574 : i32 to vector<16xi32>
    %select_n3A_2576 = arith.select %gt3A_2572, %broadcast_in_dim3A_2575, %select_n3A_2567 : vector<16xi1>, vector<16xi32>
    %eq3A_2577 = arith.constant 2 : i32
    %eq3A_2578 = vector.broadcast %eq3A_2577 : i32 to vector<16xi32>
    %eq3A_2579 = arith.cmpi eq, %select_n3A_2556, %eq3A_2578 : vector<16xi32>
    %select_n3A_2580 = arith.select %eq3A_2579, %broadcast_in_dim3A_3, %get3A_2494 : vector<16xi1>, vector<16xf32>
    %gt3A_2581 = arith.cmpf ogt, %select_n3A_2580, %select_n3A_2573 : vector<16xf32>
    %select_n3A_2582 = arith.select %gt3A_2581, %select_n3A_2580, %select_n3A_2573 : vector<16xi1>, vector<16xf32>
    %broadcast_in_dim3A_2583 = arith.constant 2 : i32
    %broadcast_in_dim3A_2584 = vector.broadcast %broadcast_in_dim3A_2583 : i32 to vector<16xi32>
    %select_n3A_2585 = arith.select %gt3A_2581, %broadcast_in_dim3A_2584, %select_n3A_2576 : vector<16xi1>, vector<16xi32>
    %eq3A_2586 = arith.constant 3 : i32
    %eq3A_2587 = vector.broadcast %eq3A_2586 : i32 to vector<16xi32>
    %eq3A_2588 = arith.cmpi eq, %select_n3A_2556, %eq3A_2587 : vector<16xi32>
    %select_n3A_2589 = arith.select %eq3A_2588, %broadcast_in_dim3A_3, %get3A_2499 : vector<16xi1>, vector<16xf32>
    %gt3A_2590 = arith.cmpf ogt, %select_n3A_2589, %select_n3A_2582 : vector<16xf32>
    %select_n3A_2591 = arith.select %gt3A_2590, %select_n3A_2589, %select_n3A_2582 : vector<16xi1>, vector<16xf32>
    %broadcast_in_dim3A_2592 = arith.constant 3 : i32
    %broadcast_in_dim3A_2593 = vector.broadcast %broadcast_in_dim3A_2592 : i32 to vector<16xi32>
    %select_n3A_2594 = arith.select %gt3A_2590, %broadcast_in_dim3A_2593, %select_n3A_2585 : vector<16xi1>, vector<16xi32>
    %eq3A_2595 = arith.constant 4 : i32
    %eq3A_2596 = vector.broadcast %eq3A_2595 : i32 to vector<16xi32>
    %eq3A_2597 = arith.cmpi eq, %select_n3A_2556, %eq3A_2596 : vector<16xi32>
    %select_n3A_2598 = arith.select %eq3A_2597, %broadcast_in_dim3A_3, %get3A_2504 : vector<16xi1>, vector<16xf32>
    %gt3A_2599 = arith.cmpf ogt, %select_n3A_2598, %select_n3A_2591 : vector<16xf32>
    %select_n3A_2600 = arith.select %gt3A_2599, %select_n3A_2598, %select_n3A_2591 : vector<16xi1>, vector<16xf32>
    %broadcast_in_dim3A_2601 = arith.constant 4 : i32
    %broadcast_in_dim3A_2602 = vector.broadcast %broadcast_in_dim3A_2601 : i32 to vector<16xi32>
    %select_n3A_2603 = arith.select %gt3A_2599, %broadcast_in_dim3A_2602, %select_n3A_2594 : vector<16xi1>, vector<16xi32>
    %eq3A_2604 = arith.constant 5 : i32
    %eq3A_2605 = vector.broadcast %eq3A_2604 : i32 to vector<16xi32>
    %eq3A_2606 = arith.cmpi eq, %select_n3A_2556, %eq3A_2605 : vector<16xi32>
    %select_n3A_2607 = arith.select %eq3A_2606, %broadcast_in_dim3A_3, %get3A_2509 : vector<16xi1>, vector<16xf32>
    %gt3A_2608 = arith.cmpf ogt, %select_n3A_2607, %select_n3A_2600 : vector<16xf32>
    %select_n3A_2609 = arith.select %gt3A_2608, %select_n3A_2607, %select_n3A_2600 : vector<16xi1>, vector<16xf32>
    %broadcast_in_dim3A_2610 = arith.constant 5 : i32
    %broadcast_in_dim3A_2611 = vector.broadcast %broadcast_in_dim3A_2610 : i32 to vector<16xi32>
    %select_n3A_2612 = arith.select %gt3A_2608, %broadcast_in_dim3A_2611, %select_n3A_2603 : vector<16xi1>, vector<16xi32>
    %eq3A_2613 = arith.constant 6 : i32
    %eq3A_2614 = vector.broadcast %eq3A_2613 : i32 to vector<16xi32>
    %eq3A_2615 = arith.cmpi eq, %select_n3A_2556, %eq3A_2614 : vector<16xi32>
    %select_n3A_2616 = arith.select %eq3A_2615, %broadcast_in_dim3A_3, %get3A_2514 : vector<16xi1>, vector<16xf32>
    %gt3A_2617 = arith.cmpf ogt, %select_n3A_2616, %select_n3A_2609 : vector<16xf32>
    %select_n3A_2618 = arith.select %gt3A_2617, %select_n3A_2616, %select_n3A_2609 : vector<16xi1>, vector<16xf32>
    %broadcast_in_dim3A_2619 = arith.constant 6 : i32
    %broadcast_in_dim3A_2620 = vector.broadcast %broadcast_in_dim3A_2619 : i32 to vector<16xi32>
    %select_n3A_2621 = arith.select %gt3A_2617, %broadcast_in_dim3A_2620, %select_n3A_2612 : vector<16xi1>, vector<16xi32>
    %eq3A_2622 = arith.constant 7 : i32
    %eq3A_2623 = vector.broadcast %eq3A_2622 : i32 to vector<16xi32>
    %eq3A_2624 = arith.cmpi eq, %select_n3A_2556, %eq3A_2623 : vector<16xi32>
    %select_n3A_2625 = arith.select %eq3A_2624, %broadcast_in_dim3A_3, %get3A_2519 : vector<16xi1>, vector<16xf32>
    %gt3A_2626 = arith.cmpf ogt, %select_n3A_2625, %select_n3A_2618 : vector<16xf32>
    %select_n3A_2627 = arith.select %gt3A_2626, %select_n3A_2625, %select_n3A_2618 : vector<16xi1>, vector<16xf32>
    %broadcast_in_dim3A_2628 = arith.constant 7 : i32
    %broadcast_in_dim3A_2629 = vector.broadcast %broadcast_in_dim3A_2628 : i32 to vector<16xi32>
    %select_n3A_2630 = arith.select %gt3A_2626, %broadcast_in_dim3A_2629, %select_n3A_2621 : vector<16xi1>, vector<16xi32>
    %sub3A_2631 = arith.subf %select_n3A_2627, %select_n3A_2553 : vector<16xf32>
    %exp3A_2632 = math.exp %sub3A_2631 : vector<16xf32>
    %add3A_2633 = arith.constant 1.000000e+00 : f32
    %add3A_2634 = vector.broadcast %add3A_2633 : f32 to vector<16xf32>
    %add3A_2635 = arith.addf %add3A_2634, %exp3A_2632 : vector<16xf32>
    %div3A_2636 = arith.constant 1.000000e+00 : f32
    %div3A_2637 = vector.broadcast %div3A_2636 : f32 to vector<16xf32>
    %div3A_2638 = arith.divf %div3A_2637, %add3A_2635 : vector<16xf32>
    %sub3A_2639 = arith.constant 1.000000e+00 : f32
    %sub3A_2640 = vector.broadcast %sub3A_2639 : f32 to vector<16xf32>
    %sub3A_2641 = arith.subf %sub3A_2640, %div3A_2638 : vector<16xf32>
    %broadcast_in_dim3A_2642 = arith.constant 0.000000e+00 : f32
    %broadcast_in_dim3A_2643 = vector.broadcast %broadcast_in_dim3A_2642 : f32 to vector<16xf32>
    %eq3A_2644 = arith.constant 0 : i32
    %eq3A_2645 = vector.broadcast %eq3A_2644 : i32 to vector<16xi32>
    %eq3A_2646 = arith.cmpi eq, %select_n3A_2556, %eq3A_2645 : vector<16xi32>
    %eq3A_2647 = arith.constant 0 : i32
    %eq3A_2648 = vector.broadcast %eq3A_2647 : i32 to vector<16xi32>
    %eq3A_2649 = arith.cmpi eq, %select_n3A_2630, %eq3A_2648 : vector<16xi32>
    %select_n3A_2650 = arith.select %eq3A_2649, %sub3A_2641, %broadcast_in_dim3A_2643 : vector<16xi1>, vector<16xf32>
    %select_n3A_2651 = arith.select %eq3A_2646, %div3A_2638, %select_n3A_2650 : vector<16xi1>, vector<16xf32>
    %swap3A_2652 = arith.constant 0 : i32
    %swap3A_2653 = arith.index_cast %swap3A_2652 : i32 to index
    %swap3A_2654 = arith.constant 144 : index
    %swap3A_2655 = tpu.vector_load %arg5[%swap3A_2653, %swap3A_2654] {strides = array<i32>} : memref<8x256xf32, #tpu.memory_space<vmem>>, vector<1x16xf32>,
    %swap3A_2656 = vector.shape_cast %swap3A_2655 : vector<1x16xf32> to vector<16xf32>
    %swap3A_2657 = vector.shape_cast %select_n3A_2651 : vector<16xf32> to vector<1x16xf32>
    tpu.vector_store %arg5[%swap3A_2653, %swap3A_2654], %swap3A_2657 {strides = array<i32>} : memref<8x256xf32, #tpu.memory_space<vmem>>, vector<1x16xf32>,
    %eq3A_2658 = arith.constant 1 : i32
    %eq3A_2659 = vector.broadcast %eq3A_2658 : i32 to vector<16xi32>
    %eq3A_2660 = arith.cmpi eq, %select_n3A_2556, %eq3A_2659 : vector<16xi32>
    %eq3A_2661 = arith.constant 1 : i32
    %eq3A_2662 = vector.broadcast %eq3A_2661 : i32 to vector<16xi32>
    %eq3A_2663 = arith.cmpi eq, %select_n3A_2630, %eq3A_2662 : vector<16xi32>
    %select_n3A_2664 = arith.select %eq3A_2663, %sub3A_2641, %broadcast_in_dim3A_2643 : vector<16xi1>, vector<16xf32>
    %select_n3A_2665 = arith.select %eq3A_2660, %div3A_2638, %select_n3A_2664 : vector<16xi1>, vector<16xf32>
    %swap3A_2666 = arith.constant 1 : i32
    %swap3A_2667 = arith.index_cast %swap3A_2666 : i32 to index
    %swap3A_2668 = arith.constant 144 : index
    %swap3A_2669 = tpu.vector_load %arg5[%swap3A_2667, %swap3A_2668] {strides = array<i32>} : memref<8x256xf32, #tpu.memory_space<vmem>>, vector<1x16xf32>,
    %swap3A_2670 = vector.shape_cast %swap3A_2669 : vector<1x16xf32> to vector<16xf32>
    %swap3A_2671 = vector.shape_cast %select_n3A_2665 : vector<16xf32> to vector<1x16xf32>
    tpu.vector_store %arg5[%swap3A_2667, %swap3A_2668], %swap3A_2671 {strides = array<i32>} : memref<8x256xf32, #tpu.memory_space<vmem>>, vector<1x16xf32>,
    %eq3A_2672 = arith.constant 2 : i32
    %eq3A_2673 = vector.broadcast %eq3A_2672 : i32 to vector<16xi32>
    %eq3A_2674 = arith.cmpi eq, %select_n3A_2556, %eq3A_2673 : vector<16xi32>
    %eq3A_2675 = arith.constant 2 : i32
    %eq3A_2676 = vector.broadcast %eq3A_2675 : i32 to vector<16xi32>
    %eq3A_2677 = arith.cmpi eq, %select_n3A_2630, %eq3A_2676 : vector<16xi32>
    %select_n3A_2678 = arith.select %eq3A_2677, %sub3A_2641, %broadcast_in_dim3A_2643 : vector<16xi1>, vector<16xf32>
    %select_n3A_2679 = arith.select %eq3A_2674, %div3A_2638, %select_n3A_2678 : vector<16xi1>, vector<16xf32>
    %swap3A_2680 = arith.constant 2 : i32
    %swap3A_2681 = arith.index_cast %swap3A_2680 : i32 to index
    %swap3A_2682 = arith.constant 144 : index
    %swap3A_2683 = tpu.vector_load %arg5[%swap3A_2681, %swap3A_2682] {strides = array<i32>} : memref<8x256xf32, #tpu.memory_space<vmem>>, vector<1x16xf32>,
    %swap3A_2684 = vector.shape_cast %swap3A_2683 : vector<1x16xf32> to vector<16xf32>
    %swap3A_2685 = vector.shape_cast %select_n3A_2679 : vector<16xf32> to vector<1x16xf32>
    tpu.vector_store %arg5[%swap3A_2681, %swap3A_2682], %swap3A_2685 {strides = array<i32>} : memref<8x256xf32, #tpu.memory_space<vmem>>, vector<1x16xf32>,
    %eq3A_2686 = arith.constant 3 : i32
    %eq3A_2687 = vector.broadcast %eq3A_2686 : i32 to vector<16xi32>
    %eq3A_2688 = arith.cmpi eq, %select_n3A_2556, %eq3A_2687 : vector<16xi32>
    %eq3A_2689 = arith.constant 3 : i32
    %eq3A_2690 = vector.broadcast %eq3A_2689 : i32 to vector<16xi32>
    %eq3A_2691 = arith.cmpi eq, %select_n3A_2630, %eq3A_2690 : vector<16xi32>
    %select_n3A_2692 = arith.select %eq3A_2691, %sub3A_2641, %broadcast_in_dim3A_2643 : vector<16xi1>, vector<16xf32>
    %select_n3A_2693 = arith.select %eq3A_2688, %div3A_2638, %select_n3A_2692 : vector<16xi1>, vector<16xf32>
    %swap3A_2694 = arith.constant 3 : i32
    %swap3A_2695 = arith.index_cast %swap3A_2694 : i32 to index
    %swap3A_2696 = arith.constant 144 : index
    %swap3A_2697 = tpu.vector_load %arg5[%swap3A_2695, %swap3A_2696] {strides = array<i32>} : memref<8x256xf32, #tpu.memory_space<vmem>>, vector<1x16xf32>,
    %swap3A_2698 = vector.shape_cast %swap3A_2697 : vector<1x16xf32> to vector<16xf32>
    %swap3A_2699 = vector.shape_cast %select_n3A_2693 : vector<16xf32> to vector<1x16xf32>
    tpu.vector_store %arg5[%swap3A_2695, %swap3A_2696], %swap3A_2699 {strides = array<i32>} : memref<8x256xf32, #tpu.memory_space<vmem>>, vector<1x16xf32>,
    %eq3A_2700 = arith.constant 4 : i32
    %eq3A_2701 = vector.broadcast %eq3A_2700 : i32 to vector<16xi32>
    %eq3A_2702 = arith.cmpi eq, %select_n3A_2556, %eq3A_2701 : vector<16xi32>
    %eq3A_2703 = arith.constant 4 : i32
    %eq3A_2704 = vector.broadcast %eq3A_2703 : i32 to vector<16xi32>
    %eq3A_2705 = arith.cmpi eq, %select_n3A_2630, %eq3A_2704 : vector<16xi32>
    %select_n3A_2706 = arith.select %eq3A_2705, %sub3A_2641, %broadcast_in_dim3A_2643 : vector<16xi1>, vector<16xf32>
    %select_n3A_2707 = arith.select %eq3A_2702, %div3A_2638, %select_n3A_2706 : vector<16xi1>, vector<16xf32>
    %swap3A_2708 = arith.constant 4 : i32
    %swap3A_2709 = arith.index_cast %swap3A_2708 : i32 to index
    %swap3A_2710 = arith.constant 144 : index
    %swap3A_2711 = tpu.vector_load %arg5[%swap3A_2709, %swap3A_2710] {strides = array<i32>} : memref<8x256xf32, #tpu.memory_space<vmem>>, vector<1x16xf32>,
    %swap3A_2712 = vector.shape_cast %swap3A_2711 : vector<1x16xf32> to vector<16xf32>
    %swap3A_2713 = vector.shape_cast %select_n3A_2707 : vector<16xf32> to vector<1x16xf32>
    tpu.vector_store %arg5[%swap3A_2709, %swap3A_2710], %swap3A_2713 {strides = array<i32>} : memref<8x256xf32, #tpu.memory_space<vmem>>, vector<1x16xf32>,
    %eq3A_2714 = arith.constant 5 : i32
    %eq3A_2715 = vector.broadcast %eq3A_2714 : i32 to vector<16xi32>
    %eq3A_2716 = arith.cmpi eq, %select_n3A_2556, %eq3A_2715 : vector<16xi32>
    %eq3A_2717 = arith.constant 5 : i32
    %eq3A_2718 = vector.broadcast %eq3A_2717 : i32 to vector<16xi32>
    %eq3A_2719 = arith.cmpi eq, %select_n3A_2630, %eq3A_2718 : vector<16xi32>
    %select_n3A_2720 = arith.select %eq3A_2719, %sub3A_2641, %broadcast_in_dim3A_2643 : vector<16xi1>, vector<16xf32>
    %select_n3A_2721 = arith.select %eq3A_2716, %div3A_2638, %select_n3A_2720 : vector<16xi1>, vector<16xf32>
    %swap3A_2722 = arith.constant 5 : i32
    %swap3A_2723 = arith.index_cast %swap3A_2722 : i32 to index
    %swap3A_2724 = arith.constant 144 : index
    %swap3A_2725 = tpu.vector_load %arg5[%swap3A_2723, %swap3A_2724] {strides = array<i32>} : memref<8x256xf32, #tpu.memory_space<vmem>>, vector<1x16xf32>,
    %swap3A_2726 = vector.shape_cast %swap3A_2725 : vector<1x16xf32> to vector<16xf32>
    %swap3A_2727 = vector.shape_cast %select_n3A_2721 : vector<16xf32> to vector<1x16xf32>
    tpu.vector_store %arg5[%swap3A_2723, %swap3A_2724], %swap3A_2727 {strides = array<i32>} : memref<8x256xf32, #tpu.memory_space<vmem>>, vector<1x16xf32>,
    %eq3A_2728 = arith.constant 6 : i32
    %eq3A_2729 = vector.broadcast %eq3A_2728 : i32 to vector<16xi32>
    %eq3A_2730 = arith.cmpi eq, %select_n3A_2556, %eq3A_2729 : vector<16xi32>
    %eq3A_2731 = arith.constant 6 : i32
    %eq3A_2732 = vector.broadcast %eq3A_2731 : i32 to vector<16xi32>
    %eq3A_2733 = arith.cmpi eq, %select_n3A_2630, %eq3A_2732 : vector<16xi32>
    %select_n3A_2734 = arith.select %eq3A_2733, %sub3A_2641, %broadcast_in_dim3A_2643 : vector<16xi1>, vector<16xf32>
    %select_n3A_2735 = arith.select %eq3A_2730, %div3A_2638, %select_n3A_2734 : vector<16xi1>, vector<16xf32>
    %swap3A_2736 = arith.constant 6 : i32
    %swap3A_2737 = arith.index_cast %swap3A_2736 : i32 to index
    %swap3A_2738 = arith.constant 144 : index
    %swap3A_2739 = tpu.vector_load %arg5[%swap3A_2737, %swap3A_2738] {strides = array<i32>} : memref<8x256xf32, #tpu.memory_space<vmem>>, vector<1x16xf32>,
    %swap3A_2740 = vector.shape_cast %swap3A_2739 : vector<1x16xf32> to vector<16xf32>
    %swap3A_2741 = vector.shape_cast %select_n3A_2735 : vector<16xf32> to vector<1x16xf32>
    tpu.vector_store %arg5[%swap3A_2737, %swap3A_2738], %swap3A_2741 {strides = array<i32>} : memref<8x256xf32, #tpu.memory_space<vmem>>, vector<1x16xf32>,
    %eq3A_2742 = arith.constant 7 : i32
    %eq3A_2743 = vector.broadcast %eq3A_2742 : i32 to vector<16xi32>
    %eq3A_2744 = arith.cmpi eq, %select_n3A_2556, %eq3A_2743 : vector<16xi32>
    %eq3A_2745 = arith.constant 7 : i32
    %eq3A_2746 = vector.broadcast %eq3A_2745 : i32 to vector<16xi32>
    %eq3A_2747 = arith.cmpi eq, %select_n3A_2630, %eq3A_2746 : vector<16xi32>
    %select_n3A_2748 = arith.select %eq3A_2747, %sub3A_2641, %broadcast_in_dim3A_2643 : vector<16xi1>, vector<16xf32>
    %select_n3A_2749 = arith.select %eq3A_2744, %div3A_2638, %select_n3A_2748 : vector<16xi1>, vector<16xf32>
    %swap3A_2750 = arith.constant 7 : i32
    %swap3A_2751 = arith.index_cast %swap3A_2750 : i32 to index
    %swap3A_2752 = arith.constant 144 : index
    %swap3A_2753 = tpu.vector_load %arg5[%swap3A_2751, %swap3A_2752] {strides = array<i32>} : memref<8x256xf32, #tpu.memory_space<vmem>>, vector<1x16xf32>,
    %swap3A_2754 = vector.shape_cast %swap3A_2753 : vector<1x16xf32> to vector<16xf32>
    %swap3A_2755 = vector.shape_cast %select_n3A_2749 : vector<16xf32> to vector<1x16xf32>
    tpu.vector_store %arg5[%swap3A_2751, %swap3A_2752], %swap3A_2755 {strides = array<i32>} : memref<8x256xf32, #tpu.memory_space<vmem>>, vector<1x16xf32>,
    %get3A_2756 = arith.constant 0 : i32
    %get3A_2757 = arith.index_cast %get3A_2756 : i32 to index
    %get3A_2758 = arith.constant 160 : index
    %get3A_2759 = tpu.vector_load %arg4[%get3A_2757, %get3A_2758] {strides = array<i32>} : memref<8x256xf32, #tpu.memory_space<vmem>>, vector<1x16xf32>,
    %get3A_2760 = vector.shape_cast %get3A_2759 : vector<1x16xf32> to vector<16xf32>
    %get3A_2761 = arith.constant 1 : i32
    %get3A_2762 = arith.index_cast %get3A_2761 : i32 to index
    %get3A_2763 = arith.constant 160 : index
    %get3A_2764 = tpu.vector_load %arg4[%get3A_2762, %get3A_2763] {strides = array<i32>} : memref<8x256xf32, #tpu.memory_space<vmem>>, vector<1x16xf32>,
    %get3A_2765 = vector.shape_cast %get3A_2764 : vector<1x16xf32> to vector<16xf32>
    %get3A_2766 = arith.constant 2 : i32
    %get3A_2767 = arith.index_cast %get3A_2766 : i32 to index
    %get3A_2768 = arith.constant 160 : index
    %get3A_2769 = tpu.vector_load %arg4[%get3A_2767, %get3A_2768] {strides = array<i32>} : memref<8x256xf32, #tpu.memory_space<vmem>>, vector<1x16xf32>,
    %get3A_2770 = vector.shape_cast %get3A_2769 : vector<1x16xf32> to vector<16xf32>
    %get3A_2771 = arith.constant 3 : i32
    %get3A_2772 = arith.index_cast %get3A_2771 : i32 to index
    %get3A_2773 = arith.constant 160 : index
    %get3A_2774 = tpu.vector_load %arg4[%get3A_2772, %get3A_2773] {strides = array<i32>} : memref<8x256xf32, #tpu.memory_space<vmem>>, vector<1x16xf32>,
    %get3A_2775 = vector.shape_cast %get3A_2774 : vector<1x16xf32> to vector<16xf32>
    %get3A_2776 = arith.constant 4 : i32
    %get3A_2777 = arith.index_cast %get3A_2776 : i32 to index
    %get3A_2778 = arith.constant 160 : index
    %get3A_2779 = tpu.vector_load %arg4[%get3A_2777, %get3A_2778] {strides = array<i32>} : memref<8x256xf32, #tpu.memory_space<vmem>>, vector<1x16xf32>,
    %get3A_2780 = vector.shape_cast %get3A_2779 : vector<1x16xf32> to vector<16xf32>
    %get3A_2781 = arith.constant 5 : i32
    %get3A_2782 = arith.index_cast %get3A_2781 : i32 to index
    %get3A_2783 = arith.constant 160 : index
    %get3A_2784 = tpu.vector_load %arg4[%get3A_2782, %get3A_2783] {strides = array<i32>} : memref<8x256xf32, #tpu.memory_space<vmem>>, vector<1x16xf32>,
    %get3A_2785 = vector.shape_cast %get3A_2784 : vector<1x16xf32> to vector<16xf32>
    %get3A_2786 = arith.constant 6 : i32
    %get3A_2787 = arith.index_cast %get3A_2786 : i32 to index
    %get3A_2788 = arith.constant 160 : index
    %get3A_2789 = tpu.vector_load %arg4[%get3A_2787, %get3A_2788] {strides = array<i32>} : memref<8x256xf32, #tpu.memory_space<vmem>>, vector<1x16xf32>,
    %get3A_2790 = vector.shape_cast %get3A_2789 : vector<1x16xf32> to vector<16xf32>
    %get3A_2791 = arith.constant 7 : i32
    %get3A_2792 = arith.index_cast %get3A_2791 : i32 to index
    %get3A_2793 = arith.constant 160 : index
    %get3A_2794 = tpu.vector_load %arg4[%get3A_2792, %get3A_2793] {strides = array<i32>} : memref<8x256xf32, #tpu.memory_space<vmem>>, vector<1x16xf32>,
    %get3A_2795 = vector.shape_cast %get3A_2794 : vector<1x16xf32> to vector<16xf32>
    %broadcast_in_dim3A_2796 = arith.constant 0 : i32
    %broadcast_in_dim3A_2797 = vector.broadcast %broadcast_in_dim3A_2796 : i32 to vector<16xi32>
    %gt3A_2798 = arith.cmpf ogt, %get3A_2765, %get3A_2760 : vector<16xf32>
    %select_n3A_2799 = arith.select %gt3A_2798, %get3A_2765, %get3A_2760 : vector<16xi1>, vector<16xf32>
    %broadcast_in_dim3A_2800 = arith.constant 1 : i32
    %broadcast_in_dim3A_2801 = vector.broadcast %broadcast_in_dim3A_2800 : i32 to vector<16xi32>
    %select_n3A_2802 = arith.select %gt3A_2798, %broadcast_in_dim3A_2801, %broadcast_in_dim3A_2797 : vector<16xi1>, vector<16xi32>
    %gt3A_2803 = arith.cmpf ogt, %get3A_2770, %select_n3A_2799 : vector<16xf32>
    %select_n3A_2804 = arith.select %gt3A_2803, %get3A_2770, %select_n3A_2799 : vector<16xi1>, vector<16xf32>
    %broadcast_in_dim3A_2805 = arith.constant 2 : i32
    %broadcast_in_dim3A_2806 = vector.broadcast %broadcast_in_dim3A_2805 : i32 to vector<16xi32>
    %select_n3A_2807 = arith.select %gt3A_2803, %broadcast_in_dim3A_2806, %select_n3A_2802 : vector<16xi1>, vector<16xi32>
    %gt3A_2808 = arith.cmpf ogt, %get3A_2775, %select_n3A_2804 : vector<16xf32>
    %select_n3A_2809 = arith.select %gt3A_2808, %get3A_2775, %select_n3A_2804 : vector<16xi1>, vector<16xf32>
    %broadcast_in_dim3A_2810 = arith.constant 3 : i32
    %broadcast_in_dim3A_2811 = vector.broadcast %broadcast_in_dim3A_2810 : i32 to vector<16xi32>
    %select_n3A_2812 = arith.select %gt3A_2808, %broadcast_in_dim3A_2811, %select_n3A_2807 : vector<16xi1>, vector<16xi32>
    %gt3A_2813 = arith.cmpf ogt, %get3A_2780, %select_n3A_2809 : vector<16xf32>
    %select_n3A_2814 = arith.select %gt3A_2813, %get3A_2780, %select_n3A_2809 : vector<16xi1>, vector<16xf32>
    %broadcast_in_dim3A_2815 = arith.constant 4 : i32
    %broadcast_in_dim3A_2816 = vector.broadcast %broadcast_in_dim3A_2815 : i32 to vector<16xi32>
    %select_n3A_2817 = arith.select %gt3A_2813, %broadcast_in_dim3A_2816, %select_n3A_2812 : vector<16xi1>, vector<16xi32>
    %gt3A_2818 = arith.cmpf ogt, %get3A_2785, %select_n3A_2814 : vector<16xf32>
    %select_n3A_2819 = arith.select %gt3A_2818, %get3A_2785, %select_n3A_2814 : vector<16xi1>, vector<16xf32>
    %broadcast_in_dim3A_2820 = arith.constant 5 : i32
    %broadcast_in_dim3A_2821 = vector.broadcast %broadcast_in_dim3A_2820 : i32 to vector<16xi32>
    %select_n3A_2822 = arith.select %gt3A_2818, %broadcast_in_dim3A_2821, %select_n3A_2817 : vector<16xi1>, vector<16xi32>
    %gt3A_2823 = arith.cmpf ogt, %get3A_2790, %select_n3A_2819 : vector<16xf32>
    %select_n3A_2824 = arith.select %gt3A_2823, %get3A_2790, %select_n3A_2819 : vector<16xi1>, vector<16xf32>
    %broadcast_in_dim3A_2825 = arith.constant 6 : i32
    %broadcast_in_dim3A_2826 = vector.broadcast %broadcast_in_dim3A_2825 : i32 to vector<16xi32>
    %select_n3A_2827 = arith.select %gt3A_2823, %broadcast_in_dim3A_2826, %select_n3A_2822 : vector<16xi1>, vector<16xi32>
    %gt3A_2828 = arith.cmpf ogt, %get3A_2795, %select_n3A_2824 : vector<16xf32>
    %select_n3A_2829 = arith.select %gt3A_2828, %get3A_2795, %select_n3A_2824 : vector<16xi1>, vector<16xf32>
    %broadcast_in_dim3A_2830 = arith.constant 7 : i32
    %broadcast_in_dim3A_2831 = vector.broadcast %broadcast_in_dim3A_2830 : i32 to vector<16xi32>
    %select_n3A_2832 = arith.select %gt3A_2828, %broadcast_in_dim3A_2831, %select_n3A_2827 : vector<16xi1>, vector<16xi32>
    %broadcast_in_dim3A_2833 = arith.constant 0 : i32
    %broadcast_in_dim3A_2834 = vector.broadcast %broadcast_in_dim3A_2833 : i32 to vector<16xi32>
    %eq3A_2835 = arith.constant 0 : i32
    %eq3A_2836 = vector.broadcast %eq3A_2835 : i32 to vector<16xi32>
    %eq3A_2837 = arith.cmpi eq, %select_n3A_2832, %eq3A_2836 : vector<16xi32>
    %select_n3A_2838 = arith.select %eq3A_2837, %broadcast_in_dim3A_3, %get3A_2760 : vector<16xi1>, vector<16xf32>
    %gt3A_2839 = arith.cmpf ogt, %select_n3A_2838, %broadcast_in_dim3A_3 : vector<16xf32>
    %select_n3A_2840 = arith.select %gt3A_2839, %select_n3A_2838, %broadcast_in_dim3A_3 : vector<16xi1>, vector<16xf32>
    %broadcast_in_dim3A_2841 = arith.constant 0 : i32
    %broadcast_in_dim3A_2842 = vector.broadcast %broadcast_in_dim3A_2841 : i32 to vector<16xi32>
    %select_n3A_2843 = arith.select %gt3A_2839, %broadcast_in_dim3A_2842, %broadcast_in_dim3A_2834 : vector<16xi1>, vector<16xi32>
    %eq3A_2844 = arith.constant 1 : i32
    %eq3A_2845 = vector.broadcast %eq3A_2844 : i32 to vector<16xi32>
    %eq3A_2846 = arith.cmpi eq, %select_n3A_2832, %eq3A_2845 : vector<16xi32>
    %select_n3A_2847 = arith.select %eq3A_2846, %broadcast_in_dim3A_3, %get3A_2765 : vector<16xi1>, vector<16xf32>
    %gt3A_2848 = arith.cmpf ogt, %select_n3A_2847, %select_n3A_2840 : vector<16xf32>
    %select_n3A_2849 = arith.select %gt3A_2848, %select_n3A_2847, %select_n3A_2840 : vector<16xi1>, vector<16xf32>
    %broadcast_in_dim3A_2850 = arith.constant 1 : i32
    %broadcast_in_dim3A_2851 = vector.broadcast %broadcast_in_dim3A_2850 : i32 to vector<16xi32>
    %select_n3A_2852 = arith.select %gt3A_2848, %broadcast_in_dim3A_2851, %select_n3A_2843 : vector<16xi1>, vector<16xi32>
    %eq3A_2853 = arith.constant 2 : i32
    %eq3A_2854 = vector.broadcast %eq3A_2853 : i32 to vector<16xi32>
    %eq3A_2855 = arith.cmpi eq, %select_n3A_2832, %eq3A_2854 : vector<16xi32>
    %select_n3A_2856 = arith.select %eq3A_2855, %broadcast_in_dim3A_3, %get3A_2770 : vector<16xi1>, vector<16xf32>
    %gt3A_2857 = arith.cmpf ogt, %select_n3A_2856, %select_n3A_2849 : vector<16xf32>
    %select_n3A_2858 = arith.select %gt3A_2857, %select_n3A_2856, %select_n3A_2849 : vector<16xi1>, vector<16xf32>
    %broadcast_in_dim3A_2859 = arith.constant 2 : i32
    %broadcast_in_dim3A_2860 = vector.broadcast %broadcast_in_dim3A_2859 : i32 to vector<16xi32>
    %select_n3A_2861 = arith.select %gt3A_2857, %broadcast_in_dim3A_2860, %select_n3A_2852 : vector<16xi1>, vector<16xi32>
    %eq3A_2862 = arith.constant 3 : i32
    %eq3A_2863 = vector.broadcast %eq3A_2862 : i32 to vector<16xi32>
    %eq3A_2864 = arith.cmpi eq, %select_n3A_2832, %eq3A_2863 : vector<16xi32>
    %select_n3A_2865 = arith.select %eq3A_2864, %broadcast_in_dim3A_3, %get3A_2775 : vector<16xi1>, vector<16xf32>
    %gt3A_2866 = arith.cmpf ogt, %select_n3A_2865, %select_n3A_2858 : vector<16xf32>
    %select_n3A_2867 = arith.select %gt3A_2866, %select_n3A_2865, %select_n3A_2858 : vector<16xi1>, vector<16xf32>
    %broadcast_in_dim3A_2868 = arith.constant 3 : i32
    %broadcast_in_dim3A_2869 = vector.broadcast %broadcast_in_dim3A_2868 : i32 to vector<16xi32>
    %select_n3A_2870 = arith.select %gt3A_2866, %broadcast_in_dim3A_2869, %select_n3A_2861 : vector<16xi1>, vector<16xi32>
    %eq3A_2871 = arith.constant 4 : i32
    %eq3A_2872 = vector.broadcast %eq3A_2871 : i32 to vector<16xi32>
    %eq3A_2873 = arith.cmpi eq, %select_n3A_2832, %eq3A_2872 : vector<16xi32>
    %select_n3A_2874 = arith.select %eq3A_2873, %broadcast_in_dim3A_3, %get3A_2780 : vector<16xi1>, vector<16xf32>
    %gt3A_2875 = arith.cmpf ogt, %select_n3A_2874, %select_n3A_2867 : vector<16xf32>
    %select_n3A_2876 = arith.select %gt3A_2875, %select_n3A_2874, %select_n3A_2867 : vector<16xi1>, vector<16xf32>
    %broadcast_in_dim3A_2877 = arith.constant 4 : i32
    %broadcast_in_dim3A_2878 = vector.broadcast %broadcast_in_dim3A_2877 : i32 to vector<16xi32>
    %select_n3A_2879 = arith.select %gt3A_2875, %broadcast_in_dim3A_2878, %select_n3A_2870 : vector<16xi1>, vector<16xi32>
    %eq3A_2880 = arith.constant 5 : i32
    %eq3A_2881 = vector.broadcast %eq3A_2880 : i32 to vector<16xi32>
    %eq3A_2882 = arith.cmpi eq, %select_n3A_2832, %eq3A_2881 : vector<16xi32>
    %select_n3A_2883 = arith.select %eq3A_2882, %broadcast_in_dim3A_3, %get3A_2785 : vector<16xi1>, vector<16xf32>
    %gt3A_2884 = arith.cmpf ogt, %select_n3A_2883, %select_n3A_2876 : vector<16xf32>
    %select_n3A_2885 = arith.select %gt3A_2884, %select_n3A_2883, %select_n3A_2876 : vector<16xi1>, vector<16xf32>
    %broadcast_in_dim3A_2886 = arith.constant 5 : i32
    %broadcast_in_dim3A_2887 = vector.broadcast %broadcast_in_dim3A_2886 : i32 to vector<16xi32>
    %select_n3A_2888 = arith.select %gt3A_2884, %broadcast_in_dim3A_2887, %select_n3A_2879 : vector<16xi1>, vector<16xi32>
    %eq3A_2889 = arith.constant 6 : i32
    %eq3A_2890 = vector.broadcast %eq3A_2889 : i32 to vector<16xi32>
    %eq3A_2891 = arith.cmpi eq, %select_n3A_2832, %eq3A_2890 : vector<16xi32>
    %select_n3A_2892 = arith.select %eq3A_2891, %broadcast_in_dim3A_3, %get3A_2790 : vector<16xi1>, vector<16xf32>
    %gt3A_2893 = arith.cmpf ogt, %select_n3A_2892, %select_n3A_2885 : vector<16xf32>
    %select_n3A_2894 = arith.select %gt3A_2893, %select_n3A_2892, %select_n3A_2885 : vector<16xi1>, vector<16xf32>
    %broadcast_in_dim3A_2895 = arith.constant 6 : i32
    %broadcast_in_dim3A_2896 = vector.broadcast %broadcast_in_dim3A_2895 : i32 to vector<16xi32>
    %select_n3A_2897 = arith.select %gt3A_2893, %broadcast_in_dim3A_2896, %select_n3A_2888 : vector<16xi1>, vector<16xi32>
    %eq3A_2898 = arith.constant 7 : i32
    %eq3A_2899 = vector.broadcast %eq3A_2898 : i32 to vector<16xi32>
    %eq3A_2900 = arith.cmpi eq, %select_n3A_2832, %eq3A_2899 : vector<16xi32>
    %select_n3A_2901 = arith.select %eq3A_2900, %broadcast_in_dim3A_3, %get3A_2795 : vector<16xi1>, vector<16xf32>
    %gt3A_2902 = arith.cmpf ogt, %select_n3A_2901, %select_n3A_2894 : vector<16xf32>
    %select_n3A_2903 = arith.select %gt3A_2902, %select_n3A_2901, %select_n3A_2894 : vector<16xi1>, vector<16xf32>
    %broadcast_in_dim3A_2904 = arith.constant 7 : i32
    %broadcast_in_dim3A_2905 = vector.broadcast %broadcast_in_dim3A_2904 : i32 to vector<16xi32>
    %select_n3A_2906 = arith.select %gt3A_2902, %broadcast_in_dim3A_2905, %select_n3A_2897 : vector<16xi1>, vector<16xi32>
    %sub3A_2907 = arith.subf %select_n3A_2903, %select_n3A_2829 : vector<16xf32>
    %exp3A_2908 = math.exp %sub3A_2907 : vector<16xf32>
    %add3A_2909 = arith.constant 1.000000e+00 : f32
    %add3A_2910 = vector.broadcast %add3A_2909 : f32 to vector<16xf32>
    %add3A_2911 = arith.addf %add3A_2910, %exp3A_2908 : vector<16xf32>
    %div3A_2912 = arith.constant 1.000000e+00 : f32
    %div3A_2913 = vector.broadcast %div3A_2912 : f32 to vector<16xf32>
    %div3A_2914 = arith.divf %div3A_2913, %add3A_2911 : vector<16xf32>
    %sub3A_2915 = arith.constant 1.000000e+00 : f32
    %sub3A_2916 = vector.broadcast %sub3A_2915 : f32 to vector<16xf32>
    %sub3A_2917 = arith.subf %sub3A_2916, %div3A_2914 : vector<16xf32>
    %broadcast_in_dim3A_2918 = arith.constant 0.000000e+00 : f32
    %broadcast_in_dim3A_2919 = vector.broadcast %broadcast_in_dim3A_2918 : f32 to vector<16xf32>
    %eq3A_2920 = arith.constant 0 : i32
    %eq3A_2921 = vector.broadcast %eq3A_2920 : i32 to vector<16xi32>
    %eq3A_2922 = arith.cmpi eq, %select_n3A_2832, %eq3A_2921 : vector<16xi32>
    %eq3A_2923 = arith.constant 0 : i32
    %eq3A_2924 = vector.broadcast %eq3A_2923 : i32 to vector<16xi32>
    %eq3A_2925 = arith.cmpi eq, %select_n3A_2906, %eq3A_2924 : vector<16xi32>
    %select_n3A_2926 = arith.select %eq3A_2925, %sub3A_2917, %broadcast_in_dim3A_2919 : vector<16xi1>, vector<16xf32>
    %select_n3A_2927 = arith.select %eq3A_2922, %div3A_2914, %select_n3A_2926 : vector<16xi1>, vector<16xf32>
    %swap3A_2928 = arith.constant 0 : i32
    %swap3A_2929 = arith.index_cast %swap3A_2928 : i32 to index
    %swap3A_2930 = arith.constant 160 : index
    %swap3A_2931 = tpu.vector_load %arg5[%swap3A_2929, %swap3A_2930] {strides = array<i32>} : memref<8x256xf32, #tpu.memory_space<vmem>>, vector<1x16xf32>,
    %swap3A_2932 = vector.shape_cast %swap3A_2931 : vector<1x16xf32> to vector<16xf32>
    %swap3A_2933 = vector.shape_cast %select_n3A_2927 : vector<16xf32> to vector<1x16xf32>
    tpu.vector_store %arg5[%swap3A_2929, %swap3A_2930], %swap3A_2933 {strides = array<i32>} : memref<8x256xf32, #tpu.memory_space<vmem>>, vector<1x16xf32>,
    %eq3A_2934 = arith.constant 1 : i32
    %eq3A_2935 = vector.broadcast %eq3A_2934 : i32 to vector<16xi32>
    %eq3A_2936 = arith.cmpi eq, %select_n3A_2832, %eq3A_2935 : vector<16xi32>
    %eq3A_2937 = arith.constant 1 : i32
    %eq3A_2938 = vector.broadcast %eq3A_2937 : i32 to vector<16xi32>
    %eq3A_2939 = arith.cmpi eq, %select_n3A_2906, %eq3A_2938 : vector<16xi32>
    %select_n3A_2940 = arith.select %eq3A_2939, %sub3A_2917, %broadcast_in_dim3A_2919 : vector<16xi1>, vector<16xf32>
    %select_n3A_2941 = arith.select %eq3A_2936, %div3A_2914, %select_n3A_2940 : vector<16xi1>, vector<16xf32>
    %swap3A_2942 = arith.constant 1 : i32
    %swap3A_2943 = arith.index_cast %swap3A_2942 : i32 to index
    %swap3A_2944 = arith.constant 160 : index
    %swap3A_2945 = tpu.vector_load %arg5[%swap3A_2943, %swap3A_2944] {strides = array<i32>} : memref<8x256xf32, #tpu.memory_space<vmem>>, vector<1x16xf32>,
    %swap3A_2946 = vector.shape_cast %swap3A_2945 : vector<1x16xf32> to vector<16xf32>
    %swap3A_2947 = vector.shape_cast %select_n3A_2941 : vector<16xf32> to vector<1x16xf32>
    tpu.vector_store %arg5[%swap3A_2943, %swap3A_2944], %swap3A_2947 {strides = array<i32>} : memref<8x256xf32, #tpu.memory_space<vmem>>, vector<1x16xf32>,
    %eq3A_2948 = arith.constant 2 : i32
    %eq3A_2949 = vector.broadcast %eq3A_2948 : i32 to vector<16xi32>
    %eq3A_2950 = arith.cmpi eq, %select_n3A_2832, %eq3A_2949 : vector<16xi32>
    %eq3A_2951 = arith.constant 2 : i32
    %eq3A_2952 = vector.broadcast %eq3A_2951 : i32 to vector<16xi32>
    %eq3A_2953 = arith.cmpi eq, %select_n3A_2906, %eq3A_2952 : vector<16xi32>
    %select_n3A_2954 = arith.select %eq3A_2953, %sub3A_2917, %broadcast_in_dim3A_2919 : vector<16xi1>, vector<16xf32>
    %select_n3A_2955 = arith.select %eq3A_2950, %div3A_2914, %select_n3A_2954 : vector<16xi1>, vector<16xf32>
    %swap3A_2956 = arith.constant 2 : i32
    %swap3A_2957 = arith.index_cast %swap3A_2956 : i32 to index
    %swap3A_2958 = arith.constant 160 : index
    %swap3A_2959 = tpu.vector_load %arg5[%swap3A_2957, %swap3A_2958] {strides = array<i32>} : memref<8x256xf32, #tpu.memory_space<vmem>>, vector<1x16xf32>,
    %swap3A_2960 = vector.shape_cast %swap3A_2959 : vector<1x16xf32> to vector<16xf32>
    %swap3A_2961 = vector.shape_cast %select_n3A_2955 : vector<16xf32> to vector<1x16xf32>
    tpu.vector_store %arg5[%swap3A_2957, %swap3A_2958], %swap3A_2961 {strides = array<i32>} : memref<8x256xf32, #tpu.memory_space<vmem>>, vector<1x16xf32>,
    %eq3A_2962 = arith.constant 3 : i32
    %eq3A_2963 = vector.broadcast %eq3A_2962 : i32 to vector<16xi32>
    %eq3A_2964 = arith.cmpi eq, %select_n3A_2832, %eq3A_2963 : vector<16xi32>
    %eq3A_2965 = arith.constant 3 : i32
    %eq3A_2966 = vector.broadcast %eq3A_2965 : i32 to vector<16xi32>
    %eq3A_2967 = arith.cmpi eq, %select_n3A_2906, %eq3A_2966 : vector<16xi32>
    %select_n3A_2968 = arith.select %eq3A_2967, %sub3A_2917, %broadcast_in_dim3A_2919 : vector<16xi1>, vector<16xf32>
    %select_n3A_2969 = arith.select %eq3A_2964, %div3A_2914, %select_n3A_2968 : vector<16xi1>, vector<16xf32>
    %swap3A_2970 = arith.constant 3 : i32
    %swap3A_2971 = arith.index_cast %swap3A_2970 : i32 to index
    %swap3A_2972 = arith.constant 160 : index
    %swap3A_2973 = tpu.vector_load %arg5[%swap3A_2971, %swap3A_2972] {strides = array<i32>} : memref<8x256xf32, #tpu.memory_space<vmem>>, vector<1x16xf32>,
    %swap3A_2974 = vector.shape_cast %swap3A_2973 : vector<1x16xf32> to vector<16xf32>
    %swap3A_2975 = vector.shape_cast %select_n3A_2969 : vector<16xf32> to vector<1x16xf32>
    tpu.vector_store %arg5[%swap3A_2971, %swap3A_2972], %swap3A_2975 {strides = array<i32>} : memref<8x256xf32, #tpu.memory_space<vmem>>, vector<1x16xf32>,
    %eq3A_2976 = arith.constant 4 : i32
    %eq3A_2977 = vector.broadcast %eq3A_2976 : i32 to vector<16xi32>
    %eq3A_2978 = arith.cmpi eq, %select_n3A_2832, %eq3A_2977 : vector<16xi32>
    %eq3A_2979 = arith.constant 4 : i32
    %eq3A_2980 = vector.broadcast %eq3A_2979 : i32 to vector<16xi32>
    %eq3A_2981 = arith.cmpi eq, %select_n3A_2906, %eq3A_2980 : vector<16xi32>
    %select_n3A_2982 = arith.select %eq3A_2981, %sub3A_2917, %broadcast_in_dim3A_2919 : vector<16xi1>, vector<16xf32>
    %select_n3A_2983 = arith.select %eq3A_2978, %div3A_2914, %select_n3A_2982 : vector<16xi1>, vector<16xf32>
    %swap3A_2984 = arith.constant 4 : i32
    %swap3A_2985 = arith.index_cast %swap3A_2984 : i32 to index
    %swap3A_2986 = arith.constant 160 : index
    %swap3A_2987 = tpu.vector_load %arg5[%swap3A_2985, %swap3A_2986] {strides = array<i32>} : memref<8x256xf32, #tpu.memory_space<vmem>>, vector<1x16xf32>,
    %swap3A_2988 = vector.shape_cast %swap3A_2987 : vector<1x16xf32> to vector<16xf32>
    %swap3A_2989 = vector.shape_cast %select_n3A_2983 : vector<16xf32> to vector<1x16xf32>
    tpu.vector_store %arg5[%swap3A_2985, %swap3A_2986], %swap3A_2989 {strides = array<i32>} : memref<8x256xf32, #tpu.memory_space<vmem>>, vector<1x16xf32>,
    %eq3A_2990 = arith.constant 5 : i32
    %eq3A_2991 = vector.broadcast %eq3A_2990 : i32 to vector<16xi32>
    %eq3A_2992 = arith.cmpi eq, %select_n3A_2832, %eq3A_2991 : vector<16xi32>
    %eq3A_2993 = arith.constant 5 : i32
    %eq3A_2994 = vector.broadcast %eq3A_2993 : i32 to vector<16xi32>
    %eq3A_2995 = arith.cmpi eq, %select_n3A_2906, %eq3A_2994 : vector<16xi32>
    %select_n3A_2996 = arith.select %eq3A_2995, %sub3A_2917, %broadcast_in_dim3A_2919 : vector<16xi1>, vector<16xf32>
    %select_n3A_2997 = arith.select %eq3A_2992, %div3A_2914, %select_n3A_2996 : vector<16xi1>, vector<16xf32>
    %swap3A_2998 = arith.constant 5 : i32
    %swap3A_2999 = arith.index_cast %swap3A_2998 : i32 to index
    %swap3A_3000 = arith.constant 160 : index
    %swap3A_3001 = tpu.vector_load %arg5[%swap3A_2999, %swap3A_3000] {strides = array<i32>} : memref<8x256xf32, #tpu.memory_space<vmem>>, vector<1x16xf32>,
    %swap3A_3002 = vector.shape_cast %swap3A_3001 : vector<1x16xf32> to vector<16xf32>
    %swap3A_3003 = vector.shape_cast %select_n3A_2997 : vector<16xf32> to vector<1x16xf32>
    tpu.vector_store %arg5[%swap3A_2999, %swap3A_3000], %swap3A_3003 {strides = array<i32>} : memref<8x256xf32, #tpu.memory_space<vmem>>, vector<1x16xf32>,
    %eq3A_3004 = arith.constant 6 : i32
    %eq3A_3005 = vector.broadcast %eq3A_3004 : i32 to vector<16xi32>
    %eq3A_3006 = arith.cmpi eq, %select_n3A_2832, %eq3A_3005 : vector<16xi32>
    %eq3A_3007 = arith.constant 6 : i32
    %eq3A_3008 = vector.broadcast %eq3A_3007 : i32 to vector<16xi32>
    %eq3A_3009 = arith.cmpi eq, %select_n3A_2906, %eq3A_3008 : vector<16xi32>
    %select_n3A_3010 = arith.select %eq3A_3009, %sub3A_2917, %broadcast_in_dim3A_2919 : vector<16xi1>, vector<16xf32>
    %select_n3A_3011 = arith.select %eq3A_3006, %div3A_2914, %select_n3A_3010 : vector<16xi1>, vector<16xf32>
    %swap3A_3012 = arith.constant 6 : i32
    %swap3A_3013 = arith.index_cast %swap3A_3012 : i32 to index
    %swap3A_3014 = arith.constant 160 : index
    %swap3A_3015 = tpu.vector_load %arg5[%swap3A_3013, %swap3A_3014] {strides = array<i32>} : memref<8x256xf32, #tpu.memory_space<vmem>>, vector<1x16xf32>,
    %swap3A_3016 = vector.shape_cast %swap3A_3015 : vector<1x16xf32> to vector<16xf32>
    %swap3A_3017 = vector.shape_cast %select_n3A_3011 : vector<16xf32> to vector<1x16xf32>
    tpu.vector_store %arg5[%swap3A_3013, %swap3A_3014], %swap3A_3017 {strides = array<i32>} : memref<8x256xf32, #tpu.memory_space<vmem>>, vector<1x16xf32>,
    %eq3A_3018 = arith.constant 7 : i32
    %eq3A_3019 = vector.broadcast %eq3A_3018 : i32 to vector<16xi32>
    %eq3A_3020 = arith.cmpi eq, %select_n3A_2832, %eq3A_3019 : vector<16xi32>
    %eq3A_3021 = arith.constant 7 : i32
    %eq3A_3022 = vector.broadcast %eq3A_3021 : i32 to vector<16xi32>
    %eq3A_3023 = arith.cmpi eq, %select_n3A_2906, %eq3A_3022 : vector<16xi32>
    %select_n3A_3024 = arith.select %eq3A_3023, %sub3A_2917, %broadcast_in_dim3A_2919 : vector<16xi1>, vector<16xf32>
    %select_n3A_3025 = arith.select %eq3A_3020, %div3A_2914, %select_n3A_3024 : vector<16xi1>, vector<16xf32>
    %swap3A_3026 = arith.constant 7 : i32
    %swap3A_3027 = arith.index_cast %swap3A_3026 : i32 to index
    %swap3A_3028 = arith.constant 160 : index
    %swap3A_3029 = tpu.vector_load %arg5[%swap3A_3027, %swap3A_3028] {strides = array<i32>} : memref<8x256xf32, #tpu.memory_space<vmem>>, vector<1x16xf32>,
    %swap3A_3030 = vector.shape_cast %swap3A_3029 : vector<1x16xf32> to vector<16xf32>
    %swap3A_3031 = vector.shape_cast %select_n3A_3025 : vector<16xf32> to vector<1x16xf32>
    tpu.vector_store %arg5[%swap3A_3027, %swap3A_3028], %swap3A_3031 {strides = array<i32>} : memref<8x256xf32, #tpu.memory_space<vmem>>, vector<1x16xf32>,
    %get3A_3032 = arith.constant 0 : i32
    %get3A_3033 = arith.index_cast %get3A_3032 : i32 to index
    %get3A_3034 = arith.constant 176 : index
    %get3A_3035 = tpu.vector_load %arg4[%get3A_3033, %get3A_3034] {strides = array<i32>} : memref<8x256xf32, #tpu.memory_space<vmem>>, vector<1x16xf32>,
    %get3A_3036 = vector.shape_cast %get3A_3035 : vector<1x16xf32> to vector<16xf32>
    %get3A_3037 = arith.constant 1 : i32
    %get3A_3038 = arith.index_cast %get3A_3037 : i32 to index
    %get3A_3039 = arith.constant 176 : index
    %get3A_3040 = tpu.vector_load %arg4[%get3A_3038, %get3A_3039] {strides = array<i32>} : memref<8x256xf32, #tpu.memory_space<vmem>>, vector<1x16xf32>,
    %get3A_3041 = vector.shape_cast %get3A_3040 : vector<1x16xf32> to vector<16xf32>
    %get3A_3042 = arith.constant 2 : i32
    %get3A_3043 = arith.index_cast %get3A_3042 : i32 to index
    %get3A_3044 = arith.constant 176 : index
    %get3A_3045 = tpu.vector_load %arg4[%get3A_3043, %get3A_3044] {strides = array<i32>} : memref<8x256xf32, #tpu.memory_space<vmem>>, vector<1x16xf32>,
    %get3A_3046 = vector.shape_cast %get3A_3045 : vector<1x16xf32> to vector<16xf32>
    %get3A_3047 = arith.constant 3 : i32
    %get3A_3048 = arith.index_cast %get3A_3047 : i32 to index
    %get3A_3049 = arith.constant 176 : index
    %get3A_3050 = tpu.vector_load %arg4[%get3A_3048, %get3A_3049] {strides = array<i32>} : memref<8x256xf32, #tpu.memory_space<vmem>>, vector<1x16xf32>,
    %get3A_3051 = vector.shape_cast %get3A_3050 : vector<1x16xf32> to vector<16xf32>
    %get3A_3052 = arith.constant 4 : i32
    %get3A_3053 = arith.index_cast %get3A_3052 : i32 to index
    %get3A_3054 = arith.constant 176 : index
    %get3A_3055 = tpu.vector_load %arg4[%get3A_3053, %get3A_3054] {strides = array<i32>} : memref<8x256xf32, #tpu.memory_space<vmem>>, vector<1x16xf32>,
    %get3A_3056 = vector.shape_cast %get3A_3055 : vector<1x16xf32> to vector<16xf32>
    %get3A_3057 = arith.constant 5 : i32
    %get3A_3058 = arith.index_cast %get3A_3057 : i32 to index
    %get3A_3059 = arith.constant 176 : index
    %get3A_3060 = tpu.vector_load %arg4[%get3A_3058, %get3A_3059] {strides = array<i32>} : memref<8x256xf32, #tpu.memory_space<vmem>>, vector<1x16xf32>,
    %get3A_3061 = vector.shape_cast %get3A_3060 : vector<1x16xf32> to vector<16xf32>
    %get3A_3062 = arith.constant 6 : i32
    %get3A_3063 = arith.index_cast %get3A_3062 : i32 to index
    %get3A_3064 = arith.constant 176 : index
    %get3A_3065 = tpu.vector_load %arg4[%get3A_3063, %get3A_3064] {strides = array<i32>} : memref<8x256xf32, #tpu.memory_space<vmem>>, vector<1x16xf32>,
    %get3A_3066 = vector.shape_cast %get3A_3065 : vector<1x16xf32> to vector<16xf32>
    %get3A_3067 = arith.constant 7 : i32
    %get3A_3068 = arith.index_cast %get3A_3067 : i32 to index
    %get3A_3069 = arith.constant 176 : index
    %get3A_3070 = tpu.vector_load %arg4[%get3A_3068, %get3A_3069] {strides = array<i32>} : memref<8x256xf32, #tpu.memory_space<vmem>>, vector<1x16xf32>,
    %get3A_3071 = vector.shape_cast %get3A_3070 : vector<1x16xf32> to vector<16xf32>
    %broadcast_in_dim3A_3072 = arith.constant 0 : i32
    %broadcast_in_dim3A_3073 = vector.broadcast %broadcast_in_dim3A_3072 : i32 to vector<16xi32>
    %gt3A_3074 = arith.cmpf ogt, %get3A_3041, %get3A_3036 : vector<16xf32>
    %select_n3A_3075 = arith.select %gt3A_3074, %get3A_3041, %get3A_3036 : vector<16xi1>, vector<16xf32>
    %broadcast_in_dim3A_3076 = arith.constant 1 : i32
    %broadcast_in_dim3A_3077 = vector.broadcast %broadcast_in_dim3A_3076 : i32 to vector<16xi32>
    %select_n3A_3078 = arith.select %gt3A_3074, %broadcast_in_dim3A_3077, %broadcast_in_dim3A_3073 : vector<16xi1>, vector<16xi32>
    %gt3A_3079 = arith.cmpf ogt, %get3A_3046, %select_n3A_3075 : vector<16xf32>
    %select_n3A_3080 = arith.select %gt3A_3079, %get3A_3046, %select_n3A_3075 : vector<16xi1>, vector<16xf32>
    %broadcast_in_dim3A_3081 = arith.constant 2 : i32
    %broadcast_in_dim3A_3082 = vector.broadcast %broadcast_in_dim3A_3081 : i32 to vector<16xi32>
    %select_n3A_3083 = arith.select %gt3A_3079, %broadcast_in_dim3A_3082, %select_n3A_3078 : vector<16xi1>, vector<16xi32>
    %gt3A_3084 = arith.cmpf ogt, %get3A_3051, %select_n3A_3080 : vector<16xf32>
    %select_n3A_3085 = arith.select %gt3A_3084, %get3A_3051, %select_n3A_3080 : vector<16xi1>, vector<16xf32>
    %broadcast_in_dim3A_3086 = arith.constant 3 : i32
    %broadcast_in_dim3A_3087 = vector.broadcast %broadcast_in_dim3A_3086 : i32 to vector<16xi32>
    %select_n3A_3088 = arith.select %gt3A_3084, %broadcast_in_dim3A_3087, %select_n3A_3083 : vector<16xi1>, vector<16xi32>
    %gt3A_3089 = arith.cmpf ogt, %get3A_3056, %select_n3A_3085 : vector<16xf32>
    %select_n3A_3090 = arith.select %gt3A_3089, %get3A_3056, %select_n3A_3085 : vector<16xi1>, vector<16xf32>
    %broadcast_in_dim3A_3091 = arith.constant 4 : i32
    %broadcast_in_dim3A_3092 = vector.broadcast %broadcast_in_dim3A_3091 : i32 to vector<16xi32>
    %select_n3A_3093 = arith.select %gt3A_3089, %broadcast_in_dim3A_3092, %select_n3A_3088 : vector<16xi1>, vector<16xi32>
    %gt3A_3094 = arith.cmpf ogt, %get3A_3061, %select_n3A_3090 : vector<16xf32>
    %select_n3A_3095 = arith.select %gt3A_3094, %get3A_3061, %select_n3A_3090 : vector<16xi1>, vector<16xf32>
    %broadcast_in_dim3A_3096 = arith.constant 5 : i32
    %broadcast_in_dim3A_3097 = vector.broadcast %broadcast_in_dim3A_3096 : i32 to vector<16xi32>
    %select_n3A_3098 = arith.select %gt3A_3094, %broadcast_in_dim3A_3097, %select_n3A_3093 : vector<16xi1>, vector<16xi32>
    %gt3A_3099 = arith.cmpf ogt, %get3A_3066, %select_n3A_3095 : vector<16xf32>
    %select_n3A_3100 = arith.select %gt3A_3099, %get3A_3066, %select_n3A_3095 : vector<16xi1>, vector<16xf32>
    %broadcast_in_dim3A_3101 = arith.constant 6 : i32
    %broadcast_in_dim3A_3102 = vector.broadcast %broadcast_in_dim3A_3101 : i32 to vector<16xi32>
    %select_n3A_3103 = arith.select %gt3A_3099, %broadcast_in_dim3A_3102, %select_n3A_3098 : vector<16xi1>, vector<16xi32>
    %gt3A_3104 = arith.cmpf ogt, %get3A_3071, %select_n3A_3100 : vector<16xf32>
    %select_n3A_3105 = arith.select %gt3A_3104, %get3A_3071, %select_n3A_3100 : vector<16xi1>, vector<16xf32>
    %broadcast_in_dim3A_3106 = arith.constant 7 : i32
    %broadcast_in_dim3A_3107 = vector.broadcast %broadcast_in_dim3A_3106 : i32 to vector<16xi32>
    %select_n3A_3108 = arith.select %gt3A_3104, %broadcast_in_dim3A_3107, %select_n3A_3103 : vector<16xi1>, vector<16xi32>
    %broadcast_in_dim3A_3109 = arith.constant 0 : i32
    %broadcast_in_dim3A_3110 = vector.broadcast %broadcast_in_dim3A_3109 : i32 to vector<16xi32>
    %eq3A_3111 = arith.constant 0 : i32
    %eq3A_3112 = vector.broadcast %eq3A_3111 : i32 to vector<16xi32>
    %eq3A_3113 = arith.cmpi eq, %select_n3A_3108, %eq3A_3112 : vector<16xi32>
    %select_n3A_3114 = arith.select %eq3A_3113, %broadcast_in_dim3A_3, %get3A_3036 : vector<16xi1>, vector<16xf32>
    %gt3A_3115 = arith.cmpf ogt, %select_n3A_3114, %broadcast_in_dim3A_3 : vector<16xf32>
    %select_n3A_3116 = arith.select %gt3A_3115, %select_n3A_3114, %broadcast_in_dim3A_3 : vector<16xi1>, vector<16xf32>
    %broadcast_in_dim3A_3117 = arith.constant 0 : i32
    %broadcast_in_dim3A_3118 = vector.broadcast %broadcast_in_dim3A_3117 : i32 to vector<16xi32>
    %select_n3A_3119 = arith.select %gt3A_3115, %broadcast_in_dim3A_3118, %broadcast_in_dim3A_3110 : vector<16xi1>, vector<16xi32>
    %eq3A_3120 = arith.constant 1 : i32
    %eq3A_3121 = vector.broadcast %eq3A_3120 : i32 to vector<16xi32>
    %eq3A_3122 = arith.cmpi eq, %select_n3A_3108, %eq3A_3121 : vector<16xi32>
    %select_n3A_3123 = arith.select %eq3A_3122, %broadcast_in_dim3A_3, %get3A_3041 : vector<16xi1>, vector<16xf32>
    %gt3A_3124 = arith.cmpf ogt, %select_n3A_3123, %select_n3A_3116 : vector<16xf32>
    %select_n3A_3125 = arith.select %gt3A_3124, %select_n3A_3123, %select_n3A_3116 : vector<16xi1>, vector<16xf32>
    %broadcast_in_dim3A_3126 = arith.constant 1 : i32
    %broadcast_in_dim3A_3127 = vector.broadcast %broadcast_in_dim3A_3126 : i32 to vector<16xi32>
    %select_n3A_3128 = arith.select %gt3A_3124, %broadcast_in_dim3A_3127, %select_n3A_3119 : vector<16xi1>, vector<16xi32>
    %eq3A_3129 = arith.constant 2 : i32
    %eq3A_3130 = vector.broadcast %eq3A_3129 : i32 to vector<16xi32>
    %eq3A_3131 = arith.cmpi eq, %select_n3A_3108, %eq3A_3130 : vector<16xi32>
    %select_n3A_3132 = arith.select %eq3A_3131, %broadcast_in_dim3A_3, %get3A_3046 : vector<16xi1>, vector<16xf32>
    %gt3A_3133 = arith.cmpf ogt, %select_n3A_3132, %select_n3A_3125 : vector<16xf32>
    %select_n3A_3134 = arith.select %gt3A_3133, %select_n3A_3132, %select_n3A_3125 : vector<16xi1>, vector<16xf32>
    %broadcast_in_dim3A_3135 = arith.constant 2 : i32
    %broadcast_in_dim3A_3136 = vector.broadcast %broadcast_in_dim3A_3135 : i32 to vector<16xi32>
    %select_n3A_3137 = arith.select %gt3A_3133, %broadcast_in_dim3A_3136, %select_n3A_3128 : vector<16xi1>, vector<16xi32>
    %eq3A_3138 = arith.constant 3 : i32
    %eq3A_3139 = vector.broadcast %eq3A_3138 : i32 to vector<16xi32>
    %eq3A_3140 = arith.cmpi eq, %select_n3A_3108, %eq3A_3139 : vector<16xi32>
    %select_n3A_3141 = arith.select %eq3A_3140, %broadcast_in_dim3A_3, %get3A_3051 : vector<16xi1>, vector<16xf32>
    %gt3A_3142 = arith.cmpf ogt, %select_n3A_3141, %select_n3A_3134 : vector<16xf32>
    %select_n3A_3143 = arith.select %gt3A_3142, %select_n3A_3141, %select_n3A_3134 : vector<16xi1>, vector<16xf32>
    %broadcast_in_dim3A_3144 = arith.constant 3 : i32
    %broadcast_in_dim3A_3145 = vector.broadcast %broadcast_in_dim3A_3144 : i32 to vector<16xi32>
    %select_n3A_3146 = arith.select %gt3A_3142, %broadcast_in_dim3A_3145, %select_n3A_3137 : vector<16xi1>, vector<16xi32>
    %eq3A_3147 = arith.constant 4 : i32
    %eq3A_3148 = vector.broadcast %eq3A_3147 : i32 to vector<16xi32>
    %eq3A_3149 = arith.cmpi eq, %select_n3A_3108, %eq3A_3148 : vector<16xi32>
    %select_n3A_3150 = arith.select %eq3A_3149, %broadcast_in_dim3A_3, %get3A_3056 : vector<16xi1>, vector<16xf32>
    %gt3A_3151 = arith.cmpf ogt, %select_n3A_3150, %select_n3A_3143 : vector<16xf32>
    %select_n3A_3152 = arith.select %gt3A_3151, %select_n3A_3150, %select_n3A_3143 : vector<16xi1>, vector<16xf32>
    %broadcast_in_dim3A_3153 = arith.constant 4 : i32
    %broadcast_in_dim3A_3154 = vector.broadcast %broadcast_in_dim3A_3153 : i32 to vector<16xi32>
    %select_n3A_3155 = arith.select %gt3A_3151, %broadcast_in_dim3A_3154, %select_n3A_3146 : vector<16xi1>, vector<16xi32>
    %eq3A_3156 = arith.constant 5 : i32
    %eq3A_3157 = vector.broadcast %eq3A_3156 : i32 to vector<16xi32>
    %eq3A_3158 = arith.cmpi eq, %select_n3A_3108, %eq3A_3157 : vector<16xi32>
    %select_n3A_3159 = arith.select %eq3A_3158, %broadcast_in_dim3A_3, %get3A_3061 : vector<16xi1>, vector<16xf32>
    %gt3A_3160 = arith.cmpf ogt, %select_n3A_3159, %select_n3A_3152 : vector<16xf32>
    %select_n3A_3161 = arith.select %gt3A_3160, %select_n3A_3159, %select_n3A_3152 : vector<16xi1>, vector<16xf32>
    %broadcast_in_dim3A_3162 = arith.constant 5 : i32
    %broadcast_in_dim3A_3163 = vector.broadcast %broadcast_in_dim3A_3162 : i32 to vector<16xi32>
    %select_n3A_3164 = arith.select %gt3A_3160, %broadcast_in_dim3A_3163, %select_n3A_3155 : vector<16xi1>, vector<16xi32>
    %eq3A_3165 = arith.constant 6 : i32
    %eq3A_3166 = vector.broadcast %eq3A_3165 : i32 to vector<16xi32>
    %eq3A_3167 = arith.cmpi eq, %select_n3A_3108, %eq3A_3166 : vector<16xi32>
    %select_n3A_3168 = arith.select %eq3A_3167, %broadcast_in_dim3A_3, %get3A_3066 : vector<16xi1>, vector<16xf32>
    %gt3A_3169 = arith.cmpf ogt, %select_n3A_3168, %select_n3A_3161 : vector<16xf32>
    %select_n3A_3170 = arith.select %gt3A_3169, %select_n3A_3168, %select_n3A_3161 : vector<16xi1>, vector<16xf32>
    %broadcast_in_dim3A_3171 = arith.constant 6 : i32
    %broadcast_in_dim3A_3172 = vector.broadcast %broadcast_in_dim3A_3171 : i32 to vector<16xi32>
    %select_n3A_3173 = arith.select %gt3A_3169, %broadcast_in_dim3A_3172, %select_n3A_3164 : vector<16xi1>, vector<16xi32>
    %eq3A_3174 = arith.constant 7 : i32
    %eq3A_3175 = vector.broadcast %eq3A_3174 : i32 to vector<16xi32>
    %eq3A_3176 = arith.cmpi eq, %select_n3A_3108, %eq3A_3175 : vector<16xi32>
    %select_n3A_3177 = arith.select %eq3A_3176, %broadcast_in_dim3A_3, %get3A_3071 : vector<16xi1>, vector<16xf32>
    %gt3A_3178 = arith.cmpf ogt, %select_n3A_3177, %select_n3A_3170 : vector<16xf32>
    %select_n3A_3179 = arith.select %gt3A_3178, %select_n3A_3177, %select_n3A_3170 : vector<16xi1>, vector<16xf32>
    %broadcast_in_dim3A_3180 = arith.constant 7 : i32
    %broadcast_in_dim3A_3181 = vector.broadcast %broadcast_in_dim3A_3180 : i32 to vector<16xi32>
    %select_n3A_3182 = arith.select %gt3A_3178, %broadcast_in_dim3A_3181, %select_n3A_3173 : vector<16xi1>, vector<16xi32>
    %sub3A_3183 = arith.subf %select_n3A_3179, %select_n3A_3105 : vector<16xf32>
    %exp3A_3184 = math.exp %sub3A_3183 : vector<16xf32>
    %add3A_3185 = arith.constant 1.000000e+00 : f32
    %add3A_3186 = vector.broadcast %add3A_3185 : f32 to vector<16xf32>
    %add3A_3187 = arith.addf %add3A_3186, %exp3A_3184 : vector<16xf32>
    %div3A_3188 = arith.constant 1.000000e+00 : f32
    %div3A_3189 = vector.broadcast %div3A_3188 : f32 to vector<16xf32>
    %div3A_3190 = arith.divf %div3A_3189, %add3A_3187 : vector<16xf32>
    %sub3A_3191 = arith.constant 1.000000e+00 : f32
    %sub3A_3192 = vector.broadcast %sub3A_3191 : f32 to vector<16xf32>
    %sub3A_3193 = arith.subf %sub3A_3192, %div3A_3190 : vector<16xf32>
    %broadcast_in_dim3A_3194 = arith.constant 0.000000e+00 : f32
    %broadcast_in_dim3A_3195 = vector.broadcast %broadcast_in_dim3A_3194 : f32 to vector<16xf32>
    %eq3A_3196 = arith.constant 0 : i32
    %eq3A_3197 = vector.broadcast %eq3A_3196 : i32 to vector<16xi32>
    %eq3A_3198 = arith.cmpi eq, %select_n3A_3108, %eq3A_3197 : vector<16xi32>
    %eq3A_3199 = arith.constant 0 : i32
    %eq3A_3200 = vector.broadcast %eq3A_3199 : i32 to vector<16xi32>
    %eq3A_3201 = arith.cmpi eq, %select_n3A_3182, %eq3A_3200 : vector<16xi32>
    %select_n3A_3202 = arith.select %eq3A_3201, %sub3A_3193, %broadcast_in_dim3A_3195 : vector<16xi1>, vector<16xf32>
    %select_n3A_3203 = arith.select %eq3A_3198, %div3A_3190, %select_n3A_3202 : vector<16xi1>, vector<16xf32>
    %swap3A_3204 = arith.constant 0 : i32
    %swap3A_3205 = arith.index_cast %swap3A_3204 : i32 to index
    %swap3A_3206 = arith.constant 176 : index
    %swap3A_3207 = tpu.vector_load %arg5[%swap3A_3205, %swap3A_3206] {strides = array<i32>} : memref<8x256xf32, #tpu.memory_space<vmem>>, vector<1x16xf32>,
    %swap3A_3208 = vector.shape_cast %swap3A_3207 : vector<1x16xf32> to vector<16xf32>
    %swap3A_3209 = vector.shape_cast %select_n3A_3203 : vector<16xf32> to vector<1x16xf32>
    tpu.vector_store %arg5[%swap3A_3205, %swap3A_3206], %swap3A_3209 {strides = array<i32>} : memref<8x256xf32, #tpu.memory_space<vmem>>, vector<1x16xf32>,
    %eq3A_3210 = arith.constant 1 : i32
    %eq3A_3211 = vector.broadcast %eq3A_3210 : i32 to vector<16xi32>
    %eq3A_3212 = arith.cmpi eq, %select_n3A_3108, %eq3A_3211 : vector<16xi32>
    %eq3A_3213 = arith.constant 1 : i32
    %eq3A_3214 = vector.broadcast %eq3A_3213 : i32 to vector<16xi32>
    %eq3A_3215 = arith.cmpi eq, %select_n3A_3182, %eq3A_3214 : vector<16xi32>
    %select_n3A_3216 = arith.select %eq3A_3215, %sub3A_3193, %broadcast_in_dim3A_3195 : vector<16xi1>, vector<16xf32>
    %select_n3A_3217 = arith.select %eq3A_3212, %div3A_3190, %select_n3A_3216 : vector<16xi1>, vector<16xf32>
    %swap3A_3218 = arith.constant 1 : i32
    %swap3A_3219 = arith.index_cast %swap3A_3218 : i32 to index
    %swap3A_3220 = arith.constant 176 : index
    %swap3A_3221 = tpu.vector_load %arg5[%swap3A_3219, %swap3A_3220] {strides = array<i32>} : memref<8x256xf32, #tpu.memory_space<vmem>>, vector<1x16xf32>,
    %swap3A_3222 = vector.shape_cast %swap3A_3221 : vector<1x16xf32> to vector<16xf32>
    %swap3A_3223 = vector.shape_cast %select_n3A_3217 : vector<16xf32> to vector<1x16xf32>
    tpu.vector_store %arg5[%swap3A_3219, %swap3A_3220], %swap3A_3223 {strides = array<i32>} : memref<8x256xf32, #tpu.memory_space<vmem>>, vector<1x16xf32>,
    %eq3A_3224 = arith.constant 2 : i32
    %eq3A_3225 = vector.broadcast %eq3A_3224 : i32 to vector<16xi32>
    %eq3A_3226 = arith.cmpi eq, %select_n3A_3108, %eq3A_3225 : vector<16xi32>
    %eq3A_3227 = arith.constant 2 : i32
    %eq3A_3228 = vector.broadcast %eq3A_3227 : i32 to vector<16xi32>
    %eq3A_3229 = arith.cmpi eq, %select_n3A_3182, %eq3A_3228 : vector<16xi32>
    %select_n3A_3230 = arith.select %eq3A_3229, %sub3A_3193, %broadcast_in_dim3A_3195 : vector<16xi1>, vector<16xf32>
    %select_n3A_3231 = arith.select %eq3A_3226, %div3A_3190, %select_n3A_3230 : vector<16xi1>, vector<16xf32>
    %swap3A_3232 = arith.constant 2 : i32
    %swap3A_3233 = arith.index_cast %swap3A_3232 : i32 to index
    %swap3A_3234 = arith.constant 176 : index
    %swap3A_3235 = tpu.vector_load %arg5[%swap3A_3233, %swap3A_3234] {strides = array<i32>} : memref<8x256xf32, #tpu.memory_space<vmem>>, vector<1x16xf32>,
    %swap3A_3236 = vector.shape_cast %swap3A_3235 : vector<1x16xf32> to vector<16xf32>
    %swap3A_3237 = vector.shape_cast %select_n3A_3231 : vector<16xf32> to vector<1x16xf32>
    tpu.vector_store %arg5[%swap3A_3233, %swap3A_3234], %swap3A_3237 {strides = array<i32>} : memref<8x256xf32, #tpu.memory_space<vmem>>, vector<1x16xf32>,
    %eq3A_3238 = arith.constant 3 : i32
    %eq3A_3239 = vector.broadcast %eq3A_3238 : i32 to vector<16xi32>
    %eq3A_3240 = arith.cmpi eq, %select_n3A_3108, %eq3A_3239 : vector<16xi32>
    %eq3A_3241 = arith.constant 3 : i32
    %eq3A_3242 = vector.broadcast %eq3A_3241 : i32 to vector<16xi32>
    %eq3A_3243 = arith.cmpi eq, %select_n3A_3182, %eq3A_3242 : vector<16xi32>
    %select_n3A_3244 = arith.select %eq3A_3243, %sub3A_3193, %broadcast_in_dim3A_3195 : vector<16xi1>, vector<16xf32>
    %select_n3A_3245 = arith.select %eq3A_3240, %div3A_3190, %select_n3A_3244 : vector<16xi1>, vector<16xf32>
    %swap3A_3246 = arith.constant 3 : i32
    %swap3A_3247 = arith.index_cast %swap3A_3246 : i32 to index
    %swap3A_3248 = arith.constant 176 : index
    %swap3A_3249 = tpu.vector_load %arg5[%swap3A_3247, %swap3A_3248] {strides = array<i32>} : memref<8x256xf32, #tpu.memory_space<vmem>>, vector<1x16xf32>,
    %swap3A_3250 = vector.shape_cast %swap3A_3249 : vector<1x16xf32> to vector<16xf32>
    %swap3A_3251 = vector.shape_cast %select_n3A_3245 : vector<16xf32> to vector<1x16xf32>
    tpu.vector_store %arg5[%swap3A_3247, %swap3A_3248], %swap3A_3251 {strides = array<i32>} : memref<8x256xf32, #tpu.memory_space<vmem>>, vector<1x16xf32>,
    %eq3A_3252 = arith.constant 4 : i32
    %eq3A_3253 = vector.broadcast %eq3A_3252 : i32 to vector<16xi32>
    %eq3A_3254 = arith.cmpi eq, %select_n3A_3108, %eq3A_3253 : vector<16xi32>
    %eq3A_3255 = arith.constant 4 : i32
    %eq3A_3256 = vector.broadcast %eq3A_3255 : i32 to vector<16xi32>
    %eq3A_3257 = arith.cmpi eq, %select_n3A_3182, %eq3A_3256 : vector<16xi32>
    %select_n3A_3258 = arith.select %eq3A_3257, %sub3A_3193, %broadcast_in_dim3A_3195 : vector<16xi1>, vector<16xf32>
    %select_n3A_3259 = arith.select %eq3A_3254, %div3A_3190, %select_n3A_3258 : vector<16xi1>, vector<16xf32>
    %swap3A_3260 = arith.constant 4 : i32
    %swap3A_3261 = arith.index_cast %swap3A_3260 : i32 to index
    %swap3A_3262 = arith.constant 176 : index
    %swap3A_3263 = tpu.vector_load %arg5[%swap3A_3261, %swap3A_3262] {strides = array<i32>} : memref<8x256xf32, #tpu.memory_space<vmem>>, vector<1x16xf32>,
    %swap3A_3264 = vector.shape_cast %swap3A_3263 : vector<1x16xf32> to vector<16xf32>
    %swap3A_3265 = vector.shape_cast %select_n3A_3259 : vector<16xf32> to vector<1x16xf32>
    tpu.vector_store %arg5[%swap3A_3261, %swap3A_3262], %swap3A_3265 {strides = array<i32>} : memref<8x256xf32, #tpu.memory_space<vmem>>, vector<1x16xf32>,
    %eq3A_3266 = arith.constant 5 : i32
    %eq3A_3267 = vector.broadcast %eq3A_3266 : i32 to vector<16xi32>
    %eq3A_3268 = arith.cmpi eq, %select_n3A_3108, %eq3A_3267 : vector<16xi32>
    %eq3A_3269 = arith.constant 5 : i32
    %eq3A_3270 = vector.broadcast %eq3A_3269 : i32 to vector<16xi32>
    %eq3A_3271 = arith.cmpi eq, %select_n3A_3182, %eq3A_3270 : vector<16xi32>
    %select_n3A_3272 = arith.select %eq3A_3271, %sub3A_3193, %broadcast_in_dim3A_3195 : vector<16xi1>, vector<16xf32>
    %select_n3A_3273 = arith.select %eq3A_3268, %div3A_3190, %select_n3A_3272 : vector<16xi1>, vector<16xf32>
    %swap3A_3274 = arith.constant 5 : i32
    %swap3A_3275 = arith.index_cast %swap3A_3274 : i32 to index
    %swap3A_3276 = arith.constant 176 : index
    %swap3A_3277 = tpu.vector_load %arg5[%swap3A_3275, %swap3A_3276] {strides = array<i32>} : memref<8x256xf32, #tpu.memory_space<vmem>>, vector<1x16xf32>,
    %swap3A_3278 = vector.shape_cast %swap3A_3277 : vector<1x16xf32> to vector<16xf32>
    %swap3A_3279 = vector.shape_cast %select_n3A_3273 : vector<16xf32> to vector<1x16xf32>
    tpu.vector_store %arg5[%swap3A_3275, %swap3A_3276], %swap3A_3279 {strides = array<i32>} : memref<8x256xf32, #tpu.memory_space<vmem>>, vector<1x16xf32>,
    %eq3A_3280 = arith.constant 6 : i32
    %eq3A_3281 = vector.broadcast %eq3A_3280 : i32 to vector<16xi32>
    %eq3A_3282 = arith.cmpi eq, %select_n3A_3108, %eq3A_3281 : vector<16xi32>
    %eq3A_3283 = arith.constant 6 : i32
    %eq3A_3284 = vector.broadcast %eq3A_3283 : i32 to vector<16xi32>
    %eq3A_3285 = arith.cmpi eq, %select_n3A_3182, %eq3A_3284 : vector<16xi32>
    %select_n3A_3286 = arith.select %eq3A_3285, %sub3A_3193, %broadcast_in_dim3A_3195 : vector<16xi1>, vector<16xf32>
    %select_n3A_3287 = arith.select %eq3A_3282, %div3A_3190, %select_n3A_3286 : vector<16xi1>, vector<16xf32>
    %swap3A_3288 = arith.constant 6 : i32
    %swap3A_3289 = arith.index_cast %swap3A_3288 : i32 to index
    %swap3A_3290 = arith.constant 176 : index
    %swap3A_3291 = tpu.vector_load %arg5[%swap3A_3289, %swap3A_3290] {strides = array<i32>} : memref<8x256xf32, #tpu.memory_space<vmem>>, vector<1x16xf32>,
    %swap3A_3292 = vector.shape_cast %swap3A_3291 : vector<1x16xf32> to vector<16xf32>
    %swap3A_3293 = vector.shape_cast %select_n3A_3287 : vector<16xf32> to vector<1x16xf32>
    tpu.vector_store %arg5[%swap3A_3289, %swap3A_3290], %swap3A_3293 {strides = array<i32>} : memref<8x256xf32, #tpu.memory_space<vmem>>, vector<1x16xf32>,
    %eq3A_3294 = arith.constant 7 : i32
    %eq3A_3295 = vector.broadcast %eq3A_3294 : i32 to vector<16xi32>
    %eq3A_3296 = arith.cmpi eq, %select_n3A_3108, %eq3A_3295 : vector<16xi32>
    %eq3A_3297 = arith.constant 7 : i32
    %eq3A_3298 = vector.broadcast %eq3A_3297 : i32 to vector<16xi32>
    %eq3A_3299 = arith.cmpi eq, %select_n3A_3182, %eq3A_3298 : vector<16xi32>
    %select_n3A_3300 = arith.select %eq3A_3299, %sub3A_3193, %broadcast_in_dim3A_3195 : vector<16xi1>, vector<16xf32>
    %select_n3A_3301 = arith.select %eq3A_3296, %div3A_3190, %select_n3A_3300 : vector<16xi1>, vector<16xf32>
    %swap3A_3302 = arith.constant 7 : i32
    %swap3A_3303 = arith.index_cast %swap3A_3302 : i32 to index
    %swap3A_3304 = arith.constant 176 : index
    %swap3A_3305 = tpu.vector_load %arg5[%swap3A_3303, %swap3A_3304] {strides = array<i32>} : memref<8x256xf32, #tpu.memory_space<vmem>>, vector<1x16xf32>,
    %swap3A_3306 = vector.shape_cast %swap3A_3305 : vector<1x16xf32> to vector<16xf32>
    %swap3A_3307 = vector.shape_cast %select_n3A_3301 : vector<16xf32> to vector<1x16xf32>
    tpu.vector_store %arg5[%swap3A_3303, %swap3A_3304], %swap3A_3307 {strides = array<i32>} : memref<8x256xf32, #tpu.memory_space<vmem>>, vector<1x16xf32>,
    %get3A_3308 = arith.constant 0 : i32
    %get3A_3309 = arith.index_cast %get3A_3308 : i32 to index
    %get3A_3310 = arith.constant 192 : index
    %get3A_3311 = tpu.vector_load %arg4[%get3A_3309, %get3A_3310] {strides = array<i32>} : memref<8x256xf32, #tpu.memory_space<vmem>>, vector<1x16xf32>,
    %get3A_3312 = vector.shape_cast %get3A_3311 : vector<1x16xf32> to vector<16xf32>
    %get3A_3313 = arith.constant 1 : i32
    %get3A_3314 = arith.index_cast %get3A_3313 : i32 to index
    %get3A_3315 = arith.constant 192 : index
    %get3A_3316 = tpu.vector_load %arg4[%get3A_3314, %get3A_3315] {strides = array<i32>} : memref<8x256xf32, #tpu.memory_space<vmem>>, vector<1x16xf32>,
    %get3A_3317 = vector.shape_cast %get3A_3316 : vector<1x16xf32> to vector<16xf32>
    %get3A_3318 = arith.constant 2 : i32
    %get3A_3319 = arith.index_cast %get3A_3318 : i32 to index
    %get3A_3320 = arith.constant 192 : index
    %get3A_3321 = tpu.vector_load %arg4[%get3A_3319, %get3A_3320] {strides = array<i32>} : memref<8x256xf32, #tpu.memory_space<vmem>>, vector<1x16xf32>,
    %get3A_3322 = vector.shape_cast %get3A_3321 : vector<1x16xf32> to vector<16xf32>
    %get3A_3323 = arith.constant 3 : i32
    %get3A_3324 = arith.index_cast %get3A_3323 : i32 to index
    %get3A_3325 = arith.constant 192 : index
    %get3A_3326 = tpu.vector_load %arg4[%get3A_3324, %get3A_3325] {strides = array<i32>} : memref<8x256xf32, #tpu.memory_space<vmem>>, vector<1x16xf32>,
    %get3A_3327 = vector.shape_cast %get3A_3326 : vector<1x16xf32> to vector<16xf32>
    %get3A_3328 = arith.constant 4 : i32
    %get3A_3329 = arith.index_cast %get3A_3328 : i32 to index
    %get3A_3330 = arith.constant 192 : index
    %get3A_3331 = tpu.vector_load %arg4[%get3A_3329, %get3A_3330] {strides = array<i32>} : memref<8x256xf32, #tpu.memory_space<vmem>>, vector<1x16xf32>,
    %get3A_3332 = vector.shape_cast %get3A_3331 : vector<1x16xf32> to vector<16xf32>
    %get3A_3333 = arith.constant 5 : i32
    %get3A_3334 = arith.index_cast %get3A_3333 : i32 to index
    %get3A_3335 = arith.constant 192 : index
    %get3A_3336 = tpu.vector_load %arg4[%get3A_3334, %get3A_3335] {strides = array<i32>} : memref<8x256xf32, #tpu.memory_space<vmem>>, vector<1x16xf32>,
    %get3A_3337 = vector.shape_cast %get3A_3336 : vector<1x16xf32> to vector<16xf32>
    %get3A_3338 = arith.constant 6 : i32
    %get3A_3339 = arith.index_cast %get3A_3338 : i32 to index
    %get3A_3340 = arith.constant 192 : index
    %get3A_3341 = tpu.vector_load %arg4[%get3A_3339, %get3A_3340] {strides = array<i32>} : memref<8x256xf32, #tpu.memory_space<vmem>>, vector<1x16xf32>,
    %get3A_3342 = vector.shape_cast %get3A_3341 : vector<1x16xf32> to vector<16xf32>
    %get3A_3343 = arith.constant 7 : i32
    %get3A_3344 = arith.index_cast %get3A_3343 : i32 to index
    %get3A_3345 = arith.constant 192 : index
    %get3A_3346 = tpu.vector_load %arg4[%get3A_3344, %get3A_3345] {strides = array<i32>} : memref<8x256xf32, #tpu.memory_space<vmem>>, vector<1x16xf32>,
    %get3A_3347 = vector.shape_cast %get3A_3346 : vector<1x16xf32> to vector<16xf32>
    %broadcast_in_dim3A_3348 = arith.constant 0 : i32
    %broadcast_in_dim3A_3349 = vector.broadcast %broadcast_in_dim3A_3348 : i32 to vector<16xi32>
    %gt3A_3350 = arith.cmpf ogt, %get3A_3317, %get3A_3312 : vector<16xf32>
    %select_n3A_3351 = arith.select %gt3A_3350, %get3A_3317, %get3A_3312 : vector<16xi1>, vector<16xf32>
    %broadcast_in_dim3A_3352 = arith.constant 1 : i32
    %broadcast_in_dim3A_3353 = vector.broadcast %broadcast_in_dim3A_3352 : i32 to vector<16xi32>
    %select_n3A_3354 = arith.select %gt3A_3350, %broadcast_in_dim3A_3353, %broadcast_in_dim3A_3349 : vector<16xi1>, vector<16xi32>
    %gt3A_3355 = arith.cmpf ogt, %get3A_3322, %select_n3A_3351 : vector<16xf32>
    %select_n3A_3356 = arith.select %gt3A_3355, %get3A_3322, %select_n3A_3351 : vector<16xi1>, vector<16xf32>
    %broadcast_in_dim3A_3357 = arith.constant 2 : i32
    %broadcast_in_dim3A_3358 = vector.broadcast %broadcast_in_dim3A_3357 : i32 to vector<16xi32>
    %select_n3A_3359 = arith.select %gt3A_3355, %broadcast_in_dim3A_3358, %select_n3A_3354 : vector<16xi1>, vector<16xi32>
    %gt3A_3360 = arith.cmpf ogt, %get3A_3327, %select_n3A_3356 : vector<16xf32>
    %select_n3A_3361 = arith.select %gt3A_3360, %get3A_3327, %select_n3A_3356 : vector<16xi1>, vector<16xf32>
    %broadcast_in_dim3A_3362 = arith.constant 3 : i32
    %broadcast_in_dim3A_3363 = vector.broadcast %broadcast_in_dim3A_3362 : i32 to vector<16xi32>
    %select_n3A_3364 = arith.select %gt3A_3360, %broadcast_in_dim3A_3363, %select_n3A_3359 : vector<16xi1>, vector<16xi32>
    %gt3A_3365 = arith.cmpf ogt, %get3A_3332, %select_n3A_3361 : vector<16xf32>
    %select_n3A_3366 = arith.select %gt3A_3365, %get3A_3332, %select_n3A_3361 : vector<16xi1>, vector<16xf32>
    %broadcast_in_dim3A_3367 = arith.constant 4 : i32
    %broadcast_in_dim3A_3368 = vector.broadcast %broadcast_in_dim3A_3367 : i32 to vector<16xi32>
    %select_n3A_3369 = arith.select %gt3A_3365, %broadcast_in_dim3A_3368, %select_n3A_3364 : vector<16xi1>, vector<16xi32>
    %gt3A_3370 = arith.cmpf ogt, %get3A_3337, %select_n3A_3366 : vector<16xf32>
    %select_n3A_3371 = arith.select %gt3A_3370, %get3A_3337, %select_n3A_3366 : vector<16xi1>, vector<16xf32>
    %broadcast_in_dim3A_3372 = arith.constant 5 : i32
    %broadcast_in_dim3A_3373 = vector.broadcast %broadcast_in_dim3A_3372 : i32 to vector<16xi32>
    %select_n3A_3374 = arith.select %gt3A_3370, %broadcast_in_dim3A_3373, %select_n3A_3369 : vector<16xi1>, vector<16xi32>
    %gt3A_3375 = arith.cmpf ogt, %get3A_3342, %select_n3A_3371 : vector<16xf32>
    %select_n3A_3376 = arith.select %gt3A_3375, %get3A_3342, %select_n3A_3371 : vector<16xi1>, vector<16xf32>
    %broadcast_in_dim3A_3377 = arith.constant 6 : i32
    %broadcast_in_dim3A_3378 = vector.broadcast %broadcast_in_dim3A_3377 : i32 to vector<16xi32>
    %select_n3A_3379 = arith.select %gt3A_3375, %broadcast_in_dim3A_3378, %select_n3A_3374 : vector<16xi1>, vector<16xi32>
    %gt3A_3380 = arith.cmpf ogt, %get3A_3347, %select_n3A_3376 : vector<16xf32>
    %select_n3A_3381 = arith.select %gt3A_3380, %get3A_3347, %select_n3A_3376 : vector<16xi1>, vector<16xf32>
    %broadcast_in_dim3A_3382 = arith.constant 7 : i32
    %broadcast_in_dim3A_3383 = vector.broadcast %broadcast_in_dim3A_3382 : i32 to vector<16xi32>
    %select_n3A_3384 = arith.select %gt3A_3380, %broadcast_in_dim3A_3383, %select_n3A_3379 : vector<16xi1>, vector<16xi32>
    %broadcast_in_dim3A_3385 = arith.constant 0 : i32
    %broadcast_in_dim3A_3386 = vector.broadcast %broadcast_in_dim3A_3385 : i32 to vector<16xi32>
    %eq3A_3387 = arith.constant 0 : i32
    %eq3A_3388 = vector.broadcast %eq3A_3387 : i32 to vector<16xi32>
    %eq3A_3389 = arith.cmpi eq, %select_n3A_3384, %eq3A_3388 : vector<16xi32>
    %select_n3A_3390 = arith.select %eq3A_3389, %broadcast_in_dim3A_3, %get3A_3312 : vector<16xi1>, vector<16xf32>
    %gt3A_3391 = arith.cmpf ogt, %select_n3A_3390, %broadcast_in_dim3A_3 : vector<16xf32>
    %select_n3A_3392 = arith.select %gt3A_3391, %select_n3A_3390, %broadcast_in_dim3A_3 : vector<16xi1>, vector<16xf32>
    %broadcast_in_dim3A_3393 = arith.constant 0 : i32
    %broadcast_in_dim3A_3394 = vector.broadcast %broadcast_in_dim3A_3393 : i32 to vector<16xi32>
    %select_n3A_3395 = arith.select %gt3A_3391, %broadcast_in_dim3A_3394, %broadcast_in_dim3A_3386 : vector<16xi1>, vector<16xi32>
    %eq3A_3396 = arith.constant 1 : i32
    %eq3A_3397 = vector.broadcast %eq3A_3396 : i32 to vector<16xi32>
    %eq3A_3398 = arith.cmpi eq, %select_n3A_3384, %eq3A_3397 : vector<16xi32>
    %select_n3A_3399 = arith.select %eq3A_3398, %broadcast_in_dim3A_3, %get3A_3317 : vector<16xi1>, vector<16xf32>
    %gt3A_3400 = arith.cmpf ogt, %select_n3A_3399, %select_n3A_3392 : vector<16xf32>
    %select_n3A_3401 = arith.select %gt3A_3400, %select_n3A_3399, %select_n3A_3392 : vector<16xi1>, vector<16xf32>
    %broadcast_in_dim3A_3402 = arith.constant 1 : i32
    %broadcast_in_dim3A_3403 = vector.broadcast %broadcast_in_dim3A_3402 : i32 to vector<16xi32>
    %select_n3A_3404 = arith.select %gt3A_3400, %broadcast_in_dim3A_3403, %select_n3A_3395 : vector<16xi1>, vector<16xi32>
    %eq3A_3405 = arith.constant 2 : i32
    %eq3A_3406 = vector.broadcast %eq3A_3405 : i32 to vector<16xi32>
    %eq3A_3407 = arith.cmpi eq, %select_n3A_3384, %eq3A_3406 : vector<16xi32>
    %select_n3A_3408 = arith.select %eq3A_3407, %broadcast_in_dim3A_3, %get3A_3322 : vector<16xi1>, vector<16xf32>
    %gt3A_3409 = arith.cmpf ogt, %select_n3A_3408, %select_n3A_3401 : vector<16xf32>
    %select_n3A_3410 = arith.select %gt3A_3409, %select_n3A_3408, %select_n3A_3401 : vector<16xi1>, vector<16xf32>
    %broadcast_in_dim3A_3411 = arith.constant 2 : i32
    %broadcast_in_dim3A_3412 = vector.broadcast %broadcast_in_dim3A_3411 : i32 to vector<16xi32>
    %select_n3A_3413 = arith.select %gt3A_3409, %broadcast_in_dim3A_3412, %select_n3A_3404 : vector<16xi1>, vector<16xi32>
    %eq3A_3414 = arith.constant 3 : i32
    %eq3A_3415 = vector.broadcast %eq3A_3414 : i32 to vector<16xi32>
    %eq3A_3416 = arith.cmpi eq, %select_n3A_3384, %eq3A_3415 : vector<16xi32>
    %select_n3A_3417 = arith.select %eq3A_3416, %broadcast_in_dim3A_3, %get3A_3327 : vector<16xi1>, vector<16xf32>
    %gt3A_3418 = arith.cmpf ogt, %select_n3A_3417, %select_n3A_3410 : vector<16xf32>
    %select_n3A_3419 = arith.select %gt3A_3418, %select_n3A_3417, %select_n3A_3410 : vector<16xi1>, vector<16xf32>
    %broadcast_in_dim3A_3420 = arith.constant 3 : i32
    %broadcast_in_dim3A_3421 = vector.broadcast %broadcast_in_dim3A_3420 : i32 to vector<16xi32>
    %select_n3A_3422 = arith.select %gt3A_3418, %broadcast_in_dim3A_3421, %select_n3A_3413 : vector<16xi1>, vector<16xi32>
    %eq3A_3423 = arith.constant 4 : i32
    %eq3A_3424 = vector.broadcast %eq3A_3423 : i32 to vector<16xi32>
    %eq3A_3425 = arith.cmpi eq, %select_n3A_3384, %eq3A_3424 : vector<16xi32>
    %select_n3A_3426 = arith.select %eq3A_3425, %broadcast_in_dim3A_3, %get3A_3332 : vector<16xi1>, vector<16xf32>
    %gt3A_3427 = arith.cmpf ogt, %select_n3A_3426, %select_n3A_3419 : vector<16xf32>
    %select_n3A_3428 = arith.select %gt3A_3427, %select_n3A_3426, %select_n3A_3419 : vector<16xi1>, vector<16xf32>
    %broadcast_in_dim3A_3429 = arith.constant 4 : i32
    %broadcast_in_dim3A_3430 = vector.broadcast %broadcast_in_dim3A_3429 : i32 to vector<16xi32>
    %select_n3A_3431 = arith.select %gt3A_3427, %broadcast_in_dim3A_3430, %select_n3A_3422 : vector<16xi1>, vector<16xi32>
    %eq3A_3432 = arith.constant 5 : i32
    %eq3A_3433 = vector.broadcast %eq3A_3432 : i32 to vector<16xi32>
    %eq3A_3434 = arith.cmpi eq, %select_n3A_3384, %eq3A_3433 : vector<16xi32>
    %select_n3A_3435 = arith.select %eq3A_3434, %broadcast_in_dim3A_3, %get3A_3337 : vector<16xi1>, vector<16xf32>
    %gt3A_3436 = arith.cmpf ogt, %select_n3A_3435, %select_n3A_3428 : vector<16xf32>
    %select_n3A_3437 = arith.select %gt3A_3436, %select_n3A_3435, %select_n3A_3428 : vector<16xi1>, vector<16xf32>
    %broadcast_in_dim3A_3438 = arith.constant 5 : i32
    %broadcast_in_dim3A_3439 = vector.broadcast %broadcast_in_dim3A_3438 : i32 to vector<16xi32>
    %select_n3A_3440 = arith.select %gt3A_3436, %broadcast_in_dim3A_3439, %select_n3A_3431 : vector<16xi1>, vector<16xi32>
    %eq3A_3441 = arith.constant 6 : i32
    %eq3A_3442 = vector.broadcast %eq3A_3441 : i32 to vector<16xi32>
    %eq3A_3443 = arith.cmpi eq, %select_n3A_3384, %eq3A_3442 : vector<16xi32>
    %select_n3A_3444 = arith.select %eq3A_3443, %broadcast_in_dim3A_3, %get3A_3342 : vector<16xi1>, vector<16xf32>
    %gt3A_3445 = arith.cmpf ogt, %select_n3A_3444, %select_n3A_3437 : vector<16xf32>
    %select_n3A_3446 = arith.select %gt3A_3445, %select_n3A_3444, %select_n3A_3437 : vector<16xi1>, vector<16xf32>
    %broadcast_in_dim3A_3447 = arith.constant 6 : i32
    %broadcast_in_dim3A_3448 = vector.broadcast %broadcast_in_dim3A_3447 : i32 to vector<16xi32>
    %select_n3A_3449 = arith.select %gt3A_3445, %broadcast_in_dim3A_3448, %select_n3A_3440 : vector<16xi1>, vector<16xi32>
    %eq3A_3450 = arith.constant 7 : i32
    %eq3A_3451 = vector.broadcast %eq3A_3450 : i32 to vector<16xi32>
    %eq3A_3452 = arith.cmpi eq, %select_n3A_3384, %eq3A_3451 : vector<16xi32>
    %select_n3A_3453 = arith.select %eq3A_3452, %broadcast_in_dim3A_3, %get3A_3347 : vector<16xi1>, vector<16xf32>
    %gt3A_3454 = arith.cmpf ogt, %select_n3A_3453, %select_n3A_3446 : vector<16xf32>
    %select_n3A_3455 = arith.select %gt3A_3454, %select_n3A_3453, %select_n3A_3446 : vector<16xi1>, vector<16xf32>
    %broadcast_in_dim3A_3456 = arith.constant 7 : i32
    %broadcast_in_dim3A_3457 = vector.broadcast %broadcast_in_dim3A_3456 : i32 to vector<16xi32>
    %select_n3A_3458 = arith.select %gt3A_3454, %broadcast_in_dim3A_3457, %select_n3A_3449 : vector<16xi1>, vector<16xi32>
    %sub3A_3459 = arith.subf %select_n3A_3455, %select_n3A_3381 : vector<16xf32>
    %exp3A_3460 = math.exp %sub3A_3459 : vector<16xf32>
    %add3A_3461 = arith.constant 1.000000e+00 : f32
    %add3A_3462 = vector.broadcast %add3A_3461 : f32 to vector<16xf32>
    %add3A_3463 = arith.addf %add3A_3462, %exp3A_3460 : vector<16xf32>
    %div3A_3464 = arith.constant 1.000000e+00 : f32
    %div3A_3465 = vector.broadcast %div3A_3464 : f32 to vector<16xf32>
    %div3A_3466 = arith.divf %div3A_3465, %add3A_3463 : vector<16xf32>
    %sub3A_3467 = arith.constant 1.000000e+00 : f32
    %sub3A_3468 = vector.broadcast %sub3A_3467 : f32 to vector<16xf32>
    %sub3A_3469 = arith.subf %sub3A_3468, %div3A_3466 : vector<16xf32>
    %broadcast_in_dim3A_3470 = arith.constant 0.000000e+00 : f32
    %broadcast_in_dim3A_3471 = vector.broadcast %broadcast_in_dim3A_3470 : f32 to vector<16xf32>
    %eq3A_3472 = arith.constant 0 : i32
    %eq3A_3473 = vector.broadcast %eq3A_3472 : i32 to vector<16xi32>
    %eq3A_3474 = arith.cmpi eq, %select_n3A_3384, %eq3A_3473 : vector<16xi32>
    %eq3A_3475 = arith.constant 0 : i32
    %eq3A_3476 = vector.broadcast %eq3A_3475 : i32 to vector<16xi32>
    %eq3A_3477 = arith.cmpi eq, %select_n3A_3458, %eq3A_3476 : vector<16xi32>
    %select_n3A_3478 = arith.select %eq3A_3477, %sub3A_3469, %broadcast_in_dim3A_3471 : vector<16xi1>, vector<16xf32>
    %select_n3A_3479 = arith.select %eq3A_3474, %div3A_3466, %select_n3A_3478 : vector<16xi1>, vector<16xf32>
    %swap3A_3480 = arith.constant 0 : i32
    %swap3A_3481 = arith.index_cast %swap3A_3480 : i32 to index
    %swap3A_3482 = arith.constant 192 : index
    %swap3A_3483 = tpu.vector_load %arg5[%swap3A_3481, %swap3A_3482] {strides = array<i32>} : memref<8x256xf32, #tpu.memory_space<vmem>>, vector<1x16xf32>,
    %swap3A_3484 = vector.shape_cast %swap3A_3483 : vector<1x16xf32> to vector<16xf32>
    %swap3A_3485 = vector.shape_cast %select_n3A_3479 : vector<16xf32> to vector<1x16xf32>
    tpu.vector_store %arg5[%swap3A_3481, %swap3A_3482], %swap3A_3485 {strides = array<i32>} : memref<8x256xf32, #tpu.memory_space<vmem>>, vector<1x16xf32>,
    %eq3A_3486 = arith.constant 1 : i32
    %eq3A_3487 = vector.broadcast %eq3A_3486 : i32 to vector<16xi32>
    %eq3A_3488 = arith.cmpi eq, %select_n3A_3384, %eq3A_3487 : vector<16xi32>
    %eq3A_3489 = arith.constant 1 : i32
    %eq3A_3490 = vector.broadcast %eq3A_3489 : i32 to vector<16xi32>
    %eq3A_3491 = arith.cmpi eq, %select_n3A_3458, %eq3A_3490 : vector<16xi32>
    %select_n3A_3492 = arith.select %eq3A_3491, %sub3A_3469, %broadcast_in_dim3A_3471 : vector<16xi1>, vector<16xf32>
    %select_n3A_3493 = arith.select %eq3A_3488, %div3A_3466, %select_n3A_3492 : vector<16xi1>, vector<16xf32>
    %swap3A_3494 = arith.constant 1 : i32
    %swap3A_3495 = arith.index_cast %swap3A_3494 : i32 to index
    %swap3A_3496 = arith.constant 192 : index
    %swap3A_3497 = tpu.vector_load %arg5[%swap3A_3495, %swap3A_3496] {strides = array<i32>} : memref<8x256xf32, #tpu.memory_space<vmem>>, vector<1x16xf32>,
    %swap3A_3498 = vector.shape_cast %swap3A_3497 : vector<1x16xf32> to vector<16xf32>
    %swap3A_3499 = vector.shape_cast %select_n3A_3493 : vector<16xf32> to vector<1x16xf32>
    tpu.vector_store %arg5[%swap3A_3495, %swap3A_3496], %swap3A_3499 {strides = array<i32>} : memref<8x256xf32, #tpu.memory_space<vmem>>, vector<1x16xf32>,
    %eq3A_3500 = arith.constant 2 : i32
    %eq3A_3501 = vector.broadcast %eq3A_3500 : i32 to vector<16xi32>
    %eq3A_3502 = arith.cmpi eq, %select_n3A_3384, %eq3A_3501 : vector<16xi32>
    %eq3A_3503 = arith.constant 2 : i32
    %eq3A_3504 = vector.broadcast %eq3A_3503 : i32 to vector<16xi32>
    %eq3A_3505 = arith.cmpi eq, %select_n3A_3458, %eq3A_3504 : vector<16xi32>
    %select_n3A_3506 = arith.select %eq3A_3505, %sub3A_3469, %broadcast_in_dim3A_3471 : vector<16xi1>, vector<16xf32>
    %select_n3A_3507 = arith.select %eq3A_3502, %div3A_3466, %select_n3A_3506 : vector<16xi1>, vector<16xf32>
    %swap3A_3508 = arith.constant 2 : i32
    %swap3A_3509 = arith.index_cast %swap3A_3508 : i32 to index
    %swap3A_3510 = arith.constant 192 : index
    %swap3A_3511 = tpu.vector_load %arg5[%swap3A_3509, %swap3A_3510] {strides = array<i32>} : memref<8x256xf32, #tpu.memory_space<vmem>>, vector<1x16xf32>,
    %swap3A_3512 = vector.shape_cast %swap3A_3511 : vector<1x16xf32> to vector<16xf32>
    %swap3A_3513 = vector.shape_cast %select_n3A_3507 : vector<16xf32> to vector<1x16xf32>
    tpu.vector_store %arg5[%swap3A_3509, %swap3A_3510], %swap3A_3513 {strides = array<i32>} : memref<8x256xf32, #tpu.memory_space<vmem>>, vector<1x16xf32>,
    %eq3A_3514 = arith.constant 3 : i32
    %eq3A_3515 = vector.broadcast %eq3A_3514 : i32 to vector<16xi32>
    %eq3A_3516 = arith.cmpi eq, %select_n3A_3384, %eq3A_3515 : vector<16xi32>
    %eq3A_3517 = arith.constant 3 : i32
    %eq3A_3518 = vector.broadcast %eq3A_3517 : i32 to vector<16xi32>
    %eq3A_3519 = arith.cmpi eq, %select_n3A_3458, %eq3A_3518 : vector<16xi32>
    %select_n3A_3520 = arith.select %eq3A_3519, %sub3A_3469, %broadcast_in_dim3A_3471 : vector<16xi1>, vector<16xf32>
    %select_n3A_3521 = arith.select %eq3A_3516, %div3A_3466, %select_n3A_3520 : vector<16xi1>, vector<16xf32>
    %swap3A_3522 = arith.constant 3 : i32
    %swap3A_3523 = arith.index_cast %swap3A_3522 : i32 to index
    %swap3A_3524 = arith.constant 192 : index
    %swap3A_3525 = tpu.vector_load %arg5[%swap3A_3523, %swap3A_3524] {strides = array<i32>} : memref<8x256xf32, #tpu.memory_space<vmem>>, vector<1x16xf32>,
    %swap3A_3526 = vector.shape_cast %swap3A_3525 : vector<1x16xf32> to vector<16xf32>
    %swap3A_3527 = vector.shape_cast %select_n3A_3521 : vector<16xf32> to vector<1x16xf32>
    tpu.vector_store %arg5[%swap3A_3523, %swap3A_3524], %swap3A_3527 {strides = array<i32>} : memref<8x256xf32, #tpu.memory_space<vmem>>, vector<1x16xf32>,
    %eq3A_3528 = arith.constant 4 : i32
    %eq3A_3529 = vector.broadcast %eq3A_3528 : i32 to vector<16xi32>
    %eq3A_3530 = arith.cmpi eq, %select_n3A_3384, %eq3A_3529 : vector<16xi32>
    %eq3A_3531 = arith.constant 4 : i32
    %eq3A_3532 = vector.broadcast %eq3A_3531 : i32 to vector<16xi32>
    %eq3A_3533 = arith.cmpi eq, %select_n3A_3458, %eq3A_3532 : vector<16xi32>
    %select_n3A_3534 = arith.select %eq3A_3533, %sub3A_3469, %broadcast_in_dim3A_3471 : vector<16xi1>, vector<16xf32>
    %select_n3A_3535 = arith.select %eq3A_3530, %div3A_3466, %select_n3A_3534 : vector<16xi1>, vector<16xf32>
    %swap3A_3536 = arith.constant 4 : i32
    %swap3A_3537 = arith.index_cast %swap3A_3536 : i32 to index
    %swap3A_3538 = arith.constant 192 : index
    %swap3A_3539 = tpu.vector_load %arg5[%swap3A_3537, %swap3A_3538] {strides = array<i32>} : memref<8x256xf32, #tpu.memory_space<vmem>>, vector<1x16xf32>,
    %swap3A_3540 = vector.shape_cast %swap3A_3539 : vector<1x16xf32> to vector<16xf32>
    %swap3A_3541 = vector.shape_cast %select_n3A_3535 : vector<16xf32> to vector<1x16xf32>
    tpu.vector_store %arg5[%swap3A_3537, %swap3A_3538], %swap3A_3541 {strides = array<i32>} : memref<8x256xf32, #tpu.memory_space<vmem>>, vector<1x16xf32>,
    %eq3A_3542 = arith.constant 5 : i32
    %eq3A_3543 = vector.broadcast %eq3A_3542 : i32 to vector<16xi32>
    %eq3A_3544 = arith.cmpi eq, %select_n3A_3384, %eq3A_3543 : vector<16xi32>
    %eq3A_3545 = arith.constant 5 : i32
    %eq3A_3546 = vector.broadcast %eq3A_3545 : i32 to vector<16xi32>
    %eq3A_3547 = arith.cmpi eq, %select_n3A_3458, %eq3A_3546 : vector<16xi32>
    %select_n3A_3548 = arith.select %eq3A_3547, %sub3A_3469, %broadcast_in_dim3A_3471 : vector<16xi1>, vector<16xf32>
    %select_n3A_3549 = arith.select %eq3A_3544, %div3A_3466, %select_n3A_3548 : vector<16xi1>, vector<16xf32>
    %swap3A_3550 = arith.constant 5 : i32
    %swap3A_3551 = arith.index_cast %swap3A_3550 : i32 to index
    %swap3A_3552 = arith.constant 192 : index
    %swap3A_3553 = tpu.vector_load %arg5[%swap3A_3551, %swap3A_3552] {strides = array<i32>} : memref<8x256xf32, #tpu.memory_space<vmem>>, vector<1x16xf32>,
    %swap3A_3554 = vector.shape_cast %swap3A_3553 : vector<1x16xf32> to vector<16xf32>
    %swap3A_3555 = vector.shape_cast %select_n3A_3549 : vector<16xf32> to vector<1x16xf32>
    tpu.vector_store %arg5[%swap3A_3551, %swap3A_3552], %swap3A_3555 {strides = array<i32>} : memref<8x256xf32, #tpu.memory_space<vmem>>, vector<1x16xf32>,
    %eq3A_3556 = arith.constant 6 : i32
    %eq3A_3557 = vector.broadcast %eq3A_3556 : i32 to vector<16xi32>
    %eq3A_3558 = arith.cmpi eq, %select_n3A_3384, %eq3A_3557 : vector<16xi32>
    %eq3A_3559 = arith.constant 6 : i32
    %eq3A_3560 = vector.broadcast %eq3A_3559 : i32 to vector<16xi32>
    %eq3A_3561 = arith.cmpi eq, %select_n3A_3458, %eq3A_3560 : vector<16xi32>
    %select_n3A_3562 = arith.select %eq3A_3561, %sub3A_3469, %broadcast_in_dim3A_3471 : vector<16xi1>, vector<16xf32>
    %select_n3A_3563 = arith.select %eq3A_3558, %div3A_3466, %select_n3A_3562 : vector<16xi1>, vector<16xf32>
    %swap3A_3564 = arith.constant 6 : i32
    %swap3A_3565 = arith.index_cast %swap3A_3564 : i32 to index
    %swap3A_3566 = arith.constant 192 : index
    %swap3A_3567 = tpu.vector_load %arg5[%swap3A_3565, %swap3A_3566] {strides = array<i32>} : memref<8x256xf32, #tpu.memory_space<vmem>>, vector<1x16xf32>,
    %swap3A_3568 = vector.shape_cast %swap3A_3567 : vector<1x16xf32> to vector<16xf32>
    %swap3A_3569 = vector.shape_cast %select_n3A_3563 : vector<16xf32> to vector<1x16xf32>
    tpu.vector_store %arg5[%swap3A_3565, %swap3A_3566], %swap3A_3569 {strides = array<i32>} : memref<8x256xf32, #tpu.memory_space<vmem>>, vector<1x16xf32>,
    %eq3A_3570 = arith.constant 7 : i32
    %eq3A_3571 = vector.broadcast %eq3A_3570 : i32 to vector<16xi32>
    %eq3A_3572 = arith.cmpi eq, %select_n3A_3384, %eq3A_3571 : vector<16xi32>
    %eq3A_3573 = arith.constant 7 : i32
    %eq3A_3574 = vector.broadcast %eq3A_3573 : i32 to vector<16xi32>
    %eq3A_3575 = arith.cmpi eq, %select_n3A_3458, %eq3A_3574 : vector<16xi32>
    %select_n3A_3576 = arith.select %eq3A_3575, %sub3A_3469, %broadcast_in_dim3A_3471 : vector<16xi1>, vector<16xf32>
    %select_n3A_3577 = arith.select %eq3A_3572, %div3A_3466, %select_n3A_3576 : vector<16xi1>, vector<16xf32>
    %swap3A_3578 = arith.constant 7 : i32
    %swap3A_3579 = arith.index_cast %swap3A_3578 : i32 to index
    %swap3A_3580 = arith.constant 192 : index
    %swap3A_3581 = tpu.vector_load %arg5[%swap3A_3579, %swap3A_3580] {strides = array<i32>} : memref<8x256xf32, #tpu.memory_space<vmem>>, vector<1x16xf32>,
    %swap3A_3582 = vector.shape_cast %swap3A_3581 : vector<1x16xf32> to vector<16xf32>
    %swap3A_3583 = vector.shape_cast %select_n3A_3577 : vector<16xf32> to vector<1x16xf32>
    tpu.vector_store %arg5[%swap3A_3579, %swap3A_3580], %swap3A_3583 {strides = array<i32>} : memref<8x256xf32, #tpu.memory_space<vmem>>, vector<1x16xf32>,
    %get3A_3584 = arith.constant 0 : i32
    %get3A_3585 = arith.index_cast %get3A_3584 : i32 to index
    %get3A_3586 = arith.constant 208 : index
    %get3A_3587 = tpu.vector_load %arg4[%get3A_3585, %get3A_3586] {strides = array<i32>} : memref<8x256xf32, #tpu.memory_space<vmem>>, vector<1x16xf32>,
    %get3A_3588 = vector.shape_cast %get3A_3587 : vector<1x16xf32> to vector<16xf32>
    %get3A_3589 = arith.constant 1 : i32
    %get3A_3590 = arith.index_cast %get3A_3589 : i32 to index
    %get3A_3591 = arith.constant 208 : index
    %get3A_3592 = tpu.vector_load %arg4[%get3A_3590, %get3A_3591] {strides = array<i32>} : memref<8x256xf32, #tpu.memory_space<vmem>>, vector<1x16xf32>,
    %get3A_3593 = vector.shape_cast %get3A_3592 : vector<1x16xf32> to vector<16xf32>
    %get3A_3594 = arith.constant 2 : i32
    %get3A_3595 = arith.index_cast %get3A_3594 : i32 to index
    %get3A_3596 = arith.constant 208 : index
    %get3A_3597 = tpu.vector_load %arg4[%get3A_3595, %get3A_3596] {strides = array<i32>} : memref<8x256xf32, #tpu.memory_space<vmem>>, vector<1x16xf32>,
    %get3A_3598 = vector.shape_cast %get3A_3597 : vector<1x16xf32> to vector<16xf32>
    %get3A_3599 = arith.constant 3 : i32
    %get3A_3600 = arith.index_cast %get3A_3599 : i32 to index
    %get3A_3601 = arith.constant 208 : index
    %get3A_3602 = tpu.vector_load %arg4[%get3A_3600, %get3A_3601] {strides = array<i32>} : memref<8x256xf32, #tpu.memory_space<vmem>>, vector<1x16xf32>,
    %get3A_3603 = vector.shape_cast %get3A_3602 : vector<1x16xf32> to vector<16xf32>
    %get3A_3604 = arith.constant 4 : i32
    %get3A_3605 = arith.index_cast %get3A_3604 : i32 to index
    %get3A_3606 = arith.constant 208 : index
    %get3A_3607 = tpu.vector_load %arg4[%get3A_3605, %get3A_3606] {strides = array<i32>} : memref<8x256xf32, #tpu.memory_space<vmem>>, vector<1x16xf32>,
    %get3A_3608 = vector.shape_cast %get3A_3607 : vector<1x16xf32> to vector<16xf32>
    %get3A_3609 = arith.constant 5 : i32
    %get3A_3610 = arith.index_cast %get3A_3609 : i32 to index
    %get3A_3611 = arith.constant 208 : index
    %get3A_3612 = tpu.vector_load %arg4[%get3A_3610, %get3A_3611] {strides = array<i32>} : memref<8x256xf32, #tpu.memory_space<vmem>>, vector<1x16xf32>,
    %get3A_3613 = vector.shape_cast %get3A_3612 : vector<1x16xf32> to vector<16xf32>
    %get3A_3614 = arith.constant 6 : i32
    %get3A_3615 = arith.index_cast %get3A_3614 : i32 to index
    %get3A_3616 = arith.constant 208 : index
    %get3A_3617 = tpu.vector_load %arg4[%get3A_3615, %get3A_3616] {strides = array<i32>} : memref<8x256xf32, #tpu.memory_space<vmem>>, vector<1x16xf32>,
    %get3A_3618 = vector.shape_cast %get3A_3617 : vector<1x16xf32> to vector<16xf32>
    %get3A_3619 = arith.constant 7 : i32
    %get3A_3620 = arith.index_cast %get3A_3619 : i32 to index
    %get3A_3621 = arith.constant 208 : index
    %get3A_3622 = tpu.vector_load %arg4[%get3A_3620, %get3A_3621] {strides = array<i32>} : memref<8x256xf32, #tpu.memory_space<vmem>>, vector<1x16xf32>,
    %get3A_3623 = vector.shape_cast %get3A_3622 : vector<1x16xf32> to vector<16xf32>
    %broadcast_in_dim3A_3624 = arith.constant 0 : i32
    %broadcast_in_dim3A_3625 = vector.broadcast %broadcast_in_dim3A_3624 : i32 to vector<16xi32>
    %gt3A_3626 = arith.cmpf ogt, %get3A_3593, %get3A_3588 : vector<16xf32>
    %select_n3A_3627 = arith.select %gt3A_3626, %get3A_3593, %get3A_3588 : vector<16xi1>, vector<16xf32>
    %broadcast_in_dim3A_3628 = arith.constant 1 : i32
    %broadcast_in_dim3A_3629 = vector.broadcast %broadcast_in_dim3A_3628 : i32 to vector<16xi32>
    %select_n3A_3630 = arith.select %gt3A_3626, %broadcast_in_dim3A_3629, %broadcast_in_dim3A_3625 : vector<16xi1>, vector<16xi32>
    %gt3A_3631 = arith.cmpf ogt, %get3A_3598, %select_n3A_3627 : vector<16xf32>
    %select_n3A_3632 = arith.select %gt3A_3631, %get3A_3598, %select_n3A_3627 : vector<16xi1>, vector<16xf32>
    %broadcast_in_dim3A_3633 = arith.constant 2 : i32
    %broadcast_in_dim3A_3634 = vector.broadcast %broadcast_in_dim3A_3633 : i32 to vector<16xi32>
    %select_n3A_3635 = arith.select %gt3A_3631, %broadcast_in_dim3A_3634, %select_n3A_3630 : vector<16xi1>, vector<16xi32>
    %gt3A_3636 = arith.cmpf ogt, %get3A_3603, %select_n3A_3632 : vector<16xf32>
    %select_n3A_3637 = arith.select %gt3A_3636, %get3A_3603, %select_n3A_3632 : vector<16xi1>, vector<16xf32>
    %broadcast_in_dim3A_3638 = arith.constant 3 : i32
    %broadcast_in_dim3A_3639 = vector.broadcast %broadcast_in_dim3A_3638 : i32 to vector<16xi32>
    %select_n3A_3640 = arith.select %gt3A_3636, %broadcast_in_dim3A_3639, %select_n3A_3635 : vector<16xi1>, vector<16xi32>
    %gt3A_3641 = arith.cmpf ogt, %get3A_3608, %select_n3A_3637 : vector<16xf32>
    %select_n3A_3642 = arith.select %gt3A_3641, %get3A_3608, %select_n3A_3637 : vector<16xi1>, vector<16xf32>
    %broadcast_in_dim3A_3643 = arith.constant 4 : i32
    %broadcast_in_dim3A_3644 = vector.broadcast %broadcast_in_dim3A_3643 : i32 to vector<16xi32>
    %select_n3A_3645 = arith.select %gt3A_3641, %broadcast_in_dim3A_3644, %select_n3A_3640 : vector<16xi1>, vector<16xi32>
    %gt3A_3646 = arith.cmpf ogt, %get3A_3613, %select_n3A_3642 : vector<16xf32>
    %select_n3A_3647 = arith.select %gt3A_3646, %get3A_3613, %select_n3A_3642 : vector<16xi1>, vector<16xf32>
    %broadcast_in_dim3A_3648 = arith.constant 5 : i32
    %broadcast_in_dim3A_3649 = vector.broadcast %broadcast_in_dim3A_3648 : i32 to vector<16xi32>
    %select_n3A_3650 = arith.select %gt3A_3646, %broadcast_in_dim3A_3649, %select_n3A_3645 : vector<16xi1>, vector<16xi32>
    %gt3A_3651 = arith.cmpf ogt, %get3A_3618, %select_n3A_3647 : vector<16xf32>
    %select_n3A_3652 = arith.select %gt3A_3651, %get3A_3618, %select_n3A_3647 : vector<16xi1>, vector<16xf32>
    %broadcast_in_dim3A_3653 = arith.constant 6 : i32
    %broadcast_in_dim3A_3654 = vector.broadcast %broadcast_in_dim3A_3653 : i32 to vector<16xi32>
    %select_n3A_3655 = arith.select %gt3A_3651, %broadcast_in_dim3A_3654, %select_n3A_3650 : vector<16xi1>, vector<16xi32>
    %gt3A_3656 = arith.cmpf ogt, %get3A_3623, %select_n3A_3652 : vector<16xf32>
    %select_n3A_3657 = arith.select %gt3A_3656, %get3A_3623, %select_n3A_3652 : vector<16xi1>, vector<16xf32>
    %broadcast_in_dim3A_3658 = arith.constant 7 : i32
    %broadcast_in_dim3A_3659 = vector.broadcast %broadcast_in_dim3A_3658 : i32 to vector<16xi32>
    %select_n3A_3660 = arith.select %gt3A_3656, %broadcast_in_dim3A_3659, %select_n3A_3655 : vector<16xi1>, vector<16xi32>
    %broadcast_in_dim3A_3661 = arith.constant 0 : i32
    %broadcast_in_dim3A_3662 = vector.broadcast %broadcast_in_dim3A_3661 : i32 to vector<16xi32>
    %eq3A_3663 = arith.constant 0 : i32
    %eq3A_3664 = vector.broadcast %eq3A_3663 : i32 to vector<16xi32>
    %eq3A_3665 = arith.cmpi eq, %select_n3A_3660, %eq3A_3664 : vector<16xi32>
    %select_n3A_3666 = arith.select %eq3A_3665, %broadcast_in_dim3A_3, %get3A_3588 : vector<16xi1>, vector<16xf32>
    %gt3A_3667 = arith.cmpf ogt, %select_n3A_3666, %broadcast_in_dim3A_3 : vector<16xf32>
    %select_n3A_3668 = arith.select %gt3A_3667, %select_n3A_3666, %broadcast_in_dim3A_3 : vector<16xi1>, vector<16xf32>
    %broadcast_in_dim3A_3669 = arith.constant 0 : i32
    %broadcast_in_dim3A_3670 = vector.broadcast %broadcast_in_dim3A_3669 : i32 to vector<16xi32>
    %select_n3A_3671 = arith.select %gt3A_3667, %broadcast_in_dim3A_3670, %broadcast_in_dim3A_3662 : vector<16xi1>, vector<16xi32>
    %eq3A_3672 = arith.constant 1 : i32
    %eq3A_3673 = vector.broadcast %eq3A_3672 : i32 to vector<16xi32>
    %eq3A_3674 = arith.cmpi eq, %select_n3A_3660, %eq3A_3673 : vector<16xi32>
    %select_n3A_3675 = arith.select %eq3A_3674, %broadcast_in_dim3A_3, %get3A_3593 : vector<16xi1>, vector<16xf32>
    %gt3A_3676 = arith.cmpf ogt, %select_n3A_3675, %select_n3A_3668 : vector<16xf32>
    %select_n3A_3677 = arith.select %gt3A_3676, %select_n3A_3675, %select_n3A_3668 : vector<16xi1>, vector<16xf32>
    %broadcast_in_dim3A_3678 = arith.constant 1 : i32
    %broadcast_in_dim3A_3679 = vector.broadcast %broadcast_in_dim3A_3678 : i32 to vector<16xi32>
    %select_n3A_3680 = arith.select %gt3A_3676, %broadcast_in_dim3A_3679, %select_n3A_3671 : vector<16xi1>, vector<16xi32>
    %eq3A_3681 = arith.constant 2 : i32
    %eq3A_3682 = vector.broadcast %eq3A_3681 : i32 to vector<16xi32>
    %eq3A_3683 = arith.cmpi eq, %select_n3A_3660, %eq3A_3682 : vector<16xi32>
    %select_n3A_3684 = arith.select %eq3A_3683, %broadcast_in_dim3A_3, %get3A_3598 : vector<16xi1>, vector<16xf32>
    %gt3A_3685 = arith.cmpf ogt, %select_n3A_3684, %select_n3A_3677 : vector<16xf32>
    %select_n3A_3686 = arith.select %gt3A_3685, %select_n3A_3684, %select_n3A_3677 : vector<16xi1>, vector<16xf32>
    %broadcast_in_dim3A_3687 = arith.constant 2 : i32
    %broadcast_in_dim3A_3688 = vector.broadcast %broadcast_in_dim3A_3687 : i32 to vector<16xi32>
    %select_n3A_3689 = arith.select %gt3A_3685, %broadcast_in_dim3A_3688, %select_n3A_3680 : vector<16xi1>, vector<16xi32>
    %eq3A_3690 = arith.constant 3 : i32
    %eq3A_3691 = vector.broadcast %eq3A_3690 : i32 to vector<16xi32>
    %eq3A_3692 = arith.cmpi eq, %select_n3A_3660, %eq3A_3691 : vector<16xi32>
    %select_n3A_3693 = arith.select %eq3A_3692, %broadcast_in_dim3A_3, %get3A_3603 : vector<16xi1>, vector<16xf32>
    %gt3A_3694 = arith.cmpf ogt, %select_n3A_3693, %select_n3A_3686 : vector<16xf32>
    %select_n3A_3695 = arith.select %gt3A_3694, %select_n3A_3693, %select_n3A_3686 : vector<16xi1>, vector<16xf32>
    %broadcast_in_dim3A_3696 = arith.constant 3 : i32
    %broadcast_in_dim3A_3697 = vector.broadcast %broadcast_in_dim3A_3696 : i32 to vector<16xi32>
    %select_n3A_3698 = arith.select %gt3A_3694, %broadcast_in_dim3A_3697, %select_n3A_3689 : vector<16xi1>, vector<16xi32>
    %eq3A_3699 = arith.constant 4 : i32
    %eq3A_3700 = vector.broadcast %eq3A_3699 : i32 to vector<16xi32>
    %eq3A_3701 = arith.cmpi eq, %select_n3A_3660, %eq3A_3700 : vector<16xi32>
    %select_n3A_3702 = arith.select %eq3A_3701, %broadcast_in_dim3A_3, %get3A_3608 : vector<16xi1>, vector<16xf32>
    %gt3A_3703 = arith.cmpf ogt, %select_n3A_3702, %select_n3A_3695 : vector<16xf32>
    %select_n3A_3704 = arith.select %gt3A_3703, %select_n3A_3702, %select_n3A_3695 : vector<16xi1>, vector<16xf32>
    %broadcast_in_dim3A_3705 = arith.constant 4 : i32
    %broadcast_in_dim3A_3706 = vector.broadcast %broadcast_in_dim3A_3705 : i32 to vector<16xi32>
    %select_n3A_3707 = arith.select %gt3A_3703, %broadcast_in_dim3A_3706, %select_n3A_3698 : vector<16xi1>, vector<16xi32>
    %eq3A_3708 = arith.constant 5 : i32
    %eq3A_3709 = vector.broadcast %eq3A_3708 : i32 to vector<16xi32>
    %eq3A_3710 = arith.cmpi eq, %select_n3A_3660, %eq3A_3709 : vector<16xi32>
    %select_n3A_3711 = arith.select %eq3A_3710, %broadcast_in_dim3A_3, %get3A_3613 : vector<16xi1>, vector<16xf32>
    %gt3A_3712 = arith.cmpf ogt, %select_n3A_3711, %select_n3A_3704 : vector<16xf32>
    %select_n3A_3713 = arith.select %gt3A_3712, %select_n3A_3711, %select_n3A_3704 : vector<16xi1>, vector<16xf32>
    %broadcast_in_dim3A_3714 = arith.constant 5 : i32
    %broadcast_in_dim3A_3715 = vector.broadcast %broadcast_in_dim3A_3714 : i32 to vector<16xi32>
    %select_n3A_3716 = arith.select %gt3A_3712, %broadcast_in_dim3A_3715, %select_n3A_3707 : vector<16xi1>, vector<16xi32>
    %eq3A_3717 = arith.constant 6 : i32
    %eq3A_3718 = vector.broadcast %eq3A_3717 : i32 to vector<16xi32>
    %eq3A_3719 = arith.cmpi eq, %select_n3A_3660, %eq3A_3718 : vector<16xi32>
    %select_n3A_3720 = arith.select %eq3A_3719, %broadcast_in_dim3A_3, %get3A_3618 : vector<16xi1>, vector<16xf32>
    %gt3A_3721 = arith.cmpf ogt, %select_n3A_3720, %select_n3A_3713 : vector<16xf32>
    %select_n3A_3722 = arith.select %gt3A_3721, %select_n3A_3720, %select_n3A_3713 : vector<16xi1>, vector<16xf32>
    %broadcast_in_dim3A_3723 = arith.constant 6 : i32
    %broadcast_in_dim3A_3724 = vector.broadcast %broadcast_in_dim3A_3723 : i32 to vector<16xi32>
    %select_n3A_3725 = arith.select %gt3A_3721, %broadcast_in_dim3A_3724, %select_n3A_3716 : vector<16xi1>, vector<16xi32>
    %eq3A_3726 = arith.constant 7 : i32
    %eq3A_3727 = vector.broadcast %eq3A_3726 : i32 to vector<16xi32>
    %eq3A_3728 = arith.cmpi eq, %select_n3A_3660, %eq3A_3727 : vector<16xi32>
    %select_n3A_3729 = arith.select %eq3A_3728, %broadcast_in_dim3A_3, %get3A_3623 : vector<16xi1>, vector<16xf32>
    %gt3A_3730 = arith.cmpf ogt, %select_n3A_3729, %select_n3A_3722 : vector<16xf32>
    %select_n3A_3731 = arith.select %gt3A_3730, %select_n3A_3729, %select_n3A_3722 : vector<16xi1>, vector<16xf32>
    %broadcast_in_dim3A_3732 = arith.constant 7 : i32
    %broadcast_in_dim3A_3733 = vector.broadcast %broadcast_in_dim3A_3732 : i32 to vector<16xi32>
    %select_n3A_3734 = arith.select %gt3A_3730, %broadcast_in_dim3A_3733, %select_n3A_3725 : vector<16xi1>, vector<16xi32>
    %sub3A_3735 = arith.subf %select_n3A_3731, %select_n3A_3657 : vector<16xf32>
    %exp3A_3736 = math.exp %sub3A_3735 : vector<16xf32>
    %add3A_3737 = arith.constant 1.000000e+00 : f32
    %add3A_3738 = vector.broadcast %add3A_3737 : f32 to vector<16xf32>
    %add3A_3739 = arith.addf %add3A_3738, %exp3A_3736 : vector<16xf32>
    %div3A_3740 = arith.constant 1.000000e+00 : f32
    %div3A_3741 = vector.broadcast %div3A_3740 : f32 to vector<16xf32>
    %div3A_3742 = arith.divf %div3A_3741, %add3A_3739 : vector<16xf32>
    %sub3A_3743 = arith.constant 1.000000e+00 : f32
    %sub3A_3744 = vector.broadcast %sub3A_3743 : f32 to vector<16xf32>
    %sub3A_3745 = arith.subf %sub3A_3744, %div3A_3742 : vector<16xf32>
    %broadcast_in_dim3A_3746 = arith.constant 0.000000e+00 : f32
    %broadcast_in_dim3A_3747 = vector.broadcast %broadcast_in_dim3A_3746 : f32 to vector<16xf32>
    %eq3A_3748 = arith.constant 0 : i32
    %eq3A_3749 = vector.broadcast %eq3A_3748 : i32 to vector<16xi32>
    %eq3A_3750 = arith.cmpi eq, %select_n3A_3660, %eq3A_3749 : vector<16xi32>
    %eq3A_3751 = arith.constant 0 : i32
    %eq3A_3752 = vector.broadcast %eq3A_3751 : i32 to vector<16xi32>
    %eq3A_3753 = arith.cmpi eq, %select_n3A_3734, %eq3A_3752 : vector<16xi32>
    %select_n3A_3754 = arith.select %eq3A_3753, %sub3A_3745, %broadcast_in_dim3A_3747 : vector<16xi1>, vector<16xf32>
    %select_n3A_3755 = arith.select %eq3A_3750, %div3A_3742, %select_n3A_3754 : vector<16xi1>, vector<16xf32>
    %swap3A_3756 = arith.constant 0 : i32
    %swap3A_3757 = arith.index_cast %swap3A_3756 : i32 to index
    %swap3A_3758 = arith.constant 208 : index
    %swap3A_3759 = tpu.vector_load %arg5[%swap3A_3757, %swap3A_3758] {strides = array<i32>} : memref<8x256xf32, #tpu.memory_space<vmem>>, vector<1x16xf32>,
    %swap3A_3760 = vector.shape_cast %swap3A_3759 : vector<1x16xf32> to vector<16xf32>
    %swap3A_3761 = vector.shape_cast %select_n3A_3755 : vector<16xf32> to vector<1x16xf32>
    tpu.vector_store %arg5[%swap3A_3757, %swap3A_3758], %swap3A_3761 {strides = array<i32>} : memref<8x256xf32, #tpu.memory_space<vmem>>, vector<1x16xf32>,
    %eq3A_3762 = arith.constant 1 : i32
    %eq3A_3763 = vector.broadcast %eq3A_3762 : i32 to vector<16xi32>
    %eq3A_3764 = arith.cmpi eq, %select_n3A_3660, %eq3A_3763 : vector<16xi32>
    %eq3A_3765 = arith.constant 1 : i32
    %eq3A_3766 = vector.broadcast %eq3A_3765 : i32 to vector<16xi32>
    %eq3A_3767 = arith.cmpi eq, %select_n3A_3734, %eq3A_3766 : vector<16xi32>
    %select_n3A_3768 = arith.select %eq3A_3767, %sub3A_3745, %broadcast_in_dim3A_3747 : vector<16xi1>, vector<16xf32>
    %select_n3A_3769 = arith.select %eq3A_3764, %div3A_3742, %select_n3A_3768 : vector<16xi1>, vector<16xf32>
    %swap3A_3770 = arith.constant 1 : i32
    %swap3A_3771 = arith.index_cast %swap3A_3770 : i32 to index
    %swap3A_3772 = arith.constant 208 : index
    %swap3A_3773 = tpu.vector_load %arg5[%swap3A_3771, %swap3A_3772] {strides = array<i32>} : memref<8x256xf32, #tpu.memory_space<vmem>>, vector<1x16xf32>,
    %swap3A_3774 = vector.shape_cast %swap3A_3773 : vector<1x16xf32> to vector<16xf32>
    %swap3A_3775 = vector.shape_cast %select_n3A_3769 : vector<16xf32> to vector<1x16xf32>
    tpu.vector_store %arg5[%swap3A_3771, %swap3A_3772], %swap3A_3775 {strides = array<i32>} : memref<8x256xf32, #tpu.memory_space<vmem>>, vector<1x16xf32>,
    %eq3A_3776 = arith.constant 2 : i32
    %eq3A_3777 = vector.broadcast %eq3A_3776 : i32 to vector<16xi32>
    %eq3A_3778 = arith.cmpi eq, %select_n3A_3660, %eq3A_3777 : vector<16xi32>
    %eq3A_3779 = arith.constant 2 : i32
    %eq3A_3780 = vector.broadcast %eq3A_3779 : i32 to vector<16xi32>
    %eq3A_3781 = arith.cmpi eq, %select_n3A_3734, %eq3A_3780 : vector<16xi32>
    %select_n3A_3782 = arith.select %eq3A_3781, %sub3A_3745, %broadcast_in_dim3A_3747 : vector<16xi1>, vector<16xf32>
    %select_n3A_3783 = arith.select %eq3A_3778, %div3A_3742, %select_n3A_3782 : vector<16xi1>, vector<16xf32>
    %swap3A_3784 = arith.constant 2 : i32
    %swap3A_3785 = arith.index_cast %swap3A_3784 : i32 to index
    %swap3A_3786 = arith.constant 208 : index
    %swap3A_3787 = tpu.vector_load %arg5[%swap3A_3785, %swap3A_3786] {strides = array<i32>} : memref<8x256xf32, #tpu.memory_space<vmem>>, vector<1x16xf32>,
    %swap3A_3788 = vector.shape_cast %swap3A_3787 : vector<1x16xf32> to vector<16xf32>
    %swap3A_3789 = vector.shape_cast %select_n3A_3783 : vector<16xf32> to vector<1x16xf32>
    tpu.vector_store %arg5[%swap3A_3785, %swap3A_3786], %swap3A_3789 {strides = array<i32>} : memref<8x256xf32, #tpu.memory_space<vmem>>, vector<1x16xf32>,
    %eq3A_3790 = arith.constant 3 : i32
    %eq3A_3791 = vector.broadcast %eq3A_3790 : i32 to vector<16xi32>
    %eq3A_3792 = arith.cmpi eq, %select_n3A_3660, %eq3A_3791 : vector<16xi32>
    %eq3A_3793 = arith.constant 3 : i32
    %eq3A_3794 = vector.broadcast %eq3A_3793 : i32 to vector<16xi32>
    %eq3A_3795 = arith.cmpi eq, %select_n3A_3734, %eq3A_3794 : vector<16xi32>
    %select_n3A_3796 = arith.select %eq3A_3795, %sub3A_3745, %broadcast_in_dim3A_3747 : vector<16xi1>, vector<16xf32>
    %select_n3A_3797 = arith.select %eq3A_3792, %div3A_3742, %select_n3A_3796 : vector<16xi1>, vector<16xf32>
    %swap3A_3798 = arith.constant 3 : i32
    %swap3A_3799 = arith.index_cast %swap3A_3798 : i32 to index
    %swap3A_3800 = arith.constant 208 : index
    %swap3A_3801 = tpu.vector_load %arg5[%swap3A_3799, %swap3A_3800] {strides = array<i32>} : memref<8x256xf32, #tpu.memory_space<vmem>>, vector<1x16xf32>,
    %swap3A_3802 = vector.shape_cast %swap3A_3801 : vector<1x16xf32> to vector<16xf32>
    %swap3A_3803 = vector.shape_cast %select_n3A_3797 : vector<16xf32> to vector<1x16xf32>
    tpu.vector_store %arg5[%swap3A_3799, %swap3A_3800], %swap3A_3803 {strides = array<i32>} : memref<8x256xf32, #tpu.memory_space<vmem>>, vector<1x16xf32>,
    %eq3A_3804 = arith.constant 4 : i32
    %eq3A_3805 = vector.broadcast %eq3A_3804 : i32 to vector<16xi32>
    %eq3A_3806 = arith.cmpi eq, %select_n3A_3660, %eq3A_3805 : vector<16xi32>
    %eq3A_3807 = arith.constant 4 : i32
    %eq3A_3808 = vector.broadcast %eq3A_3807 : i32 to vector<16xi32>
    %eq3A_3809 = arith.cmpi eq, %select_n3A_3734, %eq3A_3808 : vector<16xi32>
    %select_n3A_3810 = arith.select %eq3A_3809, %sub3A_3745, %broadcast_in_dim3A_3747 : vector<16xi1>, vector<16xf32>
    %select_n3A_3811 = arith.select %eq3A_3806, %div3A_3742, %select_n3A_3810 : vector<16xi1>, vector<16xf32>
    %swap3A_3812 = arith.constant 4 : i32
    %swap3A_3813 = arith.index_cast %swap3A_3812 : i32 to index
    %swap3A_3814 = arith.constant 208 : index
    %swap3A_3815 = tpu.vector_load %arg5[%swap3A_3813, %swap3A_3814] {strides = array<i32>} : memref<8x256xf32, #tpu.memory_space<vmem>>, vector<1x16xf32>,
    %swap3A_3816 = vector.shape_cast %swap3A_3815 : vector<1x16xf32> to vector<16xf32>
    %swap3A_3817 = vector.shape_cast %select_n3A_3811 : vector<16xf32> to vector<1x16xf32>
    tpu.vector_store %arg5[%swap3A_3813, %swap3A_3814], %swap3A_3817 {strides = array<i32>} : memref<8x256xf32, #tpu.memory_space<vmem>>, vector<1x16xf32>,
    %eq3A_3818 = arith.constant 5 : i32
    %eq3A_3819 = vector.broadcast %eq3A_3818 : i32 to vector<16xi32>
    %eq3A_3820 = arith.cmpi eq, %select_n3A_3660, %eq3A_3819 : vector<16xi32>
    %eq3A_3821 = arith.constant 5 : i32
    %eq3A_3822 = vector.broadcast %eq3A_3821 : i32 to vector<16xi32>
    %eq3A_3823 = arith.cmpi eq, %select_n3A_3734, %eq3A_3822 : vector<16xi32>
    %select_n3A_3824 = arith.select %eq3A_3823, %sub3A_3745, %broadcast_in_dim3A_3747 : vector<16xi1>, vector<16xf32>
    %select_n3A_3825 = arith.select %eq3A_3820, %div3A_3742, %select_n3A_3824 : vector<16xi1>, vector<16xf32>
    %swap3A_3826 = arith.constant 5 : i32
    %swap3A_3827 = arith.index_cast %swap3A_3826 : i32 to index
    %swap3A_3828 = arith.constant 208 : index
    %swap3A_3829 = tpu.vector_load %arg5[%swap3A_3827, %swap3A_3828] {strides = array<i32>} : memref<8x256xf32, #tpu.memory_space<vmem>>, vector<1x16xf32>,
    %swap3A_3830 = vector.shape_cast %swap3A_3829 : vector<1x16xf32> to vector<16xf32>
    %swap3A_3831 = vector.shape_cast %select_n3A_3825 : vector<16xf32> to vector<1x16xf32>
    tpu.vector_store %arg5[%swap3A_3827, %swap3A_3828], %swap3A_3831 {strides = array<i32>} : memref<8x256xf32, #tpu.memory_space<vmem>>, vector<1x16xf32>,
    %eq3A_3832 = arith.constant 6 : i32
    %eq3A_3833 = vector.broadcast %eq3A_3832 : i32 to vector<16xi32>
    %eq3A_3834 = arith.cmpi eq, %select_n3A_3660, %eq3A_3833 : vector<16xi32>
    %eq3A_3835 = arith.constant 6 : i32
    %eq3A_3836 = vector.broadcast %eq3A_3835 : i32 to vector<16xi32>
    %eq3A_3837 = arith.cmpi eq, %select_n3A_3734, %eq3A_3836 : vector<16xi32>
    %select_n3A_3838 = arith.select %eq3A_3837, %sub3A_3745, %broadcast_in_dim3A_3747 : vector<16xi1>, vector<16xf32>
    %select_n3A_3839 = arith.select %eq3A_3834, %div3A_3742, %select_n3A_3838 : vector<16xi1>, vector<16xf32>
    %swap3A_3840 = arith.constant 6 : i32
    %swap3A_3841 = arith.index_cast %swap3A_3840 : i32 to index
    %swap3A_3842 = arith.constant 208 : index
    %swap3A_3843 = tpu.vector_load %arg5[%swap3A_3841, %swap3A_3842] {strides = array<i32>} : memref<8x256xf32, #tpu.memory_space<vmem>>, vector<1x16xf32>,
    %swap3A_3844 = vector.shape_cast %swap3A_3843 : vector<1x16xf32> to vector<16xf32>
    %swap3A_3845 = vector.shape_cast %select_n3A_3839 : vector<16xf32> to vector<1x16xf32>
    tpu.vector_store %arg5[%swap3A_3841, %swap3A_3842], %swap3A_3845 {strides = array<i32>} : memref<8x256xf32, #tpu.memory_space<vmem>>, vector<1x16xf32>,
    %eq3A_3846 = arith.constant 7 : i32
    %eq3A_3847 = vector.broadcast %eq3A_3846 : i32 to vector<16xi32>
    %eq3A_3848 = arith.cmpi eq, %select_n3A_3660, %eq3A_3847 : vector<16xi32>
    %eq3A_3849 = arith.constant 7 : i32
    %eq3A_3850 = vector.broadcast %eq3A_3849 : i32 to vector<16xi32>
    %eq3A_3851 = arith.cmpi eq, %select_n3A_3734, %eq3A_3850 : vector<16xi32>
    %select_n3A_3852 = arith.select %eq3A_3851, %sub3A_3745, %broadcast_in_dim3A_3747 : vector<16xi1>, vector<16xf32>
    %select_n3A_3853 = arith.select %eq3A_3848, %div3A_3742, %select_n3A_3852 : vector<16xi1>, vector<16xf32>
    %swap3A_3854 = arith.constant 7 : i32
    %swap3A_3855 = arith.index_cast %swap3A_3854 : i32 to index
    %swap3A_3856 = arith.constant 208 : index
    %swap3A_3857 = tpu.vector_load %arg5[%swap3A_3855, %swap3A_3856] {strides = array<i32>} : memref<8x256xf32, #tpu.memory_space<vmem>>, vector<1x16xf32>,
    %swap3A_3858 = vector.shape_cast %swap3A_3857 : vector<1x16xf32> to vector<16xf32>
    %swap3A_3859 = vector.shape_cast %select_n3A_3853 : vector<16xf32> to vector<1x16xf32>
    tpu.vector_store %arg5[%swap3A_3855, %swap3A_3856], %swap3A_3859 {strides = array<i32>} : memref<8x256xf32, #tpu.memory_space<vmem>>, vector<1x16xf32>,
    %get3A_3860 = arith.constant 0 : i32
    %get3A_3861 = arith.index_cast %get3A_3860 : i32 to index
    %get3A_3862 = arith.constant 224 : index
    %get3A_3863 = tpu.vector_load %arg4[%get3A_3861, %get3A_3862] {strides = array<i32>} : memref<8x256xf32, #tpu.memory_space<vmem>>, vector<1x16xf32>,
    %get3A_3864 = vector.shape_cast %get3A_3863 : vector<1x16xf32> to vector<16xf32>
    %get3A_3865 = arith.constant 1 : i32
    %get3A_3866 = arith.index_cast %get3A_3865 : i32 to index
    %get3A_3867 = arith.constant 224 : index
    %get3A_3868 = tpu.vector_load %arg4[%get3A_3866, %get3A_3867] {strides = array<i32>} : memref<8x256xf32, #tpu.memory_space<vmem>>, vector<1x16xf32>,
    %get3A_3869 = vector.shape_cast %get3A_3868 : vector<1x16xf32> to vector<16xf32>
    %get3A_3870 = arith.constant 2 : i32
    %get3A_3871 = arith.index_cast %get3A_3870 : i32 to index
    %get3A_3872 = arith.constant 224 : index
    %get3A_3873 = tpu.vector_load %arg4[%get3A_3871, %get3A_3872] {strides = array<i32>} : memref<8x256xf32, #tpu.memory_space<vmem>>, vector<1x16xf32>,
    %get3A_3874 = vector.shape_cast %get3A_3873 : vector<1x16xf32> to vector<16xf32>
    %get3A_3875 = arith.constant 3 : i32
    %get3A_3876 = arith.index_cast %get3A_3875 : i32 to index
    %get3A_3877 = arith.constant 224 : index
    %get3A_3878 = tpu.vector_load %arg4[%get3A_3876, %get3A_3877] {strides = array<i32>} : memref<8x256xf32, #tpu.memory_space<vmem>>, vector<1x16xf32>,
    %get3A_3879 = vector.shape_cast %get3A_3878 : vector<1x16xf32> to vector<16xf32>
    %get3A_3880 = arith.constant 4 : i32
    %get3A_3881 = arith.index_cast %get3A_3880 : i32 to index
    %get3A_3882 = arith.constant 224 : index
    %get3A_3883 = tpu.vector_load %arg4[%get3A_3881, %get3A_3882] {strides = array<i32>} : memref<8x256xf32, #tpu.memory_space<vmem>>, vector<1x16xf32>,
    %get3A_3884 = vector.shape_cast %get3A_3883 : vector<1x16xf32> to vector<16xf32>
    %get3A_3885 = arith.constant 5 : i32
    %get3A_3886 = arith.index_cast %get3A_3885 : i32 to index
    %get3A_3887 = arith.constant 224 : index
    %get3A_3888 = tpu.vector_load %arg4[%get3A_3886, %get3A_3887] {strides = array<i32>} : memref<8x256xf32, #tpu.memory_space<vmem>>, vector<1x16xf32>,
    %get3A_3889 = vector.shape_cast %get3A_3888 : vector<1x16xf32> to vector<16xf32>
    %get3A_3890 = arith.constant 6 : i32
    %get3A_3891 = arith.index_cast %get3A_3890 : i32 to index
    %get3A_3892 = arith.constant 224 : index
    %get3A_3893 = tpu.vector_load %arg4[%get3A_3891, %get3A_3892] {strides = array<i32>} : memref<8x256xf32, #tpu.memory_space<vmem>>, vector<1x16xf32>,
    %get3A_3894 = vector.shape_cast %get3A_3893 : vector<1x16xf32> to vector<16xf32>
    %get3A_3895 = arith.constant 7 : i32
    %get3A_3896 = arith.index_cast %get3A_3895 : i32 to index
    %get3A_3897 = arith.constant 224 : index
    %get3A_3898 = tpu.vector_load %arg4[%get3A_3896, %get3A_3897] {strides = array<i32>} : memref<8x256xf32, #tpu.memory_space<vmem>>, vector<1x16xf32>,
    %get3A_3899 = vector.shape_cast %get3A_3898 : vector<1x16xf32> to vector<16xf32>
    %broadcast_in_dim3A_3900 = arith.constant 0 : i32
    %broadcast_in_dim3A_3901 = vector.broadcast %broadcast_in_dim3A_3900 : i32 to vector<16xi32>
    %gt3A_3902 = arith.cmpf ogt, %get3A_3869, %get3A_3864 : vector<16xf32>
    %select_n3A_3903 = arith.select %gt3A_3902, %get3A_3869, %get3A_3864 : vector<16xi1>, vector<16xf32>
    %broadcast_in_dim3A_3904 = arith.constant 1 : i32
    %broadcast_in_dim3A_3905 = vector.broadcast %broadcast_in_dim3A_3904 : i32 to vector<16xi32>
    %select_n3A_3906 = arith.select %gt3A_3902, %broadcast_in_dim3A_3905, %broadcast_in_dim3A_3901 : vector<16xi1>, vector<16xi32>
    %gt3A_3907 = arith.cmpf ogt, %get3A_3874, %select_n3A_3903 : vector<16xf32>
    %select_n3A_3908 = arith.select %gt3A_3907, %get3A_3874, %select_n3A_3903 : vector<16xi1>, vector<16xf32>
    %broadcast_in_dim3A_3909 = arith.constant 2 : i32
    %broadcast_in_dim3A_3910 = vector.broadcast %broadcast_in_dim3A_3909 : i32 to vector<16xi32>
    %select_n3A_3911 = arith.select %gt3A_3907, %broadcast_in_dim3A_3910, %select_n3A_3906 : vector<16xi1>, vector<16xi32>
    %gt3A_3912 = arith.cmpf ogt, %get3A_3879, %select_n3A_3908 : vector<16xf32>
    %select_n3A_3913 = arith.select %gt3A_3912, %get3A_3879, %select_n3A_3908 : vector<16xi1>, vector<16xf32>
    %broadcast_in_dim3A_3914 = arith.constant 3 : i32
    %broadcast_in_dim3A_3915 = vector.broadcast %broadcast_in_dim3A_3914 : i32 to vector<16xi32>
    %select_n3A_3916 = arith.select %gt3A_3912, %broadcast_in_dim3A_3915, %select_n3A_3911 : vector<16xi1>, vector<16xi32>
    %gt3A_3917 = arith.cmpf ogt, %get3A_3884, %select_n3A_3913 : vector<16xf32>
    %select_n3A_3918 = arith.select %gt3A_3917, %get3A_3884, %select_n3A_3913 : vector<16xi1>, vector<16xf32>
    %broadcast_in_dim3A_3919 = arith.constant 4 : i32
    %broadcast_in_dim3A_3920 = vector.broadcast %broadcast_in_dim3A_3919 : i32 to vector<16xi32>
    %select_n3A_3921 = arith.select %gt3A_3917, %broadcast_in_dim3A_3920, %select_n3A_3916 : vector<16xi1>, vector<16xi32>
    %gt3A_3922 = arith.cmpf ogt, %get3A_3889, %select_n3A_3918 : vector<16xf32>
    %select_n3A_3923 = arith.select %gt3A_3922, %get3A_3889, %select_n3A_3918 : vector<16xi1>, vector<16xf32>
    %broadcast_in_dim3A_3924 = arith.constant 5 : i32
    %broadcast_in_dim3A_3925 = vector.broadcast %broadcast_in_dim3A_3924 : i32 to vector<16xi32>
    %select_n3A_3926 = arith.select %gt3A_3922, %broadcast_in_dim3A_3925, %select_n3A_3921 : vector<16xi1>, vector<16xi32>
    %gt3A_3927 = arith.cmpf ogt, %get3A_3894, %select_n3A_3923 : vector<16xf32>
    %select_n3A_3928 = arith.select %gt3A_3927, %get3A_3894, %select_n3A_3923 : vector<16xi1>, vector<16xf32>
    %broadcast_in_dim3A_3929 = arith.constant 6 : i32
    %broadcast_in_dim3A_3930 = vector.broadcast %broadcast_in_dim3A_3929 : i32 to vector<16xi32>
    %select_n3A_3931 = arith.select %gt3A_3927, %broadcast_in_dim3A_3930, %select_n3A_3926 : vector<16xi1>, vector<16xi32>
    %gt3A_3932 = arith.cmpf ogt, %get3A_3899, %select_n3A_3928 : vector<16xf32>
    %select_n3A_3933 = arith.select %gt3A_3932, %get3A_3899, %select_n3A_3928 : vector<16xi1>, vector<16xf32>
    %broadcast_in_dim3A_3934 = arith.constant 7 : i32
    %broadcast_in_dim3A_3935 = vector.broadcast %broadcast_in_dim3A_3934 : i32 to vector<16xi32>
    %select_n3A_3936 = arith.select %gt3A_3932, %broadcast_in_dim3A_3935, %select_n3A_3931 : vector<16xi1>, vector<16xi32>
    %broadcast_in_dim3A_3937 = arith.constant 0 : i32
    %broadcast_in_dim3A_3938 = vector.broadcast %broadcast_in_dim3A_3937 : i32 to vector<16xi32>
    %eq3A_3939 = arith.constant 0 : i32
    %eq3A_3940 = vector.broadcast %eq3A_3939 : i32 to vector<16xi32>
    %eq3A_3941 = arith.cmpi eq, %select_n3A_3936, %eq3A_3940 : vector<16xi32>
    %select_n3A_3942 = arith.select %eq3A_3941, %broadcast_in_dim3A_3, %get3A_3864 : vector<16xi1>, vector<16xf32>
    %gt3A_3943 = arith.cmpf ogt, %select_n3A_3942, %broadcast_in_dim3A_3 : vector<16xf32>
    %select_n3A_3944 = arith.select %gt3A_3943, %select_n3A_3942, %broadcast_in_dim3A_3 : vector<16xi1>, vector<16xf32>
    %broadcast_in_dim3A_3945 = arith.constant 0 : i32
    %broadcast_in_dim3A_3946 = vector.broadcast %broadcast_in_dim3A_3945 : i32 to vector<16xi32>
    %select_n3A_3947 = arith.select %gt3A_3943, %broadcast_in_dim3A_3946, %broadcast_in_dim3A_3938 : vector<16xi1>, vector<16xi32>
    %eq3A_3948 = arith.constant 1 : i32
    %eq3A_3949 = vector.broadcast %eq3A_3948 : i32 to vector<16xi32>
    %eq3A_3950 = arith.cmpi eq, %select_n3A_3936, %eq3A_3949 : vector<16xi32>
    %select_n3A_3951 = arith.select %eq3A_3950, %broadcast_in_dim3A_3, %get3A_3869 : vector<16xi1>, vector<16xf32>
    %gt3A_3952 = arith.cmpf ogt, %select_n3A_3951, %select_n3A_3944 : vector<16xf32>
    %select_n3A_3953 = arith.select %gt3A_3952, %select_n3A_3951, %select_n3A_3944 : vector<16xi1>, vector<16xf32>
    %broadcast_in_dim3A_3954 = arith.constant 1 : i32
    %broadcast_in_dim3A_3955 = vector.broadcast %broadcast_in_dim3A_3954 : i32 to vector<16xi32>
    %select_n3A_3956 = arith.select %gt3A_3952, %broadcast_in_dim3A_3955, %select_n3A_3947 : vector<16xi1>, vector<16xi32>
    %eq3A_3957 = arith.constant 2 : i32
    %eq3A_3958 = vector.broadcast %eq3A_3957 : i32 to vector<16xi32>
    %eq3A_3959 = arith.cmpi eq, %select_n3A_3936, %eq3A_3958 : vector<16xi32>
    %select_n3A_3960 = arith.select %eq3A_3959, %broadcast_in_dim3A_3, %get3A_3874 : vector<16xi1>, vector<16xf32>
    %gt3A_3961 = arith.cmpf ogt, %select_n3A_3960, %select_n3A_3953 : vector<16xf32>
    %select_n3A_3962 = arith.select %gt3A_3961, %select_n3A_3960, %select_n3A_3953 : vector<16xi1>, vector<16xf32>
    %broadcast_in_dim3A_3963 = arith.constant 2 : i32
    %broadcast_in_dim3A_3964 = vector.broadcast %broadcast_in_dim3A_3963 : i32 to vector<16xi32>
    %select_n3A_3965 = arith.select %gt3A_3961, %broadcast_in_dim3A_3964, %select_n3A_3956 : vector<16xi1>, vector<16xi32>
    %eq3A_3966 = arith.constant 3 : i32
    %eq3A_3967 = vector.broadcast %eq3A_3966 : i32 to vector<16xi32>
    %eq3A_3968 = arith.cmpi eq, %select_n3A_3936, %eq3A_3967 : vector<16xi32>
    %select_n3A_3969 = arith.select %eq3A_3968, %broadcast_in_dim3A_3, %get3A_3879 : vector<16xi1>, vector<16xf32>
    %gt3A_3970 = arith.cmpf ogt, %select_n3A_3969, %select_n3A_3962 : vector<16xf32>
    %select_n3A_3971 = arith.select %gt3A_3970, %select_n3A_3969, %select_n3A_3962 : vector<16xi1>, vector<16xf32>
    %broadcast_in_dim3A_3972 = arith.constant 3 : i32
    %broadcast_in_dim3A_3973 = vector.broadcast %broadcast_in_dim3A_3972 : i32 to vector<16xi32>
    %select_n3A_3974 = arith.select %gt3A_3970, %broadcast_in_dim3A_3973, %select_n3A_3965 : vector<16xi1>, vector<16xi32>
    %eq3A_3975 = arith.constant 4 : i32
    %eq3A_3976 = vector.broadcast %eq3A_3975 : i32 to vector<16xi32>
    %eq3A_3977 = arith.cmpi eq, %select_n3A_3936, %eq3A_3976 : vector<16xi32>
    %select_n3A_3978 = arith.select %eq3A_3977, %broadcast_in_dim3A_3, %get3A_3884 : vector<16xi1>, vector<16xf32>
    %gt3A_3979 = arith.cmpf ogt, %select_n3A_3978, %select_n3A_3971 : vector<16xf32>
    %select_n3A_3980 = arith.select %gt3A_3979, %select_n3A_3978, %select_n3A_3971 : vector<16xi1>, vector<16xf32>
    %broadcast_in_dim3A_3981 = arith.constant 4 : i32
    %broadcast_in_dim3A_3982 = vector.broadcast %broadcast_in_dim3A_3981 : i32 to vector<16xi32>
    %select_n3A_3983 = arith.select %gt3A_3979, %broadcast_in_dim3A_3982, %select_n3A_3974 : vector<16xi1>, vector<16xi32>
    %eq3A_3984 = arith.constant 5 : i32
    %eq3A_3985 = vector.broadcast %eq3A_3984 : i32 to vector<16xi32>
    %eq3A_3986 = arith.cmpi eq, %select_n3A_3936, %eq3A_3985 : vector<16xi32>
    %select_n3A_3987 = arith.select %eq3A_3986, %broadcast_in_dim3A_3, %get3A_3889 : vector<16xi1>, vector<16xf32>
    %gt3A_3988 = arith.cmpf ogt, %select_n3A_3987, %select_n3A_3980 : vector<16xf32>
    %select_n3A_3989 = arith.select %gt3A_3988, %select_n3A_3987, %select_n3A_3980 : vector<16xi1>, vector<16xf32>
    %broadcast_in_dim3A_3990 = arith.constant 5 : i32
    %broadcast_in_dim3A_3991 = vector.broadcast %broadcast_in_dim3A_3990 : i32 to vector<16xi32>
    %select_n3A_3992 = arith.select %gt3A_3988, %broadcast_in_dim3A_3991, %select_n3A_3983 : vector<16xi1>, vector<16xi32>
    %eq3A_3993 = arith.constant 6 : i32
    %eq3A_3994 = vector.broadcast %eq3A_3993 : i32 to vector<16xi32>
    %eq3A_3995 = arith.cmpi eq, %select_n3A_3936, %eq3A_3994 : vector<16xi32>
    %select_n3A_3996 = arith.select %eq3A_3995, %broadcast_in_dim3A_3, %get3A_3894 : vector<16xi1>, vector<16xf32>
    %gt3A_3997 = arith.cmpf ogt, %select_n3A_3996, %select_n3A_3989 : vector<16xf32>
    %select_n3A_3998 = arith.select %gt3A_3997, %select_n3A_3996, %select_n3A_3989 : vector<16xi1>, vector<16xf32>
    %broadcast_in_dim3A_3999 = arith.constant 6 : i32
    %broadcast_in_dim3A_4000 = vector.broadcast %broadcast_in_dim3A_3999 : i32 to vector<16xi32>
    %select_n3A_4001 = arith.select %gt3A_3997, %broadcast_in_dim3A_4000, %select_n3A_3992 : vector<16xi1>, vector<16xi32>
    %eq3A_4002 = arith.constant 7 : i32
    %eq3A_4003 = vector.broadcast %eq3A_4002 : i32 to vector<16xi32>
    %eq3A_4004 = arith.cmpi eq, %select_n3A_3936, %eq3A_4003 : vector<16xi32>
    %select_n3A_4005 = arith.select %eq3A_4004, %broadcast_in_dim3A_3, %get3A_3899 : vector<16xi1>, vector<16xf32>
    %gt3A_4006 = arith.cmpf ogt, %select_n3A_4005, %select_n3A_3998 : vector<16xf32>
    %select_n3A_4007 = arith.select %gt3A_4006, %select_n3A_4005, %select_n3A_3998 : vector<16xi1>, vector<16xf32>
    %broadcast_in_dim3A_4008 = arith.constant 7 : i32
    %broadcast_in_dim3A_4009 = vector.broadcast %broadcast_in_dim3A_4008 : i32 to vector<16xi32>
    %select_n3A_4010 = arith.select %gt3A_4006, %broadcast_in_dim3A_4009, %select_n3A_4001 : vector<16xi1>, vector<16xi32>
    %sub3A_4011 = arith.subf %select_n3A_4007, %select_n3A_3933 : vector<16xf32>
    %exp3A_4012 = math.exp %sub3A_4011 : vector<16xf32>
    %add3A_4013 = arith.constant 1.000000e+00 : f32
    %add3A_4014 = vector.broadcast %add3A_4013 : f32 to vector<16xf32>
    %add3A_4015 = arith.addf %add3A_4014, %exp3A_4012 : vector<16xf32>
    %div3A_4016 = arith.constant 1.000000e+00 : f32
    %div3A_4017 = vector.broadcast %div3A_4016 : f32 to vector<16xf32>
    %div3A_4018 = arith.divf %div3A_4017, %add3A_4015 : vector<16xf32>
    %sub3A_4019 = arith.constant 1.000000e+00 : f32
    %sub3A_4020 = vector.broadcast %sub3A_4019 : f32 to vector<16xf32>
    %sub3A_4021 = arith.subf %sub3A_4020, %div3A_4018 : vector<16xf32>
    %broadcast_in_dim3A_4022 = arith.constant 0.000000e+00 : f32
    %broadcast_in_dim3A_4023 = vector.broadcast %broadcast_in_dim3A_4022 : f32 to vector<16xf32>
    %eq3A_4024 = arith.constant 0 : i32
    %eq3A_4025 = vector.broadcast %eq3A_4024 : i32 to vector<16xi32>
    %eq3A_4026 = arith.cmpi eq, %select_n3A_3936, %eq3A_4025 : vector<16xi32>
    %eq3A_4027 = arith.constant 0 : i32
    %eq3A_4028 = vector.broadcast %eq3A_4027 : i32 to vector<16xi32>
    %eq3A_4029 = arith.cmpi eq, %select_n3A_4010, %eq3A_4028 : vector<16xi32>
    %select_n3A_4030 = arith.select %eq3A_4029, %sub3A_4021, %broadcast_in_dim3A_4023 : vector<16xi1>, vector<16xf32>
    %select_n3A_4031 = arith.select %eq3A_4026, %div3A_4018, %select_n3A_4030 : vector<16xi1>, vector<16xf32>
    %swap3A_4032 = arith.constant 0 : i32
    %swap3A_4033 = arith.index_cast %swap3A_4032 : i32 to index
    %swap3A_4034 = arith.constant 224 : index
    %swap3A_4035 = tpu.vector_load %arg5[%swap3A_4033, %swap3A_4034] {strides = array<i32>} : memref<8x256xf32, #tpu.memory_space<vmem>>, vector<1x16xf32>,
    %swap3A_4036 = vector.shape_cast %swap3A_4035 : vector<1x16xf32> to vector<16xf32>
    %swap3A_4037 = vector.shape_cast %select_n3A_4031 : vector<16xf32> to vector<1x16xf32>
    tpu.vector_store %arg5[%swap3A_4033, %swap3A_4034], %swap3A_4037 {strides = array<i32>} : memref<8x256xf32, #tpu.memory_space<vmem>>, vector<1x16xf32>,
    %eq3A_4038 = arith.constant 1 : i32
    %eq3A_4039 = vector.broadcast %eq3A_4038 : i32 to vector<16xi32>
    %eq3A_4040 = arith.cmpi eq, %select_n3A_3936, %eq3A_4039 : vector<16xi32>
    %eq3A_4041 = arith.constant 1 : i32
    %eq3A_4042 = vector.broadcast %eq3A_4041 : i32 to vector<16xi32>
    %eq3A_4043 = arith.cmpi eq, %select_n3A_4010, %eq3A_4042 : vector<16xi32>
    %select_n3A_4044 = arith.select %eq3A_4043, %sub3A_4021, %broadcast_in_dim3A_4023 : vector<16xi1>, vector<16xf32>
    %select_n3A_4045 = arith.select %eq3A_4040, %div3A_4018, %select_n3A_4044 : vector<16xi1>, vector<16xf32>
    %swap3A_4046 = arith.constant 1 : i32
    %swap3A_4047 = arith.index_cast %swap3A_4046 : i32 to index
    %swap3A_4048 = arith.constant 224 : index
    %swap3A_4049 = tpu.vector_load %arg5[%swap3A_4047, %swap3A_4048] {strides = array<i32>} : memref<8x256xf32, #tpu.memory_space<vmem>>, vector<1x16xf32>,
    %swap3A_4050 = vector.shape_cast %swap3A_4049 : vector<1x16xf32> to vector<16xf32>
    %swap3A_4051 = vector.shape_cast %select_n3A_4045 : vector<16xf32> to vector<1x16xf32>
    tpu.vector_store %arg5[%swap3A_4047, %swap3A_4048], %swap3A_4051 {strides = array<i32>} : memref<8x256xf32, #tpu.memory_space<vmem>>, vector<1x16xf32>,
    %eq3A_4052 = arith.constant 2 : i32
    %eq3A_4053 = vector.broadcast %eq3A_4052 : i32 to vector<16xi32>
    %eq3A_4054 = arith.cmpi eq, %select_n3A_3936, %eq3A_4053 : vector<16xi32>
    %eq3A_4055 = arith.constant 2 : i32
    %eq3A_4056 = vector.broadcast %eq3A_4055 : i32 to vector<16xi32>
    %eq3A_4057 = arith.cmpi eq, %select_n3A_4010, %eq3A_4056 : vector<16xi32>
    %select_n3A_4058 = arith.select %eq3A_4057, %sub3A_4021, %broadcast_in_dim3A_4023 : vector<16xi1>, vector<16xf32>
    %select_n3A_4059 = arith.select %eq3A_4054, %div3A_4018, %select_n3A_4058 : vector<16xi1>, vector<16xf32>
    %swap3A_4060 = arith.constant 2 : i32
    %swap3A_4061 = arith.index_cast %swap3A_4060 : i32 to index
    %swap3A_4062 = arith.constant 224 : index
    %swap3A_4063 = tpu.vector_load %arg5[%swap3A_4061, %swap3A_4062] {strides = array<i32>} : memref<8x256xf32, #tpu.memory_space<vmem>>, vector<1x16xf32>,
    %swap3A_4064 = vector.shape_cast %swap3A_4063 : vector<1x16xf32> to vector<16xf32>
    %swap3A_4065 = vector.shape_cast %select_n3A_4059 : vector<16xf32> to vector<1x16xf32>
    tpu.vector_store %arg5[%swap3A_4061, %swap3A_4062], %swap3A_4065 {strides = array<i32>} : memref<8x256xf32, #tpu.memory_space<vmem>>, vector<1x16xf32>,
    %eq3A_4066 = arith.constant 3 : i32
    %eq3A_4067 = vector.broadcast %eq3A_4066 : i32 to vector<16xi32>
    %eq3A_4068 = arith.cmpi eq, %select_n3A_3936, %eq3A_4067 : vector<16xi32>
    %eq3A_4069 = arith.constant 3 : i32
    %eq3A_4070 = vector.broadcast %eq3A_4069 : i32 to vector<16xi32>
    %eq3A_4071 = arith.cmpi eq, %select_n3A_4010, %eq3A_4070 : vector<16xi32>
    %select_n3A_4072 = arith.select %eq3A_4071, %sub3A_4021, %broadcast_in_dim3A_4023 : vector<16xi1>, vector<16xf32>
    %select_n3A_4073 = arith.select %eq3A_4068, %div3A_4018, %select_n3A_4072 : vector<16xi1>, vector<16xf32>
    %swap3A_4074 = arith.constant 3 : i32
    %swap3A_4075 = arith.index_cast %swap3A_4074 : i32 to index
    %swap3A_4076 = arith.constant 224 : index
    %swap3A_4077 = tpu.vector_load %arg5[%swap3A_4075, %swap3A_4076] {strides = array<i32>} : memref<8x256xf32, #tpu.memory_space<vmem>>, vector<1x16xf32>,
    %swap3A_4078 = vector.shape_cast %swap3A_4077 : vector<1x16xf32> to vector<16xf32>
    %swap3A_4079 = vector.shape_cast %select_n3A_4073 : vector<16xf32> to vector<1x16xf32>
    tpu.vector_store %arg5[%swap3A_4075, %swap3A_4076], %swap3A_4079 {strides = array<i32>} : memref<8x256xf32, #tpu.memory_space<vmem>>, vector<1x16xf32>,
    %eq3A_4080 = arith.constant 4 : i32
    %eq3A_4081 = vector.broadcast %eq3A_4080 : i32 to vector<16xi32>
    %eq3A_4082 = arith.cmpi eq, %select_n3A_3936, %eq3A_4081 : vector<16xi32>
    %eq3A_4083 = arith.constant 4 : i32
    %eq3A_4084 = vector.broadcast %eq3A_4083 : i32 to vector<16xi32>
    %eq3A_4085 = arith.cmpi eq, %select_n3A_4010, %eq3A_4084 : vector<16xi32>
    %select_n3A_4086 = arith.select %eq3A_4085, %sub3A_4021, %broadcast_in_dim3A_4023 : vector<16xi1>, vector<16xf32>
    %select_n3A_4087 = arith.select %eq3A_4082, %div3A_4018, %select_n3A_4086 : vector<16xi1>, vector<16xf32>
    %swap3A_4088 = arith.constant 4 : i32
    %swap3A_4089 = arith.index_cast %swap3A_4088 : i32 to index
    %swap3A_4090 = arith.constant 224 : index
    %swap3A_4091 = tpu.vector_load %arg5[%swap3A_4089, %swap3A_4090] {strides = array<i32>} : memref<8x256xf32, #tpu.memory_space<vmem>>, vector<1x16xf32>,
    %swap3A_4092 = vector.shape_cast %swap3A_4091 : vector<1x16xf32> to vector<16xf32>
    %swap3A_4093 = vector.shape_cast %select_n3A_4087 : vector<16xf32> to vector<1x16xf32>
    tpu.vector_store %arg5[%swap3A_4089, %swap3A_4090], %swap3A_4093 {strides = array<i32>} : memref<8x256xf32, #tpu.memory_space<vmem>>, vector<1x16xf32>,
    %eq3A_4094 = arith.constant 5 : i32
    %eq3A_4095 = vector.broadcast %eq3A_4094 : i32 to vector<16xi32>
    %eq3A_4096 = arith.cmpi eq, %select_n3A_3936, %eq3A_4095 : vector<16xi32>
    %eq3A_4097 = arith.constant 5 : i32
    %eq3A_4098 = vector.broadcast %eq3A_4097 : i32 to vector<16xi32>
    %eq3A_4099 = arith.cmpi eq, %select_n3A_4010, %eq3A_4098 : vector<16xi32>
    %select_n3A_4100 = arith.select %eq3A_4099, %sub3A_4021, %broadcast_in_dim3A_4023 : vector<16xi1>, vector<16xf32>
    %select_n3A_4101 = arith.select %eq3A_4096, %div3A_4018, %select_n3A_4100 : vector<16xi1>, vector<16xf32>
    %swap3A_4102 = arith.constant 5 : i32
    %swap3A_4103 = arith.index_cast %swap3A_4102 : i32 to index
    %swap3A_4104 = arith.constant 224 : index
    %swap3A_4105 = tpu.vector_load %arg5[%swap3A_4103, %swap3A_4104] {strides = array<i32>} : memref<8x256xf32, #tpu.memory_space<vmem>>, vector<1x16xf32>,
    %swap3A_4106 = vector.shape_cast %swap3A_4105 : vector<1x16xf32> to vector<16xf32>
    %swap3A_4107 = vector.shape_cast %select_n3A_4101 : vector<16xf32> to vector<1x16xf32>
    tpu.vector_store %arg5[%swap3A_4103, %swap3A_4104], %swap3A_4107 {strides = array<i32>} : memref<8x256xf32, #tpu.memory_space<vmem>>, vector<1x16xf32>,
    %eq3A_4108 = arith.constant 6 : i32
    %eq3A_4109 = vector.broadcast %eq3A_4108 : i32 to vector<16xi32>
    %eq3A_4110 = arith.cmpi eq, %select_n3A_3936, %eq3A_4109 : vector<16xi32>
    %eq3A_4111 = arith.constant 6 : i32
    %eq3A_4112 = vector.broadcast %eq3A_4111 : i32 to vector<16xi32>
    %eq3A_4113 = arith.cmpi eq, %select_n3A_4010, %eq3A_4112 : vector<16xi32>
    %select_n3A_4114 = arith.select %eq3A_4113, %sub3A_4021, %broadcast_in_dim3A_4023 : vector<16xi1>, vector<16xf32>
    %select_n3A_4115 = arith.select %eq3A_4110, %div3A_4018, %select_n3A_4114 : vector<16xi1>, vector<16xf32>
    %swap3A_4116 = arith.constant 6 : i32
    %swap3A_4117 = arith.index_cast %swap3A_4116 : i32 to index
    %swap3A_4118 = arith.constant 224 : index
    %swap3A_4119 = tpu.vector_load %arg5[%swap3A_4117, %swap3A_4118] {strides = array<i32>} : memref<8x256xf32, #tpu.memory_space<vmem>>, vector<1x16xf32>,
    %swap3A_4120 = vector.shape_cast %swap3A_4119 : vector<1x16xf32> to vector<16xf32>
    %swap3A_4121 = vector.shape_cast %select_n3A_4115 : vector<16xf32> to vector<1x16xf32>
    tpu.vector_store %arg5[%swap3A_4117, %swap3A_4118], %swap3A_4121 {strides = array<i32>} : memref<8x256xf32, #tpu.memory_space<vmem>>, vector<1x16xf32>,
    %eq3A_4122 = arith.constant 7 : i32
    %eq3A_4123 = vector.broadcast %eq3A_4122 : i32 to vector<16xi32>
    %eq3A_4124 = arith.cmpi eq, %select_n3A_3936, %eq3A_4123 : vector<16xi32>
    %eq3A_4125 = arith.constant 7 : i32
    %eq3A_4126 = vector.broadcast %eq3A_4125 : i32 to vector<16xi32>
    %eq3A_4127 = arith.cmpi eq, %select_n3A_4010, %eq3A_4126 : vector<16xi32>
    %select_n3A_4128 = arith.select %eq3A_4127, %sub3A_4021, %broadcast_in_dim3A_4023 : vector<16xi1>, vector<16xf32>
    %select_n3A_4129 = arith.select %eq3A_4124, %div3A_4018, %select_n3A_4128 : vector<16xi1>, vector<16xf32>
    %swap3A_4130 = arith.constant 7 : i32
    %swap3A_4131 = arith.index_cast %swap3A_4130 : i32 to index
    %swap3A_4132 = arith.constant 224 : index
    %swap3A_4133 = tpu.vector_load %arg5[%swap3A_4131, %swap3A_4132] {strides = array<i32>} : memref<8x256xf32, #tpu.memory_space<vmem>>, vector<1x16xf32>,
    %swap3A_4134 = vector.shape_cast %swap3A_4133 : vector<1x16xf32> to vector<16xf32>
    %swap3A_4135 = vector.shape_cast %select_n3A_4129 : vector<16xf32> to vector<1x16xf32>
    tpu.vector_store %arg5[%swap3A_4131, %swap3A_4132], %swap3A_4135 {strides = array<i32>} : memref<8x256xf32, #tpu.memory_space<vmem>>, vector<1x16xf32>,
    %get3A_4136 = arith.constant 0 : i32
    %get3A_4137 = arith.index_cast %get3A_4136 : i32 to index
    %get3A_4138 = arith.constant 240 : index
    %get3A_4139 = tpu.vector_load %arg4[%get3A_4137, %get3A_4138] {strides = array<i32>} : memref<8x256xf32, #tpu.memory_space<vmem>>, vector<1x16xf32>,
    %get3A_4140 = vector.shape_cast %get3A_4139 : vector<1x16xf32> to vector<16xf32>
    %get3A_4141 = arith.constant 1 : i32
    %get3A_4142 = arith.index_cast %get3A_4141 : i32 to index
    %get3A_4143 = arith.constant 240 : index
    %get3A_4144 = tpu.vector_load %arg4[%get3A_4142, %get3A_4143] {strides = array<i32>} : memref<8x256xf32, #tpu.memory_space<vmem>>, vector<1x16xf32>,
    %get3A_4145 = vector.shape_cast %get3A_4144 : vector<1x16xf32> to vector<16xf32>
    %get3A_4146 = arith.constant 2 : i32
    %get3A_4147 = arith.index_cast %get3A_4146 : i32 to index
    %get3A_4148 = arith.constant 240 : index
    %get3A_4149 = tpu.vector_load %arg4[%get3A_4147, %get3A_4148] {strides = array<i32>} : memref<8x256xf32, #tpu.memory_space<vmem>>, vector<1x16xf32>,
    %get3A_4150 = vector.shape_cast %get3A_4149 : vector<1x16xf32> to vector<16xf32>
    %get3A_4151 = arith.constant 3 : i32
    %get3A_4152 = arith.index_cast %get3A_4151 : i32 to index
    %get3A_4153 = arith.constant 240 : index
    %get3A_4154 = tpu.vector_load %arg4[%get3A_4152, %get3A_4153] {strides = array<i32>} : memref<8x256xf32, #tpu.memory_space<vmem>>, vector<1x16xf32>,
    %get3A_4155 = vector.shape_cast %get3A_4154 : vector<1x16xf32> to vector<16xf32>
    %get3A_4156 = arith.constant 4 : i32
    %get3A_4157 = arith.index_cast %get3A_4156 : i32 to index
    %get3A_4158 = arith.constant 240 : index
    %get3A_4159 = tpu.vector_load %arg4[%get3A_4157, %get3A_4158] {strides = array<i32>} : memref<8x256xf32, #tpu.memory_space<vmem>>, vector<1x16xf32>,
    %get3A_4160 = vector.shape_cast %get3A_4159 : vector<1x16xf32> to vector<16xf32>
    %get3A_4161 = arith.constant 5 : i32
    %get3A_4162 = arith.index_cast %get3A_4161 : i32 to index
    %get3A_4163 = arith.constant 240 : index
    %get3A_4164 = tpu.vector_load %arg4[%get3A_4162, %get3A_4163] {strides = array<i32>} : memref<8x256xf32, #tpu.memory_space<vmem>>, vector<1x16xf32>,
    %get3A_4165 = vector.shape_cast %get3A_4164 : vector<1x16xf32> to vector<16xf32>
    %get3A_4166 = arith.constant 6 : i32
    %get3A_4167 = arith.index_cast %get3A_4166 : i32 to index
    %get3A_4168 = arith.constant 240 : index
    %get3A_4169 = tpu.vector_load %arg4[%get3A_4167, %get3A_4168] {strides = array<i32>} : memref<8x256xf32, #tpu.memory_space<vmem>>, vector<1x16xf32>,
    %get3A_4170 = vector.shape_cast %get3A_4169 : vector<1x16xf32> to vector<16xf32>
    %get3A_4171 = arith.constant 7 : i32
    %get3A_4172 = arith.index_cast %get3A_4171 : i32 to index
    %get3A_4173 = arith.constant 240 : index
    %get3A_4174 = tpu.vector_load %arg4[%get3A_4172, %get3A_4173] {strides = array<i32>} : memref<8x256xf32, #tpu.memory_space<vmem>>, vector<1x16xf32>,
    %get3A_4175 = vector.shape_cast %get3A_4174 : vector<1x16xf32> to vector<16xf32>
    %broadcast_in_dim3A_4176 = arith.constant 0 : i32
    %broadcast_in_dim3A_4177 = vector.broadcast %broadcast_in_dim3A_4176 : i32 to vector<16xi32>
    %gt3A_4178 = arith.cmpf ogt, %get3A_4145, %get3A_4140 : vector<16xf32>
    %select_n3A_4179 = arith.select %gt3A_4178, %get3A_4145, %get3A_4140 : vector<16xi1>, vector<16xf32>
    %broadcast_in_dim3A_4180 = arith.constant 1 : i32
    %broadcast_in_dim3A_4181 = vector.broadcast %broadcast_in_dim3A_4180 : i32 to vector<16xi32>
    %select_n3A_4182 = arith.select %gt3A_4178, %broadcast_in_dim3A_4181, %broadcast_in_dim3A_4177 : vector<16xi1>, vector<16xi32>
    %gt3A_4183 = arith.cmpf ogt, %get3A_4150, %select_n3A_4179 : vector<16xf32>
    %select_n3A_4184 = arith.select %gt3A_4183, %get3A_4150, %select_n3A_4179 : vector<16xi1>, vector<16xf32>
    %broadcast_in_dim3A_4185 = arith.constant 2 : i32
    %broadcast_in_dim3A_4186 = vector.broadcast %broadcast_in_dim3A_4185 : i32 to vector<16xi32>
    %select_n3A_4187 = arith.select %gt3A_4183, %broadcast_in_dim3A_4186, %select_n3A_4182 : vector<16xi1>, vector<16xi32>
    %gt3A_4188 = arith.cmpf ogt, %get3A_4155, %select_n3A_4184 : vector<16xf32>
    %select_n3A_4189 = arith.select %gt3A_4188, %get3A_4155, %select_n3A_4184 : vector<16xi1>, vector<16xf32>
    %broadcast_in_dim3A_4190 = arith.constant 3 : i32
    %broadcast_in_dim3A_4191 = vector.broadcast %broadcast_in_dim3A_4190 : i32 to vector<16xi32>
    %select_n3A_4192 = arith.select %gt3A_4188, %broadcast_in_dim3A_4191, %select_n3A_4187 : vector<16xi1>, vector<16xi32>
    %gt3A_4193 = arith.cmpf ogt, %get3A_4160, %select_n3A_4189 : vector<16xf32>
    %select_n3A_4194 = arith.select %gt3A_4193, %get3A_4160, %select_n3A_4189 : vector<16xi1>, vector<16xf32>
    %broadcast_in_dim3A_4195 = arith.constant 4 : i32
    %broadcast_in_dim3A_4196 = vector.broadcast %broadcast_in_dim3A_4195 : i32 to vector<16xi32>
    %select_n3A_4197 = arith.select %gt3A_4193, %broadcast_in_dim3A_4196, %select_n3A_4192 : vector<16xi1>, vector<16xi32>
    %gt3A_4198 = arith.cmpf ogt, %get3A_4165, %select_n3A_4194 : vector<16xf32>
    %select_n3A_4199 = arith.select %gt3A_4198, %get3A_4165, %select_n3A_4194 : vector<16xi1>, vector<16xf32>
    %broadcast_in_dim3A_4200 = arith.constant 5 : i32
    %broadcast_in_dim3A_4201 = vector.broadcast %broadcast_in_dim3A_4200 : i32 to vector<16xi32>
    %select_n3A_4202 = arith.select %gt3A_4198, %broadcast_in_dim3A_4201, %select_n3A_4197 : vector<16xi1>, vector<16xi32>
    %gt3A_4203 = arith.cmpf ogt, %get3A_4170, %select_n3A_4199 : vector<16xf32>
    %select_n3A_4204 = arith.select %gt3A_4203, %get3A_4170, %select_n3A_4199 : vector<16xi1>, vector<16xf32>
    %broadcast_in_dim3A_4205 = arith.constant 6 : i32
    %broadcast_in_dim3A_4206 = vector.broadcast %broadcast_in_dim3A_4205 : i32 to vector<16xi32>
    %select_n3A_4207 = arith.select %gt3A_4203, %broadcast_in_dim3A_4206, %select_n3A_4202 : vector<16xi1>, vector<16xi32>
    %gt3A_4208 = arith.cmpf ogt, %get3A_4175, %select_n3A_4204 : vector<16xf32>
    %select_n3A_4209 = arith.select %gt3A_4208, %get3A_4175, %select_n3A_4204 : vector<16xi1>, vector<16xf32>
    %broadcast_in_dim3A_4210 = arith.constant 7 : i32
    %broadcast_in_dim3A_4211 = vector.broadcast %broadcast_in_dim3A_4210 : i32 to vector<16xi32>
    %select_n3A_4212 = arith.select %gt3A_4208, %broadcast_in_dim3A_4211, %select_n3A_4207 : vector<16xi1>, vector<16xi32>
    %broadcast_in_dim3A_4213 = arith.constant 0 : i32
    %broadcast_in_dim3A_4214 = vector.broadcast %broadcast_in_dim3A_4213 : i32 to vector<16xi32>
    %eq3A_4215 = arith.constant 0 : i32
    %eq3A_4216 = vector.broadcast %eq3A_4215 : i32 to vector<16xi32>
    %eq3A_4217 = arith.cmpi eq, %select_n3A_4212, %eq3A_4216 : vector<16xi32>
    %select_n3A_4218 = arith.select %eq3A_4217, %broadcast_in_dim3A_3, %get3A_4140 : vector<16xi1>, vector<16xf32>
    %gt3A_4219 = arith.cmpf ogt, %select_n3A_4218, %broadcast_in_dim3A_3 : vector<16xf32>
    %select_n3A_4220 = arith.select %gt3A_4219, %select_n3A_4218, %broadcast_in_dim3A_3 : vector<16xi1>, vector<16xf32>
    %broadcast_in_dim3A_4221 = arith.constant 0 : i32
    %broadcast_in_dim3A_4222 = vector.broadcast %broadcast_in_dim3A_4221 : i32 to vector<16xi32>
    %select_n3A_4223 = arith.select %gt3A_4219, %broadcast_in_dim3A_4222, %broadcast_in_dim3A_4214 : vector<16xi1>, vector<16xi32>
    %eq3A_4224 = arith.constant 1 : i32
    %eq3A_4225 = vector.broadcast %eq3A_4224 : i32 to vector<16xi32>
    %eq3A_4226 = arith.cmpi eq, %select_n3A_4212, %eq3A_4225 : vector<16xi32>
    %select_n3A_4227 = arith.select %eq3A_4226, %broadcast_in_dim3A_3, %get3A_4145 : vector<16xi1>, vector<16xf32>
    %gt3A_4228 = arith.cmpf ogt, %select_n3A_4227, %select_n3A_4220 : vector<16xf32>
    %select_n3A_4229 = arith.select %gt3A_4228, %select_n3A_4227, %select_n3A_4220 : vector<16xi1>, vector<16xf32>
    %broadcast_in_dim3A_4230 = arith.constant 1 : i32
    %broadcast_in_dim3A_4231 = vector.broadcast %broadcast_in_dim3A_4230 : i32 to vector<16xi32>
    %select_n3A_4232 = arith.select %gt3A_4228, %broadcast_in_dim3A_4231, %select_n3A_4223 : vector<16xi1>, vector<16xi32>
    %eq3A_4233 = arith.constant 2 : i32
    %eq3A_4234 = vector.broadcast %eq3A_4233 : i32 to vector<16xi32>
    %eq3A_4235 = arith.cmpi eq, %select_n3A_4212, %eq3A_4234 : vector<16xi32>
    %select_n3A_4236 = arith.select %eq3A_4235, %broadcast_in_dim3A_3, %get3A_4150 : vector<16xi1>, vector<16xf32>
    %gt3A_4237 = arith.cmpf ogt, %select_n3A_4236, %select_n3A_4229 : vector<16xf32>
    %select_n3A_4238 = arith.select %gt3A_4237, %select_n3A_4236, %select_n3A_4229 : vector<16xi1>, vector<16xf32>
    %broadcast_in_dim3A_4239 = arith.constant 2 : i32
    %broadcast_in_dim3A_4240 = vector.broadcast %broadcast_in_dim3A_4239 : i32 to vector<16xi32>
    %select_n3A_4241 = arith.select %gt3A_4237, %broadcast_in_dim3A_4240, %select_n3A_4232 : vector<16xi1>, vector<16xi32>
    %eq3A_4242 = arith.constant 3 : i32
    %eq3A_4243 = vector.broadcast %eq3A_4242 : i32 to vector<16xi32>
    %eq3A_4244 = arith.cmpi eq, %select_n3A_4212, %eq3A_4243 : vector<16xi32>
    %select_n3A_4245 = arith.select %eq3A_4244, %broadcast_in_dim3A_3, %get3A_4155 : vector<16xi1>, vector<16xf32>
    %gt3A_4246 = arith.cmpf ogt, %select_n3A_4245, %select_n3A_4238 : vector<16xf32>
    %select_n3A_4247 = arith.select %gt3A_4246, %select_n3A_4245, %select_n3A_4238 : vector<16xi1>, vector<16xf32>
    %broadcast_in_dim3A_4248 = arith.constant 3 : i32
    %broadcast_in_dim3A_4249 = vector.broadcast %broadcast_in_dim3A_4248 : i32 to vector<16xi32>
    %select_n3A_4250 = arith.select %gt3A_4246, %broadcast_in_dim3A_4249, %select_n3A_4241 : vector<16xi1>, vector<16xi32>
    %eq3A_4251 = arith.constant 4 : i32
    %eq3A_4252 = vector.broadcast %eq3A_4251 : i32 to vector<16xi32>
    %eq3A_4253 = arith.cmpi eq, %select_n3A_4212, %eq3A_4252 : vector<16xi32>
    %select_n3A_4254 = arith.select %eq3A_4253, %broadcast_in_dim3A_3, %get3A_4160 : vector<16xi1>, vector<16xf32>
    %gt3A_4255 = arith.cmpf ogt, %select_n3A_4254, %select_n3A_4247 : vector<16xf32>
    %select_n3A_4256 = arith.select %gt3A_4255, %select_n3A_4254, %select_n3A_4247 : vector<16xi1>, vector<16xf32>
    %broadcast_in_dim3A_4257 = arith.constant 4 : i32
    %broadcast_in_dim3A_4258 = vector.broadcast %broadcast_in_dim3A_4257 : i32 to vector<16xi32>
    %select_n3A_4259 = arith.select %gt3A_4255, %broadcast_in_dim3A_4258, %select_n3A_4250 : vector<16xi1>, vector<16xi32>
    %eq3A_4260 = arith.constant 5 : i32
    %eq3A_4261 = vector.broadcast %eq3A_4260 : i32 to vector<16xi32>
    %eq3A_4262 = arith.cmpi eq, %select_n3A_4212, %eq3A_4261 : vector<16xi32>
    %select_n3A_4263 = arith.select %eq3A_4262, %broadcast_in_dim3A_3, %get3A_4165 : vector<16xi1>, vector<16xf32>
    %gt3A_4264 = arith.cmpf ogt, %select_n3A_4263, %select_n3A_4256 : vector<16xf32>
    %select_n3A_4265 = arith.select %gt3A_4264, %select_n3A_4263, %select_n3A_4256 : vector<16xi1>, vector<16xf32>
    %broadcast_in_dim3A_4266 = arith.constant 5 : i32
    %broadcast_in_dim3A_4267 = vector.broadcast %broadcast_in_dim3A_4266 : i32 to vector<16xi32>
    %select_n3A_4268 = arith.select %gt3A_4264, %broadcast_in_dim3A_4267, %select_n3A_4259 : vector<16xi1>, vector<16xi32>
    %eq3A_4269 = arith.constant 6 : i32
    %eq3A_4270 = vector.broadcast %eq3A_4269 : i32 to vector<16xi32>
    %eq3A_4271 = arith.cmpi eq, %select_n3A_4212, %eq3A_4270 : vector<16xi32>
    %select_n3A_4272 = arith.select %eq3A_4271, %broadcast_in_dim3A_3, %get3A_4170 : vector<16xi1>, vector<16xf32>
    %gt3A_4273 = arith.cmpf ogt, %select_n3A_4272, %select_n3A_4265 : vector<16xf32>
    %select_n3A_4274 = arith.select %gt3A_4273, %select_n3A_4272, %select_n3A_4265 : vector<16xi1>, vector<16xf32>
    %broadcast_in_dim3A_4275 = arith.constant 6 : i32
    %broadcast_in_dim3A_4276 = vector.broadcast %broadcast_in_dim3A_4275 : i32 to vector<16xi32>
    %select_n3A_4277 = arith.select %gt3A_4273, %broadcast_in_dim3A_4276, %select_n3A_4268 : vector<16xi1>, vector<16xi32>
    %eq3A_4278 = arith.constant 7 : i32
    %eq3A_4279 = vector.broadcast %eq3A_4278 : i32 to vector<16xi32>
    %eq3A_4280 = arith.cmpi eq, %select_n3A_4212, %eq3A_4279 : vector<16xi32>
    %select_n3A_4281 = arith.select %eq3A_4280, %broadcast_in_dim3A_3, %get3A_4175 : vector<16xi1>, vector<16xf32>
    %gt3A_4282 = arith.cmpf ogt, %select_n3A_4281, %select_n3A_4274 : vector<16xf32>
    %select_n3A_4283 = arith.select %gt3A_4282, %select_n3A_4281, %select_n3A_4274 : vector<16xi1>, vector<16xf32>
    %broadcast_in_dim3A_4284 = arith.constant 7 : i32
    %broadcast_in_dim3A_4285 = vector.broadcast %broadcast_in_dim3A_4284 : i32 to vector<16xi32>
    %select_n3A_4286 = arith.select %gt3A_4282, %broadcast_in_dim3A_4285, %select_n3A_4277 : vector<16xi1>, vector<16xi32>
    %sub3A_4287 = arith.subf %select_n3A_4283, %select_n3A_4209 : vector<16xf32>
    %exp3A_4288 = math.exp %sub3A_4287 : vector<16xf32>
    %add3A_4289 = arith.constant 1.000000e+00 : f32
    %add3A_4290 = vector.broadcast %add3A_4289 : f32 to vector<16xf32>
    %add3A_4291 = arith.addf %add3A_4290, %exp3A_4288 : vector<16xf32>
    %div3A_4292 = arith.constant 1.000000e+00 : f32
    %div3A_4293 = vector.broadcast %div3A_4292 : f32 to vector<16xf32>
    %div3A_4294 = arith.divf %div3A_4293, %add3A_4291 : vector<16xf32>
    %sub3A_4295 = arith.constant 1.000000e+00 : f32
    %sub3A_4296 = vector.broadcast %sub3A_4295 : f32 to vector<16xf32>
    %sub3A_4297 = arith.subf %sub3A_4296, %div3A_4294 : vector<16xf32>
    %broadcast_in_dim3A_4298 = arith.constant 0.000000e+00 : f32
    %broadcast_in_dim3A_4299 = vector.broadcast %broadcast_in_dim3A_4298 : f32 to vector<16xf32>
    %eq3A_4300 = arith.constant 0 : i32
    %eq3A_4301 = vector.broadcast %eq3A_4300 : i32 to vector<16xi32>
    %eq3A_4302 = arith.cmpi eq, %select_n3A_4212, %eq3A_4301 : vector<16xi32>
    %eq3A_4303 = arith.constant 0 : i32
    %eq3A_4304 = vector.broadcast %eq3A_4303 : i32 to vector<16xi32>
    %eq3A_4305 = arith.cmpi eq, %select_n3A_4286, %eq3A_4304 : vector<16xi32>
    %select_n3A_4306 = arith.select %eq3A_4305, %sub3A_4297, %broadcast_in_dim3A_4299 : vector<16xi1>, vector<16xf32>
    %select_n3A_4307 = arith.select %eq3A_4302, %div3A_4294, %select_n3A_4306 : vector<16xi1>, vector<16xf32>
    %swap3A_4308 = arith.constant 0 : i32
    %swap3A_4309 = arith.index_cast %swap3A_4308 : i32 to index
    %swap3A_4310 = arith.constant 240 : index
    %swap3A_4311 = tpu.vector_load %arg5[%swap3A_4309, %swap3A_4310] {strides = array<i32>} : memref<8x256xf32, #tpu.memory_space<vmem>>, vector<1x16xf32>,
    %swap3A_4312 = vector.shape_cast %swap3A_4311 : vector<1x16xf32> to vector<16xf32>
    %swap3A_4313 = vector.shape_cast %select_n3A_4307 : vector<16xf32> to vector<1x16xf32>
    tpu.vector_store %arg5[%swap3A_4309, %swap3A_4310], %swap3A_4313 {strides = array<i32>} : memref<8x256xf32, #tpu.memory_space<vmem>>, vector<1x16xf32>,
    %eq3A_4314 = arith.constant 1 : i32
    %eq3A_4315 = vector.broadcast %eq3A_4314 : i32 to vector<16xi32>
    %eq3A_4316 = arith.cmpi eq, %select_n3A_4212, %eq3A_4315 : vector<16xi32>
    %eq3A_4317 = arith.constant 1 : i32
    %eq3A_4318 = vector.broadcast %eq3A_4317 : i32 to vector<16xi32>
    %eq3A_4319 = arith.cmpi eq, %select_n3A_4286, %eq3A_4318 : vector<16xi32>
    %select_n3A_4320 = arith.select %eq3A_4319, %sub3A_4297, %broadcast_in_dim3A_4299 : vector<16xi1>, vector<16xf32>
    %select_n3A_4321 = arith.select %eq3A_4316, %div3A_4294, %select_n3A_4320 : vector<16xi1>, vector<16xf32>
    %swap3A_4322 = arith.constant 1 : i32
    %swap3A_4323 = arith.index_cast %swap3A_4322 : i32 to index
    %swap3A_4324 = arith.constant 240 : index
    %swap3A_4325 = tpu.vector_load %arg5[%swap3A_4323, %swap3A_4324] {strides = array<i32>} : memref<8x256xf32, #tpu.memory_space<vmem>>, vector<1x16xf32>,
    %swap3A_4326 = vector.shape_cast %swap3A_4325 : vector<1x16xf32> to vector<16xf32>
    %swap3A_4327 = vector.shape_cast %select_n3A_4321 : vector<16xf32> to vector<1x16xf32>
    tpu.vector_store %arg5[%swap3A_4323, %swap3A_4324], %swap3A_4327 {strides = array<i32>} : memref<8x256xf32, #tpu.memory_space<vmem>>, vector<1x16xf32>,
    %eq3A_4328 = arith.constant 2 : i32
    %eq3A_4329 = vector.broadcast %eq3A_4328 : i32 to vector<16xi32>
    %eq3A_4330 = arith.cmpi eq, %select_n3A_4212, %eq3A_4329 : vector<16xi32>
    %eq3A_4331 = arith.constant 2 : i32
    %eq3A_4332 = vector.broadcast %eq3A_4331 : i32 to vector<16xi32>
    %eq3A_4333 = arith.cmpi eq, %select_n3A_4286, %eq3A_4332 : vector<16xi32>
    %select_n3A_4334 = arith.select %eq3A_4333, %sub3A_4297, %broadcast_in_dim3A_4299 : vector<16xi1>, vector<16xf32>
    %select_n3A_4335 = arith.select %eq3A_4330, %div3A_4294, %select_n3A_4334 : vector<16xi1>, vector<16xf32>
    %swap3A_4336 = arith.constant 2 : i32
    %swap3A_4337 = arith.index_cast %swap3A_4336 : i32 to index
    %swap3A_4338 = arith.constant 240 : index
    %swap3A_4339 = tpu.vector_load %arg5[%swap3A_4337, %swap3A_4338] {strides = array<i32>} : memref<8x256xf32, #tpu.memory_space<vmem>>, vector<1x16xf32>,
    %swap3A_4340 = vector.shape_cast %swap3A_4339 : vector<1x16xf32> to vector<16xf32>
    %swap3A_4341 = vector.shape_cast %select_n3A_4335 : vector<16xf32> to vector<1x16xf32>
    tpu.vector_store %arg5[%swap3A_4337, %swap3A_4338], %swap3A_4341 {strides = array<i32>} : memref<8x256xf32, #tpu.memory_space<vmem>>, vector<1x16xf32>,
    %eq3A_4342 = arith.constant 3 : i32
    %eq3A_4343 = vector.broadcast %eq3A_4342 : i32 to vector<16xi32>
    %eq3A_4344 = arith.cmpi eq, %select_n3A_4212, %eq3A_4343 : vector<16xi32>
    %eq3A_4345 = arith.constant 3 : i32
    %eq3A_4346 = vector.broadcast %eq3A_4345 : i32 to vector<16xi32>
    %eq3A_4347 = arith.cmpi eq, %select_n3A_4286, %eq3A_4346 : vector<16xi32>
    %select_n3A_4348 = arith.select %eq3A_4347, %sub3A_4297, %broadcast_in_dim3A_4299 : vector<16xi1>, vector<16xf32>
    %select_n3A_4349 = arith.select %eq3A_4344, %div3A_4294, %select_n3A_4348 : vector<16xi1>, vector<16xf32>
    %swap3A_4350 = arith.constant 3 : i32
    %swap3A_4351 = arith.index_cast %swap3A_4350 : i32 to index
    %swap3A_4352 = arith.constant 240 : index
    %swap3A_4353 = tpu.vector_load %arg5[%swap3A_4351, %swap3A_4352] {strides = array<i32>} : memref<8x256xf32, #tpu.memory_space<vmem>>, vector<1x16xf32>,
    %swap3A_4354 = vector.shape_cast %swap3A_4353 : vector<1x16xf32> to vector<16xf32>
    %swap3A_4355 = vector.shape_cast %select_n3A_4349 : vector<16xf32> to vector<1x16xf32>
    tpu.vector_store %arg5[%swap3A_4351, %swap3A_4352], %swap3A_4355 {strides = array<i32>} : memref<8x256xf32, #tpu.memory_space<vmem>>, vector<1x16xf32>,
    %eq3A_4356 = arith.constant 4 : i32
    %eq3A_4357 = vector.broadcast %eq3A_4356 : i32 to vector<16xi32>
    %eq3A_4358 = arith.cmpi eq, %select_n3A_4212, %eq3A_4357 : vector<16xi32>
    %eq3A_4359 = arith.constant 4 : i32
    %eq3A_4360 = vector.broadcast %eq3A_4359 : i32 to vector<16xi32>
    %eq3A_4361 = arith.cmpi eq, %select_n3A_4286, %eq3A_4360 : vector<16xi32>
    %select_n3A_4362 = arith.select %eq3A_4361, %sub3A_4297, %broadcast_in_dim3A_4299 : vector<16xi1>, vector<16xf32>
    %select_n3A_4363 = arith.select %eq3A_4358, %div3A_4294, %select_n3A_4362 : vector<16xi1>, vector<16xf32>
    %swap3A_4364 = arith.constant 4 : i32
    %swap3A_4365 = arith.index_cast %swap3A_4364 : i32 to index
    %swap3A_4366 = arith.constant 240 : index
    %swap3A_4367 = tpu.vector_load %arg5[%swap3A_4365, %swap3A_4366] {strides = array<i32>} : memref<8x256xf32, #tpu.memory_space<vmem>>, vector<1x16xf32>,
    %swap3A_4368 = vector.shape_cast %swap3A_4367 : vector<1x16xf32> to vector<16xf32>
    %swap3A_4369 = vector.shape_cast %select_n3A_4363 : vector<16xf32> to vector<1x16xf32>
    tpu.vector_store %arg5[%swap3A_4365, %swap3A_4366], %swap3A_4369 {strides = array<i32>} : memref<8x256xf32, #tpu.memory_space<vmem>>, vector<1x16xf32>,
    %eq3A_4370 = arith.constant 5 : i32
    %eq3A_4371 = vector.broadcast %eq3A_4370 : i32 to vector<16xi32>
    %eq3A_4372 = arith.cmpi eq, %select_n3A_4212, %eq3A_4371 : vector<16xi32>
    %eq3A_4373 = arith.constant 5 : i32
    %eq3A_4374 = vector.broadcast %eq3A_4373 : i32 to vector<16xi32>
    %eq3A_4375 = arith.cmpi eq, %select_n3A_4286, %eq3A_4374 : vector<16xi32>
    %select_n3A_4376 = arith.select %eq3A_4375, %sub3A_4297, %broadcast_in_dim3A_4299 : vector<16xi1>, vector<16xf32>
    %select_n3A_4377 = arith.select %eq3A_4372, %div3A_4294, %select_n3A_4376 : vector<16xi1>, vector<16xf32>
    %swap3A_4378 = arith.constant 5 : i32
    %swap3A_4379 = arith.index_cast %swap3A_4378 : i32 to index
    %swap3A_4380 = arith.constant 240 : index
    %swap3A_4381 = tpu.vector_load %arg5[%swap3A_4379, %swap3A_4380] {strides = array<i32>} : memref<8x256xf32, #tpu.memory_space<vmem>>, vector<1x16xf32>,
    %swap3A_4382 = vector.shape_cast %swap3A_4381 : vector<1x16xf32> to vector<16xf32>
    %swap3A_4383 = vector.shape_cast %select_n3A_4377 : vector<16xf32> to vector<1x16xf32>
    tpu.vector_store %arg5[%swap3A_4379, %swap3A_4380], %swap3A_4383 {strides = array<i32>} : memref<8x256xf32, #tpu.memory_space<vmem>>, vector<1x16xf32>,
    %eq3A_4384 = arith.constant 6 : i32
    %eq3A_4385 = vector.broadcast %eq3A_4384 : i32 to vector<16xi32>
    %eq3A_4386 = arith.cmpi eq, %select_n3A_4212, %eq3A_4385 : vector<16xi32>
    %eq3A_4387 = arith.constant 6 : i32
    %eq3A_4388 = vector.broadcast %eq3A_4387 : i32 to vector<16xi32>
    %eq3A_4389 = arith.cmpi eq, %select_n3A_4286, %eq3A_4388 : vector<16xi32>
    %select_n3A_4390 = arith.select %eq3A_4389, %sub3A_4297, %broadcast_in_dim3A_4299 : vector<16xi1>, vector<16xf32>
    %select_n3A_4391 = arith.select %eq3A_4386, %div3A_4294, %select_n3A_4390 : vector<16xi1>, vector<16xf32>
    %swap3A_4392 = arith.constant 6 : i32
    %swap3A_4393 = arith.index_cast %swap3A_4392 : i32 to index
    %swap3A_4394 = arith.constant 240 : index
    %swap3A_4395 = tpu.vector_load %arg5[%swap3A_4393, %swap3A_4394] {strides = array<i32>} : memref<8x256xf32, #tpu.memory_space<vmem>>, vector<1x16xf32>,
    %swap3A_4396 = vector.shape_cast %swap3A_4395 : vector<1x16xf32> to vector<16xf32>
    %swap3A_4397 = vector.shape_cast %select_n3A_4391 : vector<16xf32> to vector<1x16xf32>
    tpu.vector_store %arg5[%swap3A_4393, %swap3A_4394], %swap3A_4397 {strides = array<i32>} : memref<8x256xf32, #tpu.memory_space<vmem>>, vector<1x16xf32>,
    %eq3A_4398 = arith.constant 7 : i32
    %eq3A_4399 = vector.broadcast %eq3A_4398 : i32 to vector<16xi32>
    %eq3A_4400 = arith.cmpi eq, %select_n3A_4212, %eq3A_4399 : vector<16xi32>
    %eq3A_4401 = arith.constant 7 : i32
    %eq3A_4402 = vector.broadcast %eq3A_4401 : i32 to vector<16xi32>
    %eq3A_4403 = arith.cmpi eq, %select_n3A_4286, %eq3A_4402 : vector<16xi32>
    %select_n3A_4404 = arith.select %eq3A_4403, %sub3A_4297, %broadcast_in_dim3A_4299 : vector<16xi1>, vector<16xf32>
    %select_n3A_4405 = arith.select %eq3A_4400, %div3A_4294, %select_n3A_4404 : vector<16xi1>, vector<16xf32>
    %swap3A_4406 = arith.constant 7 : i32
    %swap3A_4407 = arith.index_cast %swap3A_4406 : i32 to index
    %swap3A_4408 = arith.constant 240 : index
    %swap3A_4409 = tpu.vector_load %arg5[%swap3A_4407, %swap3A_4408] {strides = array<i32>} : memref<8x256xf32, #tpu.memory_space<vmem>>, vector<1x16xf32>,
    %swap3A_4410 = vector.shape_cast %swap3A_4409 : vector<1x16xf32> to vector<16xf32>
    %swap3A_4411 = vector.shape_cast %select_n3A_4405 : vector<16xf32> to vector<1x16xf32>
    tpu.vector_store %arg5[%swap3A_4407, %swap3A_4408], %swap3A_4411 {strides = array<i32>} : memref<8x256xf32, #tpu.memory_space<vmem>>, vector<1x16xf32>,
    "tpu.region"() ({
      %run_scoped3A = tpu.sem_alloc : memref<!tpu.dma_semaphore, #tpu.memory_space<semaphore_mem>>
      %dma_start3A = arith.constant 0 : i32
      %dma_start3A_4412 = tpu.memref_slice %arg3[%dma_start3A, %mul3A_2] : memref<8x8192xf32, #tpu.memory_space<hbm>> -> memref<8x256xf32, #tpu.memory_space<hbm>>
      %dma_start3A_4413 = arith.constant 0 : i32
      %dma_start3A_4414 = tpu.memref_slice %arg3[%dma_start3A_4413, %mul3A_2] : memref<8x8192xf32, #tpu.memory_space<hbm>> -> memref<8x256xf32, #tpu.memory_space<hbm>>
      tpu.enqueue_dma source(%arg5 : memref<8x256xf32, #tpu.memory_space<vmem>>) target(%dma_start3A_4414 : memref<8x256xf32, #tpu.memory_space<hbm>>) target_semaphore(%run_scoped3A : memref<!tpu.dma_semaphore, #tpu.memory_space<semaphore_mem>>)
      %dma_wait3A = arith.constant 0 : i32
      %dma_wait3A_4415 = tpu.memref_slice %arg3[%dma_wait3A, %mul3A_2] : memref<8x8192xf32, #tpu.memory_space<hbm>> -> memref<8x256xf32, #tpu.memory_space<hbm>>
      %dma_wait3A_4416 = arith.constant 0 : i32
      %dma_wait3A_4417 = tpu.memref_slice %arg3[%dma_wait3A_4416, %mul3A_2] : memref<8x8192xf32, #tpu.memory_space<hbm>> -> memref<8x256xf32, #tpu.memory_space<hbm>>
      tpu.wait_dma2 semaphore(%run_scoped3A : memref<!tpu.dma_semaphore, #tpu.memory_space<semaphore_mem>>) src(%arg5 : memref<8x256xf32, #tpu.memory_space<vmem>>) dst(%dma_wait3A_4417 : memref<8x256xf32, #tpu.memory_space<hbm>>)
      tpu.yield
    }) : () -> ()
    return
  }
}

module attributes {stable_mosaic.version = 14 : i64} {
  func.func @_logits_kernel(%arg0: i32, %arg1: memref<2048x768xf32, #tpu.memory_space<vmem>>, %arg2: memref<768x8xf32, #tpu.memory_space<vmem>>, %arg3: memref<1x8xf32, #tpu.memory_space<vmem>>, %arg4: memref<8x2048xf32, #tpu.memory_space<vmem>>) attributes {dimension_semantics = [#tpu.dimension_semantics<arbitrary>], iteration_bounds = array<i64: 4>, scalar_prefetch = 0 : i64, scratch_operands = 0 : i64, tpu.core_type = #tpu.core_type<tc>, window_params = [{transform_indices = @transform_0, window_bounds = array<i64: 2048, 768>}, {pipeline_mode = #tpu.pipeline_mode<synchronous>, transform_indices = @transform_1, window_bounds = array<i64: 768, 8>}, {pipeline_mode = #tpu.pipeline_mode<synchronous>, transform_indices = @transform_2, window_bounds = array<i64: 1, 8>}, {transform_indices = @transform_3, window_bounds = array<i64: 8, 2048>}]} {
    %get3A = arith.constant 0 : index
    %get3A_0 = arith.constant 0 : index
    %get3A_1 = vector.load %arg1[%get3A, %get3A_0] : memref<2048x768xf32, #tpu.memory_space<vmem>>, vector<2048x768xf32>
    %get3A_2 = arith.constant 0 : index
    %get3A_3 = arith.constant 0 : index
    %get3A_4 = vector.load %arg2[%get3A_2, %get3A_3] : memref<768x8xf32, #tpu.memory_space<vmem>>, vector<768x8xf32>
    %dot_general3A = arith.constant dense<0.000000e+00> : vector<2048x8xf32>
    %dot_general3A_5 = tpu.matmul %get3A_1, %get3A_4, %dot_general3A {dimension_numbers = #tpu.dot_dimension_numbers<[1], [0], [0], [1], [0, 0, 1, 1], [], []>, transpose_lhs_hint = false} : vector<2048x768xf32>, vector<768x8xf32>, vector<2048x8xf32> -> vector<2048x8xf32>
    %get3A_6 = arith.constant 0 : index
    %get3A_7 = arith.constant 0 : index
    %get3A_8 = vector.load %arg3[%get3A_6, %get3A_7] : memref<1x8xf32, #tpu.memory_space<vmem>>, vector<1x8xf32>
    %get3A_9 = vector.shape_cast %get3A_8 : vector<1x8xf32> to vector<8xf32>
    %broadcast_in_dim3A = vector.shape_cast %get3A_9 : vector<8xf32> to vector<1x8xf32>
    %add3A = vector.broadcast %broadcast_in_dim3A : vector<1x8xf32> to vector<2048x8xf32>
    %add3A_10 = arith.addf %dot_general3A_5, %add3A : vector<2048x8xf32>
    %transpose3A = tpu.transpose %add3A_10, [1, 0] : vector<2048x8xf32> -> vector<8x2048xf32>
    %swap3A = arith.constant 0 : index
    %swap3A_11 = arith.constant 0 : index
    %swap3A_12 = vector.load %arg4[%swap3A, %swap3A_11] : memref<8x2048xf32, #tpu.memory_space<vmem>>, vector<8x2048xf32>
    tpu.vector_store %arg4[%swap3A, %swap3A_11], %transpose3A {strides = array<i32>} : memref<8x2048xf32, #tpu.memory_space<vmem>>, vector<8x2048xf32>,
    return
  }
  func.func @transform_0(%arg0: i32) -> (i32, i32) {
    %c0_i32 = arith.constant 0 : i32
    %c0_i32_0 = arith.constant 0 : i32
    return %arg0, %c0_i32 : i32, i32
  }
  func.func @transform_1(%arg0: i32) -> (i32, i32) {
    %c0_i32 = arith.constant 0 : i32
    %c0_i32_0 = arith.constant 0 : i32
    %c0_i32_1 = arith.constant 0 : i32
    return %c0_i32, %c0_i32_0 : i32, i32
  }
  func.func @transform_2(%arg0: i32) -> (i32, i32) {
    %c0_i32 = arith.constant 0 : i32
    %c0_i32_0 = arith.constant 0 : i32
    %c0_i32_1 = arith.constant 0 : i32
    return %c0_i32, %c0_i32_0 : i32, i32
  }
  func.func @transform_3(%arg0: i32) -> (i32, i32) {
    %c0_i32 = arith.constant 0 : i32
    %c0_i32_0 = arith.constant 0 : i32
    return %c0_i32, %arg0 : i32, i32
  }
}

module attributes {stable_mosaic.version = 14 : i64} {
  func.func @_moe_kernel(%arg0: i32, %arg1: memref<8x1024xf32, #tpu.memory_space<vmem>>, %arg2: memref<1024x768xf32, #tpu.memory_space<vmem>>, %arg3: memref<8x768x768xf32, #tpu.memory_space<vmem>>, %arg4: memref<8x768xf32, #tpu.memory_space<vmem>>, %arg5: memref<1024x768xf32, #tpu.memory_space<vmem>>) attributes {dimension_semantics = [#tpu.dimension_semantics<arbitrary>], iteration_bounds = array<i64: 8>, scalar_prefetch = 0 : i64, scratch_operands = 0 : i64, tpu.core_type = #tpu.core_type<tc>, window_params = [{transform_indices = @transform_0, window_bounds = array<i64: 8, 1024>}, {transform_indices = @transform_1, window_bounds = array<i64: 1024, 768>}, {pipeline_mode = #tpu.pipeline_mode<synchronous>, transform_indices = @transform_2, window_bounds = array<i64: 8, 768, 768>}, {pipeline_mode = #tpu.pipeline_mode<synchronous>, transform_indices = @transform_3, window_bounds = array<i64: 8, 768>}, {transform_indices = @transform_4, window_bounds = array<i64: 1024, 768>}]} {
    %get3A = arith.constant 0 : index
    %get3A_0 = arith.constant 0 : index
    %get3A_1 = vector.load %arg1[%get3A, %get3A_0] : memref<8x1024xf32, #tpu.memory_space<vmem>>, vector<8x1024xf32>
    %transpose3A = tpu.transpose %get3A_1, [1, 0] : vector<8x1024xf32> -> vector<1024x8xf32>
    %get3A_2 = arith.constant 0 : index
    %get3A_3 = arith.constant 0 : index
    %get3A_4 = vector.load %arg2[%get3A_2, %get3A_3] : memref<1024x768xf32, #tpu.memory_space<vmem>>, vector<1024x768xf32>
    %convert_element_type3A = arith.truncf %get3A_4 : vector<1024x768xf32> to vector<1024x768xbf16>
    %get3A_5 = arith.constant 0 : index
    %get3A_6 = arith.constant 0 : index
    %get3A_7 = vector.load %arg4[%get3A_5, %get3A_6] : memref<8x768xf32, #tpu.memory_space<vmem>>, vector<8x768xf32>
    %dot_general3A = arith.constant dense<0.000000e+00> : vector<1024x768xf32>
    %dot_general3A_8 = tpu.matmul %transpose3A, %get3A_7, %dot_general3A {dimension_numbers = #tpu.dot_dimension_numbers<[1], [0], [0], [1], [0, 0, 1, 1], [], []>, transpose_lhs_hint = false} : vector<1024x8xf32>, vector<8x768xf32>, vector<1024x768xf32> -> vector<1024x768xf32>
    %slice3A = vector.extract_strided_slice %transpose3A {offsets = [0, 0], sizes = [1024, 1], strides = [1, 1]} : vector<1024x8xf32> to vector<1024x1xf32>
    %get3A_9 = arith.constant 0 : index
    %get3A_10 = arith.constant 0 : index
    %get3A_11 = arith.constant 0 : index
    %get3A_12 = vector.load %arg3[%get3A_9, %get3A_10, %get3A_11] : memref<8x768x768xf32, #tpu.memory_space<vmem>>, vector<1x768x768xf32>
    %get3A_13 = vector.shape_cast %get3A_12 : vector<1x768x768xf32> to vector<768x768xf32>
    %convert_element_type3A_14 = arith.truncf %get3A_13 : vector<768x768xf32> to vector<768x768xbf16>
    %dot_general3A_15 = arith.constant dense<0.000000e+00> : vector<1024x768xf32>
    %dot_general3A_16 = tpu.matmul %convert_element_type3A, %convert_element_type3A_14, %dot_general3A_15 {dimension_numbers = #tpu.dot_dimension_numbers<[1], [0], [0], [1], [0, 0, 1, 1], [], []>, transpose_lhs_hint = false} : vector<1024x768xbf16>, vector<768x768xbf16>, vector<1024x768xf32> -> vector<1024x768xf32>
    %mul3A = vector.broadcast %slice3A : vector<1024x1xf32> to vector<1024x768xf32>
    %mul3A_17 = arith.mulf %mul3A, %dot_general3A_16 : vector<1024x768xf32>
    %add3A = arith.addf %dot_general3A_8, %mul3A_17 : vector<1024x768xf32>
    %slice3A_18 = vector.extract_strided_slice %transpose3A {offsets = [0, 1], sizes = [1024, 1], strides = [1, 1]} : vector<1024x8xf32> to vector<1024x1xf32>
    %get3A_19 = arith.constant 1 : index
    %get3A_20 = arith.constant 0 : index
    %get3A_21 = arith.constant 0 : index
    %get3A_22 = vector.load %arg3[%get3A_19, %get3A_20, %get3A_21] : memref<8x768x768xf32, #tpu.memory_space<vmem>>, vector<1x768x768xf32>
    %get3A_23 = vector.shape_cast %get3A_22 : vector<1x768x768xf32> to vector<768x768xf32>
    %convert_element_type3A_24 = arith.truncf %get3A_23 : vector<768x768xf32> to vector<768x768xbf16>
    %dot_general3A_25 = arith.constant dense<0.000000e+00> : vector<1024x768xf32>
    %dot_general3A_26 = tpu.matmul %convert_element_type3A, %convert_element_type3A_24, %dot_general3A_25 {dimension_numbers = #tpu.dot_dimension_numbers<[1], [0], [0], [1], [0, 0, 1, 1], [], []>, transpose_lhs_hint = false} : vector<1024x768xbf16>, vector<768x768xbf16>, vector<1024x768xf32> -> vector<1024x768xf32>
    %mul3A_27 = vector.broadcast %slice3A_18 : vector<1024x1xf32> to vector<1024x768xf32>
    %mul3A_28 = arith.mulf %mul3A_27, %dot_general3A_26 : vector<1024x768xf32>
    %add3A_29 = arith.addf %add3A, %mul3A_28 : vector<1024x768xf32>
    %slice3A_30 = vector.extract_strided_slice %transpose3A {offsets = [0, 2], sizes = [1024, 1], strides = [1, 1]} : vector<1024x8xf32> to vector<1024x1xf32>
    %get3A_31 = arith.constant 2 : index
    %get3A_32 = arith.constant 0 : index
    %get3A_33 = arith.constant 0 : index
    %get3A_34 = vector.load %arg3[%get3A_31, %get3A_32, %get3A_33] : memref<8x768x768xf32, #tpu.memory_space<vmem>>, vector<1x768x768xf32>
    %get3A_35 = vector.shape_cast %get3A_34 : vector<1x768x768xf32> to vector<768x768xf32>
    %convert_element_type3A_36 = arith.truncf %get3A_35 : vector<768x768xf32> to vector<768x768xbf16>
    %dot_general3A_37 = arith.constant dense<0.000000e+00> : vector<1024x768xf32>
    %dot_general3A_38 = tpu.matmul %convert_element_type3A, %convert_element_type3A_36, %dot_general3A_37 {dimension_numbers = #tpu.dot_dimension_numbers<[1], [0], [0], [1], [0, 0, 1, 1], [], []>, transpose_lhs_hint = false} : vector<1024x768xbf16>, vector<768x768xbf16>, vector<1024x768xf32> -> vector<1024x768xf32>
    %mul3A_39 = vector.broadcast %slice3A_30 : vector<1024x1xf32> to vector<1024x768xf32>
    %mul3A_40 = arith.mulf %mul3A_39, %dot_general3A_38 : vector<1024x768xf32>
    %add3A_41 = arith.addf %add3A_29, %mul3A_40 : vector<1024x768xf32>
    %slice3A_42 = vector.extract_strided_slice %transpose3A {offsets = [0, 3], sizes = [1024, 1], strides = [1, 1]} : vector<1024x8xf32> to vector<1024x1xf32>
    %get3A_43 = arith.constant 3 : index
    %get3A_44 = arith.constant 0 : index
    %get3A_45 = arith.constant 0 : index
    %get3A_46 = vector.load %arg3[%get3A_43, %get3A_44, %get3A_45] : memref<8x768x768xf32, #tpu.memory_space<vmem>>, vector<1x768x768xf32>
    %get3A_47 = vector.shape_cast %get3A_46 : vector<1x768x768xf32> to vector<768x768xf32>
    %convert_element_type3A_48 = arith.truncf %get3A_47 : vector<768x768xf32> to vector<768x768xbf16>
    %dot_general3A_49 = arith.constant dense<0.000000e+00> : vector<1024x768xf32>
    %dot_general3A_50 = tpu.matmul %convert_element_type3A, %convert_element_type3A_48, %dot_general3A_49 {dimension_numbers = #tpu.dot_dimension_numbers<[1], [0], [0], [1], [0, 0, 1, 1], [], []>, transpose_lhs_hint = false} : vector<1024x768xbf16>, vector<768x768xbf16>, vector<1024x768xf32> -> vector<1024x768xf32>
    %mul3A_51 = vector.broadcast %slice3A_42 : vector<1024x1xf32> to vector<1024x768xf32>
    %mul3A_52 = arith.mulf %mul3A_51, %dot_general3A_50 : vector<1024x768xf32>
    %add3A_53 = arith.addf %add3A_41, %mul3A_52 : vector<1024x768xf32>
    %slice3A_54 = vector.extract_strided_slice %transpose3A {offsets = [0, 4], sizes = [1024, 1], strides = [1, 1]} : vector<1024x8xf32> to vector<1024x1xf32>
    %get3A_55 = arith.constant 4 : index
    %get3A_56 = arith.constant 0 : index
    %get3A_57 = arith.constant 0 : index
    %get3A_58 = vector.load %arg3[%get3A_55, %get3A_56, %get3A_57] : memref<8x768x768xf32, #tpu.memory_space<vmem>>, vector<1x768x768xf32>
    %get3A_59 = vector.shape_cast %get3A_58 : vector<1x768x768xf32> to vector<768x768xf32>
    %convert_element_type3A_60 = arith.truncf %get3A_59 : vector<768x768xf32> to vector<768x768xbf16>
    %dot_general3A_61 = arith.constant dense<0.000000e+00> : vector<1024x768xf32>
    %dot_general3A_62 = tpu.matmul %convert_element_type3A, %convert_element_type3A_60, %dot_general3A_61 {dimension_numbers = #tpu.dot_dimension_numbers<[1], [0], [0], [1], [0, 0, 1, 1], [], []>, transpose_lhs_hint = false} : vector<1024x768xbf16>, vector<768x768xbf16>, vector<1024x768xf32> -> vector<1024x768xf32>
    %mul3A_63 = vector.broadcast %slice3A_54 : vector<1024x1xf32> to vector<1024x768xf32>
    %mul3A_64 = arith.mulf %mul3A_63, %dot_general3A_62 : vector<1024x768xf32>
    %add3A_65 = arith.addf %add3A_53, %mul3A_64 : vector<1024x768xf32>
    %slice3A_66 = vector.extract_strided_slice %transpose3A {offsets = [0, 5], sizes = [1024, 1], strides = [1, 1]} : vector<1024x8xf32> to vector<1024x1xf32>
    %get3A_67 = arith.constant 5 : index
    %get3A_68 = arith.constant 0 : index
    %get3A_69 = arith.constant 0 : index
    %get3A_70 = vector.load %arg3[%get3A_67, %get3A_68, %get3A_69] : memref<8x768x768xf32, #tpu.memory_space<vmem>>, vector<1x768x768xf32>
    %get3A_71 = vector.shape_cast %get3A_70 : vector<1x768x768xf32> to vector<768x768xf32>
    %convert_element_type3A_72 = arith.truncf %get3A_71 : vector<768x768xf32> to vector<768x768xbf16>
    %dot_general3A_73 = arith.constant dense<0.000000e+00> : vector<1024x768xf32>
    %dot_general3A_74 = tpu.matmul %convert_element_type3A, %convert_element_type3A_72, %dot_general3A_73 {dimension_numbers = #tpu.dot_dimension_numbers<[1], [0], [0], [1], [0, 0, 1, 1], [], []>, transpose_lhs_hint = false} : vector<1024x768xbf16>, vector<768x768xbf16>, vector<1024x768xf32> -> vector<1024x768xf32>
    %mul3A_75 = vector.broadcast %slice3A_66 : vector<1024x1xf32> to vector<1024x768xf32>
    %mul3A_76 = arith.mulf %mul3A_75, %dot_general3A_74 : vector<1024x768xf32>
    %add3A_77 = arith.addf %add3A_65, %mul3A_76 : vector<1024x768xf32>
    %slice3A_78 = vector.extract_strided_slice %transpose3A {offsets = [0, 6], sizes = [1024, 1], strides = [1, 1]} : vector<1024x8xf32> to vector<1024x1xf32>
    %get3A_79 = arith.constant 6 : index
    %get3A_80 = arith.constant 0 : index
    %get3A_81 = arith.constant 0 : index
    %get3A_82 = vector.load %arg3[%get3A_79, %get3A_80, %get3A_81] : memref<8x768x768xf32, #tpu.memory_space<vmem>>, vector<1x768x768xf32>
    %get3A_83 = vector.shape_cast %get3A_82 : vector<1x768x768xf32> to vector<768x768xf32>
    %convert_element_type3A_84 = arith.truncf %get3A_83 : vector<768x768xf32> to vector<768x768xbf16>
    %dot_general3A_85 = arith.constant dense<0.000000e+00> : vector<1024x768xf32>
    %dot_general3A_86 = tpu.matmul %convert_element_type3A, %convert_element_type3A_84, %dot_general3A_85 {dimension_numbers = #tpu.dot_dimension_numbers<[1], [0], [0], [1], [0, 0, 1, 1], [], []>, transpose_lhs_hint = false} : vector<1024x768xbf16>, vector<768x768xbf16>, vector<1024x768xf32> -> vector<1024x768xf32>
    %mul3A_87 = vector.broadcast %slice3A_78 : vector<1024x1xf32> to vector<1024x768xf32>
    %mul3A_88 = arith.mulf %mul3A_87, %dot_general3A_86 : vector<1024x768xf32>
    %add3A_89 = arith.addf %add3A_77, %mul3A_88 : vector<1024x768xf32>
    %slice3A_90 = vector.extract_strided_slice %transpose3A {offsets = [0, 7], sizes = [1024, 1], strides = [1, 1]} : vector<1024x8xf32> to vector<1024x1xf32>
    %get3A_91 = arith.constant 7 : index
    %get3A_92 = arith.constant 0 : index
    %get3A_93 = arith.constant 0 : index
    %get3A_94 = vector.load %arg3[%get3A_91, %get3A_92, %get3A_93] : memref<8x768x768xf32, #tpu.memory_space<vmem>>, vector<1x768x768xf32>
    %get3A_95 = vector.shape_cast %get3A_94 : vector<1x768x768xf32> to vector<768x768xf32>
    %convert_element_type3A_96 = arith.truncf %get3A_95 : vector<768x768xf32> to vector<768x768xbf16>
    %dot_general3A_97 = arith.constant dense<0.000000e+00> : vector<1024x768xf32>
    %dot_general3A_98 = tpu.matmul %convert_element_type3A, %convert_element_type3A_96, %dot_general3A_97 {dimension_numbers = #tpu.dot_dimension_numbers<[1], [0], [0], [1], [0, 0, 1, 1], [], []>, transpose_lhs_hint = false} : vector<1024x768xbf16>, vector<768x768xbf16>, vector<1024x768xf32> -> vector<1024x768xf32>
    %mul3A_99 = vector.broadcast %slice3A_90 : vector<1024x1xf32> to vector<1024x768xf32>
    %mul3A_100 = arith.mulf %mul3A_99, %dot_general3A_98 : vector<1024x768xf32>
    %add3A_101 = arith.addf %add3A_89, %mul3A_100 : vector<1024x768xf32>
    %swap3A = arith.constant 0 : index
    %swap3A_102 = arith.constant 0 : index
    %swap3A_103 = vector.load %arg5[%swap3A, %swap3A_102] : memref<1024x768xf32, #tpu.memory_space<vmem>>, vector<1024x768xf32>
    tpu.vector_store %arg5[%swap3A, %swap3A_102], %add3A_101 {strides = array<i32>} : memref<1024x768xf32, #tpu.memory_space<vmem>>, vector<1024x768xf32>,
    return
  }
  func.func @transform_0(%arg0: i32) -> (i32, i32) {
    %c0_i32 = arith.constant 0 : i32
    %c0_i32_0 = arith.constant 0 : i32
    return %c0_i32, %arg0 : i32, i32
  }
  func.func @transform_1(%arg0: i32) -> (i32, i32) {
    %c0_i32 = arith.constant 0 : i32
    %c0_i32_0 = arith.constant 0 : i32
    return %arg0, %c0_i32 : i32, i32
  }
  func.func @transform_2(%arg0: i32) -> (i32, i32, i32) {
    %c0_i32 = arith.constant 0 : i32
    %c0_i32_0 = arith.constant 0 : i32
    %c0_i32_1 = arith.constant 0 : i32
    %c0_i32_2 = arith.constant 0 : i32
    return %c0_i32, %c0_i32_0, %c0_i32_1 : i32, i32, i32
  }
  func.func @transform_3(%arg0: i32) -> (i32, i32) {
    %c0_i32 = arith.constant 0 : i32
    %c0_i32_0 = arith.constant 0 : i32
    %c0_i32_1 = arith.constant 0 : i32
    return %c0_i32, %c0_i32_0 : i32, i32
  }
  func.func @transform_4(%arg0: i32) -> (i32, i32) {
    %c0_i32 = arith.constant 0 : i32
    %c0_i32_0 = arith.constant 0 : i32
    return %arg0, %c0_i32 : i32, i32
  }
}

</mosaic_0001>

<sc_bundles>
// kernel: kernel.5.cloned.1.call-start
scs
__scs_entry_jumppad:
0x0: {  	(pc) =	sbr.rel $0x88, $3  }
0x1: {  	(tag) =	ssettag $0x0;
	lr =	simm.s32 $0x1  }
0x2: {  	[smem:$0x3F9B] =	sst lr;
	_ =	strace $0xD0000000  }
0x3: {  	_ = 	snop  }
0x4: {  	_ = 	snop  }
0x5: {  	_ = 	snop  }
0x6: {  	_ = 	snop  }
0x7: {  	_ = 	snop  }
__scs_overlays_trampoline_lowered:
0x8: {  	[smem:$0x3FAA] =	sst s0  }
0x9: {  	[smem:$0x3FAB] =	sst s1  }
0xa: {  	[smem:$0x3FAC] =	sst s2  }
0xb: {  	[smem:$0x3FAD] =	sst s3  }
0xc: {  	[smem:$0x3FAE] =	sst s4  }
0xd: {  	[smem:$0x3FAF] =	sst s5  }
0xe: {  	[smem:$0x3FB0] =	sst s6  }
0xf: {  	[smem:$0x3FB1] =	sst s7  }
0x10: {  	[smem:$0x3FB2] =	sst s8  }
0x11: {  	[smem:$0x3FB3] =	sst s9;
	s0 =	simm.s32 @!p0 $0x0  }
0x12: {  	s1 =	sld [smem:$0x3F99];
	s0 =	simm.s32 @p0 $0x1  }
0x13: {  	[smem:$0x3FB4] =	sst s0;
	s0 =	simm.s32 @!p1 $0x0  }
0x14: {  	s2 =	sld [smem:$0x3F98];
	s0 =	simm.s32 @p1 $0x1  }
0x15: {  	[smem:$0x3FB5] =	sst s0;
	s0 =	simm.s32 @!p2 $0x0  }
0x16: {  	s3 =	sld [smem:$0x3FDB];
	s0 =	simm.s32 @p2 $0x1  }
0x17: {  	s4 =	simm.s32 $0x1BF5;
	[smem:$0x3FB7] =	sst s0  }
0x18: {  	s0 =	sld [smem:$0x3F9A];
	_ =	swait.ge [sflag:s4], $0x0  }
0x19: {  	s7 =	sld [smem:$0x3F9B]  }
0x1a: {  	s8 =	sadd.s32 $0xFFFFE003, lr  }
0x1b: {  	s9 =	sadd.s32 $0xFFFFFEF7, lr;
	s5 =	simm.s32 $0xFFFFFFFF;
	p2 =	slt.u32 s8, $0xFFFFF086  }
0x1c: {  	p1 =	slt.u32 s9, $0xF7A;
	s5 =	simm.s32 @!p2 $0x0  }
0x1d: {  	s5 =	simm.s32 @p1 $0x1;
	p0 =	seq.s32 s7, s2  }
0x1e: {  	s7 =	smul.u32 @!p0 $0xF7A, s2;
	p2 =	seq.s32 @!p0 s5, $0x0  }
0x1f: {  	s9 =	smul.u32 $0xF7A, s1;
	s8 =	simm.s32 @!p0 $0x1BF5;
	p2 =	por !p2, p0  }
0x20: {  	[sflag:s8] =	ssyncset.s32 @!p0 $0xFFFFF086;
	s6 =	sadd.s32 @!p0 s3, s7;
	s7 =	simm.s32 @!p0 $0x108  }
0x21: {  	s3 =	sadd.s32 s3, s9;
	s6 =	sadd.s32 @!p0 $0x88, s6;
	s7 =	simm.s32 @p2 $0x1082  }
0x22: {  	[simem:s7], [sflag:s8] =	dma.local @!p0 [hbm:s6], $0xF7A  }
0x23: {  	s9 =	sor.u32 $0xD0000000, s2;
	s6 =	simm.s32 $0x108;
	_ =	swait.ge @!p0 [sflag:s8], $0x0  }
0x24: {  	s3 =	sadd.s32 $0x88, s3;
	s6 =	simm.s32 @!p1 $0x1082;
	[sflag:s4] =	ssyncset.s32 $0xFFFFF086  }
0x25: {  	[simem:s6], [sflag:s4] =	dma.local [hbm:s3], $0xF7A  }
0x26: {  	[smem:$0x3F9B] =	sst s1;
	(tag) =	ssettag s2;
	_ =	strace s9  }
0x27: {  	s1 =	sld [smem:$0x3FAB]  }
0x28: {  	s2 =	sld [smem:$0x3FAC]  }
0x29: {  	s4 =	sld [smem:$0x3FAE]  }
0x2a: {  	p0 =	seq.s32 s5, $0x0;
	s5 =	sld [smem:$0x3FAF]  }
0x2b: {  	s6 =	sld [smem:$0x3FB0]  }
0x2c: {  	s7 =	sld [smem:$0x3FB1]  }
0x2d: {  	s3 =	simm.s32 $0x108;
	s8 =	sld [smem:$0x3FB2]  }
0x2e: {  	s3 =	simm.s32 @!p0 $0x1082;
	s9 =	sld [smem:$0x3FB3]  }
0x2f: {  	lr =	sadd.s32 s0, s3;
	s0 =	sld [smem:$0x3FAA]  }
0x30: {  	s3 =	sld [smem:$0x3FAD]  }
0x31: {  	[smem:$0x3FB6] =	sst s10  }
0x32: {  	s10 =	sld [smem:$0x3FB4];
	_ =	sdelay $0x3  }
0x33: {  	p0 =	seq.s32 s10, $0x1;
	s10 =	sld [smem:$0x3FB6];
	_ =	sdelay $0x3  }
0x34: {  	[smem:$0x3FB6] =	sst s10  }
0x35: {  	s10 =	sld [smem:$0x3FB5];
	_ =	sdelay $0x3  }
0x36: {  	p1 =	seq.s32 s10, $0x1;
	s10 =	sld [smem:$0x3FB6];
	_ =	sdelay $0x3  }
0x37: {  	[smem:$0x3FB6] =	sst s10  }
0x38: {  	s10 =	sld [smem:$0x3FB7]  }
0x39: {  	_ = 	snop;
	(pc) =	sbr.ind lr, $3  }
0x3a: {  	_ = 	snop  }
0x3b: {  	_ = 	snop  }
0x3c: {  	p2 =	seq.s32 s10, $0x1;
	s10 =	sld [smem:$0x3FB6]  }
0x3d: {  	_ =	shalt  }
0x3e: {  	_ =	shalt  }
0x3f: {  	_ =	shalt  }
0x40: {  	_ =	shalt  }
0x41: {  	_ =	shalt  }
0x42: {  	_ =	shalt  }
0x43: {  	_ =	shalt  }
0x44: {  	_ =	shalt  }
0x45: {  	_ =	shalt  }
0x46: {  	_ =	shalt  }
0x47: {  	_ =	shalt  }
0x48: {  	_ =	shalt  }
0x49: {  	_ =	shalt  }
0x4a: {  	_ =	shalt  }
0x4b: {  	_ =	shalt  }
0x4c: {  	_ =	shalt  }
0x4d: {  	_ =	shalt  }
0x4e: {  	_ =	shalt  }
0x4f: {  	_ =	shalt  }
0x50: {  	_ =	shalt  }
0x51: {  	_ =	shalt  }
0x52: {  	_ =	shalt  }
0x53: {  	_ =	shalt  }
0x54: {  	_ =	shalt  }
0x55: {  	_ =	shalt  }
0x56: {  	_ =	shalt  }
0x57: {  	_ =	shalt  }
0x58: {  	_ =	shalt  }
0x59: {  	_ =	shalt  }
0x5a: {  	_ =	shalt  }
0x5b: {  	_ =	shalt  }
0x5c: {  	_ =	shalt  }
0x5d: {  	_ =	shalt  }
0x5e: {  	_ =	shalt  }
0x5f: {  	_ =	shalt  }
0x60: {  	_ =	shalt  }
0x61: {  	_ =	shalt  }
0x62: {  	_ =	shalt  }
0x63: {  	_ =	shalt  }
0x64: {  	_ =	shalt  }
0x65: {  	_ =	shalt  }
0x66: {  	_ =	shalt  }
0x67: {  	_ =	shalt  }
0x68: {  	_ =	shalt  }
0x69: {  	_ =	shalt  }
0x6a: {  	_ =	shalt  }
0x6b: {  	_ =	shalt  }
0x6c: {  	_ =	shalt  }
0x6d: {  	_ =	shalt  }
0x6e: {  	_ =	shalt  }
0x6f: {  	_ =	shalt  }
0x70: {  	_ =	shalt  }
0x71: {  	_ =	shalt  }
0x72: {  	_ =	shalt  }
0x73: {  	_ =	shalt  }
0x74: {  	_ =	shalt  }
0x75: {  	_ =	shalt  }
0x76: {  	_ =	shalt  }
0x77: {  	_ =	shalt  }
0x78: {  	_ =	shalt  }
0x79: {  	_ =	shalt  }
0x7a: {  	_ =	shalt  }
0x7b: {  	_ =	shalt  }
0x7c: {  	_ =	shalt  }
0x7d: {  	_ =	shalt  }
0x7e: {  	_ =	shalt  }
0x7f: {  	_ =	shalt  }
0x80: {  	_ =	shalt  }
0x81: {  	_ =	shalt  }
0x82: {  	_ =	shalt  }
0x83: {  	_ =	shalt  }
0x84: {  	_ =	shalt  }
0x85: {  	_ =	shalt  }
0x86: {  	_ =	shalt  }
0x87: {  	_ =	shalt  }
.Lfunc_end0:
.L_simem_size_0:
called_computation_lowered:
.L_overlay_start_0:
0x88: {  	s2 =	sld [smem:$0x3FD9]  }
0x89: {  	s3 =	sld [smem:$0x3FFE];
	_ =	sdelay $0x1  }
0x8a: {  	s1 =	srdreg.scid  }
0x8b: {  	s0 =	sand.u32 $0x1, s1  }
0x8c: {  	s17 =	sshll.u32 s0, $0xA;
	s2 =	sadd.s32 s3, s2  }
0x8d: {  	s2 =	sadd.s32 s2, s17  }
0x8e: {  	[smem:$0x3FC2] =	sst s2  }
0x8f: {  	_ = 	snop  }
0x90: {  	s2 =	sld [smem:$0x3FD0];
	(tm) =	ssettm $0x1  }
0x91: {  	s18 =	sld [smem:$0x3FFB];
	_ =	sdelay $0x3  }
0x92: {  	_ =	strace s18  }
0x93: {  	s3 =	sld [smem:$0x3FFC];
	_ =	sdelay $0x3  }
0x94: {  	_ =	strace s3  }
0x95: {  	s3 =	sld [smem:$0x3FFD];
	_ =	sdelay $0x3  }
0x96: {  	_ =	strace s3  }
0x97: {  	_ =	strace $0x8FFFFFFF  }
0x98: {  	s19 =	sld [smem:$0x3FDB];
	_ =	sdelay $0x1  }
0x99: {  	s4 =	simm.s32 $_scs_section_size  }
0x9a: {  	s5 =	simm.s32 $_size__tile_overlayer_lowered;
	s6 =	simm.s32 $_tile_overlayer_lowered  }
0x9b: {  	s22 =	simm.s32 $0x1BFF;
	s21 =	sshll.u32 s6, $0x1;
	s3 =	sadd.s32 s4, s19  }
0x9c: {  	s7 =	simm.s32 $0x0;
	s20 =	sshll.u32 s5, $0x1;
	s5 =	sadd.s32 s21, s3  }
0x9d: {  	[timem:s7], [sflag:s22] =	dma.local [hbm:s5], s20  }
0x9e: {  	_ =	swait.ge [sflag:s22], s20  }
0x9f: {  	s4 =	ssub.s32 $0x0, s20;
	[sflag:s22] =	ssyncset.done $0x0  }
0xa0: {  	[sflag:s22] =	ssyncadd.s32 s4;
	_ =	sdelay $0x1  }
0xa1: {  	s23 =	simm.s32 $0x1B8B  }
0xa2: {  	_ =	swait.ge [sflag:s23], $0x1  }
0xa3: {  	[sflag:s23] =	ssyncset.done $0x0  }
0xa4: {  	s25 =	simm.s32 $0x1B8E;
	s24 =	sld [smem:$0x3FFE];
	[sflag:s23] =	ssyncadd.s32 $0xFFFFFFFF  }
0xa5: {  	s26 =	simm.s32 $execute0_lowered;
	[smem:$0x3FD2] =	sst s25  }
0xa6: {  	s5 =	sshll.u32 s26, $0x1;
	_ =	strace $0x80000046;
	[dreg:$0x1] =	wrdreg $0xFFFFFFFF  }
0xa7: {  	s28 =	simm.s32 $_size_execute0_lowered;
	s3 =	sadd.s32 s3, s5;
	[dreg:$0x0] =	wrdreg $0x0  }
0xa8: {  	s5 =	sshll.u32 s28, $0x1;
	[dreg:$0x2] =	wrdreg s3  }
0xa9: {  	[dreg:$0x3] =	wrdreg s5  }
0xaa: {  	[dreg:$0x4] =	wrdreg $0xC0  }
0xab: {  	_ =	task [dreg:s7], $0x5FFFF  }
0xac: {  	[dreg:$0x1] =	wrdreg $0xFFFFFFFF  }
0xad: {  	[dreg:$0x0] =	wrdreg $0x60  }
0xae: {  	[dreg:$0x2] =	wrdreg s2  }
0xaf: {  	[dreg:$0x3] =	wrdreg s24  }
0xb0: {  	[dreg:$0x4] =	wrdreg $0x9  }
0xb1: {  	_ =	task.clear_ibuf [dreg:s7], $0x5FFFF;
	_ =	strace $0x90000046  }
0xb2: {  	s29 =	simm.s32 $0x9;
	_ =	strace $0x80000048  }
0xb3: {  	_ =	swait.ge [sflag:s29], $0x1  }
0xb4: {  	[sflag:s29] =	ssyncadd.s32 $0xFFFFFFFF  }
0xb5: {  	_ =	strace $0x90000048  }
0xb6: {  	_ =	sfence  }
0xb7: {  	s30 =	sld [smem:$0x0];
	_ =	sdelay $0x2  }
0xb8: {  	s31 =	sshll.u32 s1, $0xD;
	s1 =	sshrl.u32 s1, $0x2  }
0xb9: {  	s3 =	sand.u32 $0x4000, s31;
	s1 =	sadd.s32 s1, s30  }
0xba: {  	s0 =	sor.u32 s3, s0;
	s1 =	sshll.u32 s1, $0x11  }
0xbb: {  	s0 =	sor.u32 s1, s0  }
0xbc: {  	s0 =	sadd.s32 $0x8F2B, s0  }
0xbd: {  	[sflag:s0] =	ssyncadd.remote.s32 $0x1  }
0xbe: {  	_ =	sfence.sel $0xFFFF  }
0xbf: {  	[dreg:$0x0] =	wrdreg $0xFFFFFFFF;
	(pc) =	sbr.abs _section_cstart, $3  }
0xc0: {  	[dreg:$0x1] =	wrdreg $0xFFFFFFFF  }
0xc1: {  	_ =	task.clear_ibuf [dreg:s7], $0x2FFFF;
	_ =	strace $0x9FFFFFFF  }
0xc2: {  	(tm) =	ssettm $0x7FFFFFFF  }
0xc3: {  	_ =	shalt  }
tec
execute0_lowered:
.L_overlay_start_1:
0x0: {  	(tag) =	ssettag $0x1  }
0x1: {  	s3 =	rddreg [dreg:$0x0]  }
0x2: {  	s4 =	rddreg [dreg:$0x1];
	s2 =	srdreg.scid  }
0x3: {  	s0 =	rddreg [dreg:$0x2];
	s1 =	stileid.u32;
	s5 =	sand.u32 $0x1, s2  }
0x4: {  	s2 =	simm.s32 $0x0;
	s6 =	sshll.u32 s1, $0x9;
	s7 =	sshll.u32 s5, $0x8  }
0x5: {  	[smem:$0x7FF] =	sst s2;
	s5 =	ssub.s32 $0x2, s5;
	s6 =	sor.u32 s7, s6  }
0x6: {  	_ =	strace $0x80000047;
	s31 =	sshrl.u32 s5, $0x1;
	s7 =	simm.s32 $0x800  }
0x7: {  	s4 =	sadd.s32 s6, s4;
	s5 =	ssub.s32 s5, s31;
	s3 =	sadd.s32 s3, s6  }
0x8: {  	v55 =	vimm.s32 $0x0;
	s6 =	simm.s32 $0x1;
	s4 =	sadd.s32 $0xE00, s4;
	s5 =	smax.u32 s5, $0x1  }
.LBB2_1:
0x9: {  	[tilespmem:s2], [sflag:$0x1] =	stream.linear.gather [hbm4b:s3+s2], $0x800, $0x38;
	[tilespmem:$0x1000] =	vst v63  }
0xa: {  	_ =	swait.ge [sflag:s6], $0x800  }
0xb: {  	[sflag:s6] =	ssyncset.done $0x0  }
0xc: {  	[sflag:s6] =	ssyncadd.s32 $0xFFFFF800  }
0xd: {  	v0 =	vld [tilespmem:$0x0]  }
0xe: {  	v1 =	vld [tilespmem:$0x80];
	_ =	sdelay $0x1  }
0xf: {  	v16 =	vimm.s32 $0x0;
	v17 =	vimm.s32 $0x0;
	v18 =	vimm.s32 $0x0;
	v2 =	vld [tilespmem:$0x100]  }
0x10: {  	v51 =	vimm.s32 $0x0;
	v19 =	vimm.s32 $0x0;
	v54 =	vimm.s32 $0x0;
	v3 =	vld [tilespmem:$0x180]  }
0x11: {  	v20 =	vimm.s32 $0x0;
	v58 =	vimm.s32 $0x0;
	v60 =	vimm.s32 $0x0;
	v9 =	vld [tilespmem:$0x10]  }
0x12: {  	v62 =	vimm.s32 $0x0;
	v23 =	vimm.s32 $0x0;
	v11 =	vld [tilespmem:$0x90];
	vm0 =	vgt.f32 v1, v0  }
0x13: {  	v22 =	vimm.s32 $0x0;
	v25 =	vimm.s32 $0x0;
	v4 =	vld [tilespmem:$0x200];
	v5 =	vsel vm0, v1, v0  }
0x14: {  	v32 =	vimm.s32 $0x0;
	v35 =	vimm.s32 $0x0;
	v12 =	vld [tilespmem:$0x110];
	vm1 =	vgt.f32 v2, v5  }
0x15: {  	v36 =	vimm.s32 $0x0;
	v39 =	vimm.s32 $0x0;
	v6 =	vld [tilespmem:$0x280];
	v5 =	vsel vm1, v2, v5  }
0x16: {  	v42 =	vimm.s32 $0x0;
	v45 =	vimm.s32 $0x0;
	v13 =	vld [tilespmem:$0x190];
	vm2 =	vgt.f32 v3, v5  }
0x17: {  	v48 =	vimm.s32 $0x0;
	v7 =	vld [tilespmem:$0x300];
	vm10 =	vgt.f32 v11, v9;
	v5 =	vsel vm2, v3, v5  }
0x18: {  	v49 =	vimm.s32 $0x0;
	v14 =	vld [tilespmem:$0x210];
	v15 =	vsel vm10, v11, v9;
	vm3 =	vgt.f32 v4, v5  }
0x19: {  	v8 =	vld [tilespmem:$0x380];
	v10 =	vsel vm0, $0x1, v55;
	vm13 =	vgt.f32 v12, v15;
	v5 =	vsel vm3, v4, v5  }
0x1a: {  	v50 =	vld [tilespmem:$0x290];
	v52 =	vsel vm10, $0x1, v55;
	v15 =	vsel vm13, v12, v15;
	vm8 =	vgt.f32 v6, v5  }
0x1b: {  	v10 =	vsel vm1, $0x2, v10;
	vm4 =	vgt.f32 v13, v15;
	v5 =	vsel vm8, v6, v5  }
0x1c: {  	v10 =	vsel vm2, $0x3, v10;
	v15 =	vsel vm4, v13, v15;
	vm1 =	vgt.f32 v7, v5  }
0x1d: {  	vm14 =	vgt.f32 v14, v15;
	v10 =	vsel vm3, $0x4, v10;
	v5 =	vsel vm1, v7, v5  }
0x1e: {  	v15 =	vsel vm14, v14, v15;
	v10 =	vsel vm8, $0x5, v10;
	vm9 =	vgt.f32 v8, v5  }
0x1f: {  	vm15 =	vgt.f32 v50, v15;
	v10 =	vsel vm1, $0x6, v10;
	vm12 =	vmneg vm9  }
0x20: {  	v15 =	vsel vm15, v50, v15;
	v10 =	vnsel vm12, $0x7, v10;
	v30 =	vnsel vm12, $0xFF800000, v8  }
0x21: {  	v56 =	vld [tilespmem:$0x20];
	v5 =	vsel vm12, v5, v8;
	vm11 =	veq.s32 v10, $0x0;
	vm5 =	veq.s32 v10, $0x1  }
0x22: {  	v57 =	vld [tilespmem:$0xA0];
	vm6 =	veq.s32 v10, $0x2;
	vm9 =	veq.s32 v10, $0x3;
	v0 =	vsel vm11, $0xFF800000, v0  }
0x23: {  	v16 =	vsel vm11, $0xFFFFFFFF, v16;
	v17 =	vsel vm5, $0xFFFFFFFF, v17;
	vm3 =	vgt.f32 v0, $-Inf  }
0x24: {  	v61 =	vld [tilespmem:$0x120];
	v1 =	vsel vm5, $0xFF800000, v1;
	v2 =	vsel vm6, $0xFF800000, v2;
	v0 =	vnsel vm3, $0xFF800000, v0  }
0x25: {  	v3 =	vsel vm9, $0xFF800000, v3;
	vm11 =	veq.s32 v10, $0x4;
	[tilespmem:$0x1F300] =	vst v17;
	v17 =	vld [tilespmem:$0x310];
	vm5 =	vgt.f32 v1, v0  }
0x26: {  	[tilespmem:$0x1F2F0] =	vst v16;
	v59 =	vsel vm11, $0xFF800000, v4;
	v16 =	vimm.s32 $0x0;
	v18 =	vsel vm5, $0xFFFFFFFF, v18  }
0x27: {  	v0 =	vsel vm5, v1, v0;
	vm5 =	vgt.f32 v57, v56;
	[tilespmem:$0x1F2A0] =	vst v18;
	v18 =	vsel vm6, $0xFFFFFFFF, v51  }
0x28: {  	vm8 =	vgt.f32 v2, v0;
	v24 =	vsel vm5, v57, v56;
	v21 =	vsel vm5, $0x1, v55  }
0x29: {  	v63 =	vld [tilespmem:$0x1A0];
	vm6 =	vmand vm1, vm12;
	[tilespmem:$0x1F320] =	vst v18;
	v18 =	vsel vm13, $0x2, v52;
	v19 =	vsel vm8, $0xFFFFFFFF, v19  }
0x2a: {  	v1 =	vld [tilespmem:$0x390];
	vm0 =	vgt.f32 v17, v15;
	v0 =	vsel vm8, v2, v0;
	vm7 =	vgt.f32 v61, v24  }
0x2b: {  	v26 =	vsel vm6, $0xFF800000, v7;
	v18 =	vsel vm4, $0x3, v18;
	v15 =	vsel vm0, v17, v15  }
0x2c: {  	vm3 =	vgt.f32 v3, v0;
	v27 =	vsel vm7, v61, v24;
	v28 =	vsel vm7, $0x2, v21  }
0x2d: {  	v53 =	vsel vm14, $0x4, v18;
	v18 =	vsel vm9, $0xFFFFFFFF, v54;
	v20 =	vsel vm3, $0xFFFFFFFF, v20  }
0x2e: {  	v0 =	vsel vm3, v3, v0;
	vm14 =	veq.s32 v10, $0x5;
	vm8 =	vgt.f32 v63, v27  }
0x2f: {  	v2 =	vsel vm15, $0x5, v53;
	vm10 =	vgt.f32 v1, v15;
	[tilespmem:$0x1F2C0] =	vst v20;
	v20 =	vsel vm11, $0xFFFFFFFF, v58  }
0x30: {  	vm3 =	vgt.f32 v59, v0;
	v10 =	vsel vm14, $0xFFFFFFFF, v23;
	v6 =	vsel vm14, $0xFF800000, v6  }
0x31: {  	[tilespmem:$0x1F330] =	vst v18;
	v7 =	vsel vm8, v63, v27;
	v53 =	vimm.s32 $0x0;
	v18 =	vimm.s32 $0x0  }
0x32: {  	v2 =	vsel vm0, $0x6, v2;
	vm15 =	vmneg vm10;
	v0 =	vsel vm3, v59, v0  }
0x33: {  	[tilespmem:$0x1F340] =	vst v20;
	v20 =	vsel vm3, $0xFFFFFFFF, v62;
	v2 =	vnsel vm15, $0x7, v2;
	vm3 =	vgt.f32 v6, v0  }
0x34: {  	[tilespmem:$0x1F2D0] =	vst v20;
	v20 =	vsel vm8, $0x3, v28;
	vm0 =	vmand vm0, vm15;
	v52 =	vnsel vm15, $0xFF800000, v1  }
0x35: {  	v1 =	vsel vm15, v15, v1;
	vm13 =	veq.s32 v2, $0x0;
	v22 =	vsel vm3, $0xFFFFFFFF, v22  }
0x36: {  	[tilespmem:$0x1F350] =	vst v10;
	v10 =	vld [tilespmem:$0x220];
	v0 =	vsel vm3, v6, v0;
	v51 =	vsel vm0, $0xFF800000, v17;
	v4 =	vsel vm13, $0xFFFFFFFF, v60  }
0x37: {  	v9 =	vsel vm13, $0xFF800000, v9;
	[tilespmem:$0x1F2E0] =	vst v22;
	v22 =	vsel vm6, $0xFFFFFFFF, v25;
	vm11 =	vgt.f32 v26, v0  }
0x38: {  	vm13 =	veq.s32 v2, $0x1;
	vm6 =	veq.s32 v2, $0x5;
	v60 =	vimm.s32 $0x0  }
0x39: {  	vm2 =	vgt.f32 v9, $-Inf;
	v0 =	vsel vm11, v26, v0;
	v8 =	vsel vm13, $0xFFFFFFFF, v32  }
0x3a: {  	v29 =	vld [tilespmem:$0x2A0];
	v33 =	vsel vm13, $0xFF800000, v11;
	vm13 =	veq.s32 v2, $0x4;
	v47 =	vsel vm6, $0xFF800000, v50  }
0x3b: {  	v9 =	vnsel vm2, $0xFF800000, v9;
	vm9 =	vgt.f32 v30, v0;
	vm10 =	vgt.f32 v10, v7  }
0x3c: {  	v43 =	vsel vm13, $0xFF800000, v14;
	v7 =	vsel vm10, v10, v7;
	v20 =	vsel vm10, $0x4, v20  }
0x3d: {  	v31 =	vld [tilespmem:$0x320];
	vm3 =	vmneg vm9;
	vm8 =	vgt.f32 v33, v9;
	vm9 =	veq.s32 v2, $0x2  }
0x3e: {  	vm10 =	veq.s32 v2, $0x3;
	v2 =	vsel vm6, $0xFFFFFFFF, v45;
	v0 =	vsel vm3, v0, v30  }
0x3f: {  	v34 =	vld [tilespmem:$0x3A0];
	vm14 =	vgt.f32 v29, v7;
	v11 =	vsel vm8, $0xFFFFFFFF, v35;
	v38 =	vsel vm9, $0xFF800000, v12  }
0x40: {  	v12 =	vsel vm10, $0xFFFFFFFF, v39;
	v40 =	vsel vm10, $0xFF800000, v13;
	v0 =	vsub.f32 v0, v5  }
0x41: {  	v7 =	vsel vm14, v29, v7;
	[tilespmem:$0x1F310] =	vst v11;
	v11 =	vsel vm9, $0xFFFFFFFF, v36;
	v5 =	vsel vm8, v33, v9  }
0x42: {  	v37 =	vsel vm14, $0x5, v20;
	vm14 =	vgt.f32 v38, v5;
	vm5 =	vgt.f32 v31, v7  }
0x43: {  	v0 =	vmul.f32 $1.442695020e+00, v0;
	v5 =	vsel vm14, v38, v5;
	v41 =	vsel vm5, v31, v7  }
0x44: {  	v7 =	vsel vm13, $0xFFFFFFFF, v42;
	vm8 =	vgt.f32 v40, v5;
	vm4 =	vgt.f32 v34, v41  }
0x45: {  	v44 =	vsel vm5, $0x6, v37;
	v5 =	vsel vm8, v40, v5;
	vm1 =	vmneg vm4  }
0x46: {  	(erf) = vpow2.f32 v0;
	v9 =	vnsel vm1, $0x7, v44;
	vm7 =	vgt.f32 v43, v5  }
0x47: {  	vm5 =	vmand vm5, vm1;
	v46 =	vsel vm7, v43, v5;
	vm9 =	veq.s32 v9, $0x0  }
0x48: {  	[tilespmem:$0x1F3C0] =	vst v7;
	vm13 =	veq.s32 v9, $0x1;
	v7 =	vsel vm9, $0xFFFFFFFF, v48;
	v50 =	vsel vm9, $0xFF800000, v56  }
0x49: {  	[tilespmem:$0x1F390] =	vst v11;
	vm4 =	vgt.f32 v47, v46;
	v11 =	vsel vm13, $0xFFFFFFFF, v53;
	v54 =	vsel vm13, $0xFF800000, v57  }
0x4a: {  	[tilespmem:$0x1F3E0] =	vst v2;
	v56 =	vimm.s32 $0x0;
	v57 =	vimm.s32 $0x0;
	v2 =	vsel vm4, v47, v46  }
0x4b: {  	vm13 =	veq.s32 v9, $0x3;
	[tilespmem:$0x1F410] =	vst v7;
	v7 =	vsel vm0, $0xFFFFFFFF, v49;
	vm6 =	vgt.f32 v51, v2  }
0x4c: {  	vm10 =	vgt.f32 v50, $-Inf;
	v3 =	vsel vm13, $0xFF800000, v63;
	v2 =	vsel vm6, v51, v2  }
0x4d: {  	v63 =	vimm.s32 $0x0;
	[tilespmem:$0x1F3F0] =	vst v7;
	v7 =	vnsel vm10, $0xFF800000, v50;
	vm9 =	vgt.f32 v52, v2  }
0x4e: {  	[tilespmem:$0x1F370] =	vst v4;
	vm10 =	veq.s32 v9, $0x2;
	vm2 =	vmneg vm9;
	vm9 =	vgt.f32 v54, v7  }
0x4f: {  	[tilespmem:$0x1F3A0] =	vst v12;
	v4 =	vsel vm10, $0xFF800000, v61;
	v61 =	vimm.s32 $0x0;
	v12 =	vsel vm9, $0xFFFFFFFF, v56  }
0x50: {  	v2 =	vsel vm2, v2, v52;
	v58 =	vsel vm9, v54, v7;
	v59 =	vpop (erf);
	[tilespmem:$0x1F3B0] =	vst v12;
	v12 =	vsel vm10, $0xFFFFFFFF, v57  }
0x51: {  	v1 =	vsub.f32 v2, v1;
	vm9 =	vgt.f32 v4, v58;
	v62 =	vadd.f32 $1.000000000e+00, v59  }
0x52: {  	vm10 =	veq.s32 v9, $0x5;
	v2 =	vsel vm9, $0xFFFFFFFF, v60;
	v4 =	vsel vm9, v4, v58  }
0x53: {  	vm9 =	veq.s32 v9, $0x4;
	[tilespmem:$0x1F3D0] =	vst v2;
	v2 =	vsel vm13, $0xFFFFFFFF, v61;
	vm13 =	vgt.f32 v3, v4  }
0x54: {  	[tilespmem:$0x1F2B0] =	vst v19;
	(erf) = vrcp.f32 v62;
	v10 =	vsel vm9, $0xFF800000, v10;
	v7 =	vsel vm13, v3, v4  }
0x55: {  	[tilespmem:$0x1F420] =	vst v11;
	v1 =	vmul.f32 $1.442695020e+00, v1;
	v5 =	vsel vm9, $0xFFFFFFFF, v63;
	vm9 =	vgt.f32 v10, v7  }
0x56: {  	v19 =	vld [tilespmem:$0x1F2A0];
	v11 =	vimm.s32 $0x0;
	[tilespmem:$0x1F430] =	vst v12;
	v13 =	vsel vm10, $0xFF800000, v29;
	v12 =	vsel vm9, v10, v7  }
0x57: {  	v20 =	vld [tilespmem:$0x1F2B0];
	(erf) = vpow2.f32 v1;
	v1 =	vsel vm10, $0xFFFFFFFF, v11;
	vm10 =	vgt.f32 v13, v12  }
0x58: {  	v21 =	vld [tilespmem:$0x1F2C0];
	v14 =	vimm.s32 $0x0;
	v15 =	vsel vm5, $0xFF800000, v31;
	[tilespmem:$0x1F460] =	vst v1;
	v1 =	vsel vm10, v13, v12  }
0x59: {  	v23 =	vimm.s32 $0x0;
	[tilespmem:$0x1F360] =	vst v22;
	v3 =	vsel vm5, $0xFFFFFFFF, v14;
	vm0 =	vgt.f32 v15, v1  }
0x5a: {  	v24 =	vld [tilespmem:$0x1F2D0];
	v17 =	vnsel vm1, $0xFF800000, v34;
	v0 =	vsel vm1, v41, v34;
	[tilespmem:$0x1F4B0] =	vst v3;
	v3 =	vsel vm0, $0xFFFFFFFF, v16  }
0x5b: {  	v26 =	vld [tilespmem:$0x1F2E0];
	vm5 =	vnez.u8 v19;
	v1 =	vsel vm0, v15, v1;
	[tilespmem:$0x1F400] =	vst v3;
	v3 =	vsel vm1, $0xFFFFFFFF, v18  }
0x5c: {  	vm0 =	vgt.f32 v17, v1;
	[tilespmem:$0x1F4D0] =	vst v3;
	v3 =	vsel vm5, $0x1, v55;
	vm5 =	vnez.u8 v20  }
0x5d: {  	[tilespmem:$0x1F380] =	vst v8;
	vm0 =	vmneg vm0;
	v22 =	vpop (erf);
	v3 =	vsel vm5, $0x2, v3;
	vm5 =	vnez.u8 v21  }
0x5e: {  	[tilespmem:$0x1F440] =	vst v2;
	v1 =	vsel vm0, v1, v17;
	v2 =	vsel vm0, $0xFFFFFFFF, v23;
	v28 =	vsub.f32 $1.000000000e+00, v22  }
0x5f: {  	v58 =	vld [tilespmem:$0x1F380];
	v3 =	vsel vm5, $0x3, v3;
	vm5 =	vmmov vm0;
	vm0 =	vnez.u8 v24  }
0x60: {  	v31 =	vld [tilespmem:$0x1F2F0];
	[tilespmem:$0x1F470] =	vst v2;
	v25 =	vpop (erf);
	v0 =	vsub.f32 v1, v0;
	v2 =	vsel vm0, $0x4, v3;
	vm0 =	vnez.u8 v26  }
0x61: {  	v32 =	vld [tilespmem:$0x1F300];
	v27 =	vadd.f32 $1.000000000e+00, v25;
	v1 =	vsel vm0, $0x5, v2  }
0x62: {  	v35 =	vld [tilespmem:$0x1F320];
	v3 =	vsel vm3, $0x0, v28;
	v0 =	vmul.f32 $1.442695020e+00, v0;
	v1 =	vsel vm11, $0x6, v1  }
0x63: {  	v34 =	vld [tilespmem:$0x1F310];
	v49 =	vsel vm12, v3, v22;
	(erf) = vrcp.f32 v27;
	v1 =	vnsel vm3, $0x7, v1  }
0x64: {  	v37 =	vld [tilespmem:$0x1F330];
	vm12 =	vnez.u8 v58;
	(erf) = vpow2.f32 v0;
	vm0 =	veq.s32 v1, $0x0  }
0x65: {  	v4 =	vld [tilespmem:$0x30];
	vm1 =	veq.s32 v1, $0x1;
	v29 =	vnsel vm0, $0x0, v28;
	vm0 =	vnez.u8 v31  }
0x66: {  	v7 =	vld [tilespmem:$0xB0];
	v30 =	vnsel vm1, $0x0, v28;
	v0 =	vsel vm0, v22, v29;
	vm0 =	vnez.u8 v32  }
0x67: {  	v58 =	vimm.s32 $0x0;
	v50 =	vsel vm0, v22, v30;
	vm0 =	veq.s32 v1, $0x2  }
0x68: {  	v40 =	vld [tilespmem:$0x1F340];
	vm1 =	vnez.u8 v35;
	v33 =	vnsel vm0, $0x0, v28;
	vm0 =	vnez.u8 v34  }
0x69: {  	v42 =	vld [tilespmem:$0x1F350];
	v2 =	vsel vm0, $0x1, v55;
	vm0 =	veq.s32 v1, $0x3;
	v52 =	vsel vm1, v22, v33  }
0x6a: {  	v63 =	vld [tilespmem:$0x130];
	v36 =	vnsel vm0, $0x0, v28;
	v2 =	vsel vm14, $0x2, v2;
	vm14 =	vnez.u8 v37  }
0x6b: {  	vm0 =	vgt.f32 v7, v4;
	v46 =	vsel vm14, v22, v36;
	v38 =	vsel vm8, $0x3, v2  }
0x6c: {  	v48 =	vld [tilespmem:$0x1F360];
	vm14 =	veq.s32 v1, $0x4;
	vm8 =	veq.s32 v1, $0x5;
	v27 =	vsel vm0, v7, v4  }
0x6d: {  	v56 =	vld [tilespmem:$0x1F370];
	[tilespmem:$0x1FA40] =	vst v0;
	v39 =	vnsel vm14, $0x0, v28;
	v0 =	vsel vm7, $0x4, v38;
	vm14 =	vnez.u8 v40  }
0x6e: {  	v43 =	vpop (erf);
	v41 =	vnsel vm8, $0x0, v28;
	vm7 =	vnez.u8 v42;
	vm8 =	vmand vm11, vm3  }
0x6f: {  	v61 =	vld [tilespmem:$0x1F390];
	v45 =	vsub.f32 $1.000000000e+00, v43;
	vm1 =	vgt.f32 v63, v27;
	v38 =	vsel vm0, $0x1, v55  }
0x70: {  	v47 =	vpop (erf);
	v53 =	vsel vm14, v22, v39;
	v0 =	vsel vm4, $0x5, v0;
	v51 =	vsel vm7, v22, v41  }
0x71: {  	v44 =	vnsel vm8, $0x0, v28;
	v2 =	vadd.f32 $1.000000000e+00, v47;
	vm14 =	vnez.u8 v48  }
0x72: {  	v62 =	vld [tilespmem:$0x1F3A0];
	vm4 =	vnez.u8 v56;
	v32 =	vsel vm1, v63, v27;
	v40 =	vsel vm1, $0x2, v38  }
0x73: {  	v20 =	vld [tilespmem:$0x1F3B0];
	v48 =	vimm.s32 $0x0;
	v27 =	vimm.s32 $0x0;
	v38 =	vimm.s32 $0x0  }
0x74: {  	v24 =	vld [tilespmem:$0x1B0];
	v0 =	vsel vm6, $0x6, v0;
	v1 =	vsel vm14, v22, v44;
	vm14 =	vnez.u8 v61  }
0x75: {  	v29 =	vld [tilespmem:$0x1F3F0];
	vm6 =	vmand vm6, vm2;
	v33 =	vsel vm2, $0x0, v45;
	v61 =	vimm.s32 $0x0  }
0x76: {  	v42 =	vld [tilespmem:$0xC0];
	v0 =	vnsel vm2, $0x7, v0;
	(erf) = vrcp.f32 v2;
	v28 =	vnsel vm6, $0x0, v45  }
0x77: {  	v41 =	vld [tilespmem:$0x40];
	vm11 =	veq.s32 v0, $0x0;
	vm7 =	veq.s32 v0, $0x1;
	vm8 =	veq.s32 v0, $0x2  }
0x78: {  	v21 =	vld [tilespmem:$0x1F3C0];
	v54 =	vnsel vm11, $0x0, v45;
	v57 =	vnsel vm7, $0x0, v45;
	vm11 =	veq.s32 v0, $0x3  }
0x79: {  	v25 =	vld [tilespmem:$0x1F3E0];
	v59 =	vnsel vm8, $0x0, v45;
	vm7 =	veq.s32 v0, $0x4;
	vm8 =	vnez.u8 v20  }
0x7a: {  	v35 =	vld [tilespmem:$0x1F410];
	[tilespmem:$0x1FA70] =	vst v1;
	v1 =	vsel vm4, v43, v54;
	v60 =	vnsel vm11, $0x0, v45;
	vm4 =	vnez.u8 v62  }
0x7b: {  	v23 =	vld [tilespmem:$0x1F3D0];
	v19 =	vnsel vm7, $0x0, v45;
	v2 =	vsel vm8, $0x1, v55;
	vm11 =	veq.s32 v0, $0x5  }
0x7c: {  	vm7 =	vnez.u8 v29;
	vm8 =	vgt.f32 v24, v32;
	vm2 =	vgt.f32 v42, v41  }
0x7d: {  	[tilespmem:$0x1FAA0] =	vst v1;
	v1 =	vsel vm12, v43, v57;
	v54 =	vsel vm4, v43, v60;
	vm12 =	vnez.u8 v21  }
0x7e: {  	v10 =	vld [tilespmem:$0x230];
	v22 =	vnsel vm11, $0x0, v45;
	vm4 =	vnez.u8 v25;
	v12 =	vsel vm8, v24, v32  }
0x7f: {  	v30 =	vld [tilespmem:$0x1F400];
	vm11 =	vnez.u8 v35;
	v56 =	vsel vm2, v42, v41;
	v57 =	vimm.s32 $0x0  }
0x80: {  	v62 =	vsel vm2, $0x1, v55;
	[tilespmem:$0x1FAB0] =	vst v1;
	v1 =	vsel vm14, v43, v59;
	vm14 =	vnez.u8 v23  }
0x81: {  	v31 =	vld [tilespmem:$0x2B0];
	v32 =	vimm.s32 $0x0;
	v0 =	vsel vm12, v43, v19;
	[tilespmem:$0x1FAD0] =	vst v1;
	v1 =	vsel vm14, $0x2, v2  }
0x82: {  	v39 =	vld [tilespmem:$0x1F420];
	[tilespmem:$0x1FB00] =	vst v0;
	v0 =	vsel vm4, v43, v22;
	v26 =	vsel vm13, $0x3, v1;
	v1 =	vsel vm7, v43, v28  }
0x83: {  	v59 =	vimm.s32 $0x0;
	v23 =	vimm.s32 $0x0;
	[tilespmem:$0x1FB10] =	vst v0;
	v0 =	vsel vm9, $0x4, v26  }
0x84: {  	vm14 =	vnez.u8 v30;
	v0 =	vsel vm10, $0x5, v0;
	vm10 =	vgt.f32 v10, v12  }
0x85: {  	v6 =	vld [tilespmem:$0x330];
	v28 =	vimm.s32 $0x0;
	[tilespmem:$0x1FB30] =	vst v1;
	v0 =	vsel vm14, $0x6, v0;
	v1 =	vpop (erf);
	v36 =	vsel vm10, v10, v12  }
0x86: {  	v3 =	vnsel vm5, $0x7, v0;
	v2 =	vsub.f32 $1.000000000e+00, v1;
	v0 =	vsel vm15, v33, v43  }
0x87: {  	v47 =	vld [tilespmem:$0x1F440];
	vm13 =	vgt.f32 v31, v36;
	vm15 =	vnez.u8 v39;
	vm9 =	veq.s32 v3, $0x0  }
0x88: {  	[tilespmem:$0x1F450] =	vst v5;
	v45 =	vld [tilespmem:$0x1F430];
	v33 =	vimm.s32 $0x0;
	vm12 =	veq.s32 v3, $0x1;
	v34 =	vnsel vm9, $0x0, v2  }
0x89: {  	v16 =	vld [tilespmem:$0x140];
	[tilespmem:$0x1FB40] =	vst v0;
	v5 =	vsel vm13, v31, v36;
	vm5 =	veq.s32 v3, $0x2;
	v0 =	vsel vm11, v1, v34  }
0x8a: {  	vm6 =	veq.s32 v3, $0x3;
	v37 =	vnsel vm12, $0x0, v2;
	vm0 =	vgt.f32 v6, v5;
	[tilespmem:$0x1FB50] =	vst v0;
	v0 =	vld [tilespmem:$0x3B0]  }
0x8b: {  	v43 =	vnsel vm5, $0x0, v2;
	v44 =	vnsel vm6, $0x0, v2;
	v12 =	vsel vm15, v1, v37  }
0x8c: {  	vm9 =	vnez.u8 v47;
	v47 =	vimm.s32 $0x0;
	[tilespmem:$0x1FB60] =	vst v12;
	v12 =	vsel vm8, $0x3, v40  }
0x8d: {  	v5 =	vsel vm0, v6, v5;
	vm8 =	vnez.u8 v45;
	v12 =	vsel vm10, $0x4, v12  }
0x8e: {  	v15 =	vsel vm8, v1, v43;
	vm10 =	veq.s32 v3, $0x4;
	vm8 =	vgt.f32 v16, v56  }
0x8f: {  	[tilespmem:$0x1FA80] =	vst v49;
	v43 =	vimm.s32 $0x0;
	v12 =	vsel vm13, $0x5, v12;
	vm7 =	vgt.f32 v0, v5  }
0x90: {  	[tilespmem:$0x1FB70] =	vst v15;
	v15 =	vsel vm9, v1, v44;
	v12 =	vsel vm0, $0x6, v12;
	vm12 =	vmneg vm7  }
0x91: {  	v49 =	vnsel vm10, $0x0, v2;
	v19 =	vsel vm8, v16, v56;
	[tilespmem:$0x1FB80] =	vst v15;
	v15 =	vld [tilespmem:$0x1C0];
	v12 =	vnsel vm12, $0x7, v12  }
0x92: {  	vm0 =	vmand vm0, vm12;
	v36 =	vnsel vm12, $0xFF800000, v0;
	v0 =	vsel vm12, v5, v0  }
0x93: {  	vm11 =	veq.s32 v12, $0x0;
	vm15 =	veq.s32 v12, $0x1;
	vm10 =	veq.s32 v12, $0x2  }
0x94: {  	vm7 =	veq.s32 v12, $0x4;
	v6 =	vsel vm0, $0xFF800000, v6;
	v17 =	vsel vm11, $0xFFFFFFFF, v48  }
0x95: {  	v18 =	vld [tilespmem:$0x240];
	v4 =	vsel vm11, $0xFF800000, v4;
	v20 =	vsel vm15, $0xFFFFFFFF, v57;
	v7 =	vsel vm15, $0xFF800000, v7  }
0x96: {  	vm11 =	vgt.f32 v15, v19;
	v60 =	vsel vm10, $0xFF800000, v63;
	vm15 =	veq.s32 v12, $0x3  }
0x97: {  	v63 =	vimm.s32 $0x0;
	v10 =	vsel vm7, $0xFF800000, v10;
	v48 =	vimm.s32 $0x0  }
0x98: {  	v57 =	vimm.s32 $0x0;
	vm13 =	vgt.f32 v4, $-Inf;
	v19 =	vsel vm11, v15, v19  }
0x99: {  	v22 =	vsel vm15, $0xFFFFFFFF, v63;
	v9 =	vsel vm15, $0xFF800000, v24;
	v4 =	vnsel vm13, $0xFF800000, v4  }
0x9a: {  	[tilespmem:$0x1F4F0] =	vst v20;
	v20 =	vld [tilespmem:$0x2C0];
	v24 =	vimm.s32 $0x0;
	vm13 =	vgt.f32 v18, v19;
	vm9 =	vgt.f32 v7, v4  }
0x9b: {  	v63 =	vimm.s32 $0x0;
	v19 =	vsel vm13, v18, v19;
	v21 =	vsel vm9, $0xFFFFFFFF, v58  }
0x9c: {  	v8 =	vld [tilespmem:$0x340];
	v4 =	vsel vm9, v7, v4;
	vm9 =	veq.s32 v12, $0x5;
	v58 =	vimm.s32 $0x0  }
0x9d: {  	[tilespmem:$0x1F480] =	vst v21;
	v21 =	vsel vm10, $0xFFFFFFFF, v59;
	vm4 =	vgt.f32 v60, v4;
	v12 =	vsel vm9, $0xFFFFFFFF, v28  }
0x9e: {  	v7 =	vld [tilespmem:$0x3C0];
	v29 =	vsel vm9, $0xFF800000, v31;
	[tilespmem:$0x1F510] =	vst v21;
	v21 =	vsel vm4, $0xFFFFFFFF, v61;
	v4 =	vsel vm4, v60, v4  }
0x9f: {  	v31 =	vld [tilespmem:$0x1F450];
	vm6 =	vgt.f32 v20, v19;
	v61 =	vimm.s32 $0x0;
	[tilespmem:$0x1F490] =	vst v21;
	v21 =	vsel vm8, $0x2, v62  }
0xa0: {  	v19 =	vsel vm6, v20, v19;
	vm3 =	vgt.f32 v9, v4;
	v21 =	vsel vm11, $0x3, v21  }
0xa1: {  	[tilespmem:$0x1F530] =	vst v22;
	v22 =	vsel vm3, $0xFFFFFFFF, v24;
	vm2 =	vgt.f32 v8, v19;
	v4 =	vsel vm3, v9, v4  }
0xa2: {  	v21 =	vsel vm13, $0x4, v21;
	[tilespmem:$0x1F4A0] =	vst v22;
	v25 =	vsel vm2, v8, v19;
	v22 =	vsel vm7, $0xFFFFFFFF, v27  }
0xa3: {  	vm3 =	vgt.f32 v10, v4;
	v21 =	vsel vm6, $0x5, v21;
	vm8 =	vgt.f32 v7, v25  }
0xa4: {  	v23 =	vsel vm3, $0xFFFFFFFF, v23;
	v4 =	vsel vm3, v10, v4;
	vm10 =	vnez.u8 v31  }
0xa5: {  	[tilespmem:$0x1F4E0] =	vst v17;
	v10 =	vsel vm0, $0xFFFFFFFF, v33;
	v33 =	vimm.s32 $0x0;
	v21 =	vsel vm2, $0x6, v21  }
0xa6: {  	v26 =	vld [tilespmem:$0x50];
	[tilespmem:$0x1F550] =	vst v22;
	vm13 =	vmneg vm8;
	v17 =	vsel vm10, v1, v49;
	vm7 =	vgt.f32 v29, v4  }
0xa7: {  	v22 =	vld [tilespmem:$0xD0];
	[tilespmem:$0x1F4C0] =	vst v23;
	v23 =	vimm.s32 $0x0;
	v30 =	vnsel vm13, $0x7, v21;
	v4 =	vsel vm7, v29, v4  }
0xa8: {  	v29 =	vimm.s32 $0x0;
	vm11 =	veq.s32 v30, $0x0;
	vm8 =	veq.s32 v30, $0x1  }
0xa9: {  	[tilespmem:$0x1FB90] =	vst v17;
	vm10 =	veq.s32 v30, $0x2;
	v17 =	vsel vm11, $0xFFFFFFFF, v32;
	v34 =	vsel vm11, $0xFF800000, v41  }
0xaa: {  	[tilespmem:$0x1F560] =	vst v12;
	v12 =	vld [tilespmem:$0x150];
	vm11 =	vgt.f32 v6, v4;
	v39 =	vsel vm8, $0xFF800000, v42;
	v42 =	vimm.s32 $0x0  }
0xab: {  	v44 =	vsel vm10, $0xFF800000, v16;
	v32 =	vimm.s32 $0x0;
	vm15 =	vgt.f32 v34, $-Inf  }
0xac: {  	v13 =	vld [tilespmem:$0x1D0];
	vm4 =	vgt.f32 v22, v26;
	v4 =	vsel vm11, v6, v4;
	v6 =	vsel vm8, $0xFFFFFFFF, v38  }
0xad: {  	[tilespmem:$0x1F570] =	vst v10;
	vm8 =	veq.s32 v30, $0x4;
	v10 =	vnsel vm15, $0xFF800000, v34;
	v35 =	vsel vm4, v22, v26  }
0xae: {  	v37 =	vsel vm4, $0x1, v55;
	vm6 =	vgt.f32 v36, v4;
	v60 =	vsel vm8, $0xFF800000, v18  }
0xaf: {  	vm5 =	vgt.f32 v12, v35;
	vm3 =	vmneg vm6;
	vm1 =	vgt.f32 v39, v10  }
0xb0: {  	[tilespmem:$0x1F580] =	vst v17;
	v17 =	vsel vm5, v12, v35;
	v21 =	vsel vm5, $0x2, v37;
	v4 =	vsel vm3, v4, v36  }
0xb1: {  	v5 =	vld [tilespmem:$0x250];
	vm5 =	veq.s32 v30, $0x3;
	v37 =	vimm.s32 $0x0;
	vm9 =	vgt.f32 v13, v17  }
0xb2: {  	v0 =	vsub.f32 v4, v0;
	v4 =	vsel vm1, v39, v10;
	v49 =	vsel vm5, $0xFF800000, v15  }
0xb3: {  	v40 =	vsel vm9, v13, v17;
	v41 =	vsel vm9, $0x3, v21;
	v17 =	vsel vm1, $0xFFFFFFFF, v42  }
0xb4: {  	vm15 =	vgt.f32 v44, v4;
	vm9 =	veq.s32 v30, $0x5;
	v21 =	vnsel vm13, $0xFF800000, v7  }
0xb5: {  	v7 =	vsel vm13, v25, v7;
	v25 =	vimm.s32 $0x0;
	v30 =	vimm.s32 $0x0  }
0xb6: {  	v45 =	vld [tilespmem:$0x2D0];
	[tilespmem:$0x1F500] =	vst v17;
	v17 =	vsel vm10, $0xFFFFFFFF, v43;
	v0 =	vmul.f32 $1.442695020e+00, v0;
	vm6 =	vgt.f32 v5, v40  }
0xb7: {  	[tilespmem:$0x1F590] =	vst v6;
	v4 =	vsel vm15, v44, v4;
	v11 =	vsel vm9, $0xFFFFFFFF, v61;
	v62 =	vsel vm9, $0xFF800000, v20  }
0xb8: {  	[tilespmem:$0x1F5A0] =	vst v17;
	v17 =	vsel vm15, $0xFFFFFFFF, v47;
	v6 =	vsel vm6, v5, v40;
	v14 =	vsel vm6, $0x4, v41  }
0xb9: {  	v56 =	vld [tilespmem:$0x350];
	vm1 =	vgt.f32 v49, v4;
	vm15 =	vmand vm2, vm13;
	v41 =	vimm.s32 $0x0  }
0xba: {  	[tilespmem:$0x1F520] =	vst v17;
	v17 =	vsel vm5, $0xFFFFFFFF, v48;
	(erf) = vpow2.f32 v0;
	v59 =	vsel vm1, v49, v4  }
0xbb: {  	v10 =	vld [tilespmem:$0x3D0];
	[tilespmem:$0x1F5D0] =	vst v11;
	vm0 =	vgt.f32 v45, v6;
	v11 =	vsel vm15, $0xFFFFFFFF, v63;
	vm5 =	veq.s32 v3, $0x5  }
0xbc: {  	v63 =	vimm.s32 $0x0;
	[tilespmem:$0x1F5B0] =	vst v17;
	v17 =	vsel vm1, $0xFFFFFFFF, v57;
	vm10 =	vgt.f32 v60, v59  }
0xbd: {  	v6 =	vsel vm0, v45, v6;
	v18 =	vsel vm0, $0x5, v14;
	v3 =	vnsel vm5, $0x0, v2  }
0xbe: {  	[tilespmem:$0x1F540] =	vst v17;
	v17 =	vsel vm8, $0xFFFFFFFF, v58;
	v0 =	vsel vm10, v60, v59;
	vm4 =	vgt.f32 v56, v6  }
0xbf: {  	v58 =	vimm.s32 $0x0;
	vm9 =	vgt.f32 v62, v0;
	v6 =	vsel vm4, v56, v6  }
0xc0: {  	[tilespmem:$0x1F5C0] =	vst v17;
	v17 =	vsel vm15, $0xFF800000, v8;
	v0 =	vsel vm9, v62, v0;
	vm15 =	vgt.f32 v10, v6  }
0xc1: {  	v20 =	vsel vm4, $0x6, v18;
	vm8 =	vgt.f32 v17, v0;
	vm1 =	vmneg vm15  }
0xc2: {  	v60 =	vimm.s32 $0x0;
	v0 =	vsel vm8, v17, v0;
	v4 =	vnsel vm1, $0x7, v20  }
0xc3: {  	v59 =	vnsel vm1, $0xFF800000, v10;
	v6 =	vsel vm1, v6, v10;
	vm15 =	veq.s32 v4, $0x0  }
0xc4: {  	[tilespmem:$0x1F600] =	vst v11;
	vm6 =	vgt.f32 v21, v0;
	vm0 =	veq.s32 v4, $0x4;
	v11 =	vsel vm15, $0xFFFFFFFF, v23  }
0xc5: {  	vm5 =	vmneg vm6;
	v24 =	vsel vm15, $0xFF800000, v26;
	vm15 =	veq.s32 v4, $0x1  }
0xc6: {  	v0 =	vsel vm5, v0, v21;
	vm6 =	vgt.f32 v24, $-Inf;
	v8 =	vsel vm15, $0xFFFFFFFF, v25  }
0xc7: {  	v36 =	vld [tilespmem:$0x1F460];
	v27 =	vpop (erf);
	v28 =	vsel vm15, $0xFF800000, v22;
	v26 =	vnsel vm6, $0xFF800000, v24;
	v0 =	vsub.f32 v0, v7  }
0xc8: {  	v38 =	vld [tilespmem:$0x1F470];
	v9 =	vadd.f32 $1.000000000e+00, v27;
	vm6 =	veq.s32 v4, $0x2;
	vm15 =	vgt.f32 v28, v26  }
0xc9: {  	v42 =	vld [tilespmem:$0x1F480];
	v39 =	vsel vm0, $0xFF800000, v5;
	[tilespmem:$0x1F610] =	vst v11;
	v31 =	vsel vm6, $0xFF800000, v12;
	v11 =	vsel vm15, $0xFFFFFFFF, v29  }
0xca: {  	v0 =	vmul.f32 $1.442695020e+00, v0;
	v7 =	vsel vm15, v28, v26;
	(erf) = vrcp.f32 v9  }
0xcb: {  	vm15 =	veq.s32 v4, $0x3;
	[tilespmem:$0x1F5E0] =	vst v11;
	v11 =	vsel vm6, $0xFFFFFFFF, v30;
	vm2 =	vgt.f32 v31, v7  }
0xcc: {  	v35 =	vsel vm15, $0xFF800000, v13;
	vm6 =	vnez.u8 v36;
	v9 =	vsel vm2, $0xFFFFFFFF, v32  }
0xcd: {  	(erf) = vpow2.f32 v0;
	v34 =	vsel vm2, v31, v7;
	v3 =	vsel vm6, v1, v3  }
0xce: {  	v44 =	vld [tilespmem:$0x1F490];
	vm2 =	vnez.u8 v38;
	vm6 =	vnez.u8 v42;
	[tilespmem:$0x1F5F0] =	vst v9;
	v9 =	vsel vm15, $0xFFFFFFFF, v33  }
0xcf: {  	[tilespmem:$0x1FBA0] =	vst v3;
	vm15 =	vgt.f32 v35, v34;
	v3 =	vsel vm0, $0xFFFFFFFF, v37;
	vm14 =	vmand vm14, vm2  }
0xd0: {  	v47 =	vld [tilespmem:$0x1F4A0];
	vm0 =	veq.s32 v4, $0x5;
	v0 =	vsel vm15, v35, v34;
	v40 =	vnsel vm14, $0x0, v2  }
0xd1: {  	v49 =	vld [tilespmem:$0x1F4B0];
	v4 =	vsel vm0, $0xFFFFFFFF, v41;
	v43 =	vsel vm0, $0xFF800000, v45;
	vm0 =	vmand vm4, vm1  }
0xd2: {  	v45 =	vimm.s32 $0x0;
	v2 =	vsel vm2, $0x0, v2;
	v48 =	vsel vm0, $0xFF800000, v56;
	v56 =	vld [tilespmem:$0x1F4C0]  }
0xd3: {  	vm14 =	vgt.f32 v39, v0;
	[tilespmem:$0x1F660] =	vst v4;
	v4 =	vsel vm6, $0x1, v55;
	vm6 =	vnez.u8 v44  }
0xd4: {  	v7 =	vsel vm0, $0xFFFFFFFF, v45;
	v0 =	vsel vm14, v39, v0;
	v4 =	vsel vm6, $0x2, v4  }
0xd5: {  	[tilespmem:$0x1F6B0] =	vst v7;
	vm6 =	vnez.u8 v47;
	v7 =	vsel vm1, $0xFFFFFFFF, v60;
	vm4 =	vgt.f32 v43, v0  }
0xd6: {  	v4 =	vsel vm6, $0x3, v4;
	vm6 =	vnez.u8 v49;
	v0 =	vsel vm4, v43, v0  }
0xd7: {  	v5 =	vsel vm6, v1, v40;
	vm0 =	vgt.f32 v48, v0;
	v57 =	vpop (erf);
	vm6 =	vnez.u8 v56  }
0xd8: {  	[tilespmem:$0x1F650] =	vst v3;
	v0 =	vsel vm0, v48, v0;
	v3 =	vsel vm0, $0xFFFFFFFF, v58;
	v4 =	vsel vm6, $0x4, v4;
	v61 =	vpop (erf)  }
0xd9: {  	v15 =	vld [tilespmem:$0x1F510];
	[tilespmem:$0x1F6D0] =	vst v7;
	vm6 =	vgt.f32 v59, v0;
	v4 =	vsel vm7, $0x5, v4;
	v7 =	vadd.f32 $1.000000000e+00, v61  }
0xda: {  	v14 =	vld [tilespmem:$0x1F500];
	v62 =	vsub.f32 $1.000000000e+00, v57;
	vm6 =	vmneg vm6;
	v4 =	vsel vm11, $0x6, v4  }
0xdb: {  	v0 =	vsel vm6, v0, v59;
	v4 =	vnsel vm3, $0x7, v4;
	(erf) = vrcp.f32 v7;
	v7 =	vld [tilespmem:$0x1F4D0]  }
0xdc: {  	[tilespmem:$0x1F630] =	vst v11;
	v11 =	vld [tilespmem:$0x1F4E0];
	vm7 =	vmmov vm0;
	v0 =	vsub.f32 v0, v6;
	vm0 =	veq.s32 v4, $0x0  }
0xdd: {  	v12 =	vld [tilespmem:$0x1F4F0];
	[tilespmem:$0x1F640] =	vst v9;
	v28 =	vsel vm3, $0x0, v62;
	v9 =	vnsel vm0, $0x0, v62;
	vm0 =	veq.s32 v4, $0x1  }
0xde: {  	v17 =	vld [tilespmem:$0x1F520];
	v0 =	vmul.f32 $1.442695020e+00, v0;
	v10 =	vnsel vm0, $0x0, v62;
	vm0 =	veq.s32 v4, $0x2  }
0xdf: {  	v18 =	vld [tilespmem:$0x1F530];
	[tilespmem:$0x1F690] =	vst v3;
	v3 =	vsel vm6, $0xFFFFFFFF, v63;
	v34 =	vsel vm12, v28, v57;
	v13 =	vnsel vm0, $0x0, v62  }
0xe0: {  	v19 =	vld [tilespmem:$0x1F540];
	vm0 =	vnez.u8 v14;
	(erf) = vpow2.f32 v0;
	vm1 =	vnez.u8 v7  }
0xe1: {  	v36 =	vsel vm1, v2, v1;
	vm1 =	vnez.u8 v11;
	v2 =	vsel vm0, $0x1, v55  }
0xe2: {  	v21 =	vld [tilespmem:$0x1F550];
	vm0 =	veq.s32 v4, $0x3;
	v37 =	vsel vm1, v57, v9;
	vm1 =	vnez.u8 v12  }
0xe3: {  	v16 =	vnsel vm0, $0x0, v62;
	vm0 =	vnez.u8 v17;
	v1 =	vsel vm1, v57, v10  }
0xe4: {  	v23 =	vld [tilespmem:$0x1F560];
	vm1 =	vnez.u8 v15;
	[tilespmem:$0x1FBC0] =	vst v1;
	v1 =	vsel vm0, $0x2, v2;
	vm0 =	vnez.u8 v18  }
0xe5: {  	v27 =	vld [tilespmem:$0x1F570];
	v40 =	vsel vm1, v57, v13;
	v24 =	vpop (erf);
	v0 =	vsel vm0, v57, v16;
	vm0 =	vnez.u8 v19  }
0xe6: {  	v30 =	vld [tilespmem:$0x1F580];
	v26 =	vsub.f32 $1.000000000e+00, v24;
	[tilespmem:$0x1FBD0] =	vst v0;
	v0 =	vsel vm0, $0x3, v1;
	vm0 =	veq.s32 v4, $0x4  }
0xe7: {  	v20 =	vnsel vm0, $0x0, v62;
	v0 =	vsel vm10, $0x4, v0;
	vm10 =	vnez.u8 v21  }
0xe8: {  	v38 =	vld [tilespmem:$0x1F590];
	[tilespmem:$0x1F680] =	vst v3;
	vm0 =	veq.s32 v4, $0x5;
	v3 =	vsel vm5, $0x0, v26;
	v1 =	vsel vm10, v57, v20  }
0xe9: {  	v42 =	vld [tilespmem:$0x1F5B0];
	[tilespmem:$0x1FBB0] =	vst v5;
	v22 =	vnsel vm0, $0x0, v62;
	v0 =	vsel vm9, $0x5, v0;
	vm10 =	vnez.u8 v23  }
0xea: {  	v5 =	vld [tilespmem:$0xE0];
	vm9 =	vmand vm11, vm3;
	[tilespmem:$0x1FBE0] =	vst v1;
	v1 =	vsel vm10, v57, v22;
	v0 =	vsel vm8, $0x6, v0  }
0xeb: {  	v4 =	vld [tilespmem:$0x60];
	v32 =	vpop (erf);
	v25 =	vnsel vm9, $0x0, v62;
	vm10 =	vnez.u8 v27;
	vm9 =	vnez.u8 v30  }
0xec: {  	v39 =	vld [tilespmem:$0x1F5A0];
	v6 =	vadd.f32 $1.000000000e+00, v32;
	v0 =	vnsel vm5, $0x7, v0;
	v2 =	vsel vm10, v57, v25  }
0xed: {  	[tilespmem:$0x1FBF0] =	vst v1;
	v1 =	vsel vm13, v3, v24;
	vm11 =	veq.s32 v0, $0x0;
	vm12 =	veq.s32 v0, $0x1  }
0xee: {  	v35 =	vld [tilespmem:$0x160];
	vm10 =	veq.s32 v0, $0x2;
	(erf) = vrcp.f32 v6;
	v29 =	vnsel vm11, $0x0, v26  }
0xef: {  	v45 =	vld [tilespmem:$0x1F5C0];
	v31 =	vnsel vm12, $0x0, v26;
	v33 =	vnsel vm10, $0x0, v26;
	vm11 =	veq.s32 v0, $0x3  }
0xf0: {  	v56 =	vld [tilespmem:$0x1F5D0];
	vm12 =	vnez.u8 v38;
	vm10 =	vnez.u8 v42;
	vm3 =	vgt.f32 v5, v4  }
0xf1: {  	v58 =	vld [tilespmem:$0x1F5F0];
	[tilespmem:$0x1FC00] =	vst v2;
	v2 =	vsel vm9, v24, v29;
	v38 =	vsel vm12, v24, v31;
	vm9 =	vnez.u8 v39  }
0xf2: {  	v57 =	vld [tilespmem:$0x1F5E0];
	v41 =	vnsel vm11, $0x0, v26;
	vm11 =	veq.s32 v0, $0x4;
	vm12 =	veq.s32 v0, $0x5  }
0xf3: {  	v49 =	vsel vm3, v5, v4;
	v25 =	vsel vm3, $0x1, v55;
	v29 =	vimm.s32 $0x0  }
0xf4: {  	v43 =	vld [tilespmem:$0x1E0];
	v39 =	vimm.s32 $0x0;
	[tilespmem:$0x1FC10] =	vst v2;
	v2 =	vsel vm9, v24, v33;
	v44 =	vnsel vm11, $0x0, v26  }
0xf5: {  	v61 =	vld [tilespmem:$0x1F600];
	vm9 =	vnez.u8 v45;
	v47 =	vnsel vm12, $0x0, v26;
	vm0 =	vgt.f32 v35, v49  }
0xf6: {  	v48 =	vld [tilespmem:$0x260];
	vm12 =	vnez.u8 v58;
	v33 =	vimm.s32 $0x0;
	[tilespmem:$0x1FC20] =	vst v2;
	v2 =	vsel vm10, v24, v41  }
0xf7: {  	v12 =	vld [tilespmem:$0xF0];
	v0 =	vsel vm9, v24, v44;
	vm10 =	vnez.u8 v56;
	vm11 =	vnez.u8 v57  }
0xf8: {  	v62 =	vld [tilespmem:$0x70];
	vm9 =	vmand vm8, vm5;
	v44 =	vimm.s32 $0x0;
	[tilespmem:$0x1FC40] =	vst v0;
	v0 =	vsel vm10, v24, v47  }
0xf9: {  	v59 =	vld [tilespmem:$0x2E0];
	[tilespmem:$0x1FC30] =	vst v2;
	v2 =	vsel vm0, v35, v49;
	v60 =	vnsel vm9, $0x0, v26;
	v47 =	vimm.s32 $0x0  }
0xfa: {  	v15 =	vld [tilespmem:$0x170];
	[tilespmem:$0x1FC50] =	vst v0;
	v0 =	vsel vm11, $0x1, v55;
	vm10 =	vgt.f32 v43, v2;
	vm11 =	vnez.u8 v61  }
0xfb: {  	v0 =	vsel vm12, $0x2, v0;
	v10 =	vsel vm11, v24, v60;
	v2 =	vsel vm10, v43, v2  }
0xfc: {  	v28 =	vld [tilespmem:$0x1F610];
	v60 =	vimm.s32 $0x0;
	v0 =	vsel vm15, $0x3, v0;
	vm12 =	vgt.f32 v48, v2  }
0xfd: {  	v11 =	vld [tilespmem:$0x360];
	vm15 =	vgt.f32 v12, v62;
	v0 =	vsel vm14, $0x4, v0;
	v24 =	vsel vm12, v48, v2  }
0xfe: {  	v16 =	vld [tilespmem:$0x1F0];
	[tilespmem:$0x1FC70] =	vst v1;
	v1 =	vpop (erf);
	v26 =	vsel vm15, v12, v62;
	v32 =	vsel vm15, $0x1, v55;
	v0 =	vsel vm4, $0x5, v0  }
0xff: {  	vm13 =	vgt.f32 v59, v24;
	v2 =	vsub.f32 $1.000000000e+00, v1;
	vm3 =	vgt.f32 v15, v26  }
0x100: {  	v0 =	vsel vm7, $0x6, v0;
	v14 =	vsel vm13, v59, v24;
	v18 =	vsel vm3, v15, v26  }
0x101: {  	v63 =	vld [tilespmem:$0x3E0];
	vm7 =	vnez.u8 v28;
	v22 =	vsel vm3, $0x2, v32;
	v24 =	vimm.s32 $0x0  }
0x102: {  	v17 =	vld [tilespmem:$0x270];
	v28 =	vimm.s32 $0x0;
	v3 =	vnsel vm6, $0x7, v0;
	v0 =	vsel vm0, $0x2, v25  }
0x103: {  	[tilespmem:$0x1F620] =	vst v8;
	vm1 =	vgt.f32 v11, v14;
	vm0 =	vgt.f32 v16, v18;
	v25 =	vimm.s32 $0x0  }
0x104: {  	v31 =	vld [tilespmem:$0x1F620];
	vm14 =	veq.s32 v3, $0x0;
	v0 =	vsel vm10, $0x3, v0;
	v14 =	vsel vm1, v11, v14  }
0x105: {  	vm10 =	veq.s32 v3, $0x1;
	v18 =	vsel vm0, v16, v18;
	v22 =	vsel vm0, $0x3, v22  }
0x106: {  	v20 =	vld [tilespmem:$0x2F0];
	v0 =	vsel vm12, $0x4, v0;
	vm6 =	vgt.f32 v63, v14;
	v27 =	vnsel vm14, $0x0, v2  }
0x107: {  	v30 =	vnsel vm10, $0x0, v2;
	vm12 =	vgt.f32 v17, v18;
	vm14 =	veq.s32 v3, $0x2  }
0x108: {  	v0 =	vsel vm13, $0x5, v0;
	vm9 =	vmneg vm6;
	v19 =	vsel vm7, v1, v27  }
0x109: {  	vm13 =	vnez.u8 v31;
	v18 =	vsel vm12, v17, v18;
	v22 =	vsel vm12, $0x4, v22  }
0x10a: {  	v27 =	vimm.s32 $0x0;
	v31 =	vimm.s32 $0x0;
	v0 =	vsel vm1, $0x6, v0  }
0x10b: {  	v21 =	vsel vm13, v1, v30;
	vm15 =	vgt.f32 v20, v18;
	vm1 =	vmand vm1, vm9  }
0x10c: {  	v13 =	vsel vm9, v14, v63;
	v30 =	vimm.s32 $0x0;
	v0 =	vnsel vm9, $0x7, v0  }
0x10d: {  	v18 =	vsel vm15, v20, v18;
	v22 =	vsel vm15, $0x5, v22;
	v61 =	vsel vm1, $0xFF800000, v11  }
0x10e: {  	vm8 =	veq.s32 v0, $0x0;
	vm12 =	veq.s32 v0, $0x3;
	vm7 =	veq.s32 v0, $0x4  }
0x10f: {  	[tilespmem:$0x1FC80] =	vst v19;
	v19 =	vsel vm8, $0xFFFFFFFF, v29;
	v4 =	vsel vm8, $0xFF800000, v4;
	vm8 =	veq.s32 v0, $0x1  }
0x110: {  	v25 =	vsel vm12, $0xFFFFFFFF, v25;
	v41 =	vsel vm12, $0xFF800000, v43;
	v43 =	vimm.s32 $0x0  }
0x111: {  	v45 =	vsel vm7, $0xFF800000, v48;
	v48 =	vimm.s32 $0x0;
	[tilespmem:$0x1F6E0] =	vst v19;
	v19 =	vld [tilespmem:$0x370];
	vm11 =	vgt.f32 v4, $-Inf  }
0x112: {  	v23 =	vsel vm8, $0xFFFFFFFF, v33;
	v5 =	vsel vm8, $0xFF800000, v5;
	v4 =	vnsel vm11, $0xFF800000, v4  }
0x113: {  	[tilespmem:$0x1FC90] =	vst v21;
	v21 =	vld [tilespmem:$0x3F0];
	vm8 =	veq.s32 v0, $0x5;
	vm11 =	veq.s32 v0, $0x2;
	vm6 =	vgt.f32 v5, v4  }
0x114: {  	[tilespmem:$0x1F6F0] =	vst v23;
	v23 =	vnsel vm14, $0x0, v2;
	v35 =	vsel vm11, $0xFF800000, v35;
	v4 =	vsel vm6, v5, v4  }
0x115: {  	v0 =	vsel vm8, $0xFFFFFFFF, v48;
	v56 =	vsel vm8, $0xFF800000, v59;
	vm14 =	vgt.f32 v35, v4  }
0x116: {  	v59 =	vimm.s32 $0x0;
	vm0 =	vgt.f32 v19, v18;
	v4 =	vsel vm14, v35, v4  }
0x117: {  	v48 =	vimm.s32 $0x0;
	v18 =	vsel vm0, v19, v18;
	vm15 =	vgt.f32 v41, v4  }
0x118: {  	v24 =	vsel vm11, $0xFFFFFFFF, v24;
	vm10 =	vgt.f32 v21, v18;
	v4 =	vsel vm15, v41, v4  }
0x119: {  	[tilespmem:$0x1F710] =	vst v24;
	v24 =	vld [tilespmem:$0x400];
	v22 =	vsel vm0, $0x6, v22;
	vm4 =	vmneg vm10;
	vm5 =	vgt.f32 v45, v4  }
0x11a: {  	v35 =	vimm.s32 $0x0;
	v8 =	vnsel vm4, $0x7, v22;
	v22 =	vld [tilespmem:$0x480];
	v49 =	vsel vm5, v45, v4  }
0x11b: {  	[tilespmem:$0x1FC60] =	vst v10;
	v45 =	vimm.s32 $0x0;
	vm0 =	vmand vm0, vm4;
	vm13 =	veq.s32 v8, $0x0  }
0x11c: {  	[tilespmem:$0x1F730] =	vst v25;
	vm11 =	vgt.f32 v56, v49;
	v25 =	vsel vm13, $0xFFFFFFFF, v39;
	v42 =	vsel vm13, $0xFF800000, v62  }
0x11d: {  	v62 =	vnsel vm9, $0xFF800000, v63;
	[tilespmem:$0x1F770] =	vst v25;
	v25 =	vsel vm15, $0xFFFFFFFF, v43;
	vm2 =	vgt.f32 v42, $-Inf  }
0x11e: {  	v63 =	vimm.s32 $0x0;
	[tilespmem:$0x1F670] =	vst v25;
	v25 =	vsel vm7, $0xFFFFFFFF, v44;
	v6 =	vnsel vm2, $0xFF800000, v42  }
0x11f: {  	v10 =	vld [tilespmem:$0x500];
	v42 =	vimm.s32 $0x0;
	[tilespmem:$0x1F740] =	vst v25;
	v25 =	vsel vm5, $0xFFFFFFFF, v47;
	vm10 =	vgt.f32 v22, v24  }
0x120: {  	vm5 =	veq.s32 v8, $0x1;
	v47 =	vimm.s32 $0x0;
	v7 =	vld [tilespmem:$0x580];
	[tilespmem:$0x1F6A0] =	vst v25;
	v57 =	vsel vm10, v22, v24  }
0x121: {  	[tilespmem:$0x1F750] =	vst v0;
	v58 =	vsel vm10, $0x1, v55;
	v25 =	vsel vm1, $0xFFFFFFFF, v59;
	v0 =	vsel vm11, v56, v49  }
0x122: {  	v14 =	vsel vm5, $0xFFFFFFFF, v63;
	v26 =	vsel vm5, $0xFF800000, v12;
	vm10 =	veq.s32 v8, $0x2  }
0x123: {  	vm5 =	veq.s32 v8, $0x3;
	v56 =	vsel vm0, $0xFF800000, v19;
	v59 =	vimm.s32 $0x0  }
0x124: {  	v63 =	vimm.s32 $0x0;
	[tilespmem:$0x1F760] =	vst v25;
	v25 =	vsel vm11, $0xFFFFFFFF, v60;
	vm12 =	vgt.f32 v10, v57  }
0x125: {  	vm11 =	vgt.f32 v61, v0;
	vm8 =	vgt.f32 v26, v6;
	v29 =	vsel vm10, $0xFF800000, v15  }
0x126: {  	v32 =	vsel vm5, $0xFF800000, v16;
	v60 =	vsel vm4, v18, v21;
	v5 =	vsel vm12, v10, v57  }
0x127: {  	v9 =	vsel vm12, $0x2, v58;
	v0 =	vsel vm11, v61, v0;
	v4 =	vsel vm8, v26, v6  }
0x128: {  	v11 =	vld [tilespmem:$0x600];
	v6 =	vsel vm10, $0xFFFFFFFF, v28;
	vm10 =	veq.s32 v8, $0x5;
	v58 =	vnsel vm4, $0xFF800000, v21  }
0x129: {  	v21 =	vimm.s32 $0x0;
	v26 =	vimm.s32 $0x0;
	vm15 =	vgt.f32 v62, v0  }
0x12a: {  	v43 =	vsel vm10, $0xFF800000, v20;
	v20 =	vimm.s32 $0x0;
	vm15 =	vmneg vm15  }
0x12b: {  	vm13 =	vgt.f32 v7, v5;
	v0 =	vsel vm15, v0, v62;
	v62 =	vimm.s32 $0x0  }
0x12c: {  	v5 =	vsel vm13, v7, v5;
	v9 =	vsel vm13, $0x3, v9;
	v0 =	vsub.f32 v0, v13  }
0x12d: {  	[tilespmem:$0x1F6C0] =	vst v25;
	v25 =	vld [tilespmem:$0x680];
	v13 =	vsel vm8, $0xFFFFFFFF, v27;
	vm13 =	vgt.f32 v29, v4;
	vm7 =	vgt.f32 v11, v5  }
0x12e: {  	v12 =	vld [tilespmem:$0x700];
	[tilespmem:$0x1F780] =	vst v14;
	v14 =	vsel vm13, $0xFFFFFFFF, v30;
	v4 =	vsel vm13, v29, v4;
	v30 =	vimm.s32 $0x0  }
0x12f: {  	v44 =	vld [tilespmem:$0x1F630];
	v5 =	vsel vm7, v11, v5;
	v9 =	vsel vm7, $0x4, v9;
	v0 =	vmul.f32 $1.442695020e+00, v0  }
0x130: {  	[tilespmem:$0x1F720] =	vst v14;
	v14 =	vsel vm5, $0xFFFFFFFF, v31;
	vm13 =	vgt.f32 v32, v4;
	vm7 =	veq.s32 v8, $0x4  }
0x131: {  	[tilespmem:$0x1F700] =	vst v13;
	v13 =	vld [tilespmem:$0x780];
	v8 =	vsel vm10, $0xFFFFFFFF, v42;
	vm10 =	veq.s32 v3, $0x3;
	v31 =	vimm.s32 $0x0  }
0x132: {  	vm12 =	vgt.f32 v25, v5;
	v33 =	vsel vm13, v32, v4;
	v39 =	vsel vm7, $0xFF800000, v17  }
0x133: {  	v57 =	vnsel vm10, $0x0, v2;
	v5 =	vsel vm12, v25, v5;
	v9 =	vsel vm12, $0x5, v9  }
0x134: {  	(erf) = vpow2.f32 v0;
	vm12 =	vnez.u8 v44;
	vm3 =	vgt.f32 v12, v5  }
0x135: {  	[tilespmem:$0x1F7E0] =	vst v8;
	v8 =	vsel vm12, v1, v23;
	v23 =	vimm.s32 $0x0;
	v4 =	vsel vm3, v12, v5  }
0x136: {  	[tilespmem:$0x1F790] =	vst v6;
	v5 =	vsel vm7, $0xFFFFFFFF, v35;
	v41 =	vsel vm3, $0x6, v9;
	vm8 =	vgt.f32 v13, v4  }
0x137: {  	[tilespmem:$0x1F7C0] =	vst v5;
	v5 =	vsel vm4, $0xFFFFFFFF, v47;
	vm2 =	vmneg vm8;
	vm8 =	vgt.f32 v39, v33  }
0x138: {  	[tilespmem:$0x1F800] =	vst v5;
	v5 =	vsel vm0, $0xFFFFFFFF, v48;
	v0 =	vsel vm8, v39, v33;
	v6 =	vnsel vm2, $0x7, v41  }
0x139: {  	v39 =	vsel vm6, $0x1, v55;
	v41 =	vimm.s32 $0x0;
	v42 =	vnsel vm2, $0xFF800000, v13  }
0x13a: {  	v4 =	vsel vm2, v4, v13;
	vm7 =	vgt.f32 v43, v0;
	vm5 =	veq.s32 v6, $0x0  }
0x13b: {  	vm12 =	veq.s32 v6, $0x1;
	vm10 =	veq.s32 v6, $0x2;
	vm0 =	veq.s32 v6, $0x5  }
0x13c: {  	[tilespmem:$0x1FCA0] =	vst v8;
	v8 =	vsel vm5, $0xFFFFFFFF, v45;
	v0 =	vsel vm7, v43, v0;
	v49 =	vsel vm5, $0xFF800000, v24  }
0x13d: {  	[tilespmem:$0x1F7A0] =	vst v14;
	v14 =	vsel vm12, $0xFFFFFFFF, v59;
	v61 =	vsel vm12, $0xFF800000, v22;
	v18 =	vsel vm10, $0xFF800000, v10  }
0x13e: {  	vm12 =	veq.s32 v6, $0x3;
	v29 =	vsel vm0, $0xFF800000, v25;
	vm1 =	vgt.f32 v49, $-Inf  }
0x13f: {  	[tilespmem:$0x1F7F0] =	vst v5;
	v45 =	vimm.s32 $0x0;
	vm5 =	vgt.f32 v56, v0;
	v5 =	vnsel vm1, $0xFF800000, v49  }
0x140: {  	v7 =	vsel vm12, $0xFF800000, v7;
	v0 =	vsel vm5, v56, v0;
	v19 =	vpop (erf);
	vm1 =	vgt.f32 v61, v5  }
0x141: {  	vm4 =	vgt.f32 v58, v0;
	v22 =	vadd.f32 $1.000000000e+00, v19;
	v16 =	vsel vm1, $0xFFFFFFFF, v62  }
0x142: {  	v27 =	vld [tilespmem:$0x1F640];
	vm4 =	vmneg vm4;
	v5 =	vsel vm1, v61, v5;
	[tilespmem:$0x1F7B0] =	vst v16;
	v16 =	vsel vm10, $0xFFFFFFFF, v63  }
0x143: {  	v0 =	vsel vm4, v0, v58;
	vm1 =	vgt.f32 v18, v5;
	vm10 =	veq.s32 v6, $0x4  }
0x144: {  	(erf) = vrcp.f32 v22;
	v6 =	vsel vm2, $0xFFFFFFFF, v30;
	v0 =	vsub.f32 v0, v60  }
0x145: {  	[tilespmem:$0x1F820] =	vst v14;
	v14 =	vsel vm1, $0xFFFFFFFF, v20;
	v5 =	vsel vm1, v18, v5;
	v10 =	vsel vm10, $0xFFFFFFFF, v23  }
0x146: {  	v35 =	vld [tilespmem:$0x1F650];
	[tilespmem:$0x1F7D0] =	vst v14;
	v14 =	vsel vm12, $0xFFFFFFFF, v21;
	vm12 =	vgt.f32 v7, v5;
	v0 =	vmul.f32 $1.442695020e+00, v0  }
0x147: {  	v47 =	vld [tilespmem:$0x1F680];
	v24 =	vsel vm10, $0xFF800000, v11;
	vm1 =	vnez.u8 v27;
	v5 =	vsel vm12, v7, v5  }
0x148: {  	vm10 =	vgt.f32 v24, v5;
	(erf) = vpow2.f32 v0;
	v0 =	vsel vm0, $0xFFFFFFFF, v26  }
0x149: {  	v43 =	vld [tilespmem:$0x1F660];
	v28 =	vsel vm10, v24, v5;
	vm0 =	veq.s32 v3, $0x4;
	[tilespmem:$0x1F880] =	vst v0;
	v0 =	vsel vm1, v1, v57  }
0x14a: {  	v44 =	vld [tilespmem:$0x1F670];
	[tilespmem:$0x1F8E0] =	vst v6;
	vm1 =	vmand vm3, vm2;
	vm3 =	vgt.f32 v29, v28;
	v32 =	vnsel vm0, $0x0, v2  }
0x14b: {  	v48 =	vld [tilespmem:$0x1F690];
	vm0 =	vnez.u8 v35;
	[tilespmem:$0x1FCB0] =	vst v0;
	v0 =	vsel vm3, v29, v28;
	v33 =	vsel vm1, $0xFF800000, v12  }
0x14c: {  	v13 =	vld [tilespmem:$0x1F6D0];
	[tilespmem:$0x1F850] =	vst v10;
	v6 =	vsel vm1, $0xFFFFFFFF, v31;
	vm1 =	vnez.u8 v47;
	vm6 =	vgt.f32 v33, v0  }
0x14d: {  	v63 =	vld [tilespmem:$0x1F6A0];
	[tilespmem:$0x1F8D0] =	vst v6;
	v6 =	vsel vm0, v1, v32;
	vm0 =	veq.s32 v3, $0x5;
	v0 =	vsel vm6, v33, v0  }
0x14e: {  	v10 =	vld [tilespmem:$0x1F6B0];
	[tilespmem:$0x1FCC0] =	vst v6;
	v3 =	vnsel vm0, $0x0, v2;
	v6 =	vsel vm14, $0x2, v39;
	vm14 =	vnez.u8 v43  }
0x14f: {  	v11 =	vld [tilespmem:$0x1F6C0];
	vm0 =	vgt.f32 v42, v0;
	v3 =	vsel vm14, v1, v3;
	vm14 =	vnez.u8 v44  }
0x150: {  	[tilespmem:$0x1FCD0] =	vst v3;
	v3 =	vsel vm14, $0x3, v6;
	vm14 =	vmneg vm0;
	vm0 =	vnez.u8 v48  }
0x151: {  	vm2 =	vnez.u8 v13;
	v5 =	vsel vm6, $0xFFFFFFFF, v41;
	v49 =	vpop (erf);
	vm0 =	vmand vm0, vm1  }
0x152: {  	v12 =	vsub.f32 $1.000000000e+00, v49;
	v62 =	vnsel vm0, $0x0, v2;
	vm0 =	vnez.u8 v63  }
0x153: {  	v0 =	vsel vm14, v0, v42;
	v3 =	vsel vm0, $0x4, v3;
	vm0 =	vnez.u8 v10  }
0x154: {  	[tilespmem:$0x1F830] =	vst v16;
	v16 =	vld [tilespmem:$0x1F6E0];
	v0 =	vsub.f32 v0, v4;
	v9 =	vpop (erf);
	v6 =	vsel vm0, v1, v62;
	vm0 =	vnez.u8 v11  }
0x155: {  	v17 =	vld [tilespmem:$0x1F6F0];
	v44 =	vimm.s32 $0x0;
	v4 =	vadd.f32 $1.000000000e+00, v9;
	v3 =	vsel vm0, $0x5, v3  }
0x156: {  	v19 =	vld [tilespmem:$0x1F700];
	[tilespmem:$0x1F8B0] =	vst v5;
	v5 =	vsel vm14, $0xFFFFFFFF, v45;
	v0 =	vmul.f32 $1.442695020e+00, v0;
	v3 =	vsel vm11, $0x6, v3  }
0x157: {  	v39 =	vld [tilespmem:$0x1F770];
	v32 =	vsel vm15, $0x0, v12;
	(erf) = vrcp.f32 v4;
	v3 =	vnsel vm15, $0x7, v3  }
0x158: {  	v22 =	vld [tilespmem:$0x1F720];
	v2 =	vsel vm1, $0x0, v2;
	(erf) = vpow2.f32 v0;
	vm0 =	veq.s32 v3, $0x0  }
0x159: {  	v20 =	vld [tilespmem:$0x1F710];
	[tilespmem:$0x1F840] =	vst v14;
	vm1 =	veq.s32 v3, $0x1;
	v14 =	vnsel vm0, $0x0, v12;
	vm0 =	vnez.u8 v16  }
0x15a: {  	v23 =	vld [tilespmem:$0x1F730];
	v15 =	vnsel vm1, $0x0, v12;
	v60 =	vsel vm0, v49, v14;
	vm0 =	vnez.u8 v17  }
0x15b: {  	v41 =	vld [tilespmem:$0x410];
	v56 =	vsel vm9, v32, v49;
	v0 =	vsel vm0, v49, v15;
	vm0 =	veq.s32 v3, $0x2  }
0x15c: {  	v43 =	vld [tilespmem:$0x490];
	vm9 =	vnez.u8 v39;
	v18 =	vnsel vm0, $0x0, v12;
	vm0 =	vnez.u8 v19  }
0x15d: {  	v62 =	vsel vm2, v2, v1;
	v1 =	vsel vm0, $0x1, v55;
	vm0 =	veq.s32 v3, $0x3  }
0x15e: {  	v26 =	vld [tilespmem:$0x1F740];
	v39 =	vimm.s32 $0x0;
	v21 =	vnsel vm0, $0x0, v12;
	vm0 =	vnez.u8 v22  }
0x15f: {  	vm1 =	vnez.u8 v20;
	v1 =	vsel vm0, $0x2, v1;
	vm0 =	vnez.u8 v23  }
0x160: {  	v28 =	vld [tilespmem:$0x1F750];
	[tilespmem:$0x1FCF0] =	vst v0;
	v57 =	vsel vm1, v49, v18;
	v4 =	vpop (erf);
	v0 =	vsel vm0, v49, v21;
	v24 =	vsel vm13, $0x3, v1  }
0x161: {  	vm13 =	veq.s32 v3, $0x4;
	v30 =	vsub.f32 $1.000000000e+00, v4;
	vm0 =	vgt.f32 v43, v41  }
0x162: {  	v33 =	vld [tilespmem:$0x1F760];
	v31 =	vpop (erf);
	[tilespmem:$0x1FD00] =	vst v0;
	v25 =	vnsel vm13, $0x0, v12;
	v0 =	vsel vm8, $0x4, v24;
	vm8 =	veq.s32 v3, $0x5  }
0x163: {  	v14 =	vld [tilespmem:$0x1F790];
	vm13 =	vnez.u8 v26;
	v2 =	vadd.f32 $1.000000000e+00, v31;
	v23 =	vsel vm0, v43, v41  }
0x164: {  	v31 =	vsel vm0, $0x1, v55;
	v58 =	vsel vm13, v49, v25;
	v27 =	vnsel vm8, $0x0, v12  }
0x165: {  	v0 =	vsel vm7, $0x5, v0;
	vm8 =	vnez.u8 v28;
	vm13 =	vmand vm11, vm15  }
0x166: {  	v11 =	vld [tilespmem:$0x1F780];
	v7 =	vsel vm4, $0x0, v30;
	v1 =	vsel vm8, v49, v27;
	v0 =	vsel vm5, $0x6, v0  }
0x167: {  	v17 =	vld [tilespmem:$0x1F7B0];
	v29 =	vnsel vm13, $0x0, v12;
	vm8 =	vnez.u8 v33;
	(erf) = vrcp.f32 v2  }
0x168: {  	v15 =	vld [tilespmem:$0x1F7A0];
	v0 =	vnsel vm4, $0x7, v0;
	v61 =	vsel vm8, v49, v29;
	vm8 =	vnez.u8 v14  }
0x169: {  	v18 =	vld [tilespmem:$0x1F7C0];
	vm7 =	veq.s32 v0, $0x0;
	vm11 =	veq.s32 v0, $0x1;
	vm13 =	veq.s32 v0, $0x2  }
0x16a: {  	v25 =	vld [tilespmem:$0x1F7F0];
	vm15 =	veq.s32 v0, $0x3;
	v35 =	vnsel vm7, $0x0, v30;
	v42 =	vnsel vm11, $0x0, v30  }
0x16b: {  	[tilespmem:$0x1F810] =	vst v8;
	v8 =	vld [tilespmem:$0x510];
	vm7 =	vnez.u8 v11;
	v12 =	vnsel vm13, $0x0, v30;
	v13 =	vnsel vm15, $0x0, v30  }
0x16c: {  	v20 =	vld [tilespmem:$0x1F7D0];
	vm11 =	veq.s32 v0, $0x4;
	vm13 =	vnez.u8 v17;
	vm15 =	veq.s32 v0, $0x5  }
0x16d: {  	v21 =	vld [tilespmem:$0x1F7E0];
	[tilespmem:$0x1FD10] =	vst v1;
	v1 =	vsel vm9, v4, v35;
	v59 =	vsel vm7, v4, v42;
	vm9 =	vnez.u8 v15  }
0x16e: {  	v27 =	vld [tilespmem:$0x1F800];
	v16 =	vnsel vm11, $0x0, v30;
	v2 =	vsel vm13, $0x1, v55;
	vm7 =	vnez.u8 v18  }
0x16f: {  	v14 =	vld [tilespmem:$0x4A0];
	v19 =	vnsel vm15, $0x0, v30;
	vm11 =	vmand vm5, vm4;
	vm13 =	vnez.u8 v25  }
0x170: {  	v29 =	vld [tilespmem:$0x1F810];
	v42 =	vimm.s32 $0x0;
	[tilespmem:$0x1FD20] =	vst v1;
	v1 =	vsel vm8, v4, v12;
	v0 =	vsel vm7, v4, v16  }
0x171: {  	vm8 =	vnez.u8 v20;
	v24 =	vnsel vm11, $0x0, v30;
	v12 =	vld [tilespmem:$0x420];
	[tilespmem:$0x1FD30] =	vst v1;
	v1 =	vsel vm9, v4, v13  }
0x172: {  	v9 =	vld [tilespmem:$0x590];
	vm9 =	vnez.u8 v21;
	v63 =	vsel vm13, v4, v24;
	[tilespmem:$0x1FD40] =	vst v1;
	v1 =	vsel vm8, $0x2, v2  }
0x173: {  	v15 =	vld [tilespmem:$0x520];
	[tilespmem:$0x1FD50] =	vst v0;
	v0 =	vsel vm9, v4, v19;
	vm8 =	vnez.u8 v27;
	v22 =	vsel vm12, $0x3, v1  }
0x174: {  	v10 =	vld [tilespmem:$0x610];
	[tilespmem:$0x1FD60] =	vst v0;
	vm12 =	vgt.f32 v8, v23;
	v49 =	vsel vm8, v7, v4;
	v0 =	vsel vm10, $0x4, v22  }
0x175: {  	v16 =	vld [tilespmem:$0x5A0];
	v26 =	vsel vm12, v8, v23;
	vm10 =	vnez.u8 v29;
	v0 =	vsel vm3, $0x5, v0  }
0x176: {  	v29 =	vimm.s32 $0x0;
	v1 =	vpop (erf);
	vm2 =	vgt.f32 v14, v12;
	v0 =	vsel vm6, $0x6, v0  }
0x177: {  	v35 =	vld [tilespmem:$0x1F820];
	v2 =	vsub.f32 $1.000000000e+00, v1;
	v32 =	vsel vm2, v14, v12;
	v3 =	vnsel vm14, $0x7, v0  }
0x178: {  	v11 =	vld [tilespmem:$0x690];
	vm14 =	vgt.f32 v9, v26;
	vm3 =	vgt.f32 v15, v32;
	vm15 =	veq.s32 v3, $0x0  }
0x179: {  	v17 =	vld [tilespmem:$0x620];
	v13 =	vsel vm14, v9, v26;
	v18 =	vsel vm3, v15, v32;
	v26 =	vimm.s32 $0x0  }
0x17a: {  	v0 =	vld [tilespmem:$0x710];
	vm9 =	vgt.f32 v10, v13;
	v28 =	vnsel vm15, $0x0, v2;
	vm13 =	vgt.f32 v16, v18  }
0x17b: {  	v48 =	vsel vm10, v1, v28;
	v30 =	vsel vm9, v10, v13;
	v13 =	vsel vm12, $0x2, v31  }
0x17c: {  	v7 =	vld [tilespmem:$0x790];
	v18 =	vsel vm13, v16, v18;
	vm10 =	vnez.u8 v35;
	v28 =	vimm.s32 $0x0  }
0x17d: {  	v19 =	vld [tilespmem:$0x6A0];
	v35 =	vimm.s32 $0x0;
	vm11 =	vgt.f32 v11, v30;
	v13 =	vsel vm14, $0x3, v13  }
0x17e: {  	vm14 =	veq.s32 v3, $0x1;
	vm15 =	vgt.f32 v17, v18;
	v4 =	vsel vm11, v11, v30  }
0x17f: {  	v13 =	vsel vm9, $0x4, v13;
	v33 =	vnsel vm14, $0x0, v2;
	vm1 =	vgt.f32 v0, v4  }
0x180: {  	v18 =	vsel vm15, v17, v18;
	v30 =	vimm.s32 $0x0;
	v4 =	vsel vm1, v0, v4  }
0x181: {  	v13 =	vsel vm11, $0x5, v13;
	v47 =	vsel vm10, v1, v33;
	vm12 =	vgt.f32 v7, v4  }
0x182: {  	v13 =	vsel vm1, $0x6, v13;
	vm9 =	vmneg vm12;
	vm12 =	vgt.f32 v19, v18  }
0x183: {  	v33 =	vimm.s32 $0x0;
	v13 =	vnsel vm9, $0x7, v13;
	v18 =	vsel vm12, v19, v18  }
0x184: {  	v20 =	vld [tilespmem:$0x720];
	vm1 =	vmand vm1, vm9;
	v4 =	vsel vm9, v4, v7;
	vm11 =	veq.s32 v13, $0x0  }
0x185: {  	vm8 =	veq.s32 v13, $0x2;
	v0 =	vsel vm1, $0xFF800000, v0;
	v21 =	vsel vm11, $0xFFFFFFFF, v39  }
0x186: {  	[tilespmem:$0x1F8A0] =	vst v5;
	v5 =	vsel vm11, $0xFF800000, v41;
	v41 =	vsel vm2, $0x1, v55;
	v24 =	vsel vm8, $0xFFFFFFFF, v44  }
0x187: {  	v45 =	vsel vm8, $0xFF800000, v8;
	vm11 =	veq.s32 v13, $0x3;
	v22 =	vsel vm3, $0x2, v41  }
0x188: {  	vm0 =	vgt.f32 v5, $-Inf;
	v31 =	vsel vm11, $0xFF800000, v9;
	v41 =	vimm.s32 $0x0  }
0x189: {  	v5 =	vnsel vm0, $0xFF800000, v5;
	v22 =	vsel vm13, $0x3, v22;
	vm0 =	vgt.f32 v20, v18  }
0x18a: {  	[tilespmem:$0x1F8F0] =	vst v21;
	v21 =	vld [tilespmem:$0x7A0];
	vm13 =	veq.s32 v13, $0x1;
	v22 =	vsel vm15, $0x4, v22;
	v18 =	vsel vm0, v20, v18  }
0x18b: {  	[tilespmem:$0x1FCE0] =	vst v6;
	v23 =	vsel vm13, $0xFFFFFFFF, v42;
	v6 =	vsel vm13, $0xFF800000, v43;
	vm15 =	veq.s32 v3, $0x2  }
0x18c: {  	v43 =	vimm.s32 $0x0;
	vm13 =	veq.s32 v13, $0x4;
	v42 =	vimm.s32 $0x0  }
0x18d: {  	v22 =	vsel vm12, $0x5, v22;
	vm7 =	vgt.f32 v6, v5;
	v39 =	vsel vm13, $0xFF800000, v10  }
0x18e: {  	[tilespmem:$0x1F900] =	vst v23;
	v22 =	vsel vm0, $0x6, v22;
	v23 =	vsel vm7, $0xFFFFFFFF, v43;
	v5 =	vsel vm7, v6, v5  }
0x18f: {  	vm14 =	vgt.f32 v21, v18;
	[tilespmem:$0x1F860] =	vst v23;
	v23 =	vnsel vm15, $0x0, v2;
	vm10 =	vgt.f32 v45, v5  }
0x190: {  	vm15 =	veq.s32 v13, $0x5;
	vm6 =	vmneg vm14;
	v25 =	vsel vm10, $0xFFFFFFFF, v28  }
0x191: {  	v5 =	vsel vm10, v45, v5;
	v13 =	vsel vm15, $0xFFFFFFFF, v42;
	v43 =	vsel vm15, $0xFF800000, v11  }
0x192: {  	[tilespmem:$0x1F920] =	vst v24;
	v28 =	vimm.s32 $0x0;
	v42 =	vimm.s32 $0x0;
	v8 =	vnsel vm6, $0x7, v22  }
0x193: {  	v24 =	vld [tilespmem:$0x430];
	[tilespmem:$0x1F870] =	vst v25;
	v25 =	vsel vm11, $0xFFFFFFFF, v29;
	vm4 =	vgt.f32 v31, v5;
	v29 =	vnsel vm9, $0xFF800000, v7  }
0x194: {  	v22 =	vld [tilespmem:$0x4B0];
	vm0 =	vmand vm0, vm6;
	vm12 =	veq.s32 v8, $0x0;
	v5 =	vsel vm4, v31, v5  }
0x195: {  	[tilespmem:$0x1F940] =	vst v25;
	v25 =	vsel vm12, $0xFFFFFFFF, v30;
	v32 =	vsel vm12, $0xFF800000, v12;
	v30 =	vimm.s32 $0x0  }
0x196: {  	[tilespmem:$0x1F990] =	vst v25;
	v25 =	vsel vm4, $0xFFFFFFFF, v33;
	vm14 =	vgt.f32 v32, $-Inf;
	vm4 =	vgt.f32 v39, v5  }
0x197: {  	v33 =	vimm.s32 $0x0;
	[tilespmem:$0x1F890] =	vst v25;
	v25 =	vsel vm13, $0xFFFFFFFF, v35;
	v9 =	vnsel vm14, $0xFF800000, v32  }
0x198: {  	v12 =	vld [tilespmem:$0x530];
	v5 =	vsel vm4, v39, v5;
	vm13 =	veq.s32 v8, $0x1;
	v39 =	vimm.s32 $0x0  }
0x199: {  	[tilespmem:$0x1F960] =	vst v25;
	v25 =	vsel vm4, $0xFFFFFFFF, v41;
	vm7 =	vgt.f32 v22, v24;
	vm14 =	vgt.f32 v43, v5  }
0x19a: {  	v7 =	vsel vm13, $0xFFFFFFFF, v30;
	v31 =	vsel vm13, $0xFF800000, v14;
	vm13 =	veq.s32 v8, $0x4  }
0x19b: {  	v30 =	vimm.s32 $0x0;
	v44 =	vsel vm7, v22, v24;
	v45 =	vsel vm7, $0x1, v55  }
0x19c: {  	v10 =	vld [tilespmem:$0x5B0];
	[tilespmem:$0x1F8C0] =	vst v25;
	v25 =	vsel vm1, $0xFFFFFFFF, v28;
	v5 =	vsel vm14, v43, v5;
	vm1 =	vgt.f32 v31, v9  }
0x19d: {  	vm7 =	veq.s32 v8, $0x2;
	v43 =	vimm.s32 $0x0;
	vm8 =	vgt.f32 v12, v44  }
0x19e: {  	vm12 =	vgt.f32 v0, v5;
	v41 =	vsel vm7, $0xFF800000, v15;
	v15 =	vimm.s32 $0x0  }
0x19f: {  	[tilespmem:$0x1F970] =	vst v13;
	v11 =	vsel vm8, v12, v44;
	v13 =	vsel vm8, $0x2, v45;
	v0 =	vsel vm12, v0, v5  }
0x1a0: {  	v6 =	vld [tilespmem:$0x630];
	v5 =	vsel vm1, v31, v9;
	v9 =	vsel vm7, $0xFFFFFFFF, v39;
	v45 =	vimm.s32 $0x0  }
0x1a1: {  	v28 =	vld [tilespmem:$0x1F830];
	vm7 =	veq.s32 v8, $0x5;
	v31 =	vimm.s32 $0x0;
	vm10 =	vgt.f32 v10, v11  }
0x1a2: {  	vm11 =	vgt.f32 v29, v0;
	v27 =	vsel vm7, $0xFF800000, v19;
	v11 =	vsel vm10, v10, v11  }
0x1a3: {  	v13 =	vsel vm10, $0x3, v13;
	vm4 =	vmneg vm11;
	vm10 =	vgt.f32 v41, v5  }
0x1a4: {  	vm11 =	veq.s32 v8, $0x3;
	v8 =	vsel vm7, $0xFFFFFFFF, v26;
	v0 =	vsel vm4, v0, v29  }
0x1a5: {  	[tilespmem:$0x1F980] =	vst v25;
	v25 =	vld [tilespmem:$0x6B0];
	vm15 =	vgt.f32 v6, v11;
	v14 =	vsel vm10, $0xFFFFFFFF, v42;
	v5 =	vsel vm10, v41, v5  }
0x1a6: {  	v44 =	vsel vm11, $0xFF800000, v16;
	v16 =	vsel vm13, $0xFF800000, v17;
	vm10 =	vnez.u8 v28  }
0x1a7: {  	v29 =	vimm.s32 $0x0;
	v41 =	vimm.s32 $0x0;
	v28 =	vimm.s32 $0x0  }
0x1a8: {  	[tilespmem:$0x1F9A0] =	vst v7;
	v0 =	vsub.f32 v0, v4;
	v32 =	vsel vm15, v6, v11;
	v11 =	vsel vm1, $0xFFFFFFFF, v33  }
0x1a9: {  	v7 =	vld [tilespmem:$0x730];
	v35 =	vsel vm15, $0x4, v13;
	[tilespmem:$0x1F930] =	vst v14;
	v14 =	vsel vm11, $0xFFFFFFFF, v43;
	vm1 =	vgt.f32 v44, v5  }
0x1aa: {  	v33 =	vsel vm0, $0xFF800000, v20;
	v20 =	vimm.s32 $0x0;
	vm8 =	vgt.f32 v25, v32  }
0x1ab: {  	v13 =	vld [tilespmem:$0x7B0];
	[tilespmem:$0x1F9C0] =	vst v14;
	v14 =	vsel vm1, v44, v5;
	v5 =	vsel vm13, $0xFFFFFFFF, v15;
	v44 =	vsel vm10, v1, v23  }
0x1ac: {  	[tilespmem:$0x1F910] =	vst v11;
	v23 =	vimm.s32 $0x0;
	v0 =	vmul.f32 $1.442695020e+00, v0;
	v4 =	vsel vm8, v25, v32  }
0x1ad: {  	v11 =	vsel vm8, $0x5, v35;
	[tilespmem:$0x1F9E0] =	vst v5;
	vm8 =	vgt.f32 v16, v14;
	v5 =	vsel vm6, $0xFFFFFFFF, v30  }
0x1ae: {  	vm5 =	vgt.f32 v7, v4;
	[tilespmem:$0x1FA30] =	vst v5;
	v5 =	vsel vm0, $0xFFFFFFFF, v31;
	(erf) = vpow2.f32 v0  }
0x1af: {  	v0 =	vsel vm1, $0xFFFFFFFF, v45;
	v4 =	vsel vm5, v7, v4;
	v17 =	vsel vm5, $0x6, v11  }
0x1b0: {  	v45 =	vimm.s32 $0x0;
	[tilespmem:$0x1F950] =	vst v0;
	vm15 =	vgt.f32 v13, v4;
	v0 =	vsel vm8, v16, v14  }
0x1b1: {  	vm11 =	vmneg vm15;
	vm7 =	vgt.f32 v27, v0;
	vm15 =	vmmov vm6  }
0x1b2: {  	[tilespmem:$0x1FA00] =	vst v8;
	vm6 =	veq.s32 v3, $0x3;
	v8 =	vnsel vm11, $0x7, v17;
	v0 =	vsel vm7, v27, v0  }
0x1b3: {  	v35 =	vnsel vm6, $0x0, v2;
	v39 =	vnsel vm15, $0xFF800000, v21;
	v42 =	vsel vm15, v18, v21  }
0x1b4: {  	v27 =	vimm.s32 $0x0;
	v4 =	vsel vm11, v4, v13;
	vm13 =	veq.s32 v8, $0x0  }
0x1b5: {  	[tilespmem:$0x1F9B0] =	vst v9;
	vm6 =	vgt.f32 v33, v0;
	v9 =	vsel vm13, $0xFFFFFFFF, v29;
	v32 =	vsel vm13, $0xFF800000, v24  }
0x1b6: {  	v0 =	vsel vm6, v33, v0;
	vm13 =	veq.s32 v8, $0x1;
	v24 =	vimm.s32 $0x0  }
0x1b7: {  	vm10 =	vgt.f32 v32, $-Inf;
	v14 =	vsel vm13, $0xFFFFFFFF, v41;
	v43 =	vsel vm13, $0xFF800000, v22  }
0x1b8: {  	[tilespmem:$0x1FA50] =	vst v9;
	vm15 =	vgt.f32 v39, v0;
	vm13 =	veq.s32 v8, $0x2;
	v9 =	vnsel vm11, $0xFF800000, v13  }
0x1b9: {  	[tilespmem:$0x1FA10] =	vst v5;
	v5 =	vnsel vm10, $0xFF800000, v32;
	vm2 =	vmneg vm15;
	v21 =	vsel vm13, $0xFF800000, v12  }
0x1ba: {  	vm15 =	veq.s32 v8, $0x3;
	v32 =	vimm.s32 $0x0;
	vm10 =	vgt.f32 v43, v5  }
0x1bb: {  	v0 =	vsel vm2, v0, v39;
	v10 =	vsel vm15, $0xFF800000, v10;
	v16 =	vsel vm10, $0xFFFFFFFF, v45  }
0x1bc: {  	v29 =	vld [tilespmem:$0x1F840];
	v5 =	vsel vm10, v43, v5;
	v0 =	vsub.f32 v0, v42;
	v22 =	vpop (erf);
	vm10 =	veq.s32 v8, $0x4  }
0x1bd: {  	[tilespmem:$0x1F9D0] =	vst v16;
	v16 =	vsel vm13, $0xFFFFFFFF, v20;
	vm1 =	vgt.f32 v21, v5;
	v26 =	vadd.f32 $1.000000000e+00, v22  }
0x1be: {  	[tilespmem:$0x1FA60] =	vst v14;
	v12 =	vsel vm10, $0xFFFFFFFF, v27;
	v6 =	vsel vm10, $0xFF800000, v6;
	v14 =	vsel vm1, $0xFFFFFFFF, v23  }
0x1bf: {  	v5 =	vsel vm1, v21, v5;
	v0 =	vmul.f32 $1.442695020e+00, v0;
	vm1 =	veq.s32 v8, $0x5  }
0x1c0: {  	v39 =	vld [tilespmem:$0x1F850];
	[tilespmem:$0x1F9F0] =	vst v14;
	v14 =	vsel vm15, $0xFFFFFFFF, v24;
	vm13 =	vgt.f32 v10, v5;
	(erf) = vrcp.f32 v26  }
0x1c1: {  	v41 =	vld [tilespmem:$0x1F860];
	vm15 =	vnez.u8 v29;
	v31 =	vsel vm1, $0xFF800000, v25;
	v5 =	vsel vm13, v10, v5  }
0x1c2: {  	(erf) = vpow2.f32 v0;
	v0 =	vsel vm1, $0xFFFFFFFF, v28;
	v43 =	vsel vm15, v1, v35  }
0x1c3: {  	v13 =	vld [tilespmem:$0x1F8A0];
	vm1 =	vmand vm5, vm11;
	vm15 =	veq.s32 v3, $0x4;
	vm10 =	vgt.f32 v6, v5  }
0x1c4: {  	[tilespmem:$0x1FAE0] =	vst v12;
	v10 =	vld [tilespmem:$0x1F870];
	v33 =	vnsel vm15, $0x0, v2;
	v35 =	vsel vm1, $0xFF800000, v7;
	v30 =	vsel vm10, v6, v5  }
0x1c5: {  	v11 =	vld [tilespmem:$0x1F880];
	[tilespmem:$0x1FAC0] =	vst v14;
	vm15 =	vnez.u8 v39;
	v6 =	vsel vm1, $0xFFFFFFFF, v32;
	vm5 =	vgt.f32 v31, v30  }
0x1c6: {  	v12 =	vld [tilespmem:$0x1F890];
	[tilespmem:$0x1FAF0] =	vst v0;
	v42 =	vsel vm15, v1, v33;
	vm15 =	vnez.u8 v41;
	v0 =	vsel vm5, v31, v30  }
0x1c7: {  	v45 =	vimm.s32 $0x0;
	v14 =	vld [tilespmem:$0x1F8B0];
	[tilespmem:$0x1FB20] =	vst v6;
	v6 =	vsel vm15, $0x1, v55;
	vm15 =	vgt.f32 v35, v0  }
0x1c8: {  	v15 =	vld [tilespmem:$0x1F8C0];
	v7 =	vsel vm15, $0xFFFFFFFF, v45;
	v0 =	vsel vm15, v35, v0;
	vm15 =	veq.s32 v3, $0x5  }
0x1c9: {  	vm1 =	vnez.u8 v13;
	v3 =	vnsel vm15, $0x0, v2;
	vm15 =	vnez.u8 v10  }
0x1ca: {  	v18 =	vld [tilespmem:$0x1F8D0];
	vm0 =	vgt.f32 v9, v0;
	v6 =	vsel vm15, $0x2, v6;
	vm15 =	vnez.u8 v11  }
0x1cb: {  	vm3 =	vmneg vm0;
	v41 =	vsel vm15, v1, v3;
	vm15 =	vnez.u8 v12  }
0x1cc: {  	v26 =	vld [tilespmem:$0x1F8E0];
	v5 =	vpop (erf);
	v0 =	vsel vm3, v0, v9;
	v3 =	vsel vm15, $0x3, v6;
	vm15 =	vnez.u8 v14  }
0x1cd: {  	v30 =	vld [tilespmem:$0x1F900];
	v17 =	vpop (erf);
	v19 =	vsub.f32 $1.000000000e+00, v5;
	vm0 =	vmand vm15, vm1;
	vm15 =	vnez.u8 v15  }
0x1ce: {  	v20 =	vld [tilespmem:$0x1F9A0];
	v0 =	vsub.f32 v0, v4;
	v4 =	vadd.f32 $1.000000000e+00, v17;
	v3 =	vsel vm15, $0x4, v3  }
0x1cf: {  	[tilespmem:$0x1FA90] =	vst v16;
	v16 =	vnsel vm0, $0x0, v2;
	vm15 =	vnez.u8 v18;
	v2 =	vsel vm1, $0x0, v2  }
0x1d0: {  	v29 =	vld [tilespmem:$0x1F8F0];
	v0 =	vmul.f32 $1.442695020e+00, v0;
	(erf) = vrcp.f32 v4;
	v4 =	vsel vm4, $0x0, v19  }
0x1d1: {  	v32 =	vld [tilespmem:$0x1F910];
	v39 =	vsel vm15, v1, v16;
	v3 =	vsel vm14, $0x5, v3;
	vm14 =	vnez.u8 v26  }
0x1d2: {  	v35 =	vld [tilespmem:$0x1F920];
	vm15 =	vnez.u8 v30;
	v22 =	vsel vm9, v4, v5;
	v3 =	vsel vm12, $0x6, v3  }
0x1d3: {  	v45 =	vld [tilespmem:$0x1F930];
	vm9 =	vnez.u8 v20;
	(erf) = vpow2.f32 v0;
	v3 =	vnsel vm4, $0x7, v3  }
0x1d4: {  	[tilespmem:$0x1FA20] =	vst v7;
	v7 =	vld [tilespmem:$0x1F940];
	v23 =	vsel vm14, v2, v1;
	vm0 =	veq.s32 v3, $0x0;
	vm1 =	veq.s32 v3, $0x1  }
0x1d5: {  	v8 =	vld [tilespmem:$0x1F950];
	vm14 =	vnez.u8 v29;
	v27 =	vnsel vm0, $0x0, v19;
	v28 =	vnsel vm1, $0x0, v19  }
0x1d6: {  	vm0 =	veq.s32 v3, $0x3;
	v25 =	vsel vm14, v5, v27;
	v33 =	vsel vm15, v5, v28  }
0x1d7: {  	v10 =	vld [tilespmem:$0x1F960];
	vm14 =	veq.s32 v3, $0x2;
	vm15 =	vnez.u8 v32;
	v6 =	vnsel vm0, $0x0, v19  }
0x1d8: {  	v12 =	vld [tilespmem:$0x1F970];
	v31 =	vnsel vm14, $0x0, v19;
	v1 =	vsel vm15, $0x1, v55;
	vm14 =	vnez.u8 v35  }
0x1d9: {  	v17 =	vld [tilespmem:$0x1F990];
	vm15 =	vnez.u8 v45;
	v31 =	vsel vm14, v5, v31;
	vm14 =	vnez.u8 v7  }
0x1da: {  	v0 =	vsel vm15, $0x2, v1;
	vm15 =	vnez.u8 v8;
	v32 =	vsel vm14, v5, v6  }
0x1db: {  	v15 =	vld [tilespmem:$0x1F980];
	v0 =	vsel vm15, $0x3, v0;
	vm14 =	veq.s32 v3, $0x4;
	vm15 =	veq.s32 v3, $0x5  }
0x1dc: {  	v45 =	vld [tilespmem:$0x1F9D0];
	v9 =	vnsel vm14, $0x0, v19;
	v0 =	vsel vm8, $0x4, v0;
	vm8 =	vnez.u8 v10  }
0x1dd: {  	v11 =	vnsel vm15, $0x0, v19;
	vm14 =	vnez.u8 v12;
	vm15 =	vmand vm12, vm4  }
0x1de: {  	v4 =	vld [tilespmem:$0x440];
	v1 =	vpop (erf);
	vm12 =	vnez.u8 v17;
	v29 =	vsel vm8, v5, v9;
	v0 =	vsel vm7, $0x5, v0  }
0x1df: {  	v27 =	vld [tilespmem:$0x1F9B0];
	v30 =	vsel vm14, v5, v11;
	v13 =	vnsel vm15, $0x0, v19;
	v3 =	vsub.f32 $1.000000000e+00, v1;
	v14 =	vpop (erf)  }
0x1e0: {  	v28 =	vld [tilespmem:$0x1F9C0];
	vm8 =	vnez.u8 v15;
	v0 =	vsel vm6, $0x6, v0;
	v6 =	vadd.f32 $1.000000000e+00, v14  }
0x1e1: {  	v10 =	vld [tilespmem:$0x1F9F0];
	v18 =	vsel vm8, v5, v13;
	vm4 =	vnez.u8 v45;
	v0 =	vnsel vm2, $0x7, v0  }
0x1e2: {  	v8 =	vld [tilespmem:$0x1F9E0];
	v5 =	vsel vm4, $0x1, v55;
	vm7 =	veq.s32 v0, $0x0;
	(erf) = vrcp.f32 v6  }
0x1e3: {  	v7 =	vld [tilespmem:$0x540];
	vm14 =	veq.s32 v0, $0x1;
	vm15 =	veq.s32 v0, $0x2;
	vm8 =	veq.s32 v0, $0x3  }
0x1e4: {  	v6 =	vld [tilespmem:$0x4C0];
	v16 =	vnsel vm7, $0x0, v3;
	v19 =	vnsel vm14, $0x0, v3;
	v21 =	vnsel vm15, $0x0, v3  }
0x1e5: {  	v17 =	vld [tilespmem:$0x1FA30];
	v24 =	vnsel vm8, $0x0, v3;
	vm14 =	vnez.u8 v28;
	vm15 =	veq.s32 v0, $0x4  }
0x1e6: {  	v11 =	vld [tilespmem:$0x1FA00];
	vm7 =	veq.s32 v0, $0x5;
	v20 =	vsel vm9, v1, v19;
	vm9 =	vnez.u8 v10  }
0x1e7: {  	v14 =	vld [tilespmem:$0x1FA10];
	vm8 =	vnez.u8 v8;
	v26 =	vsel vm12, v1, v16;
	v2 =	vsel vm9, $0x2, v5  }
0x1e8: {  	vm12 =	vnez.u8 v27;
	v27 =	vsel vm14, v1, v24;
	v12 =	vsel vm13, $0x3, v2;
	v2 =	vld [tilespmem:$0x5C0]  }
0x1e9: {  	v35 =	vnsel vm15, $0x0, v3;
	v9 =	vnsel vm7, $0x0, v3;
	vm15 =	vgt.f32 v6, v4  }
0x1ea: {  	vm14 =	vmand vm6, vm2;
	v21 =	vsel vm12, v1, v21;
	v5 =	vld [tilespmem:$0x640];
	v15 =	vsel vm15, v6, v4  }
0x1eb: {  	v16 =	vld [tilespmem:$0x1FA20];
	v24 =	vsel vm8, v1, v35;
	vm12 =	vnez.u8 v11;
	vm8 =	vgt.f32 v7, v15  }
0x1ec: {  	v13 =	vnsel vm14, $0x0, v3;
	vm7 =	vnez.u8 v14;
	v8 =	vsel vm8, v7, v15  }
0x1ed: {  	v3 =	vsel vm2, $0x0, v3;
	vm9 =	vnez.u8 v17;
	vm4 =	vgt.f32 v2, v8  }
0x1ee: {  	v28 =	vsel vm12, v1, v9;
	v0 =	vsel vm10, $0x4, v12;
	v12 =	vsel vm4, v2, v8  }
0x1ef: {  	[tilespmem:$0x980] =	vst v46;
	v46 =	vld [tilespmem:$0x1FA60];
	v19 =	vsel vm7, v1, v13;
	v17 =	vsel vm9, v3, v1;
	vm1 =	vgt.f32 v5, v12  }
0x1f0: {  	v0 =	vsel vm5, $0x5, v0;
	vm10 =	vnez.u8 v16;
	v1 =	vsel vm1, v5, v12;
	v12 =	vld [tilespmem:$0x1FA90]  }
0x1f1: {  	v0 =	vsel vm10, $0x6, v0;
	v35 =	vpop (erf)  }
0x1f2: {  	v0 =	vnsel vm3, $0x7, v0;
	v45 =	vsub.f32 $1.000000000e+00, v35  }
0x1f3: {  	v14 =	vsel vm15, $0x1, v55;
	vm14 =	veq.s32 v0, $0x1  }
0x1f4: {  	[tilespmem:$0x900] =	vst v52;
	vm15 =	veq.s32 v0, $0x2;
	v52 =	vnsel vm14, $0x0, v45;
	vm14 =	vnez.u8 v46  }
0x1f5: {  	v15 =	vsel vm14, v35, v52;
	v52 =	vnsel vm15, $0x0, v45;
	vm15 =	vnez.u8 v12;
	v12 =	vld [tilespmem:$0x1FAE0];
	_ =	sdelay $0x2  }
0x1f6: {  	v16 =	vld [tilespmem:$0x1FA50];
	vm12 =	veq.s32 v0, $0x0  }
0x1f7: {  	[tilespmem:$0x880] =	vst v50;
	v9 =	vld [tilespmem:$0x6C0];
	v50 =	vsel vm8, $0x2, v14;
	v13 =	vnsel vm12, $0x0, v45;
	vm12 =	veq.s32 v0, $0x4  }
0x1f8: {  	v8 =	vld [tilespmem:$0x740];
	v14 =	vsel vm15, v35, v52;
	v52 =	vnsel vm12, $0x0, v45;
	vm12 =	vnez.u8 v12  }
0x1f9: {  	v12 =	vsel vm12, v35, v52;
	v52 =	vld [tilespmem:$0x1FB00];
	_ =	sdelay $0x1  }
0x1fa: {  	v10 =	vld [tilespmem:$0x7C0];
	vm13 =	vnez.u8 v16  }
0x1fb: {  	[tilespmem:$0xA00] =	vst v53;
	v16 =	vsel vm13, v35, v13;
	vm13 =	vgt.f32 v9, v1  }
0x1fc: {  	[tilespmem:$0xA80] =	vst v51;
	v51 =	vld [tilespmem:$0x1FA70];
	v53 =	vsel vm13, v9, v1  }
0x1fd: {  	vm5 =	veq.s32 v0, $0x3;
	v50 =	vsel vm4, $0x3, v50;
	vm0 =	vgt.f32 v8, v53;
	[tilespmem:$0xA10] =	vst v52;
	v52 =	vld [tilespmem:$0x1FB30]  }
0x1fe: {  	vm8 =	veq.s32 v0, $0x5;
	v1 =	vsel vm1, $0x4, v50;
	v0 =	vsel vm0, v8, v53  }
0x1ff: {  	v1 =	vsel vm13, $0x5, v1;
	vm4 =	vgt.f32 v10, v0  }
0x200: {  	[tilespmem:$0x990] =	vst v54;
	v1 =	vsel vm0, $0x6, v1;
	vm9 =	vmneg vm4  }
0x201: {  	v54 =	vld [tilespmem:$0x1FB10];
	[tilespmem:$0xB00] =	vst v51;
	v1 =	vnsel vm9, $0x7, v1  }
0x202: {  	v51 =	vld [tilespmem:$0x1FAC0];
	vm12 =	veq.s32 v1, $0x2;
	[tilespmem:$0xB10] =	vst v52;
	v52 =	vimm.s32 $0x0  }
0x203: {  	v52 =	vsel vm12, $0xFFFFFFFF, v52  }
0x204: {  	[tilespmem:$0x1FD90] =	vst v52;
	v52 =	vld [tilespmem:$0x1FB40];
	_ =	sdelay $0x1  }
0x205: {  	[tilespmem:$0xA90] =	vst v54;
	v54 =	vld [tilespmem:$0x1FB20]  }
0x206: {  	vm7 =	vnez.u8 v51;
	v51 =	vld [tilespmem:$0x1FAF0]  }
0x207: {  	v13 =	vld [tilespmem:$0x1FAA0]  }
0x208: {  	[tilespmem:$0xB90] =	vst v52;
	v52 =	vld [tilespmem:$0x1FB60]  }
0x209: {  	v53 =	vld [tilespmem:$0x1FA80]  }
0x20a: {  	v50 =	vld [tilespmem:$0x1FAB0]  }
0x20b: {  	v11 =	vld [tilespmem:$0x1FA40]  }
0x20c: {  	v46 =	vnsel vm5, $0x0, v45;
	[tilespmem:$0x810] =	vst v13  }
0x20d: {  	vm14 =	vnez.u8 v51;
	v13 =	vsel vm7, v35, v46;
	[tilespmem:$0x8A0] =	vst v52;
	v52 =	vld [tilespmem:$0x1FB70]  }
0x20e: {  	v46 =	vimm.s32 $0x0;
	vm15 =	vmand vm10, vm3;
	vm10 =	vnez.u8 v54;
	[tilespmem:$0xB80] =	vst v53;
	v53 =	vld [tilespmem:$0x1FAD0]  }
0x20f: {  	v54 =	vimm.s32 $0x0;
	[tilespmem:$0x890] =	vst v50;
	v50 =	vnsel vm8, $0x0, v45;
	vm13 =	veq.s32 v1, $0x0  }
0x210: {  	[tilespmem:$0x800] =	vst v11;
	v11 =	vsel vm14, v35, v50;
	v3 =	vsel vm13, $0xFFFFFFFF, v46;
	v4 =	vsel vm13, $0xFF800000, v4  }
0x211: {  	v51 =	vld [tilespmem:$0x550];
	vm8 =	veq.s32 v1, $0x1;
	vm14 =	veq.s32 v1, $0x4;
	[tilespmem:$0x1FD70] =	vst v3;
	vm2 =	vgt.f32 v4, $-Inf  }
0x212: {  	v50 =	vld [tilespmem:$0x4D0];
	v6 =	vsel vm8, $0xFF800000, v6;
	v4 =	vnsel vm2, $0xFF800000, v4;
	[tilespmem:$0x920] =	vst v52;
	v52 =	vimm.s32 $0x0  }
0x213: {  	v46 =	vld [tilespmem:$0x450];
	vm2 =	vgt.f32 v6, v4;
	[tilespmem:$0x910] =	vst v53;
	v53 =	vimm.s32 $0x0;
	v52 =	vsel vm14, $0xFFFFFFFF, v52  }
0x214: {  	vm13 =	veq.s32 v1, $0x3;
	v4 =	vsel vm2, v6, v4;
	v3 =	vsel vm8, $0xFFFFFFFF, v53;
	[tilespmem:$0x1FDB0] =	vst v52;
	v52 =	vld [tilespmem:$0x1FB80]  }
0x215: {  	v6 =	vsel vm12, $0xFF800000, v7;
	v53 =	vld [tilespmem:$0x1FB50];
	[tilespmem:$0x1FD80] =	vst v3;
	v3 =	vnsel vm15, $0x0, v45;
	v45 =	vsel vm3, $0x0, v45  }
0x216: {  	v3 =	vsel vm10, v35, v3;
	v35 =	vsel vm11, v45, v35;
	v45 =	vsel vm13, $0xFFFFFFFF, v54;
	v54 =	vld [tilespmem:$0x1FBA0]  }
0x217: {  	v7 =	vld [tilespmem:$0x5D0];
	vm3 =	vgt.f32 v6, v4  }
0x218: {  	v2 =	vsel vm13, $0xFF800000, v2;
	vm1 =	vgt.f32 v50, v46;
	v4 =	vsel vm3, v6, v4;
	[tilespmem:$0x1FDA0] =	vst v45  }
0x219: {  	vm0 =	vmand vm0, vm9;
	v45 =	vsel vm1, v50, v46;
	vm4 =	vgt.f32 v2, v4;
	[tilespmem:$0x9A0] =	vst v52;
	v52 =	vld [tilespmem:$0x1FB90]  }
0x21a: {  	v8 =	vsel vm0, $0xFF800000, v8;
	v6 =	vld [tilespmem:$0x650];
	vm15 =	vgt.f32 v51, v45;
	v2 =	vsel vm4, v2, v4;
	[tilespmem:$0x820] =	vst v53  }
0x21b: {  	v4 =	vsel vm14, $0xFF800000, v5;
	v5 =	vsel vm15, v51, v45;
	v53 =	vimm.s32 $0x0;
	[tilespmem:$0xAA0] =	vst v54;
	v54 =	vld [tilespmem:$0x1FBB0]  }
0x21c: {  	v45 =	vld [tilespmem:$0x6D0];
	vm5 =	vgt.f32 v4, v2;
	vm13 =	vgt.f32 v7, v5;
	vm12 =	veq.s32 v1, $0x5  }
0x21d: {  	[tilespmem:$0x930] =	vst v40;
	v1 =	vsel vm12, $0xFFFFFFFF, v53;
	v53 =	vsel vm12, $0xFF800000, v9;
	v9 =	vsel vm1, $0x1, v55  }
0x21e: {  	v9 =	vsel vm15, $0x2, v9;
	[tilespmem:$0xA20] =	vst v52;
	v52 =	vsel vm5, v4, v2;
	v4 =	vsel vm13, v7, v5  }
0x21f: {  	[tilespmem:$0x1FDF0] =	vst v1;
	v9 =	vsel vm13, $0x3, v9;
	vm6 =	vgt.f32 v53, v52;
	vm14 =	vgt.f32 v6, v4  }
0x220: {  	v40 =	vld [tilespmem:$0x1FBE0];
	[tilespmem:$0xB20] =	vst v54;
	v1 =	vsel vm6, v53, v52;
	v52 =	vimm.s32 $0x0;
	v54 =	vsel vm14, v6, v4  }
0x221: {  	v5 =	vld [tilespmem:$0x750];
	v53 =	vimm.s32 $0x0;
	v2 =	vsel vm9, $0xFFFFFFFF, v52;
	vm15 =	vgt.f32 v45, v54  }
0x222: {  	v4 =	vld [tilespmem:$0x7D0];
	vm8 =	vgt.f32 v8, v1;
	[tilespmem:$0x1FE40] =	vst v2;
	v2 =	vsel vm0, $0xFFFFFFFF, v53;
	v53 =	vsel vm14, $0x4, v9  }
0x223: {  	v1 =	vsel vm8, v8, v1;
	v8 =	vsel vm15, $0x5, v53;
	v53 =	vld [tilespmem:$0x1FBF0]  }
0x224: {  	v52 =	vld [tilespmem:$0x1FBC0]  }
0x225: {  	[tilespmem:$0x1FE30] =	vst v2;
	v2 =	vsel vm15, v45, v54;
	v54 =	vld [tilespmem:$0x1FBD0]  }
0x226: {  	[tilespmem:$0xA30] =	vst v40;
	v40 =	vld [tilespmem:$0x1FC10]  }
0x227: {  	vm1 =	vgt.f32 v5, v2  }
0x228: {  	v2 =	vsel vm1, v5, v2;
	[tilespmem:$0xAB0] =	vst v53;
	v53 =	vld [tilespmem:$0x1FC00]  }
0x229: {  	v8 =	vsel vm1, $0x6, v8;
	[tilespmem:$0x8B0] =	vst v52;
	v52 =	vsel vm9, v0, v10;
	vm12 =	vgt.f32 v4, v2  }
0x22a: {  	v0 =	vnsel vm9, $0xFF800000, v10;
	vm7 =	vmneg vm12;
	[tilespmem:$0x9B0] =	vst v54;
	v54 =	vsel vm2, $0x1, v55  }
0x22b: {  	[tilespmem:$0x840] =	vst v40;
	v40 =	vld [tilespmem:$0x1FC20];
	vm13 =	vgt.f32 v0, v1;
	v8 =	vnsel vm7, $0x7, v8;
	v10 =	vsel vm3, $0x2, v54  }
0x22c: {  	[tilespmem:$0xBA0] =	vst v36;
	vm9 =	vmneg vm13;
	vm14 =	veq.s32 v8, $0x0;
	v54 =	vsel vm4, $0x3, v10  }
0x22d: {  	[tilespmem:$0xB30] =	vst v53;
	v53 =	vsel vm9, v1, v0;
	v1 =	vsel vm5, $0x4, v54;
	v54 =	vsel vm14, $0xFF800000, v46  }
0x22e: {  	[tilespmem:$0x830] =	vst v37;
	v36 =	vld [tilespmem:$0x4E0];
	vm10 =	vgt.f32 v54, $-Inf  }
0x22f: {  	[tilespmem:$0xBB0] =	vst v34;
	v9 =	vld [tilespmem:$0x460];
	vm11 =	veq.s32 v8, $0x1;
	v10 =	vnsel vm10, $0xFF800000, v54;
	v54 =	vimm.s32 $0x0  }
0x230: {  	[tilespmem:$0x940] =	vst v40;
	v40 =	vsel vm11, $0xFFFFFFFF, v54;
	v54 =	vld [tilespmem:$0x1FC40]  }
0x231: {  	[tilespmem:$0x1FE60] =	vst v40;
	v40 =	vld [tilespmem:$0x1FC30]  }
0x232: {  	v34 =	vimm.s32 $0x0;
	[tilespmem:$0x8C0] =	vst v38  }
0x233: {  	v37 =	vld [tilespmem:$0x560];
	[tilespmem:$0xBE0] =	vst v56;
	v0 =	vsel vm14, $0xFFFFFFFF, v34  }
0x234: {  	v46 =	vsel vm11, $0xFF800000, v50;
	[tilespmem:$0x1FE50] =	vst v0  }
0x235: {  	v0 =	vld [tilespmem:$0x5E0];
	vm3 =	vgt.f32 v46, v10;
	[tilespmem:$0xA40] =	vst v54;
	v54 =	vimm.s32 $0x0  }
0x236: {  	v38 =	vld [tilespmem:$0x660];
	vm15 =	vgt.f32 v36, v9;
	[tilespmem:$0x9C0] =	vst v40;
	v40 =	vsel vm3, $0xFFFFFFFF, v54  }
0x237: {  	vm14 =	veq.s32 v8, $0x2;
	v34 =	vsel vm6, $0x5, v1;
	v1 =	vsel vm15, v36, v9;
	[tilespmem:$0x1FDC0] =	vst v40;
	v40 =	vld [tilespmem:$0x1FC50]  }
0x238: {  	[tilespmem:$0xBD0] =	vst v62;
	vm12 =	vgt.f32 v37, v1;
	v10 =	vsel vm3, v46, v10;
	v46 =	vsel vm14, $0xFF800000, v51;
	v51 =	vld [tilespmem:$0x1FC70]  }
0x239: {  	[tilespmem:$0x860] =	vst v60;
	v50 =	vsel vm12, v37, v1  }
0x23a: {  	[tilespmem:$0x960] =	vst v57;
	v1 =	vsel vm15, $0x1, v55;
	vm13 =	vgt.f32 v0, v50  }
0x23b: {  	[tilespmem:$0xA60] =	vst v58;
	v50 =	vsel vm13, v0, v50;
	v54 =	vsel vm12, $0x2, v1  }
0x23c: {  	vm15 =	vgt.f32 v38, v50;
	v54 =	vsel vm13, $0x3, v54;
	[tilespmem:$0xAC0] =	vst v40;
	v40 =	vimm.s32 $0x0  }
0x23d: {  	[tilespmem:$0xBC0] =	vst v51;
	v51 =	vsub.f32 v53, v52;
	v52 =	vsel vm15, $0x4, v54;
	v54 =	vld [tilespmem:$0x1FC80];
	v40 =	vsel vm14, $0xFFFFFFFF, v40  }
0x23e: {  	[tilespmem:$0x1FE70] =	vst v40;
	v40 =	vld [tilespmem:$0x1FC60]  }
0x23f: {  	[tilespmem:$0x8F0] =	vst v59  }
0x240: {  	v56 =	vld [tilespmem:$0x1FD30];
	[tilespmem:$0xB70] =	vst v63  }
0x241: {  	[tilespmem:$0xBF0] =	vst v49  }
0x242: {  	vm4 =	vgt.f32 v46, v10;
	v53 =	vimm.s32 $0x0;
	[tilespmem:$0x850] =	vst v54;
	v54 =	vld [tilespmem:$0x1FC90]  }
0x243: {  	vm5 =	veq.s32 v8, $0x3;
	[tilespmem:$0xB40] =	vst v40;
	v40 =	vsel vm4, $0xFFFFFFFF, v53;
	v53 =	vimm.s32 $0x0  }
0x244: {  	[tilespmem:$0x1FDD0] =	vst v40;
	v40 =	vsel vm5, $0xFFFFFFFF, v53;
	v53 =	vld [tilespmem:$0x1FCA0]  }
0x245: {  	[tilespmem:$0x970] =	vst v56  }
0x246: {  	v60 =	vimm.s32 $0x0;
	[tilespmem:$0xD00] =	vst v44;
	v7 =	vsel vm5, $0xFF800000, v7;
	v10 =	vsel vm4, v46, v10  }
0x247: {  	v57 =	vimm.s32 $0x0;
	vm11 =	veq.s32 v8, $0x4;
	vm10 =	vgt.f32 v7, v10;
	[tilespmem:$0x8D0] =	vst v54;
	v54 =	vld [tilespmem:$0x1FCC0]  }
0x248: {  	[tilespmem:$0xD80] =	vst v43;
	v6 =	vsel vm11, $0xFF800000, v6;
	v7 =	vsel vm10, v7, v10;
	vm12 =	veq.s32 v8, $0x5  }
0x249: {  	v46 =	vld [tilespmem:$0x760];
	vm2 =	vgt.f32 v6, v7;
	v51 =	vmul.f32 $1.442695020e+00, v51;
	[tilespmem:$0x950] =	vst v53;
	v53 =	vimm.s32 $0x0  }
0x24a: {  	[tilespmem:$0xF90] =	vst v22;
	v6 =	vsel vm2, v6, v7;
	v7 =	vsel vm12, $0xFF800000, v45;
	v45 =	vld [tilespmem:$0x1FCE0];
	v53 =	vsel vm10, $0xFFFFFFFF, v53  }
0x24b: {  	v59 =	vimm.s32 $0x0;
	v1 =	vld [tilespmem:$0x6E0];
	(erf) = vpow2.f32 v51;
	[tilespmem:$0x1FDE0] =	vst v53;
	v53 =	vimm.s32 $0x0  }
0x24c: {  	v63 =	vimm.s32 $0x0;
	v51 =	vimm.s32 $0x0;
	[tilespmem:$0xA50] =	vst v54;
	v54 =	vld [tilespmem:$0x1FCD0];
	v53 =	vsel vm11, $0xFFFFFFFF, v53  }
0x24d: {  	v49 =	vimm.s32 $0x0;
	v56 =	vimm.s32 $0x0;
	v8 =	vsel vm12, $0xFFFFFFFF, v51;
	[tilespmem:$0x1FEB0] =	vst v53;
	v53 =	vld [tilespmem:$0x1FCB0]  }
0x24e: {  	v44 =	vimm.s32 $0x0;
	v43 =	vimm.s32 $0x0;
	v22 =	vimm.s32 $0x0;
	[tilespmem:$0x1FEE0] =	vst v8  }
0x24f: {  	vm1 =	vmand vm1, vm7;
	v2 =	vsel vm7, v2, v4;
	v50 =	vsel vm15, v38, v50;
	[tilespmem:$0xB50] =	vst v45  }
0x250: {  	v5 =	vsel vm1, $0xFF800000, v5;
	vm6 =	vgt.f32 v1, v50;
	v51 =	vimm.s32 $0x0;
	[tilespmem:$0x1FE90] =	vst v40  }
0x251: {  	v62 =	vld [tilespmem:$0x1FCF0];
	v50 =	vsel vm6, v1, v50;
	v52 =	vsel vm6, $0x5, v52;
	v10 =	vsel vm7, $0xFFFFFFFF, v51;
	[tilespmem:$0xAD0] =	vst v54  }
0x252: {  	vm0 =	vgt.f32 v46, v50;
	v40 =	vld [tilespmem:$0x7E0];
	v54 =	vimm.s32 $0x0;
	[tilespmem:$0x9D0] =	vst v53;
	v53 =	vimm.s32 $0x0  }
0x253: {  	[tilespmem:$0x1FF00] =	vst v10;
	v8 =	vsel vm2, $0xFFFFFFFF, v53;
	v53 =	vimm.s32 $0x0;
	vm2 =	vgt.f32 v7, v6  }
0x254: {  	v45 =	vld [tilespmem:$0x4F0];
	v58 =	vpop (erf);
	[tilespmem:$0x1FE00] =	vst v8;
	v10 =	vsel vm1, $0xFFFFFFFF, v53;
	v6 =	vsel vm2, v7, v6;
	v7 =	vsel vm0, $0x6, v52  }
0x255: {  	v8 =	vld [tilespmem:$0x470];
	v52 =	vadd.f32 $1.000000000e+00, v58;
	v58 =	vimm.s32 $0x0;
	[tilespmem:$0x1FEF0] =	vst v10;
	v10 =	vsel vm0, v46, v50  }
0x256: {  	v50 =	vsel vm2, $0xFFFFFFFF, v54;
	vm14 =	vgt.f32 v5, v6;
	v54 =	vnsel vm7, $0xFF800000, v4  }
0x257: {  	[tilespmem:$0x8E0] =	vst v62;
	vm13 =	vgt.f32 v40, v10;
	v51 =	vsel vm14, $0xFFFFFFFF, v60;
	v5 =	vsel vm14, v5, v6  }
0x258: {  	[tilespmem:$0xB60] =	vst v61;
	v61 =	vld [tilespmem:$0x1FD20];
	(erf) = vrcp.f32 v52;
	vm10 =	vmneg vm13;
	vm1 =	vgt.f32 v54, v5  }
0x259: {  	[tilespmem:$0x1FE10] =	vst v50;
	v50 =	vld [tilespmem:$0x570];
	v7 =	vnsel vm10, $0x7, v7;
	vm6 =	vmneg vm1;
	vm0 =	vmand vm0, vm10  }
0x25a: {  	[tilespmem:$0xC00] =	vst v48;
	v60 =	vld [tilespmem:$0x1FD00];
	v48 =	vnsel vm10, $0xFF800000, v40;
	vm15 =	veq.s32 v7, $0x0;
	vm7 =	vgt.f32 v45, v8  }
0x25b: {  	[tilespmem:$0xC80] =	vst v47;
	v5 =	vsel vm6, v5, v54;
	vm13 =	veq.s32 v7, $0x1;
	vm5 =	veq.s32 v7, $0x2  }
0x25c: {  	v4 =	vld [tilespmem:$0x5F0];
	[tilespmem:$0x1FE20] =	vst v51;
	v47 =	vsel vm0, $0xFF800000, v46;
	v51 =	vsel vm15, $0xFFFFFFFF, v57;
	v9 =	vsel vm15, $0xFF800000, v9  }
0x25d: {  	[tilespmem:$0x870] =	vst v61;
	v62 =	vsel vm7, v45, v8;
	v2 =	vsub.f32 v5, v2;
	v36 =	vsel vm13, $0xFF800000, v36  }
0x25e: {  	v61 =	vsel vm5, $0xFF800000, v37;
	[tilespmem:$0x1FF10] =	vst v51;
	vm2 =	vgt.f32 v9, $-Inf;
	vm11 =	vgt.f32 v50, v62  }
0x25f: {  	[tilespmem:$0x9E0] =	vst v60;
	v60 =	vsel vm7, $0x1, v55;
	v9 =	vnsel vm2, $0xFF800000, v9;
	v51 =	vsel vm11, v50, v62  }
0x260: {  	v6 =	vld [tilespmem:$0x670];
	v5 =	vsel vm11, $0x2, v60;
	v2 =	vmul.f32 $1.442695020e+00, v2;
	v62 =	vimm.s32 $0x0  }
0x261: {  	v57 =	vld [tilespmem:$0x1FD10];
	vm11 =	veq.s32 v7, $0x3;
	vm12 =	vgt.f32 v4, v51;
	v52 =	vsel vm13, $0xFFFFFFFF, v62  }
0x262: {  	vm15 =	vgt.f32 v36, v9;
	v0 =	vsel vm11, $0xFF800000, v0;
	v51 =	vsel vm12, v4, v51  }
0x263: {  	v53 =	vld [tilespmem:$0x6F0];
	v5 =	vsel vm12, $0x3, v5;
	(erf) = vpow2.f32 v2;
	v54 =	vsel vm15, $0xFFFFFFFF, v58  }
0x264: {  	v60 =	vld [tilespmem:$0x1FD50];
	v9 =	vsel vm15, v36, v9;
	v58 =	vimm.s32 $0x0;
	vm12 =	veq.s32 v7, $0x4  }
0x265: {  	v2 =	vld [tilespmem:$0x770];
	vm15 =	veq.s32 v7, $0x5;
	vm14 =	vgt.f32 v6, v51;
	[tilespmem:$0x1FE80] =	vst v54;
	v54 =	vsel vm5, $0xFFFFFFFF, v59  }
0x266: {  	[tilespmem:$0xAE0] =	vst v57;
	v57 =	vld [tilespmem:$0x1FD40];
	vm2 =	vgt.f32 v61, v9;
	v59 =	vimm.s32 $0x0;
	v7 =	vsel vm15, $0xFFFFFFFF, v63  }
0x267: {  	v1 =	vsel vm15, $0xFF800000, v1;
	v51 =	vsel vm14, v6, v51;
	v5 =	vsel vm14, $0x4, v5  }
0x268: {  	[tilespmem:$0x1FF20] =	vst v52;
	v9 =	vsel vm2, v61, v9;
	v61 =	vimm.s32 $0x0;
	vm7 =	vgt.f32 v53, v51  }
0x269: {  	v52 =	vld [tilespmem:$0x7F0];
	[tilespmem:$0xA70] =	vst v60;
	v60 =	vsel vm12, $0xFF800000, v38;
	v62 =	vsel vm7, v53, v51;
	v5 =	vsel vm7, $0x5, v5  }
0x26a: {  	v51 =	vsel vm2, $0xFFFFFFFF, v56;
	vm2 =	vgt.f32 v0, v9;
	v56 =	vimm.s32 $0x0  }
0x26b: {  	vm3 =	vgt.f32 v2, v62;
	v37 =	vsel vm2, $0xFFFFFFFF, v58;
	v0 =	vsel vm2, v0, v9;
	[tilespmem:$0x9F0] =	vst v57  }
0x26c: {  	v57 =	vimm.s32 $0x0;
	v36 =	vsel vm3, v2, v62;
	[tilespmem:$0x1FEC0] =	vst v37;
	v37 =	vsel vm12, $0xFFFFFFFF, v59  }
0x26d: {  	[tilespmem:$0x1FEA0] =	vst v51;
	v5 =	vsel vm3, $0x6, v5;
	vm14 =	vgt.f32 v60, v0;
	v51 =	vsel vm11, $0xFFFFFFFF, v57  }
0x26e: {  	[tilespmem:$0xE10] =	vst v29;
	vm13 =	vgt.f32 v52, v36;
	v38 =	vsel vm14, $0xFFFFFFFF, v61;
	v0 =	vsel vm14, v60, v0  }
0x26f: {  	[tilespmem:$0x1FF40] =	vst v54;
	v57 =	vimm.s32 $0x0;
	v60 =	vimm.s32 $0x0;
	v61 =	vsel vm8, $0x6, v34  }
0x270: {  	v54 =	vld [tilespmem:$0x1FD60];
	[tilespmem:$0x1FF50] =	vst v51;
	vm5 =	vmneg vm13;
	vm14 =	vgt.f32 v1, v0;
	v51 =	vsel vm10, v10, v40  }
0x271: {  	[tilespmem:$0x1FF60] =	vst v37;
	v37 =	vpop (erf);
	v5 =	vnsel vm5, $0x7, v5;
	v0 =	vsel vm14, v1, v0;
	v29 =	vnsel vm5, $0xFF800000, v52  }
0x272: {  	[tilespmem:$0xCA0] =	vst v20;
	v36 =	vsel vm5, v36, v52;
	v62 =	vpop (erf);
	vm4 =	veq.s32 v5, $0x0;
	vm11 =	veq.s32 v5, $0x1  }
0x273: {  	v20 =	vld [tilespmem:$0x1FD70];
	[tilespmem:$0x1FED0] =	vst v38;
	vm15 =	veq.s32 v5, $0x2;
	v63 =	vsub.f32 $1.000000000e+00, v37;
	v38 =	vadd.f32 $1.000000000e+00, v62  }
0x274: {  	[tilespmem:$0x1FF70] =	vst v7;
	v9 =	vsel vm4, $0xFFFFFFFF, v43;
	v8 =	vsel vm4, $0xFF800000, v8;
	v7 =	vsel vm11, $0xFFFFFFFF, v49  }
0x275: {  	[tilespmem:$0xAF0] =	vst v54;
	v54 =	vsel vm11, $0xFF800000, v45;
	v59 =	vsel vm15, $0xFF800000, v50;
	vm11 =	veq.s32 v5, $0x3  }
0x276: {  	v62 =	vimm.s32 $0x0;
	[tilespmem:$0x1FF90] =	vst v9;
	v9 =	vsel vm0, $0xFFFFFFFF, v44;
	vm7 =	vgt.f32 v8, $-Inf  }
0x277: {  	[tilespmem:$0x1FFA0] =	vst v7;
	v7 =	vsel vm11, $0xFFFFFFFF, v60;
	v4 =	vsel vm11, $0xFF800000, v4;
	vm11 =	veq.s32 v5, $0x5  }
0x278: {  	vm0 =	vnez.u8 v20;
	[tilespmem:$0x1FF80] =	vst v9;
	v8 =	vnsel vm7, $0xFF800000, v8;
	(erf) = vrcp.f32 v38  }
0x279: {  	vm7 =	vgt.f32 v47, v0;
	[tilespmem:$0x1FFC0] =	vst v7;
	v7 =	vnsel vm9, $0x7, v61;
	v9 =	vimm.s32 $0x0  }
0x27a: {  	[tilespmem:$0xE80] =	vst v41;
	v0 =	vsel vm7, v47, v0;
	vm13 =	vgt.f32 v54, v8;
	vm1 =	veq.s32 v7, $0x4  }
0x27b: {  	[tilespmem:$0xF80] =	vst v23;
	vm12 =	vgt.f32 v48, v0;
	v10 =	vsel vm13, $0xFFFFFFFF, v56;
	v58 =	vsel vm13, v54, v8  }
0x27c: {  	vm4 =	vmneg vm12;
	[tilespmem:$0x1FF30] =	vst v10;
	v10 =	vsel vm15, $0xFFFFFFFF, v57;
	vm15 =	vgt.f32 v59, v58  }
0x27d: {  	[tilespmem:$0xD10] =	vst v31;
	v31 =	vnsel vm1, $0x0, v63;
	v0 =	vsel vm4, v0, v48;
	v1 =	vsel vm15, v59, v58  }
0x27e: {  	[tilespmem:$0xC90] =	vst v33;
	vm12 =	veq.s32 v5, $0x4;
	v0 =	vsub.f32 v0, v51;
	vm13 =	vgt.f32 v4, v1  }
0x27f: {  	[tilespmem:$0xC20] =	vst v26;
	v5 =	vsel vm11, $0xFFFFFFFF, v9;
	v6 =	vsel vm12, $0xFF800000, v6;
	v1 =	vsel vm13, v4, v1  }
0x280: {  	[tilespmem:$0xDA0] =	vst v27;
	v26 =	vld [tilespmem:$0x1FD80];
	v8 =	vsel vm12, $0xFFFFFFFF, v62;
	v0 =	vmul.f32 $1.442695020e+00, v0;
	vm12 =	vgt.f32 v6, v1  }
0x281: {  	v27 =	vld [tilespmem:$0x1FD90];
	[tilespmem:$0x1FFB0] =	vst v10;
	v10 =	vsel vm11, $0xFF800000, v53;
	vm11 =	veq.s32 v7, $0x0;
	v1 =	vsel vm12, v6, v1  }
0x282: {  	[tilespmem:$0xF10] =	vst v18;
	v18 =	vnsel vm11, $0x0, v63;
	(erf) = vpow2.f32 v0;
	vm11 =	vgt.f32 v10, v1  }
0x283: {  	[tilespmem:$0xD90] =	vst v32;
	v32 =	vld [tilespmem:$0x1FDA0];
	v0 =	vsel vm0, v37, v18;
	vm0 =	vmand vm3, vm5;
	vm3 =	veq.s32 v7, $0x2  }
0x284: {  	v33 =	vld [tilespmem:$0x1FDB0];
	[tilespmem:$0x1FFE0] =	vst v5;
	v5 =	vsel vm0, $0xFFFFFFFF, v22;
	v2 =	vsel vm0, $0xFF800000, v2;
	vm0 =	veq.s32 v7, $0x1  }
0x285: {  	[tilespmem:$0xC10] =	vst v25;
	v34 =	vld [tilespmem:$0x1FDC0];
	v1 =	vsel vm11, v10, v1;
	v23 =	vnsel vm0, $0x0, v63;
	vm0 =	vnez.u8 v26  }
0x286: {  	v25 =	vnsel vm3, $0x0, v63;
	[tilespmem:$0x1FFF0] =	vst v5;
	v5 =	vsel vm0, v37, v23;
	vm0 =	vnez.u8 v27  }
0x287: {  	[tilespmem:$0xF00] =	vst v39;
	v39 =	vld [tilespmem:$0x1FDD0];
	vm3 =	vgt.f32 v2, v1;
	v6 =	vsel vm0, v37, v25;
	vm0 =	veq.s32 v7, $0x3  }
0x288: {  	[tilespmem:$0xE90] =	vst v30;
	v41 =	vld [tilespmem:$0x1FDE0];
	vm1 =	vnez.u8 v32;
	v38 =	vpop (erf);
	v1 =	vsel vm3, v2, v1;
	v30 =	vnsel vm0, $0x0, v63  }
0x289: {  	v43 =	vld [tilespmem:$0x1FDF0];
	[tilespmem:$0x1FFD0] =	vst v8;
	v49 =	vsub.f32 $1.000000000e+00, v38;
	vm0 =	vgt.f32 v29, v1;
	v8 =	vsel vm1, v37, v30  }
0x28a: {  	v44 =	vld [tilespmem:$0x1FE00];
	vm1 =	vnez.u8 v33;
	vm2 =	vmneg vm0;
	vm0 =	vnez.u8 v34  }
0x28b: {  	v45 =	vld [tilespmem:$0x1FE10];
	v4 =	vsel vm6, $0x0, v49;
	v9 =	vsel vm1, v37, v31;
	v10 =	vsel vm0, $0x1, v55  }
0x28c: {  	v1 =	vsel vm2, v1, v29;
	vm0 =	vnez.u8 v39;
	vm1 =	veq.s32 v7, $0x5  }
0x28d: {  	v50 =	vld [tilespmem:$0x1FE30];
	v10 =	vsel vm0, $0x2, v10;
	v1 =	vsub.f32 v1, v36;
	vm0 =	vnez.u8 v41  }
0x28e: {  	v47 =	vld [tilespmem:$0x1FE20];
	v7 =	vnsel vm1, $0x0, v63;
	v40 =	vpop (erf);
	v10 =	vsel vm0, $0x3, v10;
	vm0 =	vnez.u8 v43  }
0x28f: {  	[tilespmem:$0xE00] =	vst v42;
	v51 =	vld [tilespmem:$0x1FE40];
	v42 =	vadd.f32 $1.000000000e+00, v40;
	v7 =	vsel vm0, v37, v7;
	vm0 =	vnez.u8 v44  }
0x290: {  	[tilespmem:$0xD20] =	vst v21;
	v1 =	vmul.f32 $1.442695020e+00, v1;
	v10 =	vsel vm0, $0x4, v10;
	vm0 =	vnez.u8 v45  }
0x291: {  	[tilespmem:$0xE20] =	vst v24;
	v10 =	vsel vm0, $0x5, v10;
	vm0 =	vmmov vm9;
	vm9 =	vmand vm8, vm9  }
0x292: {  	[tilespmem:$0xEA0] =	vst v28;
	v53 =	vld [tilespmem:$0x1FE50];
	(erf) = vrcp.f32 v42;
	vm8 =	vnez.u8 v50;
	v46 =	vnsel vm9, $0x0, v63  }
0x293: {  	[tilespmem:$0xF20] =	vst v19;
	v57 =	vld [tilespmem:$0x1FE60];
	(erf) = vpow2.f32 v1;
	vm9 =	vnez.u8 v47;
	v48 =	vsel vm0, $0x0, v63  }
0x294: {  	[tilespmem:$0xFA0] =	vst v17;
	v58 =	vld [tilespmem:$0x1FE70];
	v1 =	vsel vm9, $0x6, v10;
	v10 =	vsel vm8, v37, v46;
	vm8 =	vnez.u8 v51  }
0x295: {  	[tilespmem:$0xF30] =	vst v3;
	v33 =	vld [tilespmem:$0x1FF30];
	vm9 =	vmand vm9, vm6;
	v1 =	vnsel vm6, $0x7, v1;
	v3 =	vsel vm8, v48, v37  }
0x296: {  	[tilespmem:$0xC30] =	vst v16;
	v60 =	vld [tilespmem:$0x1FE80];
	v21 =	vnsel vm9, $0x0, v49;
	vm8 =	veq.s32 v1, $0x0;
	vm1 =	veq.s32 v1, $0x1  }
0x297: {  	[tilespmem:$0xCB0] =	vst v15;
	v61 =	vld [tilespmem:$0x1FE90];
	vm0 =	veq.s32 v1, $0x2;
	v52 =	vnsel vm8, $0x0, v49;
	vm8 =	vnez.u8 v53  }
0x298: {  	[tilespmem:$0xC40] =	vst v0;
	v63 =	vld [tilespmem:$0x1FEA0];
	v54 =	vnsel vm1, $0x0, v49;
	v0 =	vsel vm8, v38, v52;
	vm8 =	vnez.u8 v57  }
0x299: {  	v16 =	vld [tilespmem:$0x1FEB0];
	[tilespmem:$0xCC0] =	vst v5;
	v56 =	vnsel vm0, $0x0, v49;
	v5 =	vsel vm8, v38, v54;
	vm8 =	vnez.u8 v58  }
0x29a: {  	v17 =	vld [tilespmem:$0x1FEC0];
	[tilespmem:$0xD40] =	vst v6;
	vm6 =	vnez.u8 v33;
	v6 =	vsel vm8, v38, v56;
	vm8 =	veq.s32 v1, $0x3  }
0x29b: {  	[tilespmem:$0xD30] =	vst v14;
	vm0 =	veq.s32 v1, $0x4;
	v54 =	vld [tilespmem:$0x1FFC0];
	v59 =	vnsel vm8, $0x0, v49;
	vm8 =	vnez.u8 v60  }
0x29c: {  	[tilespmem:$0xEB0] =	vst v11;
	v24 =	vld [tilespmem:$0x1FEF0];
	v62 =	vnsel vm0, $0x0, v49;
	v18 =	vpop (erf);
	v11 =	vsel vm8, $0x1, v55;
	vm8 =	vnez.u8 v61  }
0x29d: {  	v19 =	vld [tilespmem:$0x1FED0];
	[tilespmem:$0xDC0] =	vst v8;
	v20 =	vpop (erf);
	v26 =	vsub.f32 $1.000000000e+00, v18;
	v8 =	vsel vm8, v38, v59;
	vm8 =	vnez.u8 v63  }
0x29e: {  	v23 =	vld [tilespmem:$0x1FEE0];
	[tilespmem:$0xEC0] =	vst v7;
	v22 =	vadd.f32 $1.000000000e+00, v20;
	v11 =	vsel vm8, $0x2, v11;
	vm8 =	vnez.u8 v16  }
0x29f: {  	v27 =	vld [tilespmem:$0x1FF00];
	[tilespmem:$0xC50] =	vst v0;
	v0 =	vsel vm4, $0x0, v26;
	v7 =	vsel vm8, v38, v62;
	vm8 =	vnez.u8 v17  }
0x2a0: {  	v30 =	vld [tilespmem:$0x1FF10];
	[tilespmem:$0xE40] =	vst v9;
	(erf) = vrcp.f32 v22;
	v0 =	vsel vm10, v0, v18;
	vm10 =	vnez.u8 v54  }
0x2a1: {  	v46 =	vld [tilespmem:$0x1FF80];
	v9 =	vsel vm8, $0x3, v11;
	vm8 =	veq.s32 v1, $0x5;
	[tilespmem:$0xE50] =	vst v7;
	v7 =	vsel vm6, $0x1, v55  }
0x2a2: {  	[tilespmem:$0xDB0] =	vst v13;
	v1 =	vnsel vm8, $0x0, v49;
	vm8 =	vnez.u8 v19;
	v7 =	vsel vm15, $0x2, v7  }
0x2a3: {  	[tilespmem:$0xE30] =	vst v12;
	v9 =	vsel vm8, $0x4, v9;
	vm8 =	vnez.u8 v24;
	v37 =	vsel vm13, $0x3, v7  }
0x2a4: {  	v34 =	vld [tilespmem:$0x1FF40];
	[tilespmem:$0xFC0] =	vst v3;
	v9 =	vsel vm14, $0x5, v9;
	vm14 =	vnez.u8 v23;
	v3 =	vsel vm8, v38, v21  }
0x2a5: {  	[tilespmem:$0xFB0] =	vst v35;
	v31 =	vld [tilespmem:$0x1FF20];
	vm8 =	vnez.u8 v30;
	v1 =	vsel vm14, v38, v1;
	v25 =	vsel vm7, $0x6, v9  }
0x2a6: {  	v36 =	vld [tilespmem:$0x1FF50];
	vm14 =	vnez.u8 v27;
	[tilespmem:$0xF50] =	vst v3;
	v3 =	vsel vm12, $0x4, v37;
	vm12 =	vnez.u8 v46  }
0x2a7: {  	v50 =	vld [tilespmem:$0x1FFA0];
	[tilespmem:$0xCD0] =	vst v5;
	v5 =	vnsel vm4, $0x7, v25;
	v2 =	vsel vm14, v4, v38;
	v3 =	vsel vm11, $0x5, v3  }
0x2a8: {  	[tilespmem:$0xF40] =	vst v10;
	v48 =	vld [tilespmem:$0x1FF90];
	vm11 =	vmand vm7, vm4;
	vm0 =	veq.s32 v5, $0x0;
	vm9 =	veq.s32 v5, $0x1  }
0x2a9: {  	v39 =	vld [tilespmem:$0x1FF60];
	[tilespmem:$0xD50] =	vst v6;
	vm14 =	veq.s32 v5, $0x2;
	vm15 =	veq.s32 v5, $0x4;
	vm6 =	veq.s32 v5, $0x5  }
0x2aa: {  	v57 =	vld [tilespmem:$0x1FFD0];
	[tilespmem:$0xDD0] =	vst v8;
	v42 =	vsel vm3, $0x6, v3;
	v44 =	vnsel vm11, $0x0, v26;
	v28 =	vnsel vm0, $0x0, v26  }
0x2ab: {  	v41 =	vld [tilespmem:$0x1FF70];
	[tilespmem:$0xFE0] =	vst v0;
	v29 =	vnsel vm9, $0x0, v26;
	vm9 =	vnez.u8 v31;
	v32 =	vnsel vm14, $0x0, v26  }
0x2ac: {  	[tilespmem:$0xED0] =	vst v1;
	vm14 =	vnez.u8 v36;
	v38 =	vnsel vm15, $0x0, v26;
	v40 =	vnsel vm6, $0x0, v26  }
0x2ad: {  	v52 =	vld [tilespmem:$0x1FFB0];
	[tilespmem:$0xFD0] =	vst v2;
	vm15 =	vnez.u8 v48;
	vm6 =	vnez.u8 v50;
	v4 =	vsel vm8, v18, v28  }
0x2ae: {  	v6 =	vsel vm9, v18, v29;
	vm8 =	veq.s32 v5, $0x3;
	vm9 =	vnez.u8 v34;
	[tilespmem:$0xC60] =	vst v4  }
0x2af: {  	v5 =	vsel vm12, v18, v44;
	vm12 =	vnez.u8 v57;
	v1 =	vsel vm9, v18, v32;
	[tilespmem:$0xCE0] =	vst v6  }
0x2b0: {  	v43 =	vpop (erf);
	v35 =	vnsel vm8, $0x0, v26;
	vm8 =	vnez.u8 v39;
	vm9 =	vnez.u8 v41;
	[tilespmem:$0xF60] =	vst v5  }
0x2b1: {  	v45 =	vsub.f32 $1.000000000e+00, v43;
	v2 =	vsel vm14, v18, v35;
	v4 =	vsel vm8, v18, v38;
	[tilespmem:$0xD60] =	vst v1  }
0x2b2: {  	v1 =	vsel vm9, v18, v40;
	vm8 =	vnez.u8 v52;
	[tilespmem:$0xDE0] =	vst v2;
	v2 =	vnsel vm2, $0x7, v42  }
0x2b3: {  	[tilespmem:$0xE60] =	vst v4;
	v62 =	vsel vm2, $0x0, v45;
	vm13 =	veq.s32 v2, $0x0;
	vm14 =	veq.s32 v2, $0x1  }
0x2b4: {  	v59 =	vld [tilespmem:$0x1FFE0];
	[tilespmem:$0xEE0] =	vst v1;
	vm4 =	veq.s32 v2, $0x2;
	v63 =	vsel vm5, v62, v43;
	v47 =	vnsel vm13, $0x0, v45  }
0x2b5: {  	v61 =	vld [tilespmem:$0x1FFF0];
	vm7 =	veq.s32 v2, $0x3;
	v49 =	vnsel vm14, $0x0, v45;
	[tilespmem:$0xFF0] =	vst v63;
	v0 =	vsel vm15, v43, v47  }
0x2b6: {  	vm9 =	veq.s32 v2, $0x4;
	v51 =	vnsel vm4, $0x0, v45;
	[tilespmem:$0xC70] =	vst v0;
	v0 =	vsel vm6, v43, v49  }
0x2b7: {  	vm11 =	veq.s32 v2, $0x5;
	v53 =	vnsel vm7, $0x0, v45;
	[tilespmem:$0xCF0] =	vst v0;
	v0 =	vsel vm8, v43, v51  }
0x2b8: {  	v56 =	vnsel vm9, $0x0, v45;
	v58 =	vnsel vm11, $0x0, v45;
	[tilespmem:$0xD70] =	vst v0;
	v0 =	vsel vm10, v43, v53  }
0x2b9: {  	vm13 =	vmand vm3, vm2;
	vm14 =	vnez.u8 v59;
	[tilespmem:$0xDF0] =	vst v0;
	v0 =	vsel vm12, v43, v56  }
0x2ba: {  	v60 =	vnsel vm13, $0x0, v45;
	vm15 =	vnez.u8 v61;
	[tilespmem:$0xE70] =	vst v0;
	v0 =	vsel vm14, v43, v58  }
0x2bb: {  	p0 =	sne.s32 s5, $0x1;
	[tilespmem:$0xEF0] =	vst v0;
	v0 =	vsel vm15, v43, v60  }
.Ltmp0:
0x2bc: {  	[tilespmem:$0xF70] =	vst v0;
	(pc) =	sbr.rel @p0 .LBB2_1-.Ltmp0, $4  }
0x2bd: {  	[hbm4b:s4+s2] =	stream.linear.scatter [tilespmem:s7], [sflag:$0x1], $0x800, $0x38;
	[tilespmem:$0x1000] =	vst v63  }
0x2be: {  	_ =	swait.ge [sflag:s6], $0x800  }
0x2bf: {  	[sflag:s6] =	ssyncset.done $0x0  }
0x2c0: {  	s5 =	sadd.s32 $0xFFFFFFFF, s5;
	[sflag:s6] =	ssyncadd.s32 $0xFFFFF800  }
0x2c1: {  	_ =	sfence.sel $0x180000  }
0x2c2: {  	[bflag:$0x0] =	sbarrier.arrive $0xFFFF  }
0x2c3: {  	p0 =	sne.s32 s1, $0x0;
	_ =	strace $0x90000047  }
0x2c4: {  	s0 =	sadd.s32 @!p0 $0x100000, s0;
	[bflag:$0x2] =	sbarrier.arrive $0xFFFF  }
0x2c5: {  	[sflag:s0] =	ssyncadd.tile.s32 @!p0 $0x1;
	_ =	shalt  }
.Lfunc_end2:
_tile_overlayer_lowered:
.L_overlay_start_2:
0x2c6: {  	(tag) =	ssettag $0x2  }
0x2c7: {  	s0 =	rddreg [dreg:$0x0];
	s2 =	stileid.u32  }
0x2c8: {  	s1 =	rddreg [dreg:$0x1];
	p0 =	sne.s32 s2, $0x0  }
0x2c9: {  	s3 =	rddreg [dreg:$0x2];
	[bflag:$0x3] =	sbarrier.arrive $0xFFFF;
	s2 =	simm.s32 @!p0 $0x1C01  }
0x2ca: {  	[timem:s3], [sflag:s2] =	dma.local @!p0 [hbm:s0], s1  }
0x2cb: {  	s0 =	simm.s32 @!p0 $0x1  }
0x2cc: {  	_ =	swait.ge @!p0 [sflag:s0], s1  }
0x2cd: {  	s1 =	ssub.s32 @!p0 $0x0, s1;
	[sflag:s0] =	ssyncset.done @!p0 $0x0  }
0x2ce: {  	[sflag:s0] =	ssyncadd.s32 @!p0 s1  }
0x2cf: {  	[bflag:$0x3] =	sbarrier.arrive $0xFFFF  }
0x2d0: {  	_ =	shalt  }

</sc_bundles>
